<compile_context>
chip_gen: v7x
topology: tpu7x:2x2x1
jax: 0.10.2.dev20260603
libtpu: 0.0.44.dev20260713+nightly
codegen_flags: <defaults>
</compile_context>

<pallas_src>
import functools

import jax
import jax.numpy as jnp
from jax import lax
from jax.experimental import pallas as pl
from jax.experimental.pallas import tpu as pltpu
from jax.experimental.pallas import tpu_sc as plsc

N_NODES = 10000
D = 128
H = 128
E = 320000
E_MN = 100000

NPAD = 10240
NW = 32
CHUNK = 128
NCH = 80
EW = NCH * CHUNK
EPAD = NW * EW
SCHUNK = 128
SNCH = EW // SCHUNK
K0 = 56
K1 = 2 * SNCH - K0
KMAX = max(K0, K1)
MNCH = (E_MN // NW) // CHUNK + 1
MNW = MNCH * CHUNK
MCH = 64
MNCH2 = MNW // MCH
MNPAD = NW * MNW

_mesh = plsc.VectorSubcoreMesh(core_axis_name="c", subcore_axis_name="s",
                               num_cores=2, num_subcores=16)
ROWS_PER_TILE = NPAD // 16


DEGW = 16


def _deg_body(dst_hbm, out_hbm, dst_v, ones_v, zero_v, accum_sh, isem):
    c = lax.axis_index("c")
    s = lax.axis_index("s")
    icp = pltpu.async_copy(dst_hbm.at[c * 16 + s], dst_v, isem)

    ones16 = jnp.ones((16,), jnp.float32)
    zeros16 = jnp.zeros((16,), jnp.float32)

    def fill(i, _):
        ones_v[i, pl.ds(0, 16)] = ones16
        zero_v[i % zero_v.shape[0], pl.ds(0, 16)] = zeros16
        return ()

    lax.fori_loop(0, CHUNK, fill, (), unroll=8)

    def zcopy(i, _):
        pltpu.sync_copy(
            zero_v, accum_sh.at[pl.ds(s * ROWS_PER_TILE + i * zero_v.shape[0],
                                      zero_v.shape[0])])
        return ()

    lax.fori_loop(0, ROWS_PER_TILE // zero_v.shape[0], zcopy, ())
    icp.wait()
    plsc.subcore_barrier()

    def body(g, _):
        pltpu.sync_copy(ones_v, accum_sh.at[dst_v.at[g]], add=True)
        return ()

    lax.fori_loop(0, NCH, body, ())
    plsc.subcore_barrier()
    pltpu.sync_copy(accum_sh.at[pl.ds(s * ROWS_PER_TILE, ROWS_PER_TILE)],
                    out_hbm.at[c, pl.ds(s * ROWS_PER_TILE, ROWS_PER_TILE)])


_deg_call = functools.partial(
    pl.kernel,
    out_type=jax.ShapeDtypeStruct((2, NPAD, DEGW), jnp.float32),
    mesh=_mesh,
    scratch_types=[
        pltpu.VMEM((NCH, CHUNK), jnp.int32),
        pltpu.VMEM((CHUNK, DEGW), jnp.float32),
        pltpu.VMEM((64, DEGW), jnp.float32),
        pltpu.VMEM_SHARED((NPAD, DEGW), jnp.float32),
        pltpu.SemaphoreType.DMA,
    ],
)(_deg_body)


def _segsum_body(table_hbm, src_hbm, dst_hbm, out_hbm,
                 srcb_v, dstb_v, rows_v, zero_v, accum_sh, gsem, isem):
    c = lax.axis_index("c")
    s = lax.axis_index("s")

    zeros16 = jnp.zeros((16,), jnp.float32)

    def zbody(i, _):
        zero_v[i // 8, pl.ds((i % 8) * 16, 16)] = zeros16
        return ()

    lax.fori_loop(0, zero_v.shape[0] * 8, zbody, (), unroll=8)

    def zcopy(i, _):
        pltpu.sync_copy(
            zero_v, accum_sh.at[pl.ds(s * ROWS_PER_TILE + i * zero_v.shape[0],
                                      zero_v.shape[0])])
        return ()

    lax.fori_loop(0, ROWS_PER_TILE // zero_v.shape[0], zcopy, ())

    def run(nch, chunk0):
        dcp = pltpu.async_copy(dst_hbm.at[pl.ds(chunk0, KMAX)], dstb_v, isem)
        dcp.wait()
        plsc.subcore_barrier()
        e0 = chunk0 * SCHUNK

        def istart(g):
            pltpu.async_copy(src_hbm.at[pl.ds(e0 + g * SCHUNK, SCHUNK)],
                             srcb_v.at[lax.rem(g, 3)], isem)

        def iwait(g):
            pltpu.make_async_copy(src_hbm.at[pl.ds(e0, SCHUNK)],
                                  srcb_v.at[lax.rem(g, 3)], isem).wait()

        def gstart(g):
            pltpu.async_copy(
                table_hbm.at[srcb_v.at[lax.rem(g, 3)]],
                rows_v.at[lax.rem(g, 2)], gsem)

        istart(0)
        iwait(0)
        gstart(0)
        istart(1)

        def body(g, _):
            buf = lax.rem(g, 2)

            @pl.when(g + 1 < nch)
            def _():
                iwait(g + 1)
                gstart(g + 1)

                @pl.when(g + 2 < nch)
                def _():
                    istart(g + 2)

            pltpu.make_async_copy(table_hbm.at[srcb_v.at[lax.rem(g, 3)]],
                                  rows_v.at[buf], gsem).wait()
            pltpu.sync_copy(rows_v.at[buf],
                            accum_sh.at[dstb_v.at[g]], add=True)
            return ()

        lax.fori_loop(0, nch, body, ())

    nch = jnp.where(c == 0, K0, K1)
    chunk0 = jnp.where(c == 0, s * K0, 16 * K0 + s * K1)
    run(nch, chunk0)

    plsc.subcore_barrier()
    pltpu.sync_copy(accum_sh.at[pl.ds(s * ROWS_PER_TILE, ROWS_PER_TILE)],
                    out_hbm.at[c, pl.ds(s * ROWS_PER_TILE, ROWS_PER_TILE)])


_segsum_call = functools.partial(
    pl.kernel,
    out_type=jax.ShapeDtypeStruct((2, NPAD, H), jnp.float32),
    mesh=_mesh,
    scratch_types=[
        pltpu.VMEM((3, SCHUNK), jnp.int32),
        pltpu.VMEM((KMAX, SCHUNK), jnp.int32),
        pltpu.VMEM((2, SCHUNK, H), jnp.float32),
        pltpu.VMEM((8, H), jnp.float32),
        pltpu.VMEM_SHARED((NPAD, H), jnp.float32),
        pltpu.SemaphoreType.DMA,
        pltpu.SemaphoreType.DMA,
    ],
)(_segsum_body)


def _mn_body(table_hbm, a_hbm, b_hbm, out_hbm,
             a_v, b_v, rows_a, rows_b, table_sh, gsem, wsem, isem):
    c = lax.axis_index("c")
    s = lax.axis_index("s")
    wid = c * 16 + s
    pltpu.async_copy(a_hbm.at[pl.ds(wid * MNW, MNW)], a_v, isem)
    pltpu.async_copy(b_hbm.at[pl.ds(wid * MNW, MNW)], b_v, isem)

    def stage(i, _):
        r0 = s * ROWS_PER_TILE + i * MCH
        pltpu.sync_copy(table_hbm.at[pl.ds(r0, MCH)], rows_a.at[0])
        pltpu.sync_copy(rows_a.at[0], table_sh.at[pl.ds(r0, MCH)])
        return ()

    lax.fori_loop(0, ROWS_PER_TILE // MCH, stage, ())
    pltpu.make_async_copy(a_hbm.at[pl.ds(wid * MNW, MNW)], a_v, isem).wait()
    pltpu.make_async_copy(b_hbm.at[pl.ds(wid * MNW, MNW)], b_v, isem).wait()
    plsc.subcore_barrier()

    def gstart(g, buf):
        pltpu.async_copy(table_sh.at[a_v.at[pl.ds(g * MCH, MCH)]],
                         rows_a.at[buf], gsem)
        pltpu.async_copy(table_sh.at[b_v.at[pl.ds(g * MCH, MCH)]],
                         rows_b.at[buf], gsem)

    gstart(0, 0)

    def body(g, _):
        buf = lax.rem(g, 2)

        @pl.when(g >= 1)
        def _():
            pltpu.make_async_copy(
                rows_a.at[lax.rem(g + 1, 2)],
                out_hbm.at[pl.ds(wid * MNW, MCH)], wsem).wait()

        pltpu.make_async_copy(table_sh.at[a_v.at[pl.ds(0, MCH)]],
                              rows_a.at[buf], gsem).wait()
        pltpu.make_async_copy(table_sh.at[b_v.at[pl.ds(0, MCH)]],
                              rows_b.at[buf], gsem).wait()

        @pl.when(g + 1 < MNCH2)
        def _():
            gstart(g + 1, lax.rem(g + 1, 2))

        def add_body(r, _):
            for k in range(H // 16):
                sl = pl.ds(k * 16, 16)
                rows_a[buf, r, sl] = rows_a[buf, r, sl] + rows_b[buf, r, sl]
            return ()

        lax.fori_loop(0, MCH, add_body, (), unroll=4)
        pltpu.async_copy(rows_a.at[buf],
                         out_hbm.at[pl.ds(wid * MNW + g * MCH, MCH)], wsem)
        return ()

    lax.fori_loop(0, MNCH2, body, ())
    pltpu.make_async_copy(rows_a.at[lax.rem(MNCH2 - 1, 2)],
                          out_hbm.at[pl.ds(wid * MNW, MCH)], wsem).wait()


_mn_call = functools.partial(
    pl.kernel,
    out_type=jax.ShapeDtypeStruct((MNPAD, H), jnp.float32),
    mesh=_mesh,
    scratch_types=[
        pltpu.VMEM((MNW,), jnp.int32),
        pltpu.VMEM((MNW,), jnp.int32),
        pltpu.VMEM((2, MCH, H), jnp.float32),
        pltpu.VMEM((2, MCH, H), jnp.float32),
        pltpu.VMEM_SHARED((NPAD, H), jnp.float32),
        pltpu.SemaphoreType.DMA,
        pltpu.SemaphoreType.DMA,
        pltpu.SemaphoreType.DMA,
    ],
)(_mn_body)


BLK = 1024


def _tc_b_body(degp_ref, x_ref, w_ref, hws_ref, dinv_ref):
    deg = degp_ref[0, :, :1] + degp_ref[1, :, :1]
    dinv = lax.rsqrt(deg + 1.0)
    hw = jnp.dot(x_ref[...], w_ref[...], preferred_element_type=jnp.float32)
    hws_ref[...] = hw * dinv
    dinv_ref[...] = dinv


def _tc_b(deg_parts, x_p, W1):
    return pl.pallas_call(
        _tc_b_body,
        grid=(NPAD // BLK,),
        in_specs=[
            pl.BlockSpec((2, BLK, DEGW), lambda i: (0, i, 0)),
            pl.BlockSpec((BLK, D), lambda i: (i, 0)),
            pl.BlockSpec((D, H), lambda i: (0, 0)),
        ],
        out_specs=[
            pl.BlockSpec((BLK, H), lambda i: (i, 0)),
            pl.BlockSpec((BLK, 1), lambda i: (i, 0)),
        ],
        out_shape=[
            jax.ShapeDtypeStruct((NPAD, H), jnp.float32),
            jax.ShapeDtypeStruct((NPAD, 1), jnp.float32),
        ],
    )(deg_parts, x_p, W1)


def _tc_layer_body2(p_ref, hws_ref, dinv_ref, b_ref, w_ref, out_ref, *,
                    scale_out):
    dinv = dinv_ref[...]
    h = jnp.maximum(
        dinv * (p_ref[0] + p_ref[1] + hws_ref[...]) + b_ref[...], 0.0)
    hw = jnp.dot(h, w_ref[...], preferred_element_type=jnp.float32)
    out_ref[...] = hw * dinv if scale_out else hw


def _tc_layer2(P, hws, dinv, b, W, scale_out):
    return pl.pallas_call(
        functools.partial(_tc_layer_body2, scale_out=scale_out),
        grid=(NPAD // BLK,),
        in_specs=[
            pl.BlockSpec((2, BLK, H), lambda i: (0, i, 0)),
            pl.BlockSpec((BLK, H), lambda i: (i, 0)),
            pl.BlockSpec((BLK, 1), lambda i: (i, 0)),
            pl.BlockSpec((1, H), lambda i: (0, 0)),
            pl.BlockSpec((H, H), lambda i: (0, 0)),
        ],
        out_specs=pl.BlockSpec((BLK, H), lambda i: (i, 0)),
        out_shape=jax.ShapeDtypeStruct((NPAD, H), jnp.float32),
    )(P, hws, dinv, b.reshape(1, H), W)


EBLK = 2048


def _tc_g_body(ee_ref, bp1_ref, wp2_ref, bp2_ref, out_ref):
    z = jnp.maximum(ee_ref[...] + bp1_ref[...], 0.0)
    out_ref[...] = jnp.dot(z, wp2_ref[...],
                           preferred_element_type=jnp.float32) + bp2_ref[...]


def _tc_g(ee, bp1, Wp2, bp2):
    return pl.pallas_call(
        _tc_g_body,
        grid=(MNPAD // EBLK,),
        in_specs=[
            pl.BlockSpec((EBLK, H), lambda i: (i, 0)),
            pl.BlockSpec((1, H), lambda i: (0, 0)),
            pl.BlockSpec((H, 1), lambda i: (0, 0)),
            pl.BlockSpec((1, 1), lambda i: (0, 0)),
        ],
        out_specs=pl.BlockSpec((EBLK, 1), lambda i: (i, 0)),
        out_shape=jax.ShapeDtypeStruct((MNPAD, 1), jnp.float32),
    )(ee, bp1.reshape(1, H), Wp2, bp2.reshape(1, 1))


def kernel(x, edge_index, MN_edge_index, W1, b1, W2, b2, Wp1, bp1, Wp2, bp2):
    DSTPAD = (16 * K0 + 15 * K1 + KMAX) * SCHUNK
    src = jnp.concatenate(
        [edge_index[0], jnp.zeros((EPAD - E,), jnp.int32)])
    dst = jnp.concatenate(
        [edge_index[1], jnp.full((DSTPAD - E,), N_NODES, jnp.int32)])
    dst3 = dst[:EPAD].reshape(NW, NCH, CHUNK)
    a_idx = jnp.concatenate(
        [MN_edge_index[0], jnp.full((MNPAD - E_MN,), N_NODES, jnp.int32)])
    b_idx = jnp.concatenate(
        [MN_edge_index[1], jnp.full((MNPAD - E_MN,), N_NODES, jnp.int32)])
    x_p = jnp.pad(x, ((0, NPAD - N_NODES), (0, 0)))

    deg_parts = _deg_call(dst3)
    hws1, dinv = _tc_b(deg_parts, x_p, W1)
    dst2 = dst.reshape(-1, SCHUNK)
    P1 = _segsum_call(hws1, src, dst2)
    hws2 = _tc_layer2(P1, hws1, dinv, b1, W2, True)
    P2 = _segsum_call(hws2, src, dst2)
    hp = _tc_layer2(P2, hws2, dinv, b2, Wp1, False)
    ee = _mn_call(hp, a_idx, b_idx)
    pred = _tc_g(ee, bp1, Wp2, bp2)
    return pred[:E_MN, 0]

# --- scband reference (transcript-rebuilt; emitter-appended) ---
"""Pipeline reference for scband-pos2-cohp-net-66374424592808 (READ-ONLY COPY).

The authoritative reference and input builder live on the scoring server;
editing this copy changes nothing except your own understanding.
"""

import jax, jax.numpy as jnp
import numpy as np

N_NODES = 10000
D = 128
E = 320000
E_MN = 100000
H = 128


def setup_inputs(seed: int = 0) -> dict:
    key = jax.random.key(seed)
    ks = jax.random.split(key, 12)
    x = jax.random.normal(ks[0], (N_NODES, D), dtype=jnp.float32)
    edge_index = jax.random.randint(ks[1], (2, E), 0, N_NODES, dtype=jnp.int32)
    MN_edge_index = jax.random.randint(ks[2], (2, E_MN), 0, N_NODES, dtype=jnp.int32)
    s = 1.0 / np.sqrt(D)
    W1 = jax.random.normal(ks[3], (D, H), dtype=jnp.float32) * s
    b1 = jnp.zeros((H,), dtype=jnp.float32)
    W2 = jax.random.normal(ks[4], (H, H), dtype=jnp.float32) * s
    b2 = jnp.zeros((H,), dtype=jnp.float32)
    Wp1 = jax.random.normal(ks[5], (H, H), dtype=jnp.float32) * s
    bp1 = jnp.zeros((H,), dtype=jnp.float32)
    Wp2 = jax.random.normal(ks[6], (H, 1), dtype=jnp.float32) * s
    bp2 = jnp.zeros((1,), dtype=jnp.float32)
    return {"x": x, "edge_index": edge_index, "MN_edge_index": MN_edge_index,
            "W1": W1, "b1": b1, "W2": W2, "b2": b2,
            "Wp1": Wp1, "bp1": bp1, "Wp2": Wp2, "bp2": bp2}


def _gcn_layer(h, src, dst, norm, W, b):
    # GCNConv-style: h' = A_norm @ (h W) + b, followed by activation outside
    hw = h @ W
    msg = hw[src] * norm[:, None]
    agg = jnp.zeros_like(hw).at[dst].add(msg)
    return agg + b


def reference(x, edge_index, MN_edge_index, W1, b1, W2, b2, Wp1, bp1, Wp2, bp2):
    N = x.shape[0]
    loop = jnp.arange(N, dtype=edge_index.dtype)
    src = jnp.concatenate([edge_index[0], loop])
    dst = jnp.concatenate([edge_index[1], loop])
    deg = jnp.zeros((N,), dtype=jnp.float32).at[dst].add(1.0)
    dinv = jnp.where(deg > 0, jax.lax.rsqrt(deg), 0.0)
    norm = dinv[src] * dinv[dst]

    # GCN stack with relu activations (hidden_feats=[128,128])
    h = jax.nn.relu(_gcn_layer(x, src, dst, norm, W1, b1))
    h = jax.nn.relu(_gcn_layer(h, src, dst, norm, W2, b2))

    # edge embedding = sum of endpoint node features on MN edges
    edge_embedding = h[MN_edge_index[0]] + h[MN_edge_index[1]]

    # MLP predictor (dropout=0.0 -> identity in eval)
    z = jax.nn.relu(edge_embedding @ Wp1 + bp1)
    pred = z @ Wp2 + bp2
    return jnp.squeeze(pred)

if __name__ == "__main__":
    import jax
    _d = setup_inputs()
    print(jax.jit(kernel)(*tuple(_d.values())))

</pallas_src>

<mosaic_0001>
#map = affine_map<(d0, d1) -> (0, 0)>
#map1 = affine_map<(d0, d1) -> (0)>
#map2 = affine_map<(d0, d1) -> (0, 0, 0)>
module attributes {stable_mosaic.version = 14 : i64} {
  func.func @_segsum_body(%arg0: i32, %arg1: i32, %arg2: memref<10240x128xf32, #tpu.memory_space<hbm>>, %arg3: memref<327680xi32, #tpu.memory_space<hbm>>, %arg4: memref<2560x128xi32, #tpu.memory_space<hbm>>, %arg5: memref<2x10240x128xf32, #tpu.memory_space<hbm>>, %arg6: memref<3x128xi32, #tpu.memory_space<vmem>>, %arg7: memref<104x128xi32, #tpu.memory_space<vmem>>, %arg8: memref<2x128x128xf32, #tpu.memory_space<vmem>>, %arg9: memref<8x128xf32, #tpu.memory_space<vmem>>, %arg10: memref<10240x128xf32, #tpu.memory_space<vmem_shared>>, %arg11: memref<!tpu.dma_semaphore, #tpu.memory_space<semaphore_mem>>, %arg12: memref<!tpu.dma_semaphore, #tpu.memory_space<semaphore_mem>>) attributes {dimension_semantics = [#tpu.dimension_semantics<core_parallel>, #tpu.dimension_semantics<subcore_parallel>], iteration_bounds = array<i64: 2, 16>, scalar_prefetch = 0 : i64, scratch_operands = 7 : i64, tpu.core_type = #tpu.core_type<sc_vector_subcore>, window_params = [{transform_indices = #map}, {transform_indices = #map1}, {transform_indices = #map}, {transform_indices = #map2}]} {
    %broadcast_in_dim3A = arith.constant 0.000000e+00 : f32
    %broadcast_in_dim3A_0 = vector.broadcast %broadcast_in_dim3A : f32 to vector<16xf32>
    %scan3A = arith.constant 0 : i32
    %scan3A_1 = arith.constant 64 : i32
    %scan3A_2 = arith.addi %scan3A, %scan3A_1 : i32
    %scan3A_3 = arith.constant 8 : i32
    scf.for %scan3A_92 = %scan3A to %scan3A_2 step %scan3A_3  : i32 {
      %jit3A_93 = arith.constant 8 : i32
      %div3A = arith.divsi %scan3A_92, %jit3A_93 : i32
      %sign3A = arith.constant 0 : i32
      %sign3A_94 = arith.cmpi sgt, %scan3A_92, %sign3A : i32
      %sign3A_95 = arith.extui %sign3A_94 : i1 to i32
      %sign3A_96 = arith.constant 0 : i32
      %sign3A_97 = arith.cmpi slt, %scan3A_92, %sign3A_96 : i32
      %sign3A_98 = arith.extui %sign3A_97 : i1 to i32
      %sign3A_99 = arith.subi %sign3A_95, %sign3A_98 : i32
      %sign3A_100 = arith.constant 0 : i32
      %sign3A_101 = arith.cmpi sgt, %jit3A_93, %sign3A_100 : i32
      %sign3A_102 = arith.extui %sign3A_101 : i1 to i32
      %sign3A_103 = arith.constant 0 : i32
      %sign3A_104 = arith.cmpi slt, %jit3A_93, %sign3A_103 : i32
      %sign3A_105 = arith.extui %sign3A_104 : i1 to i32
      %sign3A_106 = arith.subi %sign3A_102, %sign3A_105 : i32
      %ne3A = arith.cmpi ne, %sign3A_99, %sign3A_106 : i32
      %rem3A_107 = arith.remsi %scan3A_92, %jit3A_93 : i32
      %ne3A_108 = arith.constant 0 : i32
      %ne3A_109 = arith.cmpi ne, %rem3A_107, %ne3A_108 : i32
      %and3A = arith.andi %ne3A, %ne3A_109 : i1
      %sub3A = arith.constant 1 : i32
      %sub3A_110 = arith.subi %div3A, %sub3A : i32
      %select_n3A_111 = arith.select %and3A, %sub3A_110, %div3A : i32
      %jit3A_112 = arith.constant 8 : i32
      %eq3A_113 = arith.constant 0 : i32
      %eq3A_114 = arith.cmpi eq, %jit3A_112, %eq3A_113 : i32
      %jit3A_115 = arith.constant 1 : i32
      %select_n3A_116 = arith.select %eq3A_114, %jit3A_115, %jit3A_112 : i32
      %rem3A_117 = arith.remsi %scan3A_92, %select_n3A_116 : i32
      %ne3A_118 = arith.constant 0 : i32
      %ne3A_119 = arith.cmpi ne, %rem3A_117, %ne3A_118 : i32
      %lt3A = arith.constant 0 : i32
      %lt3A_120 = arith.cmpi slt, %rem3A_117, %lt3A : i32
      %lt3A_121 = arith.constant 0 : i32
      %lt3A_122 = arith.cmpi slt, %select_n3A_116, %lt3A_121 : i32
      %ne3A_123 = arith.xori %lt3A_120, %lt3A_122 : i1
      %and3A_124 = arith.andi %ne3A_123, %ne3A_119 : i1
      %add3A_125 = arith.addi %rem3A_117, %select_n3A_116 : i32
      %select_n3A_126 = arith.select %and3A_124, %add3A_125, %rem3A_117 : i32
      %mul3A_127 = arith.constant 16 : i32
      %mul3A_128 = arith.muli %select_n3A_126, %mul3A_127 : i32
      %swap3A = arith.index_cast %select_n3A_111 : i32 to index
      %swap3A_129 = arith.index_cast %mul3A_128 : i32 to index
      %swap3A_130 = tpu.vector_load %arg9[%swap3A, %swap3A_129] {strides = array<i32>} : memref<8x128xf32, #tpu.memory_space<vmem>>, vector<1x16xf32>,
      %swap3A_131 = vector.shape_cast %swap3A_130 : vector<1x16xf32> to vector<16xf32>
      %swap3A_132 = vector.shape_cast %broadcast_in_dim3A_0 : vector<16xf32> to vector<1x16xf32>
      tpu.vector_store %arg9[%swap3A, %swap3A_129], %swap3A_132 {strides = array<i32>} : memref<8x128xf32, #tpu.memory_space<vmem>>, vector<1x16xf32>,
      %scan3A_133 = arith.constant 1 : i32
      %scan3A_134 = arith.addi %scan3A_92, %scan3A_133 : i32
      %jit3A_135 = arith.constant 8 : i32
      %div3A_136 = arith.divsi %scan3A_134, %jit3A_135 : i32
      %sign3A_137 = arith.constant 0 : i32
      %sign3A_138 = arith.cmpi sgt, %scan3A_134, %sign3A_137 : i32
      %sign3A_139 = arith.extui %sign3A_138 : i1 to i32
      %sign3A_140 = arith.constant 0 : i32
      %sign3A_141 = arith.cmpi slt, %scan3A_134, %sign3A_140 : i32
      %sign3A_142 = arith.extui %sign3A_141 : i1 to i32
      %sign3A_143 = arith.subi %sign3A_139, %sign3A_142 : i32
      %sign3A_144 = arith.constant 0 : i32
      %sign3A_145 = arith.cmpi sgt, %jit3A_135, %sign3A_144 : i32
      %sign3A_146 = arith.extui %sign3A_145 : i1 to i32
      %sign3A_147 = arith.constant 0 : i32
      %sign3A_148 = arith.cmpi slt, %jit3A_135, %sign3A_147 : i32
      %sign3A_149 = arith.extui %sign3A_148 : i1 to i32
      %sign3A_150 = arith.subi %sign3A_146, %sign3A_149 : i32
      %ne3A_151 = arith.cmpi ne, %sign3A_143, %sign3A_150 : i32
      %rem3A_152 = arith.remsi %scan3A_134, %jit3A_135 : i32
      %ne3A_153 = arith.constant 0 : i32
      %ne3A_154 = arith.cmpi ne, %rem3A_152, %ne3A_153 : i32
      %and3A_155 = arith.andi %ne3A_151, %ne3A_154 : i1
      %sub3A_156 = arith.constant 1 : i32
      %sub3A_157 = arith.subi %div3A_136, %sub3A_156 : i32
      %select_n3A_158 = arith.select %and3A_155, %sub3A_157, %div3A_136 : i32
      %jit3A_159 = arith.constant 8 : i32
      %eq3A_160 = arith.constant 0 : i32
      %eq3A_161 = arith.cmpi eq, %jit3A_159, %eq3A_160 : i32
      %jit3A_162 = arith.constant 1 : i32
      %select_n3A_163 = arith.select %eq3A_161, %jit3A_162, %jit3A_159 : i32
      %rem3A_164 = arith.remsi %scan3A_134, %select_n3A_163 : i32
      %ne3A_165 = arith.constant 0 : i32
      %ne3A_166 = arith.cmpi ne, %rem3A_164, %ne3A_165 : i32
      %lt3A_167 = arith.constant 0 : i32
      %lt3A_168 = arith.cmpi slt, %rem3A_164, %lt3A_167 : i32
      %lt3A_169 = arith.constant 0 : i32
      %lt3A_170 = arith.cmpi slt, %select_n3A_163, %lt3A_169 : i32
      %ne3A_171 = arith.xori %lt3A_168, %lt3A_170 : i1
      %and3A_172 = arith.andi %ne3A_171, %ne3A_166 : i1
      %add3A_173 = arith.addi %rem3A_164, %select_n3A_163 : i32
      %select_n3A_174 = arith.select %and3A_172, %add3A_173, %rem3A_164 : i32
      %mul3A_175 = arith.constant 16 : i32
      %mul3A_176 = arith.muli %select_n3A_174, %mul3A_175 : i32
      %swap3A_177 = arith.index_cast %select_n3A_158 : i32 to index
      %swap3A_178 = arith.index_cast %mul3A_176 : i32 to index
      %swap3A_179 = tpu.vector_load %arg9[%swap3A_177, %swap3A_178] {strides = array<i32>} : memref<8x128xf32, #tpu.memory_space<vmem>>, vector<1x16xf32>,
      %swap3A_180 = vector.shape_cast %swap3A_179 : vector<1x16xf32> to vector<16xf32>
      %swap3A_181 = vector.shape_cast %broadcast_in_dim3A_0 : vector<16xf32> to vector<1x16xf32>
      tpu.vector_store %arg9[%swap3A_177, %swap3A_178], %swap3A_181 {strides = array<i32>} : memref<8x128xf32, #tpu.memory_space<vmem>>, vector<1x16xf32>,
      %scan3A_182 = arith.constant 2 : i32
      %scan3A_183 = arith.addi %scan3A_92, %scan3A_182 : i32
      %jit3A_184 = arith.constant 8 : i32
      %div3A_185 = arith.divsi %scan3A_183, %jit3A_184 : i32
      %sign3A_186 = arith.constant 0 : i32
      %sign3A_187 = arith.cmpi sgt, %scan3A_183, %sign3A_186 : i32
      %sign3A_188 = arith.extui %sign3A_187 : i1 to i32
      %sign3A_189 = arith.constant 0 : i32
      %sign3A_190 = arith.cmpi slt, %scan3A_183, %sign3A_189 : i32
      %sign3A_191 = arith.extui %sign3A_190 : i1 to i32
      %sign3A_192 = arith.subi %sign3A_188, %sign3A_191 : i32
      %sign3A_193 = arith.constant 0 : i32
      %sign3A_194 = arith.cmpi sgt, %jit3A_184, %sign3A_193 : i32
      %sign3A_195 = arith.extui %sign3A_194 : i1 to i32
      %sign3A_196 = arith.constant 0 : i32
      %sign3A_197 = arith.cmpi slt, %jit3A_184, %sign3A_196 : i32
      %sign3A_198 = arith.extui %sign3A_197 : i1 to i32
      %sign3A_199 = arith.subi %sign3A_195, %sign3A_198 : i32
      %ne3A_200 = arith.cmpi ne, %sign3A_192, %sign3A_199 : i32
      %rem3A_201 = arith.remsi %scan3A_183, %jit3A_184 : i32
      %ne3A_202 = arith.constant 0 : i32
      %ne3A_203 = arith.cmpi ne, %rem3A_201, %ne3A_202 : i32
      %and3A_204 = arith.andi %ne3A_200, %ne3A_203 : i1
      %sub3A_205 = arith.constant 1 : i32
      %sub3A_206 = arith.subi %div3A_185, %sub3A_205 : i32
      %select_n3A_207 = arith.select %and3A_204, %sub3A_206, %div3A_185 : i32
      %jit3A_208 = arith.constant 8 : i32
      %eq3A_209 = arith.constant 0 : i32
      %eq3A_210 = arith.cmpi eq, %jit3A_208, %eq3A_209 : i32
      %jit3A_211 = arith.constant 1 : i32
      %select_n3A_212 = arith.select %eq3A_210, %jit3A_211, %jit3A_208 : i32
      %rem3A_213 = arith.remsi %scan3A_183, %select_n3A_212 : i32
      %ne3A_214 = arith.constant 0 : i32
      %ne3A_215 = arith.cmpi ne, %rem3A_213, %ne3A_214 : i32
      %lt3A_216 = arith.constant 0 : i32
      %lt3A_217 = arith.cmpi slt, %rem3A_213, %lt3A_216 : i32
      %lt3A_218 = arith.constant 0 : i32
      %lt3A_219 = arith.cmpi slt, %select_n3A_212, %lt3A_218 : i32
      %ne3A_220 = arith.xori %lt3A_217, %lt3A_219 : i1
      %and3A_221 = arith.andi %ne3A_220, %ne3A_215 : i1
      %add3A_222 = arith.addi %rem3A_213, %select_n3A_212 : i32
      %select_n3A_223 = arith.select %and3A_221, %add3A_222, %rem3A_213 : i32
      %mul3A_224 = arith.constant 16 : i32
      %mul3A_225 = arith.muli %select_n3A_223, %mul3A_224 : i32
      %swap3A_226 = arith.index_cast %select_n3A_207 : i32 to index
      %swap3A_227 = arith.index_cast %mul3A_225 : i32 to index
      %swap3A_228 = tpu.vector_load %arg9[%swap3A_226, %swap3A_227] {strides = array<i32>} : memref<8x128xf32, #tpu.memory_space<vmem>>, vector<1x16xf32>,
      %swap3A_229 = vector.shape_cast %swap3A_228 : vector<1x16xf32> to vector<16xf32>
      %swap3A_230 = vector.shape_cast %broadcast_in_dim3A_0 : vector<16xf32> to vector<1x16xf32>
      tpu.vector_store %arg9[%swap3A_226, %swap3A_227], %swap3A_230 {strides = array<i32>} : memref<8x128xf32, #tpu.memory_space<vmem>>, vector<1x16xf32>,
      %scan3A_231 = arith.constant 3 : i32
      %scan3A_232 = arith.addi %scan3A_92, %scan3A_231 : i32
      %jit3A_233 = arith.constant 8 : i32
      %div3A_234 = arith.divsi %scan3A_232, %jit3A_233 : i32
      %sign3A_235 = arith.constant 0 : i32
      %sign3A_236 = arith.cmpi sgt, %scan3A_232, %sign3A_235 : i32
      %sign3A_237 = arith.extui %sign3A_236 : i1 to i32
      %sign3A_238 = arith.constant 0 : i32
      %sign3A_239 = arith.cmpi slt, %scan3A_232, %sign3A_238 : i32
      %sign3A_240 = arith.extui %sign3A_239 : i1 to i32
      %sign3A_241 = arith.subi %sign3A_237, %sign3A_240 : i32
      %sign3A_242 = arith.constant 0 : i32
      %sign3A_243 = arith.cmpi sgt, %jit3A_233, %sign3A_242 : i32
      %sign3A_244 = arith.extui %sign3A_243 : i1 to i32
      %sign3A_245 = arith.constant 0 : i32
      %sign3A_246 = arith.cmpi slt, %jit3A_233, %sign3A_245 : i32
      %sign3A_247 = arith.extui %sign3A_246 : i1 to i32
      %sign3A_248 = arith.subi %sign3A_244, %sign3A_247 : i32
      %ne3A_249 = arith.cmpi ne, %sign3A_241, %sign3A_248 : i32
      %rem3A_250 = arith.remsi %scan3A_232, %jit3A_233 : i32
      %ne3A_251 = arith.constant 0 : i32
      %ne3A_252 = arith.cmpi ne, %rem3A_250, %ne3A_251 : i32
      %and3A_253 = arith.andi %ne3A_249, %ne3A_252 : i1
      %sub3A_254 = arith.constant 1 : i32
      %sub3A_255 = arith.subi %div3A_234, %sub3A_254 : i32
      %select_n3A_256 = arith.select %and3A_253, %sub3A_255, %div3A_234 : i32
      %jit3A_257 = arith.constant 8 : i32
      %eq3A_258 = arith.constant 0 : i32
      %eq3A_259 = arith.cmpi eq, %jit3A_257, %eq3A_258 : i32
      %jit3A_260 = arith.constant 1 : i32
      %select_n3A_261 = arith.select %eq3A_259, %jit3A_260, %jit3A_257 : i32
      %rem3A_262 = arith.remsi %scan3A_232, %select_n3A_261 : i32
      %ne3A_263 = arith.constant 0 : i32
      %ne3A_264 = arith.cmpi ne, %rem3A_262, %ne3A_263 : i32
      %lt3A_265 = arith.constant 0 : i32
      %lt3A_266 = arith.cmpi slt, %rem3A_262, %lt3A_265 : i32
      %lt3A_267 = arith.constant 0 : i32
      %lt3A_268 = arith.cmpi slt, %select_n3A_261, %lt3A_267 : i32
      %ne3A_269 = arith.xori %lt3A_266, %lt3A_268 : i1
      %and3A_270 = arith.andi %ne3A_269, %ne3A_264 : i1
      %add3A_271 = arith.addi %rem3A_262, %select_n3A_261 : i32
      %select_n3A_272 = arith.select %and3A_270, %add3A_271, %rem3A_262 : i32
      %mul3A_273 = arith.constant 16 : i32
      %mul3A_274 = arith.muli %select_n3A_272, %mul3A_273 : i32
      %swap3A_275 = arith.index_cast %select_n3A_256 : i32 to index
      %swap3A_276 = arith.index_cast %mul3A_274 : i32 to index
      %swap3A_277 = tpu.vector_load %arg9[%swap3A_275, %swap3A_276] {strides = array<i32>} : memref<8x128xf32, #tpu.memory_space<vmem>>, vector<1x16xf32>,
      %swap3A_278 = vector.shape_cast %swap3A_277 : vector<1x16xf32> to vector<16xf32>
      %swap3A_279 = vector.shape_cast %broadcast_in_dim3A_0 : vector<16xf32> to vector<1x16xf32>
      tpu.vector_store %arg9[%swap3A_275, %swap3A_276], %swap3A_279 {strides = array<i32>} : memref<8x128xf32, #tpu.memory_space<vmem>>, vector<1x16xf32>,
      %scan3A_280 = arith.constant 4 : i32
      %scan3A_281 = arith.addi %scan3A_92, %scan3A_280 : i32
      %jit3A_282 = arith.constant 8 : i32
      %div3A_283 = arith.divsi %scan3A_281, %jit3A_282 : i32
      %sign3A_284 = arith.constant 0 : i32
      %sign3A_285 = arith.cmpi sgt, %scan3A_281, %sign3A_284 : i32
      %sign3A_286 = arith.extui %sign3A_285 : i1 to i32
      %sign3A_287 = arith.constant 0 : i32
      %sign3A_288 = arith.cmpi slt, %scan3A_281, %sign3A_287 : i32
      %sign3A_289 = arith.extui %sign3A_288 : i1 to i32
      %sign3A_290 = arith.subi %sign3A_286, %sign3A_289 : i32
      %sign3A_291 = arith.constant 0 : i32
      %sign3A_292 = arith.cmpi sgt, %jit3A_282, %sign3A_291 : i32
      %sign3A_293 = arith.extui %sign3A_292 : i1 to i32
      %sign3A_294 = arith.constant 0 : i32
      %sign3A_295 = arith.cmpi slt, %jit3A_282, %sign3A_294 : i32
      %sign3A_296 = arith.extui %sign3A_295 : i1 to i32
      %sign3A_297 = arith.subi %sign3A_293, %sign3A_296 : i32
      %ne3A_298 = arith.cmpi ne, %sign3A_290, %sign3A_297 : i32
      %rem3A_299 = arith.remsi %scan3A_281, %jit3A_282 : i32
      %ne3A_300 = arith.constant 0 : i32
      %ne3A_301 = arith.cmpi ne, %rem3A_299, %ne3A_300 : i32
      %and3A_302 = arith.andi %ne3A_298, %ne3A_301 : i1
      %sub3A_303 = arith.constant 1 : i32
      %sub3A_304 = arith.subi %div3A_283, %sub3A_303 : i32
      %select_n3A_305 = arith.select %and3A_302, %sub3A_304, %div3A_283 : i32
      %jit3A_306 = arith.constant 8 : i32
      %eq3A_307 = arith.constant 0 : i32
      %eq3A_308 = arith.cmpi eq, %jit3A_306, %eq3A_307 : i32
      %jit3A_309 = arith.constant 1 : i32
      %select_n3A_310 = arith.select %eq3A_308, %jit3A_309, %jit3A_306 : i32
      %rem3A_311 = arith.remsi %scan3A_281, %select_n3A_310 : i32
      %ne3A_312 = arith.constant 0 : i32
      %ne3A_313 = arith.cmpi ne, %rem3A_311, %ne3A_312 : i32
      %lt3A_314 = arith.constant 0 : i32
      %lt3A_315 = arith.cmpi slt, %rem3A_311, %lt3A_314 : i32
      %lt3A_316 = arith.constant 0 : i32
      %lt3A_317 = arith.cmpi slt, %select_n3A_310, %lt3A_316 : i32
      %ne3A_318 = arith.xori %lt3A_315, %lt3A_317 : i1
      %and3A_319 = arith.andi %ne3A_318, %ne3A_313 : i1
      %add3A_320 = arith.addi %rem3A_311, %select_n3A_310 : i32
      %select_n3A_321 = arith.select %and3A_319, %add3A_320, %rem3A_311 : i32
      %mul3A_322 = arith.constant 16 : i32
      %mul3A_323 = arith.muli %select_n3A_321, %mul3A_322 : i32
      %swap3A_324 = arith.index_cast %select_n3A_305 : i32 to index
      %swap3A_325 = arith.index_cast %mul3A_323 : i32 to index
      %swap3A_326 = tpu.vector_load %arg9[%swap3A_324, %swap3A_325] {strides = array<i32>} : memref<8x128xf32, #tpu.memory_space<vmem>>, vector<1x16xf32>,
      %swap3A_327 = vector.shape_cast %swap3A_326 : vector<1x16xf32> to vector<16xf32>
      %swap3A_328 = vector.shape_cast %broadcast_in_dim3A_0 : vector<16xf32> to vector<1x16xf32>
      tpu.vector_store %arg9[%swap3A_324, %swap3A_325], %swap3A_328 {strides = array<i32>} : memref<8x128xf32, #tpu.memory_space<vmem>>, vector<1x16xf32>,
      %scan3A_329 = arith.constant 5 : i32
      %scan3A_330 = arith.addi %scan3A_92, %scan3A_329 : i32
      %jit3A_331 = arith.constant 8 : i32
      %div3A_332 = arith.divsi %scan3A_330, %jit3A_331 : i32
      %sign3A_333 = arith.constant 0 : i32
      %sign3A_334 = arith.cmpi sgt, %scan3A_330, %sign3A_333 : i32
      %sign3A_335 = arith.extui %sign3A_334 : i1 to i32
      %sign3A_336 = arith.constant 0 : i32
      %sign3A_337 = arith.cmpi slt, %scan3A_330, %sign3A_336 : i32
      %sign3A_338 = arith.extui %sign3A_337 : i1 to i32
      %sign3A_339 = arith.subi %sign3A_335, %sign3A_338 : i32
      %sign3A_340 = arith.constant 0 : i32
      %sign3A_341 = arith.cmpi sgt, %jit3A_331, %sign3A_340 : i32
      %sign3A_342 = arith.extui %sign3A_341 : i1 to i32
      %sign3A_343 = arith.constant 0 : i32
      %sign3A_344 = arith.cmpi slt, %jit3A_331, %sign3A_343 : i32
      %sign3A_345 = arith.extui %sign3A_344 : i1 to i32
      %sign3A_346 = arith.subi %sign3A_342, %sign3A_345 : i32
      %ne3A_347 = arith.cmpi ne, %sign3A_339, %sign3A_346 : i32
      %rem3A_348 = arith.remsi %scan3A_330, %jit3A_331 : i32
      %ne3A_349 = arith.constant 0 : i32
      %ne3A_350 = arith.cmpi ne, %rem3A_348, %ne3A_349 : i32
      %and3A_351 = arith.andi %ne3A_347, %ne3A_350 : i1
      %sub3A_352 = arith.constant 1 : i32
      %sub3A_353 = arith.subi %div3A_332, %sub3A_352 : i32
      %select_n3A_354 = arith.select %and3A_351, %sub3A_353, %div3A_332 : i32
      %jit3A_355 = arith.constant 8 : i32
      %eq3A_356 = arith.constant 0 : i32
      %eq3A_357 = arith.cmpi eq, %jit3A_355, %eq3A_356 : i32
      %jit3A_358 = arith.constant 1 : i32
      %select_n3A_359 = arith.select %eq3A_357, %jit3A_358, %jit3A_355 : i32
      %rem3A_360 = arith.remsi %scan3A_330, %select_n3A_359 : i32
      %ne3A_361 = arith.constant 0 : i32
      %ne3A_362 = arith.cmpi ne, %rem3A_360, %ne3A_361 : i32
      %lt3A_363 = arith.constant 0 : i32
      %lt3A_364 = arith.cmpi slt, %rem3A_360, %lt3A_363 : i32
      %lt3A_365 = arith.constant 0 : i32
      %lt3A_366 = arith.cmpi slt, %select_n3A_359, %lt3A_365 : i32
      %ne3A_367 = arith.xori %lt3A_364, %lt3A_366 : i1
      %and3A_368 = arith.andi %ne3A_367, %ne3A_362 : i1
      %add3A_369 = arith.addi %rem3A_360, %select_n3A_359 : i32
      %select_n3A_370 = arith.select %and3A_368, %add3A_369, %rem3A_360 : i32
      %mul3A_371 = arith.constant 16 : i32
      %mul3A_372 = arith.muli %select_n3A_370, %mul3A_371 : i32
      %swap3A_373 = arith.index_cast %select_n3A_354 : i32 to index
      %swap3A_374 = arith.index_cast %mul3A_372 : i32 to index
      %swap3A_375 = tpu.vector_load %arg9[%swap3A_373, %swap3A_374] {strides = array<i32>} : memref<8x128xf32, #tpu.memory_space<vmem>>, vector<1x16xf32>,
      %swap3A_376 = vector.shape_cast %swap3A_375 : vector<1x16xf32> to vector<16xf32>
      %swap3A_377 = vector.shape_cast %broadcast_in_dim3A_0 : vector<16xf32> to vector<1x16xf32>
      tpu.vector_store %arg9[%swap3A_373, %swap3A_374], %swap3A_377 {strides = array<i32>} : memref<8x128xf32, #tpu.memory_space<vmem>>, vector<1x16xf32>,
      %scan3A_378 = arith.constant 6 : i32
      %scan3A_379 = arith.addi %scan3A_92, %scan3A_378 : i32
      %jit3A_380 = arith.constant 8 : i32
      %div3A_381 = arith.divsi %scan3A_379, %jit3A_380 : i32
      %sign3A_382 = arith.constant 0 : i32
      %sign3A_383 = arith.cmpi sgt, %scan3A_379, %sign3A_382 : i32
      %sign3A_384 = arith.extui %sign3A_383 : i1 to i32
      %sign3A_385 = arith.constant 0 : i32
      %sign3A_386 = arith.cmpi slt, %scan3A_379, %sign3A_385 : i32
      %sign3A_387 = arith.extui %sign3A_386 : i1 to i32
      %sign3A_388 = arith.subi %sign3A_384, %sign3A_387 : i32
      %sign3A_389 = arith.constant 0 : i32
      %sign3A_390 = arith.cmpi sgt, %jit3A_380, %sign3A_389 : i32
      %sign3A_391 = arith.extui %sign3A_390 : i1 to i32
      %sign3A_392 = arith.constant 0 : i32
      %sign3A_393 = arith.cmpi slt, %jit3A_380, %sign3A_392 : i32
      %sign3A_394 = arith.extui %sign3A_393 : i1 to i32
      %sign3A_395 = arith.subi %sign3A_391, %sign3A_394 : i32
      %ne3A_396 = arith.cmpi ne, %sign3A_388, %sign3A_395 : i32
      %rem3A_397 = arith.remsi %scan3A_379, %jit3A_380 : i32
      %ne3A_398 = arith.constant 0 : i32
      %ne3A_399 = arith.cmpi ne, %rem3A_397, %ne3A_398 : i32
      %and3A_400 = arith.andi %ne3A_396, %ne3A_399 : i1
      %sub3A_401 = arith.constant 1 : i32
      %sub3A_402 = arith.subi %div3A_381, %sub3A_401 : i32
      %select_n3A_403 = arith.select %and3A_400, %sub3A_402, %div3A_381 : i32
      %jit3A_404 = arith.constant 8 : i32
      %eq3A_405 = arith.constant 0 : i32
      %eq3A_406 = arith.cmpi eq, %jit3A_404, %eq3A_405 : i32
      %jit3A_407 = arith.constant 1 : i32
      %select_n3A_408 = arith.select %eq3A_406, %jit3A_407, %jit3A_404 : i32
      %rem3A_409 = arith.remsi %scan3A_379, %select_n3A_408 : i32
      %ne3A_410 = arith.constant 0 : i32
      %ne3A_411 = arith.cmpi ne, %rem3A_409, %ne3A_410 : i32
      %lt3A_412 = arith.constant 0 : i32
      %lt3A_413 = arith.cmpi slt, %rem3A_409, %lt3A_412 : i32
      %lt3A_414 = arith.constant 0 : i32
      %lt3A_415 = arith.cmpi slt, %select_n3A_408, %lt3A_414 : i32
      %ne3A_416 = arith.xori %lt3A_413, %lt3A_415 : i1
      %and3A_417 = arith.andi %ne3A_416, %ne3A_411 : i1
      %add3A_418 = arith.addi %rem3A_409, %select_n3A_408 : i32
      %select_n3A_419 = arith.select %and3A_417, %add3A_418, %rem3A_409 : i32
      %mul3A_420 = arith.constant 16 : i32
      %mul3A_421 = arith.muli %select_n3A_419, %mul3A_420 : i32
      %swap3A_422 = arith.index_cast %select_n3A_403 : i32 to index
      %swap3A_423 = arith.index_cast %mul3A_421 : i32 to index
      %swap3A_424 = tpu.vector_load %arg9[%swap3A_422, %swap3A_423] {strides = array<i32>} : memref<8x128xf32, #tpu.memory_space<vmem>>, vector<1x16xf32>,
      %swap3A_425 = vector.shape_cast %swap3A_424 : vector<1x16xf32> to vector<16xf32>
      %swap3A_426 = vector.shape_cast %broadcast_in_dim3A_0 : vector<16xf32> to vector<1x16xf32>
      tpu.vector_store %arg9[%swap3A_422, %swap3A_423], %swap3A_426 {strides = array<i32>} : memref<8x128xf32, #tpu.memory_space<vmem>>, vector<1x16xf32>,
      %scan3A_427 = arith.constant 7 : i32
      %scan3A_428 = arith.addi %scan3A_92, %scan3A_427 : i32
      %jit3A_429 = arith.constant 8 : i32
      %div3A_430 = arith.divsi %scan3A_428, %jit3A_429 : i32
      %sign3A_431 = arith.constant 0 : i32
      %sign3A_432 = arith.cmpi sgt, %scan3A_428, %sign3A_431 : i32
      %sign3A_433 = arith.extui %sign3A_432 : i1 to i32
      %sign3A_434 = arith.constant 0 : i32
      %sign3A_435 = arith.cmpi slt, %scan3A_428, %sign3A_434 : i32
      %sign3A_436 = arith.extui %sign3A_435 : i1 to i32
      %sign3A_437 = arith.subi %sign3A_433, %sign3A_436 : i32
      %sign3A_438 = arith.constant 0 : i32
      %sign3A_439 = arith.cmpi sgt, %jit3A_429, %sign3A_438 : i32
      %sign3A_440 = arith.extui %sign3A_439 : i1 to i32
      %sign3A_441 = arith.constant 0 : i32
      %sign3A_442 = arith.cmpi slt, %jit3A_429, %sign3A_441 : i32
      %sign3A_443 = arith.extui %sign3A_442 : i1 to i32
      %sign3A_444 = arith.subi %sign3A_440, %sign3A_443 : i32
      %ne3A_445 = arith.cmpi ne, %sign3A_437, %sign3A_444 : i32
      %rem3A_446 = arith.remsi %scan3A_428, %jit3A_429 : i32
      %ne3A_447 = arith.constant 0 : i32
      %ne3A_448 = arith.cmpi ne, %rem3A_446, %ne3A_447 : i32
      %and3A_449 = arith.andi %ne3A_445, %ne3A_448 : i1
      %sub3A_450 = arith.constant 1 : i32
      %sub3A_451 = arith.subi %div3A_430, %sub3A_450 : i32
      %select_n3A_452 = arith.select %and3A_449, %sub3A_451, %div3A_430 : i32
      %jit3A_453 = arith.constant 8 : i32
      %eq3A_454 = arith.constant 0 : i32
      %eq3A_455 = arith.cmpi eq, %jit3A_453, %eq3A_454 : i32
      %jit3A_456 = arith.constant 1 : i32
      %select_n3A_457 = arith.select %eq3A_455, %jit3A_456, %jit3A_453 : i32
      %rem3A_458 = arith.remsi %scan3A_428, %select_n3A_457 : i32
      %ne3A_459 = arith.constant 0 : i32
      %ne3A_460 = arith.cmpi ne, %rem3A_458, %ne3A_459 : i32
      %lt3A_461 = arith.constant 0 : i32
      %lt3A_462 = arith.cmpi slt, %rem3A_458, %lt3A_461 : i32
      %lt3A_463 = arith.constant 0 : i32
      %lt3A_464 = arith.cmpi slt, %select_n3A_457, %lt3A_463 : i32
      %ne3A_465 = arith.xori %lt3A_462, %lt3A_464 : i1
      %and3A_466 = arith.andi %ne3A_465, %ne3A_460 : i1
      %add3A_467 = arith.addi %rem3A_458, %select_n3A_457 : i32
      %select_n3A_468 = arith.select %and3A_466, %add3A_467, %rem3A_458 : i32
      %mul3A_469 = arith.constant 16 : i32
      %mul3A_470 = arith.muli %select_n3A_468, %mul3A_469 : i32
      %swap3A_471 = arith.index_cast %select_n3A_452 : i32 to index
      %swap3A_472 = arith.index_cast %mul3A_470 : i32 to index
      %swap3A_473 = tpu.vector_load %arg9[%swap3A_471, %swap3A_472] {strides = array<i32>} : memref<8x128xf32, #tpu.memory_space<vmem>>, vector<1x16xf32>,
      %swap3A_474 = vector.shape_cast %swap3A_473 : vector<1x16xf32> to vector<16xf32>
      %swap3A_475 = vector.shape_cast %broadcast_in_dim3A_0 : vector<16xf32> to vector<1x16xf32>
      tpu.vector_store %arg9[%swap3A_471, %swap3A_472], %swap3A_475 {strides = array<i32>} : memref<8x128xf32, #tpu.memory_space<vmem>>, vector<1x16xf32>,
    }
    %scan3A_4 = arith.constant 64 : i32
    %scan3A_5 = arith.constant 0 : i32
    %scan3A_6 = arith.constant 80 : i32
    %scan3A_7 = arith.addi %scan3A_5, %scan3A_6 : i32
    %scan3A_8 = arith.constant 1 : i32
    scf.for %scan3A_92 = %scan3A_5 to %scan3A_7 step %scan3A_8  : i32 {
      %mul3A_93 = arith.constant 640 : i32
      %mul3A_94 = arith.muli %arg1, %mul3A_93 : i32
      %mul3A_95 = arith.constant 8 : i32
      %mul3A_96 = arith.muli %scan3A_92, %mul3A_95 : i32
      %add3A_97 = arith.addi %mul3A_94, %mul3A_96 : i32
      "tpu.region"() ({
        %run_scoped3A = tpu.sem_alloc : memref<!tpu.dma_semaphore, #tpu.memory_space<semaphore_mem>>
        %dma_start3A_98 = arith.constant 0 : i32
        %dma_start3A_99 = tpu.memref_slice %arg10[%add3A_97, %dma_start3A_98] : memref<10240x128xf32, #tpu.memory_space<vmem_shared>> -> memref<8x128xf32, #tpu.memory_space<vmem_shared>>
        %dma_start3A_100 = arith.constant 0 : i32
        %dma_start3A_101 = tpu.memref_slice %arg10[%add3A_97, %dma_start3A_100] : memref<10240x128xf32, #tpu.memory_space<vmem_shared>> -> memref<8x128xf32, #tpu.memory_space<vmem_shared>>
        tpu.enqueue_dma source(%arg9 : memref<8x128xf32, #tpu.memory_space<vmem>>) target(%dma_start3A_101 : memref<8x128xf32, #tpu.memory_space<vmem_shared>>) target_semaphore(%run_scoped3A : memref<!tpu.dma_semaphore, #tpu.memory_space<semaphore_mem>>)
        %dma_wait3A_102 = arith.constant 0 : i32
        %dma_wait3A_103 = tpu.memref_slice %arg10[%add3A_97, %dma_wait3A_102] : memref<10240x128xf32, #tpu.memory_space<vmem_shared>> -> memref<8x128xf32, #tpu.memory_space<vmem_shared>>
        %dma_wait3A_104 = arith.constant 0 : i32
        %dma_wait3A_105 = tpu.memref_slice %arg10[%add3A_97, %dma_wait3A_104] : memref<10240x128xf32, #tpu.memory_space<vmem_shared>> -> memref<8x128xf32, #tpu.memory_space<vmem_shared>>
        tpu.wait_dma2 semaphore(%run_scoped3A : memref<!tpu.dma_semaphore, #tpu.memory_space<semaphore_mem>>) src(%arg9 : memref<8x128xf32, #tpu.memory_space<vmem>>) dst(%dma_wait3A_105 : memref<8x128xf32, #tpu.memory_space<vmem_shared>>)
        tpu.yield
      }) : () -> ()
    }
    %scan3A_9 = arith.constant 80 : i32
    %eq3A = arith.constant 0 : i32
    %eq3A_10 = arith.cmpi eq, %arg0, %eq3A : i32
    %jit3A = arith.constant 56 : i32
    %jit3A_11 = arith.constant 104 : i32
    %select_n3A = arith.select %eq3A_10, %jit3A, %jit3A_11 : i32
    %eq3A_12 = arith.constant 0 : i32
    %eq3A_13 = arith.cmpi eq, %arg0, %eq3A_12 : i32
    %mul3A = arith.constant 56 : i32
    %mul3A_14 = arith.muli %arg1, %mul3A : i32
    %mul3A_15 = arith.constant 104 : i32
    %mul3A_16 = arith.muli %arg1, %mul3A_15 : i32
    %add3A = arith.constant 896 : i32
    %add3A_17 = arith.addi %add3A, %mul3A_16 : i32
    %select_n3A_18 = arith.select %eq3A_13, %mul3A_14, %add3A_17 : i32
    %dma_start3A = arith.constant 0 : i32
    %dma_start3A_19 = tpu.memref_slice %arg4[%select_n3A_18, %dma_start3A] : memref<2560x128xi32, #tpu.memory_space<hbm>> -> memref<104x128xi32, #tpu.memory_space<hbm>>
    %dma_start3A_20 = arith.constant 0 : i32
    %dma_start3A_21 = tpu.memref_slice %arg4[%select_n3A_18, %dma_start3A_20] : memref<2560x128xi32, #tpu.memory_space<hbm>> -> memref<104x128xi32, #tpu.memory_space<hbm>>
    tpu.enqueue_dma source(%dma_start3A_21 : memref<104x128xi32, #tpu.memory_space<hbm>>) target(%arg7 : memref<104x128xi32, #tpu.memory_space<vmem>>) target_semaphore(%arg12 : memref<!tpu.dma_semaphore, #tpu.memory_space<semaphore_mem>>)
    %dma_wait3A = arith.constant 0 : i32
    %dma_wait3A_22 = tpu.memref_slice %arg4[%select_n3A_18, %dma_wait3A] : memref<2560x128xi32, #tpu.memory_space<hbm>> -> memref<104x128xi32, #tpu.memory_space<hbm>>
    %dma_wait3A_23 = arith.constant 0 : i32
    %dma_wait3A_24 = tpu.memref_slice %arg4[%select_n3A_18, %dma_wait3A_23] : memref<2560x128xi32, #tpu.memory_space<hbm>> -> memref<104x128xi32, #tpu.memory_space<hbm>>
    tpu.wait_dma2 semaphore(%arg12 : memref<!tpu.dma_semaphore, #tpu.memory_space<semaphore_mem>>) src(%dma_wait3A_24 : memref<104x128xi32, #tpu.memory_space<hbm>>) dst(%arg7 : memref<104x128xi32, #tpu.memory_space<vmem>>)
    %barrier3A = arith.constant 0 : index
    tpu.barrier barrier_id(%barrier3A)
    %mul3A_25 = arith.constant 128 : i32
    %mul3A_26 = arith.muli %select_n3A_18, %mul3A_25 : i32
    %add3A_27 = arith.constant 0 : i32
    %add3A_28 = arith.addi %mul3A_26, %add3A_27 : i32
    %rem3A = arith.constant 0 : i32
    %rem3A_29 = arith.constant 3 : i32
    %rem3A_30 = arith.remsi %rem3A, %rem3A_29 : i32
    %dma_start3A_31 = arith.constant 0 : i32
    %dma_start3A_32 = tpu.memref_slice %arg6[%rem3A_30, %dma_start3A_31] : memref<3x128xi32, #tpu.memory_space<vmem>> -> memref<1x128xi32, #tpu.memory_space<vmem>>
    %dma_start3A_33 = tpu.memref_squeeze %dma_start3A_32 : memref<1x128xi32, #tpu.memory_space<vmem>> -> memref<128xi32, #tpu.memory_space<vmem>>
    %dma_start3A_34 = tpu.memref_slice %arg3[%add3A_28] : memref<327680xi32, #tpu.memory_space<hbm>> -> memref<128xi32, #tpu.memory_space<hbm>>
    %dma_start3A_35 = arith.constant 0 : i32
    %dma_start3A_36 = tpu.memref_slice %arg6[%rem3A_30, %dma_start3A_35] : memref<3x128xi32, #tpu.memory_space<vmem>> -> memref<1x128xi32, #tpu.memory_space<vmem>>
    %dma_start3A_37 = tpu.memref_squeeze %dma_start3A_36 : memref<1x128xi32, #tpu.memory_space<vmem>> -> memref<128xi32, #tpu.memory_space<vmem>>
    %dma_start3A_38 = tpu.memref_slice %arg3[%add3A_28] : memref<327680xi32, #tpu.memory_space<hbm>> -> memref<128xi32, #tpu.memory_space<hbm>>
    tpu.enqueue_dma source(%dma_start3A_38 : memref<128xi32, #tpu.memory_space<hbm>>) target(%dma_start3A_37 : memref<128xi32, #tpu.memory_space<vmem>>) target_semaphore(%arg12 : memref<!tpu.dma_semaphore, #tpu.memory_space<semaphore_mem>>)
    %rem3A_39 = arith.constant 0 : i32
    %rem3A_40 = arith.constant 3 : i32
    %rem3A_41 = arith.remsi %rem3A_39, %rem3A_40 : i32
    %dma_wait3A_42 = arith.constant 0 : i32
    %dma_wait3A_43 = tpu.memref_slice %arg6[%rem3A_41, %dma_wait3A_42] : memref<3x128xi32, #tpu.memory_space<vmem>> -> memref<1x128xi32, #tpu.memory_space<vmem>>
    %dma_wait3A_44 = tpu.memref_squeeze %dma_wait3A_43 : memref<1x128xi32, #tpu.memory_space<vmem>> -> memref<128xi32, #tpu.memory_space<vmem>>
    %dma_wait3A_45 = tpu.memref_slice %arg3[%mul3A_26] : memref<327680xi32, #tpu.memory_space<hbm>> -> memref<128xi32, #tpu.memory_space<hbm>>
    %dma_wait3A_46 = arith.constant 0 : i32
    %dma_wait3A_47 = tpu.memref_slice %arg6[%rem3A_41, %dma_wait3A_46] : memref<3x128xi32, #tpu.memory_space<vmem>> -> memref<1x128xi32, #tpu.memory_space<vmem>>
    %dma_wait3A_48 = tpu.memref_squeeze %dma_wait3A_47 : memref<1x128xi32, #tpu.memory_space<vmem>> -> memref<128xi32, #tpu.memory_space<vmem>>
    %dma_wait3A_49 = tpu.memref_slice %arg3[%mul3A_26] : memref<327680xi32, #tpu.memory_space<hbm>> -> memref<128xi32, #tpu.memory_space<hbm>>
    tpu.wait_dma2 semaphore(%arg12 : memref<!tpu.dma_semaphore, #tpu.memory_space<semaphore_mem>>) src(%dma_wait3A_49 : memref<128xi32, #tpu.memory_space<hbm>>) dst(%dma_wait3A_48 : memref<128xi32, #tpu.memory_space<vmem>>)
    %rem3A_50 = arith.constant 0 : i32
    %rem3A_51 = arith.constant 3 : i32
    %rem3A_52 = arith.remsi %rem3A_50, %rem3A_51 : i32
    %rem3A_53 = arith.constant 0 : i32
    %rem3A_54 = arith.constant 2 : i32
    %rem3A_55 = arith.remsi %rem3A_53, %rem3A_54 : i32
    %dma_start3A_56 = arith.constant 0 : i32
    %dma_start3A_57 = arith.constant 0 : i32
    %dma_start3A_58 = tpu.memref_slice %arg8[%rem3A_55, %dma_start3A_56, %dma_start3A_57] : memref<2x128x128xf32, #tpu.memory_space<vmem>> -> memref<1x128x128xf32, #tpu.memory_space<vmem>>
    %dma_start3A_59 = tpu.memref_squeeze %dma_start3A_58 : memref<1x128x128xf32, #tpu.memory_space<vmem>> -> memref<128x128xf32, #tpu.memory_space<vmem>>
    %dma_start3A_60 = arith.constant 0 : i32
    %dma_start3A_61 = tpu.memref_slice %arg6[%rem3A_52, %dma_start3A_60] : memref<3x128xi32, #tpu.memory_space<vmem>> -> memref<1x128xi32, #tpu.memory_space<vmem>>
    %dma_start3A_62 = tpu.memref_squeeze %dma_start3A_61 : memref<1x128xi32, #tpu.memory_space<vmem>> -> memref<128xi32, #tpu.memory_space<vmem>>
    %dma_start3A_63 = arith.constant 0 : i32
    %dma_start3A_64 = arith.constant 0 : i32
    %dma_start3A_65 = tpu.memref_slice %arg2[%dma_start3A_63, %dma_start3A_64] : memref<10240x128xf32, #tpu.memory_space<hbm>> -> memref<10240x128xf32, #tpu.memory_space<hbm>>
    tpu.enqueue_indirect_dma source(%dma_start3A_65 : memref<10240x128xf32, #tpu.memory_space<hbm>>) target(%dma_start3A_59 : memref<128x128xf32, #tpu.memory_space<vmem>>) offsets(%dma_start3A_62 : memref<128xi32, #tpu.memory_space<vmem>>) semaphore(%arg11 : memref<!tpu.dma_semaphore, #tpu.memory_space<semaphore_mem>>)
    %add3A_66 = arith.constant 128 : i32
    %add3A_67 = arith.addi %mul3A_26, %add3A_66 : i32
    %rem3A_68 = arith.constant 1 : i32
    %rem3A_69 = arith.constant 3 : i32
    %rem3A_70 = arith.remsi %rem3A_68, %rem3A_69 : i32
    %dma_start3A_71 = arith.constant 0 : i32
    %dma_start3A_72 = tpu.memref_slice %arg6[%rem3A_70, %dma_start3A_71] : memref<3x128xi32, #tpu.memory_space<vmem>> -> memref<1x128xi32, #tpu.memory_space<vmem>>
    %dma_start3A_73 = tpu.memref_squeeze %dma_start3A_72 : memref<1x128xi32, #tpu.memory_space<vmem>> -> memref<128xi32, #tpu.memory_space<vmem>>
    %dma_start3A_74 = tpu.memref_slice %arg3[%add3A_67] : memref<327680xi32, #tpu.memory_space<hbm>> -> memref<128xi32, #tpu.memory_space<hbm>>
    %dma_start3A_75 = arith.constant 0 : i32
    %dma_start3A_76 = tpu.memref_slice %arg6[%rem3A_70, %dma_start3A_75] : memref<3x128xi32, #tpu.memory_space<vmem>> -> memref<1x128xi32, #tpu.memory_space<vmem>>
    %dma_start3A_77 = tpu.memref_squeeze %dma_start3A_76 : memref<1x128xi32, #tpu.memory_space<vmem>> -> memref<128xi32, #tpu.memory_space<vmem>>
    %dma_start3A_78 = tpu.memref_slice %arg3[%add3A_67] : memref<327680xi32, #tpu.memory_space<hbm>> -> memref<128xi32, #tpu.memory_space<hbm>>
    tpu.enqueue_dma source(%dma_start3A_78 : memref<128xi32, #tpu.memory_space<hbm>>) target(%dma_start3A_77 : memref<128xi32, #tpu.memory_space<vmem>>) target_semaphore(%arg12 : memref<!tpu.dma_semaphore, #tpu.memory_space<semaphore_mem>>)
    %while3A = arith.constant 0 : i32
    %while3A_79 = arith.subi %select_n3A, %while3A : i32
    %while3A_80 = arith.addi %while3A, %while3A_79 : i32
    %while3A_81 = arith.constant 1 : i32
    %while3A_82 = arith.divsi %while3A_79, %while3A_81 : i32
    %while3A_83 = arith.muli %while3A_82, %while3A_81 : i32
    %while3A_84 = arith.addi %while3A, %while3A_83 : i32
    %while3A_85 = arith.constant 1 : i32
    scf.for %while3A_92 = %while3A to %while3A_84 step %while3A_85  : i32 {
      %rem3A_93 = arith.constant 2 : i32
      %rem3A_94 = arith.remsi %while3A_92, %rem3A_93 : i32
      %add3A_95 = arith.constant 1 : i32
      %add3A_96 = arith.addi %while3A_92, %add3A_95 : i32
      %lt3A = arith.cmpi slt, %add3A_96, %select_n3A : i32
      %convert_element_type3A = arith.extui %lt3A : i1 to i32
      %cond3A = arith.constant 0 : i32
      %cond3A_97 = arith.cmpi ne, %convert_element_type3A, %cond3A : i32
      scf.if %cond3A_97 {
        %add3A_110 = arith.constant 1 : i32
        %add3A_111 = arith.addi %while3A_92, %add3A_110 : i32
        %rem3A_112 = arith.constant 3 : i32
        %rem3A_113 = arith.remsi %add3A_111, %rem3A_112 : i32
        %dma_wait3A_114 = arith.constant 0 : i32
        %dma_wait3A_115 = tpu.memref_slice %arg6[%rem3A_113, %dma_wait3A_114] : memref<3x128xi32, #tpu.memory_space<vmem>> -> memref<1x128xi32, #tpu.memory_space<vmem>>
        %dma_wait3A_116 = tpu.memref_squeeze %dma_wait3A_115 : memref<1x128xi32, #tpu.memory_space<vmem>> -> memref<128xi32, #tpu.memory_space<vmem>>
        %dma_wait3A_117 = tpu.memref_slice %arg3[%mul3A_26] : memref<327680xi32, #tpu.memory_space<hbm>> -> memref<128xi32, #tpu.memory_space<hbm>>
        %dma_wait3A_118 = arith.constant 0 : i32
        %dma_wait3A_119 = tpu.memref_slice %arg6[%rem3A_113, %dma_wait3A_118] : memref<3x128xi32, #tpu.memory_space<vmem>> -> memref<1x128xi32, #tpu.memory_space<vmem>>
        %dma_wait3A_120 = tpu.memref_squeeze %dma_wait3A_119 : memref<1x128xi32, #tpu.memory_space<vmem>> -> memref<128xi32, #tpu.memory_space<vmem>>
        %dma_wait3A_121 = tpu.memref_slice %arg3[%mul3A_26] : memref<327680xi32, #tpu.memory_space<hbm>> -> memref<128xi32, #tpu.memory_space<hbm>>
        tpu.wait_dma2 semaphore(%arg12 : memref<!tpu.dma_semaphore, #tpu.memory_space<semaphore_mem>>) src(%dma_wait3A_121 : memref<128xi32, #tpu.memory_space<hbm>>) dst(%dma_wait3A_120 : memref<128xi32, #tpu.memory_space<vmem>>)
        %add3A_122 = arith.constant 1 : i32
        %add3A_123 = arith.addi %while3A_92, %add3A_122 : i32
        %rem3A_124 = arith.constant 3 : i32
        %rem3A_125 = arith.remsi %add3A_123, %rem3A_124 : i32
        %rem3A_126 = arith.constant 2 : i32
        %rem3A_127 = arith.remsi %add3A_123, %rem3A_126 : i32
        %dma_start3A_128 = arith.constant 0 : i32
        %dma_start3A_129 = arith.constant 0 : i32
        %dma_start3A_130 = tpu.memref_slice %arg8[%rem3A_127, %dma_start3A_128, %dma_start3A_129] : memref<2x128x128xf32, #tpu.memory_space<vmem>> -> memref<1x128x128xf32, #tpu.memory_space<vmem>>
        %dma_start3A_131 = tpu.memref_squeeze %dma_start3A_130 : memref<1x128x128xf32, #tpu.memory_space<vmem>> -> memref<128x128xf32, #tpu.memory_space<vmem>>
        %dma_start3A_132 = arith.constant 0 : i32
        %dma_start3A_133 = tpu.memref_slice %arg6[%rem3A_125, %dma_start3A_132] : memref<3x128xi32, #tpu.memory_space<vmem>> -> memref<1x128xi32, #tpu.memory_space<vmem>>
        %dma_start3A_134 = tpu.memref_squeeze %dma_start3A_133 : memref<1x128xi32, #tpu.memory_space<vmem>> -> memref<128xi32, #tpu.memory_space<vmem>>
        %dma_start3A_135 = arith.constant 0 : i32
        %dma_start3A_136 = arith.constant 0 : i32
        %dma_start3A_137 = tpu.memref_slice %arg2[%dma_start3A_135, %dma_start3A_136] : memref<10240x128xf32, #tpu.memory_space<hbm>> -> memref<10240x128xf32, #tpu.memory_space<hbm>>
        tpu.enqueue_indirect_dma source(%dma_start3A_137 : memref<10240x128xf32, #tpu.memory_space<hbm>>) target(%dma_start3A_131 : memref<128x128xf32, #tpu.memory_space<vmem>>) offsets(%dma_start3A_134 : memref<128xi32, #tpu.memory_space<vmem>>) semaphore(%arg11 : memref<!tpu.dma_semaphore, #tpu.memory_space<semaphore_mem>>)
        %add3A_138 = arith.constant 2 : i32
        %add3A_139 = arith.addi %while3A_92, %add3A_138 : i32
        %lt3A_140 = arith.cmpi slt, %add3A_139, %select_n3A : i32
        %convert_element_type3A_141 = arith.extui %lt3A_140 : i1 to i32
        %cond3A_142 = arith.constant 0 : i32
        %cond3A_143 = arith.cmpi ne, %convert_element_type3A_141, %cond3A_142 : i32
        scf.if %cond3A_143 {
          %add3A_144 = arith.constant 2 : i32
          %add3A_145 = arith.addi %while3A_92, %add3A_144 : i32
          %mul3A_146 = arith.constant 128 : i32
          %mul3A_147 = arith.muli %add3A_145, %mul3A_146 : i32
          %add3A_148 = arith.addi %mul3A_26, %mul3A_147 : i32
          %rem3A_149 = arith.constant 3 : i32
          %rem3A_150 = arith.remsi %add3A_145, %rem3A_149 : i32
          %dma_start3A_151 = arith.constant 0 : i32
          %dma_start3A_152 = tpu.memref_slice %arg6[%rem3A_150, %dma_start3A_151] : memref<3x128xi32, #tpu.memory_space<vmem>> -> memref<1x128xi32, #tpu.memory_space<vmem>>
          %dma_start3A_153 = tpu.memref_squeeze %dma_start3A_152 : memref<1x128xi32, #tpu.memory_space<vmem>> -> memref<128xi32, #tpu.memory_space<vmem>>
          %dma_start3A_154 = tpu.memref_slice %arg3[%add3A_148] : memref<327680xi32, #tpu.memory_space<hbm>> -> memref<128xi32, #tpu.memory_space<hbm>>
          %dma_start3A_155 = arith.constant 0 : i32
          %dma_start3A_156 = tpu.memref_slice %arg6[%rem3A_150, %dma_start3A_155] : memref<3x128xi32, #tpu.memory_space<vmem>> -> memref<1x128xi32, #tpu.memory_space<vmem>>
          %dma_start3A_157 = tpu.memref_squeeze %dma_start3A_156 : memref<1x128xi32, #tpu.memory_space<vmem>> -> memref<128xi32, #tpu.memory_space<vmem>>
          %dma_start3A_158 = tpu.memref_slice %arg3[%add3A_148] : memref<327680xi32, #tpu.memory_space<hbm>> -> memref<128xi32, #tpu.memory_space<hbm>>
          tpu.enqueue_dma source(%dma_start3A_158 : memref<128xi32, #tpu.memory_space<hbm>>) target(%dma_start3A_157 : memref<128xi32, #tpu.memory_space<vmem>>) target_semaphore(%arg12 : memref<!tpu.dma_semaphore, #tpu.memory_space<semaphore_mem>>)
        } else {
        }
      } else {
      }
      %rem3A_98 = arith.constant 3 : i32
      %rem3A_99 = arith.remsi %while3A_92, %rem3A_98 : i32
      %dma_wait3A_100 = arith.constant 0 : i32
      %dma_wait3A_101 = arith.constant 0 : i32
      %dma_wait3A_102 = tpu.memref_slice %arg8[%rem3A_94, %dma_wait3A_100, %dma_wait3A_101] : memref<2x128x128xf32, #tpu.memory_space<vmem>> -> memref<1x128x128xf32, #tpu.memory_space<vmem>>
      %dma_wait3A_103 = tpu.memref_squeeze %dma_wait3A_102 : memref<1x128x128xf32, #tpu.memory_space<vmem>> -> memref<128x128xf32, #tpu.memory_space<vmem>>
      %dma_wait3A_104 = arith.constant 0 : i32
      %dma_wait3A_105 = tpu.memref_slice %arg6[%rem3A_99, %dma_wait3A_104] : memref<3x128xi32, #tpu.memory_space<vmem>> -> memref<1x128xi32, #tpu.memory_space<vmem>>
      %dma_wait3A_106 = tpu.memref_squeeze %dma_wait3A_105 : memref<1x128xi32, #tpu.memory_space<vmem>> -> memref<128xi32, #tpu.memory_space<vmem>>
      %dma_wait3A_107 = arith.constant 0 : i32
      %dma_wait3A_108 = arith.constant 0 : i32
      %dma_wait3A_109 = tpu.memref_slice %arg2[%dma_wait3A_107, %dma_wait3A_108] : memref<10240x128xf32, #tpu.memory_space<hbm>> -> memref<10240x128xf32, #tpu.memory_space<hbm>>
      tpu.wait_indirect_dma semaphore(%arg11 : memref<!tpu.dma_semaphore, #tpu.memory_space<semaphore_mem>>) src(%dma_wait3A_109 : memref<10240x128xf32, #tpu.memory_space<hbm>>) dst(%dma_wait3A_103 : memref<128x128xf32, #tpu.memory_space<vmem>>)
      "tpu.region"() ({
        %run_scoped3A = tpu.sem_alloc : memref<!tpu.dma_semaphore, #tpu.memory_space<semaphore_mem>>
        %dma_start3A_110 = arith.constant 0 : i32
        %dma_start3A_111 = arith.constant 0 : i32
        %dma_start3A_112 = tpu.memref_slice %arg8[%rem3A_94, %dma_start3A_110, %dma_start3A_111] : memref<2x128x128xf32, #tpu.memory_space<vmem>> -> memref<1x128x128xf32, #tpu.memory_space<vmem>>
        %dma_start3A_113 = tpu.memref_squeeze %dma_start3A_112 : memref<1x128x128xf32, #tpu.memory_space<vmem>> -> memref<128x128xf32, #tpu.memory_space<vmem>>
        %dma_start3A_114 = arith.constant 0 : i32
        %dma_start3A_115 = tpu.memref_slice %arg7[%while3A_92, %dma_start3A_114] : memref<104x128xi32, #tpu.memory_space<vmem>> -> memref<1x128xi32, #tpu.memory_space<vmem>>
        %dma_start3A_116 = tpu.memref_squeeze %dma_start3A_115 : memref<1x128xi32, #tpu.memory_space<vmem>> -> memref<128xi32, #tpu.memory_space<vmem>>
        %dma_start3A_117 = arith.constant 0 : i32
        %dma_start3A_118 = arith.constant 0 : i32
        %dma_start3A_119 = tpu.memref_slice %arg10[%dma_start3A_117, %dma_start3A_118] : memref<10240x128xf32, #tpu.memory_space<vmem_shared>> -> memref<10240x128xf32, #tpu.memory_space<vmem_shared>>
        tpu.enqueue_indirect_dma source(%dma_start3A_113 : memref<128x128xf32, #tpu.memory_space<vmem>>) target(%dma_start3A_119 : memref<10240x128xf32, #tpu.memory_space<vmem_shared>>) offsets(%dma_start3A_116 : memref<128xi32, #tpu.memory_space<vmem>>) semaphore(%run_scoped3A : memref<!tpu.dma_semaphore, #tpu.memory_space<semaphore_mem>>) {add = true}
        %dma_wait3A_120 = arith.constant 0 : i32
        %dma_wait3A_121 = arith.constant 0 : i32
        %dma_wait3A_122 = tpu.memref_slice %arg8[%rem3A_94, %dma_wait3A_120, %dma_wait3A_121] : memref<2x128x128xf32, #tpu.memory_space<vmem>> -> memref<1x128x128xf32, #tpu.memory_space<vmem>>
        %dma_wait3A_123 = tpu.memref_squeeze %dma_wait3A_122 : memref<1x128x128xf32, #tpu.memory_space<vmem>> -> memref<128x128xf32, #tpu.memory_space<vmem>>
        %dma_wait3A_124 = arith.constant 0 : i32
        %dma_wait3A_125 = tpu.memref_slice %arg7[%while3A_92, %dma_wait3A_124] : memref<104x128xi32, #tpu.memory_space<vmem>> -> memref<1x128xi32, #tpu.memory_space<vmem>>
        %dma_wait3A_126 = tpu.memref_squeeze %dma_wait3A_125 : memref<1x128xi32, #tpu.memory_space<vmem>> -> memref<128xi32, #tpu.memory_space<vmem>>
        %dma_wait3A_127 = arith.constant 0 : i32
        %dma_wait3A_128 = arith.constant 0 : i32
        %dma_wait3A_129 = tpu.memref_slice %arg10[%dma_wait3A_127, %dma_wait3A_128] : memref<10240x128xf32, #tpu.memory_space<vmem_shared>> -> memref<10240x128xf32, #tpu.memory_space<vmem_shared>>
        tpu.wait_indirect_dma semaphore(%run_scoped3A : memref<!tpu.dma_semaphore, #tpu.memory_space<semaphore_mem>>) src(%dma_wait3A_123 : memref<128x128xf32, #tpu.memory_space<vmem>>) dst(%dma_wait3A_129 : memref<10240x128xf32, #tpu.memory_space<vmem_shared>>)
        tpu.yield
      }) : () -> ()
    }
    %while3A_86 = arith.constant 1 : i32
    scf.for %while3A_92 = %while3A_84 to %while3A_80 step %while3A_86  : i32 {
      %rem3A_93 = arith.constant 2 : i32
      %rem3A_94 = arith.remsi %while3A_92, %rem3A_93 : i32
      %add3A_95 = arith.constant 1 : i32
      %add3A_96 = arith.addi %while3A_92, %add3A_95 : i32
      %lt3A = arith.cmpi slt, %add3A_96, %select_n3A : i32
      %convert_element_type3A = arith.extui %lt3A : i1 to i32
      %cond3A = arith.constant 0 : i32
      %cond3A_97 = arith.cmpi ne, %convert_element_type3A, %cond3A : i32
      scf.if %cond3A_97 {
        %add3A_110 = arith.constant 1 : i32
        %add3A_111 = arith.addi %while3A_92, %add3A_110 : i32
        %rem3A_112 = arith.constant 3 : i32
        %rem3A_113 = arith.remsi %add3A_111, %rem3A_112 : i32
        %dma_wait3A_114 = arith.constant 0 : i32
        %dma_wait3A_115 = tpu.memref_slice %arg6[%rem3A_113, %dma_wait3A_114] : memref<3x128xi32, #tpu.memory_space<vmem>> -> memref<1x128xi32, #tpu.memory_space<vmem>>
        %dma_wait3A_116 = tpu.memref_squeeze %dma_wait3A_115 : memref<1x128xi32, #tpu.memory_space<vmem>> -> memref<128xi32, #tpu.memory_space<vmem>>
        %dma_wait3A_117 = tpu.memref_slice %arg3[%mul3A_26] : memref<327680xi32, #tpu.memory_space<hbm>> -> memref<128xi32, #tpu.memory_space<hbm>>
        %dma_wait3A_118 = arith.constant 0 : i32
        %dma_wait3A_119 = tpu.memref_slice %arg6[%rem3A_113, %dma_wait3A_118] : memref<3x128xi32, #tpu.memory_space<vmem>> -> memref<1x128xi32, #tpu.memory_space<vmem>>
        %dma_wait3A_120 = tpu.memref_squeeze %dma_wait3A_119 : memref<1x128xi32, #tpu.memory_space<vmem>> -> memref<128xi32, #tpu.memory_space<vmem>>
        %dma_wait3A_121 = tpu.memref_slice %arg3[%mul3A_26] : memref<327680xi32, #tpu.memory_space<hbm>> -> memref<128xi32, #tpu.memory_space<hbm>>
        tpu.wait_dma2 semaphore(%arg12 : memref<!tpu.dma_semaphore, #tpu.memory_space<semaphore_mem>>) src(%dma_wait3A_121 : memref<128xi32, #tpu.memory_space<hbm>>) dst(%dma_wait3A_120 : memref<128xi32, #tpu.memory_space<vmem>>)
        %add3A_122 = arith.constant 1 : i32
        %add3A_123 = arith.addi %while3A_92, %add3A_122 : i32
        %rem3A_124 = arith.constant 3 : i32
        %rem3A_125 = arith.remsi %add3A_123, %rem3A_124 : i32
        %rem3A_126 = arith.constant 2 : i32
        %rem3A_127 = arith.remsi %add3A_123, %rem3A_126 : i32
        %dma_start3A_128 = arith.constant 0 : i32
        %dma_start3A_129 = arith.constant 0 : i32
        %dma_start3A_130 = tpu.memref_slice %arg8[%rem3A_127, %dma_start3A_128, %dma_start3A_129] : memref<2x128x128xf32, #tpu.memory_space<vmem>> -> memref<1x128x128xf32, #tpu.memory_space<vmem>>
        %dma_start3A_131 = tpu.memref_squeeze %dma_start3A_130 : memref<1x128x128xf32, #tpu.memory_space<vmem>> -> memref<128x128xf32, #tpu.memory_space<vmem>>
        %dma_start3A_132 = arith.constant 0 : i32
        %dma_start3A_133 = tpu.memref_slice %arg6[%rem3A_125, %dma_start3A_132] : memref<3x128xi32, #tpu.memory_space<vmem>> -> memref<1x128xi32, #tpu.memory_space<vmem>>
        %dma_start3A_134 = tpu.memref_squeeze %dma_start3A_133 : memref<1x128xi32, #tpu.memory_space<vmem>> -> memref<128xi32, #tpu.memory_space<vmem>>
        %dma_start3A_135 = arith.constant 0 : i32
        %dma_start3A_136 = arith.constant 0 : i32
        %dma_start3A_137 = tpu.memref_slice %arg2[%dma_start3A_135, %dma_start3A_136] : memref<10240x128xf32, #tpu.memory_space<hbm>> -> memref<10240x128xf32, #tpu.memory_space<hbm>>
        tpu.enqueue_indirect_dma source(%dma_start3A_137 : memref<10240x128xf32, #tpu.memory_space<hbm>>) target(%dma_start3A_131 : memref<128x128xf32, #tpu.memory_space<vmem>>) offsets(%dma_start3A_134 : memref<128xi32, #tpu.memory_space<vmem>>) semaphore(%arg11 : memref<!tpu.dma_semaphore, #tpu.memory_space<semaphore_mem>>)
        %add3A_138 = arith.constant 2 : i32
        %add3A_139 = arith.addi %while3A_92, %add3A_138 : i32
        %lt3A_140 = arith.cmpi slt, %add3A_139, %select_n3A : i32
        %convert_element_type3A_141 = arith.extui %lt3A_140 : i1 to i32
        %cond3A_142 = arith.constant 0 : i32
        %cond3A_143 = arith.cmpi ne, %convert_element_type3A_141, %cond3A_142 : i32
        scf.if %cond3A_143 {
          %add3A_144 = arith.constant 2 : i32
          %add3A_145 = arith.addi %while3A_92, %add3A_144 : i32
          %mul3A_146 = arith.constant 128 : i32
          %mul3A_147 = arith.muli %add3A_145, %mul3A_146 : i32
          %add3A_148 = arith.addi %mul3A_26, %mul3A_147 : i32
          %rem3A_149 = arith.constant 3 : i32
          %rem3A_150 = arith.remsi %add3A_145, %rem3A_149 : i32
          %dma_start3A_151 = arith.constant 0 : i32
          %dma_start3A_152 = tpu.memref_slice %arg6[%rem3A_150, %dma_start3A_151] : memref<3x128xi32, #tpu.memory_space<vmem>> -> memref<1x128xi32, #tpu.memory_space<vmem>>
          %dma_start3A_153 = tpu.memref_squeeze %dma_start3A_152 : memref<1x128xi32, #tpu.memory_space<vmem>> -> memref<128xi32, #tpu.memory_space<vmem>>
          %dma_start3A_154 = tpu.memref_slice %arg3[%add3A_148] : memref<327680xi32, #tpu.memory_space<hbm>> -> memref<128xi32, #tpu.memory_space<hbm>>
          %dma_start3A_155 = arith.constant 0 : i32
          %dma_start3A_156 = tpu.memref_slice %arg6[%rem3A_150, %dma_start3A_155] : memref<3x128xi32, #tpu.memory_space<vmem>> -> memref<1x128xi32, #tpu.memory_space<vmem>>
          %dma_start3A_157 = tpu.memref_squeeze %dma_start3A_156 : memref<1x128xi32, #tpu.memory_space<vmem>> -> memref<128xi32, #tpu.memory_space<vmem>>
          %dma_start3A_158 = tpu.memref_slice %arg3[%add3A_148] : memref<327680xi32, #tpu.memory_space<hbm>> -> memref<128xi32, #tpu.memory_space<hbm>>
          tpu.enqueue_dma source(%dma_start3A_158 : memref<128xi32, #tpu.memory_space<hbm>>) target(%dma_start3A_157 : memref<128xi32, #tpu.memory_space<vmem>>) target_semaphore(%arg12 : memref<!tpu.dma_semaphore, #tpu.memory_space<semaphore_mem>>)
        } else {
        }
      } else {
      }
      %rem3A_98 = arith.constant 3 : i32
      %rem3A_99 = arith.remsi %while3A_92, %rem3A_98 : i32
      %dma_wait3A_100 = arith.constant 0 : i32
      %dma_wait3A_101 = arith.constant 0 : i32
      %dma_wait3A_102 = tpu.memref_slice %arg8[%rem3A_94, %dma_wait3A_100, %dma_wait3A_101] : memref<2x128x128xf32, #tpu.memory_space<vmem>> -> memref<1x128x128xf32, #tpu.memory_space<vmem>>
      %dma_wait3A_103 = tpu.memref_squeeze %dma_wait3A_102 : memref<1x128x128xf32, #tpu.memory_space<vmem>> -> memref<128x128xf32, #tpu.memory_space<vmem>>
      %dma_wait3A_104 = arith.constant 0 : i32
      %dma_wait3A_105 = tpu.memref_slice %arg6[%rem3A_99, %dma_wait3A_104] : memref<3x128xi32, #tpu.memory_space<vmem>> -> memref<1x128xi32, #tpu.memory_space<vmem>>
      %dma_wait3A_106 = tpu.memref_squeeze %dma_wait3A_105 : memref<1x128xi32, #tpu.memory_space<vmem>> -> memref<128xi32, #tpu.memory_space<vmem>>
      %dma_wait3A_107 = arith.constant 0 : i32
      %dma_wait3A_108 = arith.constant 0 : i32
      %dma_wait3A_109 = tpu.memref_slice %arg2[%dma_wait3A_107, %dma_wait3A_108] : memref<10240x128xf32, #tpu.memory_space<hbm>> -> memref<10240x128xf32, #tpu.memory_space<hbm>>
      tpu.wait_indirect_dma semaphore(%arg11 : memref<!tpu.dma_semaphore, #tpu.memory_space<semaphore_mem>>) src(%dma_wait3A_109 : memref<10240x128xf32, #tpu.memory_space<hbm>>) dst(%dma_wait3A_103 : memref<128x128xf32, #tpu.memory_space<vmem>>)
      "tpu.region"() ({
        %run_scoped3A = tpu.sem_alloc : memref<!tpu.dma_semaphore, #tpu.memory_space<semaphore_mem>>
        %dma_start3A_110 = arith.constant 0 : i32
        %dma_start3A_111 = arith.constant 0 : i32
        %dma_start3A_112 = tpu.memref_slice %arg8[%rem3A_94, %dma_start3A_110, %dma_start3A_111] : memref<2x128x128xf32, #tpu.memory_space<vmem>> -> memref<1x128x128xf32, #tpu.memory_space<vmem>>
        %dma_start3A_113 = tpu.memref_squeeze %dma_start3A_112 : memref<1x128x128xf32, #tpu.memory_space<vmem>> -> memref<128x128xf32, #tpu.memory_space<vmem>>
        %dma_start3A_114 = arith.constant 0 : i32
        %dma_start3A_115 = tpu.memref_slice %arg7[%while3A_92, %dma_start3A_114] : memref<104x128xi32, #tpu.memory_space<vmem>> -> memref<1x128xi32, #tpu.memory_space<vmem>>
        %dma_start3A_116 = tpu.memref_squeeze %dma_start3A_115 : memref<1x128xi32, #tpu.memory_space<vmem>> -> memref<128xi32, #tpu.memory_space<vmem>>
        %dma_start3A_117 = arith.constant 0 : i32
        %dma_start3A_118 = arith.constant 0 : i32
        %dma_start3A_119 = tpu.memref_slice %arg10[%dma_start3A_117, %dma_start3A_118] : memref<10240x128xf32, #tpu.memory_space<vmem_shared>> -> memref<10240x128xf32, #tpu.memory_space<vmem_shared>>
        tpu.enqueue_indirect_dma source(%dma_start3A_113 : memref<128x128xf32, #tpu.memory_space<vmem>>) target(%dma_start3A_119 : memref<10240x128xf32, #tpu.memory_space<vmem_shared>>) offsets(%dma_start3A_116 : memref<128xi32, #tpu.memory_space<vmem>>) semaphore(%run_scoped3A : memref<!tpu.dma_semaphore, #tpu.memory_space<semaphore_mem>>) {add = true}
        %dma_wait3A_120 = arith.constant 0 : i32
        %dma_wait3A_121 = arith.constant 0 : i32
        %dma_wait3A_122 = tpu.memref_slice %arg8[%rem3A_94, %dma_wait3A_120, %dma_wait3A_121] : memref<2x128x128xf32, #tpu.memory_space<vmem>> -> memref<1x128x128xf32, #tpu.memory_space<vmem>>
        %dma_wait3A_123 = tpu.memref_squeeze %dma_wait3A_122 : memref<1x128x128xf32, #tpu.memory_space<vmem>> -> memref<128x128xf32, #tpu.memory_space<vmem>>
        %dma_wait3A_124 = arith.constant 0 : i32
        %dma_wait3A_125 = tpu.memref_slice %arg7[%while3A_92, %dma_wait3A_124] : memref<104x128xi32, #tpu.memory_space<vmem>> -> memref<1x128xi32, #tpu.memory_space<vmem>>
        %dma_wait3A_126 = tpu.memref_squeeze %dma_wait3A_125 : memref<1x128xi32, #tpu.memory_space<vmem>> -> memref<128xi32, #tpu.memory_space<vmem>>
        %dma_wait3A_127 = arith.constant 0 : i32
        %dma_wait3A_128 = arith.constant 0 : i32
        %dma_wait3A_129 = tpu.memref_slice %arg10[%dma_wait3A_127, %dma_wait3A_128] : memref<10240x128xf32, #tpu.memory_space<vmem_shared>> -> memref<10240x128xf32, #tpu.memory_space<vmem_shared>>
        tpu.wait_indirect_dma semaphore(%run_scoped3A : memref<!tpu.dma_semaphore, #tpu.memory_space<semaphore_mem>>) src(%dma_wait3A_123 : memref<128x128xf32, #tpu.memory_space<vmem>>) dst(%dma_wait3A_129 : memref<10240x128xf32, #tpu.memory_space<vmem_shared>>)
        tpu.yield
      }) : () -> ()
    }
    %barrier3A_87 = arith.constant 0 : index
    tpu.barrier barrier_id(%barrier3A_87)
    %mul3A_88 = arith.constant 640 : i32
    %mul3A_89 = arith.muli %arg1, %mul3A_88 : i32
    %mul3A_90 = arith.constant 640 : i32
    %mul3A_91 = arith.muli %arg1, %mul3A_90 : i32
    "tpu.region"() ({
      %run_scoped3A = tpu.sem_alloc : memref<!tpu.dma_semaphore, #tpu.memory_space<semaphore_mem>>
      %dma_start3A_92 = arith.constant 0 : i32
      %dma_start3A_93 = tpu.memref_slice %arg5[%arg0, %mul3A_91, %dma_start3A_92] : memref<2x10240x128xf32, #tpu.memory_space<hbm>> -> memref<1x640x128xf32, #tpu.memory_space<hbm>>
      %dma_start3A_94 = tpu.memref_squeeze %dma_start3A_93 : memref<1x640x128xf32, #tpu.memory_space<hbm>> -> memref<640x128xf32, #tpu.memory_space<hbm>>
      %dma_start3A_95 = arith.constant 0 : i32
      %dma_start3A_96 = tpu.memref_slice %arg10[%mul3A_89, %dma_start3A_95] : memref<10240x128xf32, #tpu.memory_space<vmem_shared>> -> memref<640x128xf32, #tpu.memory_space<vmem_shared>>
      tpu.enqueue_dma source(%dma_start3A_96 : memref<640x128xf32, #tpu.memory_space<vmem_shared>>) target(%dma_start3A_94 : memref<640x128xf32, #tpu.memory_space<hbm>>) target_semaphore(%run_scoped3A : memref<!tpu.dma_semaphore, #tpu.memory_space<semaphore_mem>>)
      %dma_wait3A_97 = arith.constant 0 : i32
      %dma_wait3A_98 = tpu.memref_slice %arg5[%arg0, %mul3A_91, %dma_wait3A_97] : memref<2x10240x128xf32, #tpu.memory_space<hbm>> -> memref<1x640x128xf32, #tpu.memory_space<hbm>>
      %dma_wait3A_99 = tpu.memref_squeeze %dma_wait3A_98 : memref<1x640x128xf32, #tpu.memory_space<hbm>> -> memref<640x128xf32, #tpu.memory_space<hbm>>
      %dma_wait3A_100 = arith.constant 0 : i32
      %dma_wait3A_101 = tpu.memref_slice %arg10[%mul3A_89, %dma_wait3A_100] : memref<10240x128xf32, #tpu.memory_space<vmem_shared>> -> memref<640x128xf32, #tpu.memory_space<vmem_shared>>
      tpu.wait_dma2 semaphore(%run_scoped3A : memref<!tpu.dma_semaphore, #tpu.memory_space<semaphore_mem>>) src(%dma_wait3A_101 : memref<640x128xf32, #tpu.memory_space<vmem_shared>>) dst(%dma_wait3A_99 : memref<640x128xf32, #tpu.memory_space<hbm>>)
      tpu.yield
    }) : () -> ()
    return
  }
}

#map = affine_map<(d0, d1) -> (0, 0, 0)>
module attributes {stable_mosaic.version = 14 : i64} {
  func.func @_deg_body(%arg0: i32, %arg1: i32, %arg2: memref<32x80x128xi32, #tpu.memory_space<hbm>>, %arg3: memref<2x10240x16xf32, #tpu.memory_space<hbm>>, %arg4: memref<80x128xi32, #tpu.memory_space<vmem>>, %arg5: memref<128x16xf32, #tpu.memory_space<vmem>>, %arg6: memref<64x16xf32, #tpu.memory_space<vmem>>, %arg7: memref<10240x16xf32, #tpu.memory_space<vmem_shared>>, %arg8: memref<!tpu.dma_semaphore, #tpu.memory_space<semaphore_mem>>) attributes {dimension_semantics = [#tpu.dimension_semantics<core_parallel>, #tpu.dimension_semantics<subcore_parallel>], iteration_bounds = array<i64: 2, 16>, scalar_prefetch = 0 : i64, scratch_operands = 5 : i64, tpu.core_type = #tpu.core_type<sc_vector_subcore>, window_params = [{transform_indices = #map}, {transform_indices = #map}]} {
    %mul3A = arith.constant 16 : i32
    %mul3A_0 = arith.muli %arg0, %mul3A : i32
    %add3A = arith.addi %mul3A_0, %arg1 : i32
    %dma_start3A = arith.constant 0 : i32
    %dma_start3A_1 = arith.constant 0 : i32
    %dma_start3A_2 = tpu.memref_slice %arg2[%add3A, %dma_start3A, %dma_start3A_1] : memref<32x80x128xi32, #tpu.memory_space<hbm>> -> memref<1x80x128xi32, #tpu.memory_space<hbm>>
    %dma_start3A_3 = tpu.memref_squeeze %dma_start3A_2 : memref<1x80x128xi32, #tpu.memory_space<hbm>> -> memref<80x128xi32, #tpu.memory_space<hbm>>
    %dma_start3A_4 = arith.constant 0 : i32
    %dma_start3A_5 = arith.constant 0 : i32
    %dma_start3A_6 = tpu.memref_slice %arg2[%add3A, %dma_start3A_4, %dma_start3A_5] : memref<32x80x128xi32, #tpu.memory_space<hbm>> -> memref<1x80x128xi32, #tpu.memory_space<hbm>>
    %dma_start3A_7 = tpu.memref_squeeze %dma_start3A_6 : memref<1x80x128xi32, #tpu.memory_space<hbm>> -> memref<80x128xi32, #tpu.memory_space<hbm>>
    tpu.enqueue_dma source(%dma_start3A_7 : memref<80x128xi32, #tpu.memory_space<hbm>>) target(%arg4 : memref<80x128xi32, #tpu.memory_space<vmem>>) target_semaphore(%arg8 : memref<!tpu.dma_semaphore, #tpu.memory_space<semaphore_mem>>)
    %broadcast_in_dim3A = arith.constant 1.000000e+00 : f32
    %broadcast_in_dim3A_8 = vector.broadcast %broadcast_in_dim3A : f32 to vector<16xf32>
    %broadcast_in_dim3A_9 = arith.constant 0.000000e+00 : f32
    %broadcast_in_dim3A_10 = vector.broadcast %broadcast_in_dim3A_9 : f32 to vector<16xf32>
    %scan3A = arith.constant 0 : i32
    %scan3A_11 = arith.constant 128 : i32
    %scan3A_12 = arith.addi %scan3A, %scan3A_11 : i32
    %scan3A_13 = arith.constant 8 : i32
    scf.for %scan3A_37 = %scan3A to %scan3A_12 step %scan3A_13  : i32 {
      %swap3A = arith.index_cast %scan3A_37 : i32 to index
      %swap3A_38 = arith.constant 0 : index
      %swap3A_39 = tpu.vector_load %arg5[%swap3A, %swap3A_38] {strides = array<i32>} : memref<128x16xf32, #tpu.memory_space<vmem>>, vector<1x16xf32>,
      %swap3A_40 = vector.shape_cast %swap3A_39 : vector<1x16xf32> to vector<16xf32>
      %swap3A_41 = vector.shape_cast %broadcast_in_dim3A_8 : vector<16xf32> to vector<1x16xf32>
      tpu.vector_store %arg5[%swap3A, %swap3A_38], %swap3A_41 {strides = array<i32>} : memref<128x16xf32, #tpu.memory_space<vmem>>, vector<1x16xf32>,
      %jit3A = arith.constant 64 : i32
      %eq3A = arith.constant 0 : i32
      %eq3A_42 = arith.cmpi eq, %jit3A, %eq3A : i32
      %jit3A_43 = arith.constant 1 : i32
      %select_n3A = arith.select %eq3A_42, %jit3A_43, %jit3A : i32
      %rem3A = arith.remsi %scan3A_37, %select_n3A : i32
      %ne3A = arith.constant 0 : i32
      %ne3A_44 = arith.cmpi ne, %rem3A, %ne3A : i32
      %lt3A = arith.constant 0 : i32
      %lt3A_45 = arith.cmpi slt, %rem3A, %lt3A : i32
      %lt3A_46 = arith.constant 0 : i32
      %lt3A_47 = arith.cmpi slt, %select_n3A, %lt3A_46 : i32
      %ne3A_48 = arith.xori %lt3A_45, %lt3A_47 : i1
      %and3A = arith.andi %ne3A_48, %ne3A_44 : i1
      %add3A_49 = arith.addi %rem3A, %select_n3A : i32
      %select_n3A_50 = arith.select %and3A, %add3A_49, %rem3A : i32
      %swap3A_51 = arith.index_cast %select_n3A_50 : i32 to index
      %swap3A_52 = arith.constant 0 : index
      %swap3A_53 = tpu.vector_load %arg6[%swap3A_51, %swap3A_52] {strides = array<i32>} : memref<64x16xf32, #tpu.memory_space<vmem>>, vector<1x16xf32>,
      %swap3A_54 = vector.shape_cast %swap3A_53 : vector<1x16xf32> to vector<16xf32>
      %swap3A_55 = vector.shape_cast %broadcast_in_dim3A_10 : vector<16xf32> to vector<1x16xf32>
      tpu.vector_store %arg6[%swap3A_51, %swap3A_52], %swap3A_55 {strides = array<i32>} : memref<64x16xf32, #tpu.memory_space<vmem>>, vector<1x16xf32>,
      %scan3A_56 = arith.constant 1 : i32
      %scan3A_57 = arith.addi %scan3A_37, %scan3A_56 : i32
      %swap3A_58 = arith.index_cast %scan3A_57 : i32 to index
      %swap3A_59 = arith.constant 0 : index
      %swap3A_60 = tpu.vector_load %arg5[%swap3A_58, %swap3A_59] {strides = array<i32>} : memref<128x16xf32, #tpu.memory_space<vmem>>, vector<1x16xf32>,
      %swap3A_61 = vector.shape_cast %swap3A_60 : vector<1x16xf32> to vector<16xf32>
      %swap3A_62 = vector.shape_cast %broadcast_in_dim3A_8 : vector<16xf32> to vector<1x16xf32>
      tpu.vector_store %arg5[%swap3A_58, %swap3A_59], %swap3A_62 {strides = array<i32>} : memref<128x16xf32, #tpu.memory_space<vmem>>, vector<1x16xf32>,
      %jit3A_63 = arith.constant 64 : i32
      %eq3A_64 = arith.constant 0 : i32
      %eq3A_65 = arith.cmpi eq, %jit3A_63, %eq3A_64 : i32
      %jit3A_66 = arith.constant 1 : i32
      %select_n3A_67 = arith.select %eq3A_65, %jit3A_66, %jit3A_63 : i32
      %rem3A_68 = arith.remsi %scan3A_57, %select_n3A_67 : i32
      %ne3A_69 = arith.constant 0 : i32
      %ne3A_70 = arith.cmpi ne, %rem3A_68, %ne3A_69 : i32
      %lt3A_71 = arith.constant 0 : i32
      %lt3A_72 = arith.cmpi slt, %rem3A_68, %lt3A_71 : i32
      %lt3A_73 = arith.constant 0 : i32
      %lt3A_74 = arith.cmpi slt, %select_n3A_67, %lt3A_73 : i32
      %ne3A_75 = arith.xori %lt3A_72, %lt3A_74 : i1
      %and3A_76 = arith.andi %ne3A_75, %ne3A_70 : i1
      %add3A_77 = arith.addi %rem3A_68, %select_n3A_67 : i32
      %select_n3A_78 = arith.select %and3A_76, %add3A_77, %rem3A_68 : i32
      %swap3A_79 = arith.index_cast %select_n3A_78 : i32 to index
      %swap3A_80 = arith.constant 0 : index
      %swap3A_81 = tpu.vector_load %arg6[%swap3A_79, %swap3A_80] {strides = array<i32>} : memref<64x16xf32, #tpu.memory_space<vmem>>, vector<1x16xf32>,
      %swap3A_82 = vector.shape_cast %swap3A_81 : vector<1x16xf32> to vector<16xf32>
      %swap3A_83 = vector.shape_cast %broadcast_in_dim3A_10 : vector<16xf32> to vector<1x16xf32>
      tpu.vector_store %arg6[%swap3A_79, %swap3A_80], %swap3A_83 {strides = array<i32>} : memref<64x16xf32, #tpu.memory_space<vmem>>, vector<1x16xf32>,
      %scan3A_84 = arith.constant 2 : i32
      %scan3A_85 = arith.addi %scan3A_37, %scan3A_84 : i32
      %swap3A_86 = arith.index_cast %scan3A_85 : i32 to index
      %swap3A_87 = arith.constant 0 : index
      %swap3A_88 = tpu.vector_load %arg5[%swap3A_86, %swap3A_87] {strides = array<i32>} : memref<128x16xf32, #tpu.memory_space<vmem>>, vector<1x16xf32>,
      %swap3A_89 = vector.shape_cast %swap3A_88 : vector<1x16xf32> to vector<16xf32>
      %swap3A_90 = vector.shape_cast %broadcast_in_dim3A_8 : vector<16xf32> to vector<1x16xf32>
      tpu.vector_store %arg5[%swap3A_86, %swap3A_87], %swap3A_90 {strides = array<i32>} : memref<128x16xf32, #tpu.memory_space<vmem>>, vector<1x16xf32>,
      %jit3A_91 = arith.constant 64 : i32
      %eq3A_92 = arith.constant 0 : i32
      %eq3A_93 = arith.cmpi eq, %jit3A_91, %eq3A_92 : i32
      %jit3A_94 = arith.constant 1 : i32
      %select_n3A_95 = arith.select %eq3A_93, %jit3A_94, %jit3A_91 : i32
      %rem3A_96 = arith.remsi %scan3A_85, %select_n3A_95 : i32
      %ne3A_97 = arith.constant 0 : i32
      %ne3A_98 = arith.cmpi ne, %rem3A_96, %ne3A_97 : i32
      %lt3A_99 = arith.constant 0 : i32
      %lt3A_100 = arith.cmpi slt, %rem3A_96, %lt3A_99 : i32
      %lt3A_101 = arith.constant 0 : i32
      %lt3A_102 = arith.cmpi slt, %select_n3A_95, %lt3A_101 : i32
      %ne3A_103 = arith.xori %lt3A_100, %lt3A_102 : i1
      %and3A_104 = arith.andi %ne3A_103, %ne3A_98 : i1
      %add3A_105 = arith.addi %rem3A_96, %select_n3A_95 : i32
      %select_n3A_106 = arith.select %and3A_104, %add3A_105, %rem3A_96 : i32
      %swap3A_107 = arith.index_cast %select_n3A_106 : i32 to index
      %swap3A_108 = arith.constant 0 : index
      %swap3A_109 = tpu.vector_load %arg6[%swap3A_107, %swap3A_108] {strides = array<i32>} : memref<64x16xf32, #tpu.memory_space<vmem>>, vector<1x16xf32>,
      %swap3A_110 = vector.shape_cast %swap3A_109 : vector<1x16xf32> to vector<16xf32>
      %swap3A_111 = vector.shape_cast %broadcast_in_dim3A_10 : vector<16xf32> to vector<1x16xf32>
      tpu.vector_store %arg6[%swap3A_107, %swap3A_108], %swap3A_111 {strides = array<i32>} : memref<64x16xf32, #tpu.memory_space<vmem>>, vector<1x16xf32>,
      %scan3A_112 = arith.constant 3 : i32
      %scan3A_113 = arith.addi %scan3A_37, %scan3A_112 : i32
      %swap3A_114 = arith.index_cast %scan3A_113 : i32 to index
      %swap3A_115 = arith.constant 0 : index
      %swap3A_116 = tpu.vector_load %arg5[%swap3A_114, %swap3A_115] {strides = array<i32>} : memref<128x16xf32, #tpu.memory_space<vmem>>, vector<1x16xf32>,
      %swap3A_117 = vector.shape_cast %swap3A_116 : vector<1x16xf32> to vector<16xf32>
      %swap3A_118 = vector.shape_cast %broadcast_in_dim3A_8 : vector<16xf32> to vector<1x16xf32>
      tpu.vector_store %arg5[%swap3A_114, %swap3A_115], %swap3A_118 {strides = array<i32>} : memref<128x16xf32, #tpu.memory_space<vmem>>, vector<1x16xf32>,
      %jit3A_119 = arith.constant 64 : i32
      %eq3A_120 = arith.constant 0 : i32
      %eq3A_121 = arith.cmpi eq, %jit3A_119, %eq3A_120 : i32
      %jit3A_122 = arith.constant 1 : i32
      %select_n3A_123 = arith.select %eq3A_121, %jit3A_122, %jit3A_119 : i32
      %rem3A_124 = arith.remsi %scan3A_113, %select_n3A_123 : i32
      %ne3A_125 = arith.constant 0 : i32
      %ne3A_126 = arith.cmpi ne, %rem3A_124, %ne3A_125 : i32
      %lt3A_127 = arith.constant 0 : i32
      %lt3A_128 = arith.cmpi slt, %rem3A_124, %lt3A_127 : i32
      %lt3A_129 = arith.constant 0 : i32
      %lt3A_130 = arith.cmpi slt, %select_n3A_123, %lt3A_129 : i32
      %ne3A_131 = arith.xori %lt3A_128, %lt3A_130 : i1
      %and3A_132 = arith.andi %ne3A_131, %ne3A_126 : i1
      %add3A_133 = arith.addi %rem3A_124, %select_n3A_123 : i32
      %select_n3A_134 = arith.select %and3A_132, %add3A_133, %rem3A_124 : i32
      %swap3A_135 = arith.index_cast %select_n3A_134 : i32 to index
      %swap3A_136 = arith.constant 0 : index
      %swap3A_137 = tpu.vector_load %arg6[%swap3A_135, %swap3A_136] {strides = array<i32>} : memref<64x16xf32, #tpu.memory_space<vmem>>, vector<1x16xf32>,
      %swap3A_138 = vector.shape_cast %swap3A_137 : vector<1x16xf32> to vector<16xf32>
      %swap3A_139 = vector.shape_cast %broadcast_in_dim3A_10 : vector<16xf32> to vector<1x16xf32>
      tpu.vector_store %arg6[%swap3A_135, %swap3A_136], %swap3A_139 {strides = array<i32>} : memref<64x16xf32, #tpu.memory_space<vmem>>, vector<1x16xf32>,
      %scan3A_140 = arith.constant 4 : i32
      %scan3A_141 = arith.addi %scan3A_37, %scan3A_140 : i32
      %swap3A_142 = arith.index_cast %scan3A_141 : i32 to index
      %swap3A_143 = arith.constant 0 : index
      %swap3A_144 = tpu.vector_load %arg5[%swap3A_142, %swap3A_143] {strides = array<i32>} : memref<128x16xf32, #tpu.memory_space<vmem>>, vector<1x16xf32>,
      %swap3A_145 = vector.shape_cast %swap3A_144 : vector<1x16xf32> to vector<16xf32>
      %swap3A_146 = vector.shape_cast %broadcast_in_dim3A_8 : vector<16xf32> to vector<1x16xf32>
      tpu.vector_store %arg5[%swap3A_142, %swap3A_143], %swap3A_146 {strides = array<i32>} : memref<128x16xf32, #tpu.memory_space<vmem>>, vector<1x16xf32>,
      %jit3A_147 = arith.constant 64 : i32
      %eq3A_148 = arith.constant 0 : i32
      %eq3A_149 = arith.cmpi eq, %jit3A_147, %eq3A_148 : i32
      %jit3A_150 = arith.constant 1 : i32
      %select_n3A_151 = arith.select %eq3A_149, %jit3A_150, %jit3A_147 : i32
      %rem3A_152 = arith.remsi %scan3A_141, %select_n3A_151 : i32
      %ne3A_153 = arith.constant 0 : i32
      %ne3A_154 = arith.cmpi ne, %rem3A_152, %ne3A_153 : i32
      %lt3A_155 = arith.constant 0 : i32
      %lt3A_156 = arith.cmpi slt, %rem3A_152, %lt3A_155 : i32
      %lt3A_157 = arith.constant 0 : i32
      %lt3A_158 = arith.cmpi slt, %select_n3A_151, %lt3A_157 : i32
      %ne3A_159 = arith.xori %lt3A_156, %lt3A_158 : i1
      %and3A_160 = arith.andi %ne3A_159, %ne3A_154 : i1
      %add3A_161 = arith.addi %rem3A_152, %select_n3A_151 : i32
      %select_n3A_162 = arith.select %and3A_160, %add3A_161, %rem3A_152 : i32
      %swap3A_163 = arith.index_cast %select_n3A_162 : i32 to index
      %swap3A_164 = arith.constant 0 : index
      %swap3A_165 = tpu.vector_load %arg6[%swap3A_163, %swap3A_164] {strides = array<i32>} : memref<64x16xf32, #tpu.memory_space<vmem>>, vector<1x16xf32>,
      %swap3A_166 = vector.shape_cast %swap3A_165 : vector<1x16xf32> to vector<16xf32>
      %swap3A_167 = vector.shape_cast %broadcast_in_dim3A_10 : vector<16xf32> to vector<1x16xf32>
      tpu.vector_store %arg6[%swap3A_163, %swap3A_164], %swap3A_167 {strides = array<i32>} : memref<64x16xf32, #tpu.memory_space<vmem>>, vector<1x16xf32>,
      %scan3A_168 = arith.constant 5 : i32
      %scan3A_169 = arith.addi %scan3A_37, %scan3A_168 : i32
      %swap3A_170 = arith.index_cast %scan3A_169 : i32 to index
      %swap3A_171 = arith.constant 0 : index
      %swap3A_172 = tpu.vector_load %arg5[%swap3A_170, %swap3A_171] {strides = array<i32>} : memref<128x16xf32, #tpu.memory_space<vmem>>, vector<1x16xf32>,
      %swap3A_173 = vector.shape_cast %swap3A_172 : vector<1x16xf32> to vector<16xf32>
      %swap3A_174 = vector.shape_cast %broadcast_in_dim3A_8 : vector<16xf32> to vector<1x16xf32>
      tpu.vector_store %arg5[%swap3A_170, %swap3A_171], %swap3A_174 {strides = array<i32>} : memref<128x16xf32, #tpu.memory_space<vmem>>, vector<1x16xf32>,
      %jit3A_175 = arith.constant 64 : i32
      %eq3A_176 = arith.constant 0 : i32
      %eq3A_177 = arith.cmpi eq, %jit3A_175, %eq3A_176 : i32
      %jit3A_178 = arith.constant 1 : i32
      %select_n3A_179 = arith.select %eq3A_177, %jit3A_178, %jit3A_175 : i32
      %rem3A_180 = arith.remsi %scan3A_169, %select_n3A_179 : i32
      %ne3A_181 = arith.constant 0 : i32
      %ne3A_182 = arith.cmpi ne, %rem3A_180, %ne3A_181 : i32
      %lt3A_183 = arith.constant 0 : i32
      %lt3A_184 = arith.cmpi slt, %rem3A_180, %lt3A_183 : i32
      %lt3A_185 = arith.constant 0 : i32
      %lt3A_186 = arith.cmpi slt, %select_n3A_179, %lt3A_185 : i32
      %ne3A_187 = arith.xori %lt3A_184, %lt3A_186 : i1
      %and3A_188 = arith.andi %ne3A_187, %ne3A_182 : i1
      %add3A_189 = arith.addi %rem3A_180, %select_n3A_179 : i32
      %select_n3A_190 = arith.select %and3A_188, %add3A_189, %rem3A_180 : i32
      %swap3A_191 = arith.index_cast %select_n3A_190 : i32 to index
      %swap3A_192 = arith.constant 0 : index
      %swap3A_193 = tpu.vector_load %arg6[%swap3A_191, %swap3A_192] {strides = array<i32>} : memref<64x16xf32, #tpu.memory_space<vmem>>, vector<1x16xf32>,
      %swap3A_194 = vector.shape_cast %swap3A_193 : vector<1x16xf32> to vector<16xf32>
      %swap3A_195 = vector.shape_cast %broadcast_in_dim3A_10 : vector<16xf32> to vector<1x16xf32>
      tpu.vector_store %arg6[%swap3A_191, %swap3A_192], %swap3A_195 {strides = array<i32>} : memref<64x16xf32, #tpu.memory_space<vmem>>, vector<1x16xf32>,
      %scan3A_196 = arith.constant 6 : i32
      %scan3A_197 = arith.addi %scan3A_37, %scan3A_196 : i32
      %swap3A_198 = arith.index_cast %scan3A_197 : i32 to index
      %swap3A_199 = arith.constant 0 : index
      %swap3A_200 = tpu.vector_load %arg5[%swap3A_198, %swap3A_199] {strides = array<i32>} : memref<128x16xf32, #tpu.memory_space<vmem>>, vector<1x16xf32>,
      %swap3A_201 = vector.shape_cast %swap3A_200 : vector<1x16xf32> to vector<16xf32>
      %swap3A_202 = vector.shape_cast %broadcast_in_dim3A_8 : vector<16xf32> to vector<1x16xf32>
      tpu.vector_store %arg5[%swap3A_198, %swap3A_199], %swap3A_202 {strides = array<i32>} : memref<128x16xf32, #tpu.memory_space<vmem>>, vector<1x16xf32>,
      %jit3A_203 = arith.constant 64 : i32
      %eq3A_204 = arith.constant 0 : i32
      %eq3A_205 = arith.cmpi eq, %jit3A_203, %eq3A_204 : i32
      %jit3A_206 = arith.constant 1 : i32
      %select_n3A_207 = arith.select %eq3A_205, %jit3A_206, %jit3A_203 : i32
      %rem3A_208 = arith.remsi %scan3A_197, %select_n3A_207 : i32
      %ne3A_209 = arith.constant 0 : i32
      %ne3A_210 = arith.cmpi ne, %rem3A_208, %ne3A_209 : i32
      %lt3A_211 = arith.constant 0 : i32
      %lt3A_212 = arith.cmpi slt, %rem3A_208, %lt3A_211 : i32
      %lt3A_213 = arith.constant 0 : i32
      %lt3A_214 = arith.cmpi slt, %select_n3A_207, %lt3A_213 : i32
      %ne3A_215 = arith.xori %lt3A_212, %lt3A_214 : i1
      %and3A_216 = arith.andi %ne3A_215, %ne3A_210 : i1
      %add3A_217 = arith.addi %rem3A_208, %select_n3A_207 : i32
      %select_n3A_218 = arith.select %and3A_216, %add3A_217, %rem3A_208 : i32
      %swap3A_219 = arith.index_cast %select_n3A_218 : i32 to index
      %swap3A_220 = arith.constant 0 : index
      %swap3A_221 = tpu.vector_load %arg6[%swap3A_219, %swap3A_220] {strides = array<i32>} : memref<64x16xf32, #tpu.memory_space<vmem>>, vector<1x16xf32>,
      %swap3A_222 = vector.shape_cast %swap3A_221 : vector<1x16xf32> to vector<16xf32>
      %swap3A_223 = vector.shape_cast %broadcast_in_dim3A_10 : vector<16xf32> to vector<1x16xf32>
      tpu.vector_store %arg6[%swap3A_219, %swap3A_220], %swap3A_223 {strides = array<i32>} : memref<64x16xf32, #tpu.memory_space<vmem>>, vector<1x16xf32>,
      %scan3A_224 = arith.constant 7 : i32
      %scan3A_225 = arith.addi %scan3A_37, %scan3A_224 : i32
      %swap3A_226 = arith.index_cast %scan3A_225 : i32 to index
      %swap3A_227 = arith.constant 0 : index
      %swap3A_228 = tpu.vector_load %arg5[%swap3A_226, %swap3A_227] {strides = array<i32>} : memref<128x16xf32, #tpu.memory_space<vmem>>, vector<1x16xf32>,
      %swap3A_229 = vector.shape_cast %swap3A_228 : vector<1x16xf32> to vector<16xf32>
      %swap3A_230 = vector.shape_cast %broadcast_in_dim3A_8 : vector<16xf32> to vector<1x16xf32>
      tpu.vector_store %arg5[%swap3A_226, %swap3A_227], %swap3A_230 {strides = array<i32>} : memref<128x16xf32, #tpu.memory_space<vmem>>, vector<1x16xf32>,
      %jit3A_231 = arith.constant 64 : i32
      %eq3A_232 = arith.constant 0 : i32
      %eq3A_233 = arith.cmpi eq, %jit3A_231, %eq3A_232 : i32
      %jit3A_234 = arith.constant 1 : i32
      %select_n3A_235 = arith.select %eq3A_233, %jit3A_234, %jit3A_231 : i32
      %rem3A_236 = arith.remsi %scan3A_225, %select_n3A_235 : i32
      %ne3A_237 = arith.constant 0 : i32
      %ne3A_238 = arith.cmpi ne, %rem3A_236, %ne3A_237 : i32
      %lt3A_239 = arith.constant 0 : i32
      %lt3A_240 = arith.cmpi slt, %rem3A_236, %lt3A_239 : i32
      %lt3A_241 = arith.constant 0 : i32
      %lt3A_242 = arith.cmpi slt, %select_n3A_235, %lt3A_241 : i32
      %ne3A_243 = arith.xori %lt3A_240, %lt3A_242 : i1
      %and3A_244 = arith.andi %ne3A_243, %ne3A_238 : i1
      %add3A_245 = arith.addi %rem3A_236, %select_n3A_235 : i32
      %select_n3A_246 = arith.select %and3A_244, %add3A_245, %rem3A_236 : i32
      %swap3A_247 = arith.index_cast %select_n3A_246 : i32 to index
      %swap3A_248 = arith.constant 0 : index
      %swap3A_249 = tpu.vector_load %arg6[%swap3A_247, %swap3A_248] {strides = array<i32>} : memref<64x16xf32, #tpu.memory_space<vmem>>, vector<1x16xf32>,
      %swap3A_250 = vector.shape_cast %swap3A_249 : vector<1x16xf32> to vector<16xf32>
      %swap3A_251 = vector.shape_cast %broadcast_in_dim3A_10 : vector<16xf32> to vector<1x16xf32>
      tpu.vector_store %arg6[%swap3A_247, %swap3A_248], %swap3A_251 {strides = array<i32>} : memref<64x16xf32, #tpu.memory_space<vmem>>, vector<1x16xf32>,
    }
    %scan3A_14 = arith.constant 128 : i32
    %scan3A_15 = arith.constant 0 : i32
    %scan3A_16 = arith.constant 10 : i32
    %scan3A_17 = arith.addi %scan3A_15, %scan3A_16 : i32
    %scan3A_18 = arith.constant 1 : i32
    scf.for %scan3A_37 = %scan3A_15 to %scan3A_17 step %scan3A_18  : i32 {
      %mul3A_38 = arith.constant 640 : i32
      %mul3A_39 = arith.muli %arg1, %mul3A_38 : i32
      %mul3A_40 = arith.constant 64 : i32
      %mul3A_41 = arith.muli %scan3A_37, %mul3A_40 : i32
      %add3A_42 = arith.addi %mul3A_39, %mul3A_41 : i32
      "tpu.region"() ({
        %run_scoped3A = tpu.sem_alloc : memref<!tpu.dma_semaphore, #tpu.memory_space<semaphore_mem>>
        %dma_start3A_43 = arith.constant 0 : i32
        %dma_start3A_44 = tpu.memref_slice %arg7[%add3A_42, %dma_start3A_43] : memref<10240x16xf32, #tpu.memory_space<vmem_shared>> -> memref<64x16xf32, #tpu.memory_space<vmem_shared>>
        %dma_start3A_45 = arith.constant 0 : i32
        %dma_start3A_46 = tpu.memref_slice %arg7[%add3A_42, %dma_start3A_45] : memref<10240x16xf32, #tpu.memory_space<vmem_shared>> -> memref<64x16xf32, #tpu.memory_space<vmem_shared>>
        tpu.enqueue_dma source(%arg6 : memref<64x16xf32, #tpu.memory_space<vmem>>) target(%dma_start3A_46 : memref<64x16xf32, #tpu.memory_space<vmem_shared>>) target_semaphore(%run_scoped3A : memref<!tpu.dma_semaphore, #tpu.memory_space<semaphore_mem>>)
        %dma_wait3A_47 = arith.constant 0 : i32
        %dma_wait3A_48 = tpu.memref_slice %arg7[%add3A_42, %dma_wait3A_47] : memref<10240x16xf32, #tpu.memory_space<vmem_shared>> -> memref<64x16xf32, #tpu.memory_space<vmem_shared>>
        %dma_wait3A_49 = arith.constant 0 : i32
        %dma_wait3A_50 = tpu.memref_slice %arg7[%add3A_42, %dma_wait3A_49] : memref<10240x16xf32, #tpu.memory_space<vmem_shared>> -> memref<64x16xf32, #tpu.memory_space<vmem_shared>>
        tpu.wait_dma2 semaphore(%run_scoped3A : memref<!tpu.dma_semaphore, #tpu.memory_space<semaphore_mem>>) src(%arg6 : memref<64x16xf32, #tpu.memory_space<vmem>>) dst(%dma_wait3A_50 : memref<64x16xf32, #tpu.memory_space<vmem_shared>>)
        tpu.yield
      }) : () -> ()
    }
    %scan3A_19 = arith.constant 10 : i32
    %dma_wait3A = arith.constant 0 : i32
    %dma_wait3A_20 = arith.constant 0 : i32
    %dma_wait3A_21 = tpu.memref_slice %arg2[%add3A, %dma_wait3A, %dma_wait3A_20] : memref<32x80x128xi32, #tpu.memory_space<hbm>> -> memref<1x80x128xi32, #tpu.memory_space<hbm>>
    %dma_wait3A_22 = tpu.memref_squeeze %dma_wait3A_21 : memref<1x80x128xi32, #tpu.memory_space<hbm>> -> memref<80x128xi32, #tpu.memory_space<hbm>>
    %dma_wait3A_23 = arith.constant 0 : i32
    %dma_wait3A_24 = arith.constant 0 : i32
    %dma_wait3A_25 = tpu.memref_slice %arg2[%add3A, %dma_wait3A_23, %dma_wait3A_24] : memref<32x80x128xi32, #tpu.memory_space<hbm>> -> memref<1x80x128xi32, #tpu.memory_space<hbm>>
    %dma_wait3A_26 = tpu.memref_squeeze %dma_wait3A_25 : memref<1x80x128xi32, #tpu.memory_space<hbm>> -> memref<80x128xi32, #tpu.memory_space<hbm>>
    tpu.wait_dma2 semaphore(%arg8 : memref<!tpu.dma_semaphore, #tpu.memory_space<semaphore_mem>>) src(%dma_wait3A_26 : memref<80x128xi32, #tpu.memory_space<hbm>>) dst(%arg4 : memref<80x128xi32, #tpu.memory_space<vmem>>)
    %barrier3A = arith.constant 0 : index
    tpu.barrier barrier_id(%barrier3A)
    %scan3A_27 = arith.constant 0 : i32
    %scan3A_28 = arith.constant 80 : i32
    %scan3A_29 = arith.addi %scan3A_27, %scan3A_28 : i32
    %scan3A_30 = arith.constant 1 : i32
    scf.for %scan3A_37 = %scan3A_27 to %scan3A_29 step %scan3A_30  : i32 {
      "tpu.region"() ({
        %run_scoped3A = tpu.sem_alloc : memref<!tpu.dma_semaphore, #tpu.memory_space<semaphore_mem>>
        %dma_start3A_38 = arith.constant 0 : i32
        %dma_start3A_39 = tpu.memref_slice %arg4[%scan3A_37, %dma_start3A_38] : memref<80x128xi32, #tpu.memory_space<vmem>> -> memref<1x128xi32, #tpu.memory_space<vmem>>
        %dma_start3A_40 = tpu.memref_squeeze %dma_start3A_39 : memref<1x128xi32, #tpu.memory_space<vmem>> -> memref<128xi32, #tpu.memory_space<vmem>>
        %dma_start3A_41 = arith.constant 0 : i32
        %dma_start3A_42 = arith.constant 0 : i32
        %dma_start3A_43 = tpu.memref_slice %arg7[%dma_start3A_41, %dma_start3A_42] : memref<10240x16xf32, #tpu.memory_space<vmem_shared>> -> memref<10240x16xf32, #tpu.memory_space<vmem_shared>>
        tpu.enqueue_indirect_dma source(%arg5 : memref<128x16xf32, #tpu.memory_space<vmem>>) target(%dma_start3A_43 : memref<10240x16xf32, #tpu.memory_space<vmem_shared>>) offsets(%dma_start3A_40 : memref<128xi32, #tpu.memory_space<vmem>>) semaphore(%run_scoped3A : memref<!tpu.dma_semaphore, #tpu.memory_space<semaphore_mem>>) {add = true}
        %dma_wait3A_44 = arith.constant 0 : i32
        %dma_wait3A_45 = tpu.memref_slice %arg4[%scan3A_37, %dma_wait3A_44] : memref<80x128xi32, #tpu.memory_space<vmem>> -> memref<1x128xi32, #tpu.memory_space<vmem>>
        %dma_wait3A_46 = tpu.memref_squeeze %dma_wait3A_45 : memref<1x128xi32, #tpu.memory_space<vmem>> -> memref<128xi32, #tpu.memory_space<vmem>>
        %dma_wait3A_47 = arith.constant 0 : i32
        %dma_wait3A_48 = arith.constant 0 : i32
        %dma_wait3A_49 = tpu.memref_slice %arg7[%dma_wait3A_47, %dma_wait3A_48] : memref<10240x16xf32, #tpu.memory_space<vmem_shared>> -> memref<10240x16xf32, #tpu.memory_space<vmem_shared>>
        tpu.wait_indirect_dma semaphore(%run_scoped3A : memref<!tpu.dma_semaphore, #tpu.memory_space<semaphore_mem>>) src(%arg5 : memref<128x16xf32, #tpu.memory_space<vmem>>) dst(%dma_wait3A_49 : memref<10240x16xf32, #tpu.memory_space<vmem_shared>>)
        tpu.yield
      }) : () -> ()
    }
    %scan3A_31 = arith.constant 80 : i32
    %barrier3A_32 = arith.constant 0 : index
    tpu.barrier barrier_id(%barrier3A_32)
    %mul3A_33 = arith.constant 640 : i32
    %mul3A_34 = arith.muli %arg1, %mul3A_33 : i32
    %mul3A_35 = arith.constant 640 : i32
    %mul3A_36 = arith.muli %arg1, %mul3A_35 : i32
    "tpu.region"() ({
      %run_scoped3A = tpu.sem_alloc : memref<!tpu.dma_semaphore, #tpu.memory_space<semaphore_mem>>
      %dma_start3A_37 = arith.constant 0 : i32
      %dma_start3A_38 = tpu.memref_slice %arg3[%arg0, %mul3A_36, %dma_start3A_37] : memref<2x10240x16xf32, #tpu.memory_space<hbm>> -> memref<1x640x16xf32, #tpu.memory_space<hbm>>
      %dma_start3A_39 = tpu.memref_squeeze %dma_start3A_38 : memref<1x640x16xf32, #tpu.memory_space<hbm>> -> memref<640x16xf32, #tpu.memory_space<hbm>>
      %dma_start3A_40 = arith.constant 0 : i32
      %dma_start3A_41 = tpu.memref_slice %arg7[%mul3A_34, %dma_start3A_40] : memref<10240x16xf32, #tpu.memory_space<vmem_shared>> -> memref<640x16xf32, #tpu.memory_space<vmem_shared>>
      tpu.enqueue_dma source(%dma_start3A_41 : memref<640x16xf32, #tpu.memory_space<vmem_shared>>) target(%dma_start3A_39 : memref<640x16xf32, #tpu.memory_space<hbm>>) target_semaphore(%run_scoped3A : memref<!tpu.dma_semaphore, #tpu.memory_space<semaphore_mem>>)
      %dma_wait3A_42 = arith.constant 0 : i32
      %dma_wait3A_43 = tpu.memref_slice %arg3[%arg0, %mul3A_36, %dma_wait3A_42] : memref<2x10240x16xf32, #tpu.memory_space<hbm>> -> memref<1x640x16xf32, #tpu.memory_space<hbm>>
      %dma_wait3A_44 = tpu.memref_squeeze %dma_wait3A_43 : memref<1x640x16xf32, #tpu.memory_space<hbm>> -> memref<640x16xf32, #tpu.memory_space<hbm>>
      %dma_wait3A_45 = arith.constant 0 : i32
      %dma_wait3A_46 = tpu.memref_slice %arg7[%mul3A_34, %dma_wait3A_45] : memref<10240x16xf32, #tpu.memory_space<vmem_shared>> -> memref<640x16xf32, #tpu.memory_space<vmem_shared>>
      tpu.wait_dma2 semaphore(%run_scoped3A : memref<!tpu.dma_semaphore, #tpu.memory_space<semaphore_mem>>) src(%dma_wait3A_46 : memref<640x16xf32, #tpu.memory_space<vmem_shared>>) dst(%dma_wait3A_44 : memref<640x16xf32, #tpu.memory_space<hbm>>)
      tpu.yield
    }) : () -> ()
    return
  }
}

#map = affine_map<(d0, d1) -> (0, 0)>
#map1 = affine_map<(d0, d1) -> (0)>
module attributes {stable_mosaic.version = 14 : i64} {
  func.func @_mn_body(%arg0: i32, %arg1: i32, %arg2: memref<10240x128xf32, #tpu.memory_space<hbm>>, %arg3: memref<102400xi32, #tpu.memory_space<hbm>>, %arg4: memref<102400xi32, #tpu.memory_space<hbm>>, %arg5: memref<102400x128xf32, #tpu.memory_space<hbm>>, %arg6: memref<3200xi32, #tpu.memory_space<vmem>>, %arg7: memref<3200xi32, #tpu.memory_space<vmem>>, %arg8: memref<2x64x128xf32, #tpu.memory_space<vmem>>, %arg9: memref<2x64x128xf32, #tpu.memory_space<vmem>>, %arg10: memref<10240x128xf32, #tpu.memory_space<vmem_shared>>, %arg11: memref<!tpu.dma_semaphore, #tpu.memory_space<semaphore_mem>>, %arg12: memref<!tpu.dma_semaphore, #tpu.memory_space<semaphore_mem>>, %arg13: memref<!tpu.dma_semaphore, #tpu.memory_space<semaphore_mem>>) attributes {dimension_semantics = [#tpu.dimension_semantics<core_parallel>, #tpu.dimension_semantics<subcore_parallel>], iteration_bounds = array<i64: 2, 16>, scalar_prefetch = 0 : i64, scratch_operands = 8 : i64, tpu.core_type = #tpu.core_type<sc_vector_subcore>, window_params = [{transform_indices = #map}, {transform_indices = #map1}, {transform_indices = #map1}, {transform_indices = #map}]} {
    %mul3A = arith.constant 16 : i32
    %mul3A_0 = arith.muli %arg0, %mul3A : i32
    %add3A = arith.addi %mul3A_0, %arg1 : i32
    %mul3A_1 = arith.constant 3200 : i32
    %mul3A_2 = arith.muli %add3A, %mul3A_1 : i32
    %dma_start3A = tpu.memref_slice %arg3[%mul3A_2] : memref<102400xi32, #tpu.memory_space<hbm>> -> memref<3200xi32, #tpu.memory_space<hbm>>
    %dma_start3A_3 = tpu.memref_slice %arg3[%mul3A_2] : memref<102400xi32, #tpu.memory_space<hbm>> -> memref<3200xi32, #tpu.memory_space<hbm>>
    tpu.enqueue_dma source(%dma_start3A_3 : memref<3200xi32, #tpu.memory_space<hbm>>) target(%arg6 : memref<3200xi32, #tpu.memory_space<vmem>>) target_semaphore(%arg13 : memref<!tpu.dma_semaphore, #tpu.memory_space<semaphore_mem>>)
    %mul3A_4 = arith.constant 3200 : i32
    %mul3A_5 = arith.muli %add3A, %mul3A_4 : i32
    %dma_start3A_6 = tpu.memref_slice %arg4[%mul3A_5] : memref<102400xi32, #tpu.memory_space<hbm>> -> memref<3200xi32, #tpu.memory_space<hbm>>
    %dma_start3A_7 = tpu.memref_slice %arg4[%mul3A_5] : memref<102400xi32, #tpu.memory_space<hbm>> -> memref<3200xi32, #tpu.memory_space<hbm>>
    tpu.enqueue_dma source(%dma_start3A_7 : memref<3200xi32, #tpu.memory_space<hbm>>) target(%arg7 : memref<3200xi32, #tpu.memory_space<vmem>>) target_semaphore(%arg13 : memref<!tpu.dma_semaphore, #tpu.memory_space<semaphore_mem>>)
    %scan3A = arith.constant 0 : i32
    %scan3A_8 = arith.constant 10 : i32
    %scan3A_9 = arith.addi %scan3A, %scan3A_8 : i32
    %scan3A_10 = arith.constant 1 : i32
    scf.for %scan3A_60 = %scan3A to %scan3A_9 step %scan3A_10  : i32 {
      %mul3A_61 = arith.constant 640 : i32
      %mul3A_62 = arith.muli %arg1, %mul3A_61 : i32
      %mul3A_63 = arith.constant 64 : i32
      %mul3A_64 = arith.muli %scan3A_60, %mul3A_63 : i32
      %add3A_65 = arith.addi %mul3A_62, %mul3A_64 : i32
      %run_scoped3A = arith.constant 0 : i32
      "tpu.region"() ({
        %run_scoped3A_67 = tpu.sem_alloc : memref<!tpu.dma_semaphore, #tpu.memory_space<semaphore_mem>>
        %dma_start3A_68 = arith.constant 0 : i32
        %dma_start3A_69 = arith.constant 0 : i32
        %dma_start3A_70 = tpu.memref_slice %arg8[%run_scoped3A, %dma_start3A_68, %dma_start3A_69] : memref<2x64x128xf32, #tpu.memory_space<vmem>> -> memref<1x64x128xf32, #tpu.memory_space<vmem>>
        %dma_start3A_71 = tpu.memref_squeeze %dma_start3A_70 : memref<1x64x128xf32, #tpu.memory_space<vmem>> -> memref<64x128xf32, #tpu.memory_space<vmem>>
        %dma_start3A_72 = arith.constant 0 : i32
        %dma_start3A_73 = tpu.memref_slice %arg2[%add3A_65, %dma_start3A_72] : memref<10240x128xf32, #tpu.memory_space<hbm>> -> memref<64x128xf32, #tpu.memory_space<hbm>>
        %dma_start3A_74 = arith.constant 0 : i32
        %dma_start3A_75 = arith.constant 0 : i32
        %dma_start3A_76 = tpu.memref_slice %arg8[%run_scoped3A, %dma_start3A_74, %dma_start3A_75] : memref<2x64x128xf32, #tpu.memory_space<vmem>> -> memref<1x64x128xf32, #tpu.memory_space<vmem>>
        %dma_start3A_77 = tpu.memref_squeeze %dma_start3A_76 : memref<1x64x128xf32, #tpu.memory_space<vmem>> -> memref<64x128xf32, #tpu.memory_space<vmem>>
        %dma_start3A_78 = arith.constant 0 : i32
        %dma_start3A_79 = tpu.memref_slice %arg2[%add3A_65, %dma_start3A_78] : memref<10240x128xf32, #tpu.memory_space<hbm>> -> memref<64x128xf32, #tpu.memory_space<hbm>>
        tpu.enqueue_dma source(%dma_start3A_79 : memref<64x128xf32, #tpu.memory_space<hbm>>) target(%dma_start3A_77 : memref<64x128xf32, #tpu.memory_space<vmem>>) target_semaphore(%run_scoped3A_67 : memref<!tpu.dma_semaphore, #tpu.memory_space<semaphore_mem>>)
        %dma_wait3A_80 = arith.constant 0 : i32
        %dma_wait3A_81 = arith.constant 0 : i32
        %dma_wait3A_82 = tpu.memref_slice %arg8[%run_scoped3A, %dma_wait3A_80, %dma_wait3A_81] : memref<2x64x128xf32, #tpu.memory_space<vmem>> -> memref<1x64x128xf32, #tpu.memory_space<vmem>>
        %dma_wait3A_83 = tpu.memref_squeeze %dma_wait3A_82 : memref<1x64x128xf32, #tpu.memory_space<vmem>> -> memref<64x128xf32, #tpu.memory_space<vmem>>
        %dma_wait3A_84 = arith.constant 0 : i32
        %dma_wait3A_85 = tpu.memref_slice %arg2[%add3A_65, %dma_wait3A_84] : memref<10240x128xf32, #tpu.memory_space<hbm>> -> memref<64x128xf32, #tpu.memory_space<hbm>>
        %dma_wait3A_86 = arith.constant 0 : i32
        %dma_wait3A_87 = arith.constant 0 : i32
        %dma_wait3A_88 = tpu.memref_slice %arg8[%run_scoped3A, %dma_wait3A_86, %dma_wait3A_87] : memref<2x64x128xf32, #tpu.memory_space<vmem>> -> memref<1x64x128xf32, #tpu.memory_space<vmem>>
        %dma_wait3A_89 = tpu.memref_squeeze %dma_wait3A_88 : memref<1x64x128xf32, #tpu.memory_space<vmem>> -> memref<64x128xf32, #tpu.memory_space<vmem>>
        %dma_wait3A_90 = arith.constant 0 : i32
        %dma_wait3A_91 = tpu.memref_slice %arg2[%add3A_65, %dma_wait3A_90] : memref<10240x128xf32, #tpu.memory_space<hbm>> -> memref<64x128xf32, #tpu.memory_space<hbm>>
        tpu.wait_dma2 semaphore(%run_scoped3A_67 : memref<!tpu.dma_semaphore, #tpu.memory_space<semaphore_mem>>) src(%dma_wait3A_91 : memref<64x128xf32, #tpu.memory_space<hbm>>) dst(%dma_wait3A_89 : memref<64x128xf32, #tpu.memory_space<vmem>>)
        tpu.yield
      }) : () -> ()
      %run_scoped3A_66 = arith.constant 0 : i32
      "tpu.region"() ({
        %run_scoped3A_67 = tpu.sem_alloc : memref<!tpu.dma_semaphore, #tpu.memory_space<semaphore_mem>>
        %dma_start3A_68 = arith.constant 0 : i32
        %dma_start3A_69 = arith.constant 0 : i32
        %dma_start3A_70 = tpu.memref_slice %arg8[%run_scoped3A_66, %dma_start3A_68, %dma_start3A_69] : memref<2x64x128xf32, #tpu.memory_space<vmem>> -> memref<1x64x128xf32, #tpu.memory_space<vmem>>
        %dma_start3A_71 = tpu.memref_squeeze %dma_start3A_70 : memref<1x64x128xf32, #tpu.memory_space<vmem>> -> memref<64x128xf32, #tpu.memory_space<vmem>>
        %dma_start3A_72 = arith.constant 0 : i32
        %dma_start3A_73 = tpu.memref_slice %arg10[%add3A_65, %dma_start3A_72] : memref<10240x128xf32, #tpu.memory_space<vmem_shared>> -> memref<64x128xf32, #tpu.memory_space<vmem_shared>>
        %dma_start3A_74 = arith.constant 0 : i32
        %dma_start3A_75 = tpu.memref_slice %arg10[%add3A_65, %dma_start3A_74] : memref<10240x128xf32, #tpu.memory_space<vmem_shared>> -> memref<64x128xf32, #tpu.memory_space<vmem_shared>>
        %dma_start3A_76 = arith.constant 0 : i32
        %dma_start3A_77 = arith.constant 0 : i32
        %dma_start3A_78 = tpu.memref_slice %arg8[%run_scoped3A_66, %dma_start3A_76, %dma_start3A_77] : memref<2x64x128xf32, #tpu.memory_space<vmem>> -> memref<1x64x128xf32, #tpu.memory_space<vmem>>
        %dma_start3A_79 = tpu.memref_squeeze %dma_start3A_78 : memref<1x64x128xf32, #tpu.memory_space<vmem>> -> memref<64x128xf32, #tpu.memory_space<vmem>>
        tpu.enqueue_dma source(%dma_start3A_79 : memref<64x128xf32, #tpu.memory_space<vmem>>) target(%dma_start3A_75 : memref<64x128xf32, #tpu.memory_space<vmem_shared>>) target_semaphore(%run_scoped3A_67 : memref<!tpu.dma_semaphore, #tpu.memory_space<semaphore_mem>>)
        %dma_wait3A_80 = arith.constant 0 : i32
        %dma_wait3A_81 = arith.constant 0 : i32
        %dma_wait3A_82 = tpu.memref_slice %arg8[%run_scoped3A_66, %dma_wait3A_80, %dma_wait3A_81] : memref<2x64x128xf32, #tpu.memory_space<vmem>> -> memref<1x64x128xf32, #tpu.memory_space<vmem>>
        %dma_wait3A_83 = tpu.memref_squeeze %dma_wait3A_82 : memref<1x64x128xf32, #tpu.memory_space<vmem>> -> memref<64x128xf32, #tpu.memory_space<vmem>>
        %dma_wait3A_84 = arith.constant 0 : i32
        %dma_wait3A_85 = tpu.memref_slice %arg10[%add3A_65, %dma_wait3A_84] : memref<10240x128xf32, #tpu.memory_space<vmem_shared>> -> memref<64x128xf32, #tpu.memory_space<vmem_shared>>
        %dma_wait3A_86 = arith.constant 0 : i32
        %dma_wait3A_87 = tpu.memref_slice %arg10[%add3A_65, %dma_wait3A_86] : memref<10240x128xf32, #tpu.memory_space<vmem_shared>> -> memref<64x128xf32, #tpu.memory_space<vmem_shared>>
        %dma_wait3A_88 = arith.constant 0 : i32
        %dma_wait3A_89 = arith.constant 0 : i32
        %dma_wait3A_90 = tpu.memref_slice %arg8[%run_scoped3A_66, %dma_wait3A_88, %dma_wait3A_89] : memref<2x64x128xf32, #tpu.memory_space<vmem>> -> memref<1x64x128xf32, #tpu.memory_space<vmem>>
        %dma_wait3A_91 = tpu.memref_squeeze %dma_wait3A_90 : memref<1x64x128xf32, #tpu.memory_space<vmem>> -> memref<64x128xf32, #tpu.memory_space<vmem>>
        tpu.wait_dma2 semaphore(%run_scoped3A_67 : memref<!tpu.dma_semaphore, #tpu.memory_space<semaphore_mem>>) src(%dma_wait3A_91 : memref<64x128xf32, #tpu.memory_space<vmem>>) dst(%dma_wait3A_87 : memref<64x128xf32, #tpu.memory_space<vmem_shared>>)
        tpu.yield
      }) : () -> ()
    }
    %scan3A_11 = arith.constant 10 : i32
    %mul3A_12 = arith.constant 3200 : i32
    %mul3A_13 = arith.muli %add3A, %mul3A_12 : i32
    %dma_wait3A = tpu.memref_slice %arg3[%mul3A_13] : memref<102400xi32, #tpu.memory_space<hbm>> -> memref<3200xi32, #tpu.memory_space<hbm>>
    %dma_wait3A_14 = tpu.memref_slice %arg3[%mul3A_13] : memref<102400xi32, #tpu.memory_space<hbm>> -> memref<3200xi32, #tpu.memory_space<hbm>>
    tpu.wait_dma2 semaphore(%arg13 : memref<!tpu.dma_semaphore, #tpu.memory_space<semaphore_mem>>) src(%dma_wait3A_14 : memref<3200xi32, #tpu.memory_space<hbm>>) dst(%arg6 : memref<3200xi32, #tpu.memory_space<vmem>>)
    %mul3A_15 = arith.constant 3200 : i32
    %mul3A_16 = arith.muli %add3A, %mul3A_15 : i32
    %dma_wait3A_17 = tpu.memref_slice %arg4[%mul3A_16] : memref<102400xi32, #tpu.memory_space<hbm>> -> memref<3200xi32, #tpu.memory_space<hbm>>
    %dma_wait3A_18 = tpu.memref_slice %arg4[%mul3A_16] : memref<102400xi32, #tpu.memory_space<hbm>> -> memref<3200xi32, #tpu.memory_space<hbm>>
    tpu.wait_dma2 semaphore(%arg13 : memref<!tpu.dma_semaphore, #tpu.memory_space<semaphore_mem>>) src(%dma_wait3A_18 : memref<3200xi32, #tpu.memory_space<hbm>>) dst(%arg7 : memref<3200xi32, #tpu.memory_space<vmem>>)
    %barrier3A = arith.constant 0 : index
    tpu.barrier barrier_id(%barrier3A)
    %dma_start3A_19 = arith.constant 0 : i32
    %dma_start3A_20 = arith.constant 0 : i32
    %dma_start3A_21 = arith.constant 0 : i32
    %dma_start3A_22 = tpu.memref_slice %arg8[%dma_start3A_19, %dma_start3A_20, %dma_start3A_21] : memref<2x64x128xf32, #tpu.memory_space<vmem>> -> memref<1x64x128xf32, #tpu.memory_space<vmem>>
    %dma_start3A_23 = tpu.memref_squeeze %dma_start3A_22 : memref<1x64x128xf32, #tpu.memory_space<vmem>> -> memref<64x128xf32, #tpu.memory_space<vmem>>
    %dma_start3A_24 = arith.constant 0 : i32
    %dma_start3A_25 = tpu.memref_slice %arg6[%dma_start3A_24] : memref<3200xi32, #tpu.memory_space<vmem>> -> memref<64xi32, #tpu.memory_space<vmem>>
    %dma_start3A_26 = arith.constant 0 : i32
    %dma_start3A_27 = arith.constant 0 : i32
    %dma_start3A_28 = tpu.memref_slice %arg10[%dma_start3A_26, %dma_start3A_27] : memref<10240x128xf32, #tpu.memory_space<vmem_shared>> -> memref<10240x128xf32, #tpu.memory_space<vmem_shared>>
    tpu.enqueue_indirect_dma source(%dma_start3A_28 : memref<10240x128xf32, #tpu.memory_space<vmem_shared>>) target(%dma_start3A_23 : memref<64x128xf32, #tpu.memory_space<vmem>>) offsets(%dma_start3A_25 : memref<64xi32, #tpu.memory_space<vmem>>) semaphore(%arg11 : memref<!tpu.dma_semaphore, #tpu.memory_space<semaphore_mem>>)
    %dma_start3A_29 = arith.constant 0 : i32
    %dma_start3A_30 = arith.constant 0 : i32
    %dma_start3A_31 = arith.constant 0 : i32
    %dma_start3A_32 = tpu.memref_slice %arg9[%dma_start3A_29, %dma_start3A_30, %dma_start3A_31] : memref<2x64x128xf32, #tpu.memory_space<vmem>> -> memref<1x64x128xf32, #tpu.memory_space<vmem>>
    %dma_start3A_33 = tpu.memref_squeeze %dma_start3A_32 : memref<1x64x128xf32, #tpu.memory_space<vmem>> -> memref<64x128xf32, #tpu.memory_space<vmem>>
    %dma_start3A_34 = arith.constant 0 : i32
    %dma_start3A_35 = tpu.memref_slice %arg7[%dma_start3A_34] : memref<3200xi32, #tpu.memory_space<vmem>> -> memref<64xi32, #tpu.memory_space<vmem>>
    %dma_start3A_36 = arith.constant 0 : i32
    %dma_start3A_37 = arith.constant 0 : i32
    %dma_start3A_38 = tpu.memref_slice %arg10[%dma_start3A_36, %dma_start3A_37] : memref<10240x128xf32, #tpu.memory_space<vmem_shared>> -> memref<10240x128xf32, #tpu.memory_space<vmem_shared>>
    tpu.enqueue_indirect_dma source(%dma_start3A_38 : memref<10240x128xf32, #tpu.memory_space<vmem_shared>>) target(%dma_start3A_33 : memref<64x128xf32, #tpu.memory_space<vmem>>) offsets(%dma_start3A_35 : memref<64xi32, #tpu.memory_space<vmem>>) semaphore(%arg11 : memref<!tpu.dma_semaphore, #tpu.memory_space<semaphore_mem>>)
    %scan3A_39 = arith.constant 0 : i32
    %scan3A_40 = arith.constant 50 : i32
    %scan3A_41 = arith.addi %scan3A_39, %scan3A_40 : i32
    %scan3A_42 = arith.constant 1 : i32
    scf.for %scan3A_60 = %scan3A_39 to %scan3A_41 step %scan3A_42  : i32 {
      %rem3A_61 = arith.constant 2 : i32
      %rem3A_62 = arith.remsi %scan3A_60, %rem3A_61 : i32
      %ge3A = arith.constant 1 : i32
      %ge3A_63 = arith.cmpi sge, %scan3A_60, %ge3A : i32
      %convert_element_type3A = arith.extui %ge3A_63 : i1 to i32
      %cond3A = arith.constant 0 : i32
      %cond3A_64 = arith.cmpi ne, %convert_element_type3A, %cond3A : i32
      scf.if %cond3A_64 {
        %add3A_111 = arith.constant 1 : i32
        %add3A_112 = arith.addi %scan3A_60, %add3A_111 : i32
        %rem3A_113 = arith.constant 2 : i32
        %rem3A_114 = arith.remsi %add3A_112, %rem3A_113 : i32
        %mul3A_115 = arith.constant 3200 : i32
        %mul3A_116 = arith.muli %add3A, %mul3A_115 : i32
        %dma_wait3A_117 = arith.constant 0 : i32
        %dma_wait3A_118 = arith.constant 0 : i32
        %dma_wait3A_119 = tpu.memref_slice %arg8[%rem3A_114, %dma_wait3A_117, %dma_wait3A_118] : memref<2x64x128xf32, #tpu.memory_space<vmem>> -> memref<1x64x128xf32, #tpu.memory_space<vmem>>
        %dma_wait3A_120 = tpu.memref_squeeze %dma_wait3A_119 : memref<1x64x128xf32, #tpu.memory_space<vmem>> -> memref<64x128xf32, #tpu.memory_space<vmem>>
        %dma_wait3A_121 = arith.constant 0 : i32
        %dma_wait3A_122 = tpu.memref_slice %arg5[%mul3A_116, %dma_wait3A_121] : memref<102400x128xf32, #tpu.memory_space<hbm>> -> memref<64x128xf32, #tpu.memory_space<hbm>>
        %dma_wait3A_123 = arith.constant 0 : i32
        %dma_wait3A_124 = tpu.memref_slice %arg5[%mul3A_116, %dma_wait3A_123] : memref<102400x128xf32, #tpu.memory_space<hbm>> -> memref<64x128xf32, #tpu.memory_space<hbm>>
        %dma_wait3A_125 = arith.constant 0 : i32
        %dma_wait3A_126 = arith.constant 0 : i32
        %dma_wait3A_127 = tpu.memref_slice %arg8[%rem3A_114, %dma_wait3A_125, %dma_wait3A_126] : memref<2x64x128xf32, #tpu.memory_space<vmem>> -> memref<1x64x128xf32, #tpu.memory_space<vmem>>
        %dma_wait3A_128 = tpu.memref_squeeze %dma_wait3A_127 : memref<1x64x128xf32, #tpu.memory_space<vmem>> -> memref<64x128xf32, #tpu.memory_space<vmem>>
        tpu.wait_dma2 semaphore(%arg12 : memref<!tpu.dma_semaphore, #tpu.memory_space<semaphore_mem>>) src(%dma_wait3A_128 : memref<64x128xf32, #tpu.memory_space<vmem>>) dst(%dma_wait3A_124 : memref<64x128xf32, #tpu.memory_space<hbm>>)
      } else {
      }
      %dma_wait3A_65 = arith.constant 0 : i32
      %dma_wait3A_66 = arith.constant 0 : i32
      %dma_wait3A_67 = tpu.memref_slice %arg8[%rem3A_62, %dma_wait3A_65, %dma_wait3A_66] : memref<2x64x128xf32, #tpu.memory_space<vmem>> -> memref<1x64x128xf32, #tpu.memory_space<vmem>>
      %dma_wait3A_68 = tpu.memref_squeeze %dma_wait3A_67 : memref<1x64x128xf32, #tpu.memory_space<vmem>> -> memref<64x128xf32, #tpu.memory_space<vmem>>
      %dma_wait3A_69 = arith.constant 0 : i32
      %dma_wait3A_70 = tpu.memref_slice %arg6[%dma_wait3A_69] : memref<3200xi32, #tpu.memory_space<vmem>> -> memref<64xi32, #tpu.memory_space<vmem>>
      %dma_wait3A_71 = arith.constant 0 : i32
      %dma_wait3A_72 = arith.constant 0 : i32
      %dma_wait3A_73 = tpu.memref_slice %arg10[%dma_wait3A_71, %dma_wait3A_72] : memref<10240x128xf32, #tpu.memory_space<vmem_shared>> -> memref<10240x128xf32, #tpu.memory_space<vmem_shared>>
      tpu.wait_indirect_dma semaphore(%arg11 : memref<!tpu.dma_semaphore, #tpu.memory_space<semaphore_mem>>) src(%dma_wait3A_73 : memref<10240x128xf32, #tpu.memory_space<vmem_shared>>) dst(%dma_wait3A_68 : memref<64x128xf32, #tpu.memory_space<vmem>>)
      %dma_wait3A_74 = arith.constant 0 : i32
      %dma_wait3A_75 = arith.constant 0 : i32
      %dma_wait3A_76 = tpu.memref_slice %arg9[%rem3A_62, %dma_wait3A_74, %dma_wait3A_75] : memref<2x64x128xf32, #tpu.memory_space<vmem>> -> memref<1x64x128xf32, #tpu.memory_space<vmem>>
      %dma_wait3A_77 = tpu.memref_squeeze %dma_wait3A_76 : memref<1x64x128xf32, #tpu.memory_space<vmem>> -> memref<64x128xf32, #tpu.memory_space<vmem>>
      %dma_wait3A_78 = arith.constant 0 : i32
      %dma_wait3A_79 = tpu.memref_slice %arg7[%dma_wait3A_78] : memref<3200xi32, #tpu.memory_space<vmem>> -> memref<64xi32, #tpu.memory_space<vmem>>
      %dma_wait3A_80 = arith.constant 0 : i32
      %dma_wait3A_81 = arith.constant 0 : i32
      %dma_wait3A_82 = tpu.memref_slice %arg10[%dma_wait3A_80, %dma_wait3A_81] : memref<10240x128xf32, #tpu.memory_space<vmem_shared>> -> memref<10240x128xf32, #tpu.memory_space<vmem_shared>>
      tpu.wait_indirect_dma semaphore(%arg11 : memref<!tpu.dma_semaphore, #tpu.memory_space<semaphore_mem>>) src(%dma_wait3A_82 : memref<10240x128xf32, #tpu.memory_space<vmem_shared>>) dst(%dma_wait3A_77 : memref<64x128xf32, #tpu.memory_space<vmem>>)
      %add3A_83 = arith.constant 1 : i32
      %add3A_84 = arith.addi %scan3A_60, %add3A_83 : i32
      %lt3A = arith.constant 50 : i32
      %lt3A_85 = arith.cmpi slt, %add3A_84, %lt3A : i32
      %convert_element_type3A_86 = arith.extui %lt3A_85 : i1 to i32
      %cond3A_87 = arith.constant 0 : i32
      %cond3A_88 = arith.cmpi ne, %convert_element_type3A_86, %cond3A_87 : i32
      scf.if %cond3A_88 {
        %add3A_111 = arith.constant 1 : i32
        %add3A_112 = arith.addi %scan3A_60, %add3A_111 : i32
        %add3A_113 = arith.constant 1 : i32
        %add3A_114 = arith.addi %scan3A_60, %add3A_113 : i32
        %rem3A_115 = arith.constant 2 : i32
        %rem3A_116 = arith.remsi %add3A_114, %rem3A_115 : i32
        %mul3A_117 = arith.constant 64 : i32
        %mul3A_118 = arith.muli %add3A_112, %mul3A_117 : i32
        %dma_start3A_119 = arith.constant 0 : i32
        %dma_start3A_120 = arith.constant 0 : i32
        %dma_start3A_121 = tpu.memref_slice %arg8[%rem3A_116, %dma_start3A_119, %dma_start3A_120] : memref<2x64x128xf32, #tpu.memory_space<vmem>> -> memref<1x64x128xf32, #tpu.memory_space<vmem>>
        %dma_start3A_122 = tpu.memref_squeeze %dma_start3A_121 : memref<1x64x128xf32, #tpu.memory_space<vmem>> -> memref<64x128xf32, #tpu.memory_space<vmem>>
        %dma_start3A_123 = tpu.memref_slice %arg6[%mul3A_118] : memref<3200xi32, #tpu.memory_space<vmem>> -> memref<64xi32, #tpu.memory_space<vmem>>
        %dma_start3A_124 = arith.constant 0 : i32
        %dma_start3A_125 = arith.constant 0 : i32
        %dma_start3A_126 = tpu.memref_slice %arg10[%dma_start3A_124, %dma_start3A_125] : memref<10240x128xf32, #tpu.memory_space<vmem_shared>> -> memref<10240x128xf32, #tpu.memory_space<vmem_shared>>
        tpu.enqueue_indirect_dma source(%dma_start3A_126 : memref<10240x128xf32, #tpu.memory_space<vmem_shared>>) target(%dma_start3A_122 : memref<64x128xf32, #tpu.memory_space<vmem>>) offsets(%dma_start3A_123 : memref<64xi32, #tpu.memory_space<vmem>>) semaphore(%arg11 : memref<!tpu.dma_semaphore, #tpu.memory_space<semaphore_mem>>)
        %mul3A_127 = arith.constant 64 : i32
        %mul3A_128 = arith.muli %add3A_112, %mul3A_127 : i32
        %dma_start3A_129 = arith.constant 0 : i32
        %dma_start3A_130 = arith.constant 0 : i32
        %dma_start3A_131 = tpu.memref_slice %arg9[%rem3A_116, %dma_start3A_129, %dma_start3A_130] : memref<2x64x128xf32, #tpu.memory_space<vmem>> -> memref<1x64x128xf32, #tpu.memory_space<vmem>>
        %dma_start3A_132 = tpu.memref_squeeze %dma_start3A_131 : memref<1x64x128xf32, #tpu.memory_space<vmem>> -> memref<64x128xf32, #tpu.memory_space<vmem>>
        %dma_start3A_133 = tpu.memref_slice %arg7[%mul3A_128] : memref<3200xi32, #tpu.memory_space<vmem>> -> memref<64xi32, #tpu.memory_space<vmem>>
        %dma_start3A_134 = arith.constant 0 : i32
        %dma_start3A_135 = arith.constant 0 : i32
        %dma_start3A_136 = tpu.memref_slice %arg10[%dma_start3A_134, %dma_start3A_135] : memref<10240x128xf32, #tpu.memory_space<vmem_shared>> -> memref<10240x128xf32, #tpu.memory_space<vmem_shared>>
        tpu.enqueue_indirect_dma source(%dma_start3A_136 : memref<10240x128xf32, #tpu.memory_space<vmem_shared>>) target(%dma_start3A_132 : memref<64x128xf32, #tpu.memory_space<vmem>>) offsets(%dma_start3A_133 : memref<64xi32, #tpu.memory_space<vmem>>) semaphore(%arg11 : memref<!tpu.dma_semaphore, #tpu.memory_space<semaphore_mem>>)
      } else {
      }
      %scan3A_89 = arith.constant 0 : i32
      %scan3A_90 = arith.constant 64 : i32
      %scan3A_91 = arith.addi %scan3A_89, %scan3A_90 : i32
      %scan3A_92 = arith.constant 4 : i32
      scf.for %scan3A_111 = %scan3A_89 to %scan3A_91 step %scan3A_92  : i32 {
        %get3A = arith.index_cast %rem3A_62 : i32 to index
        %get3A_112 = arith.index_cast %scan3A_111 : i32 to index
        %get3A_113 = arith.constant 0 : index
        %get3A_114 = tpu.vector_load %arg8[%get3A, %get3A_112, %get3A_113] {strides = array<i32>} : memref<2x64x128xf32, #tpu.memory_space<vmem>>, vector<1x1x16xf32>,
        %get3A_115 = vector.shape_cast %get3A_114 : vector<1x1x16xf32> to vector<16xf32>
        %get3A_116 = arith.index_cast %rem3A_62 : i32 to index
        %get3A_117 = arith.index_cast %scan3A_111 : i32 to index
        %get3A_118 = arith.constant 0 : index
        %get3A_119 = tpu.vector_load %arg9[%get3A_116, %get3A_117, %get3A_118] {strides = array<i32>} : memref<2x64x128xf32, #tpu.memory_space<vmem>>, vector<1x1x16xf32>,
        %get3A_120 = vector.shape_cast %get3A_119 : vector<1x1x16xf32> to vector<16xf32>
        %add3A_121 = arith.addf %get3A_115, %get3A_120 : vector<16xf32>
        %swap3A = arith.index_cast %rem3A_62 : i32 to index
        %swap3A_122 = arith.index_cast %scan3A_111 : i32 to index
        %swap3A_123 = arith.constant 0 : index
        %swap3A_124 = tpu.vector_load %arg8[%swap3A, %swap3A_122, %swap3A_123] {strides = array<i32>} : memref<2x64x128xf32, #tpu.memory_space<vmem>>, vector<1x1x16xf32>,
        %swap3A_125 = vector.shape_cast %swap3A_124 : vector<1x1x16xf32> to vector<16xf32>
        %swap3A_126 = vector.shape_cast %add3A_121 : vector<16xf32> to vector<1x1x16xf32>
        tpu.vector_store %arg8[%swap3A, %swap3A_122, %swap3A_123], %swap3A_126 {strides = array<i32>} : memref<2x64x128xf32, #tpu.memory_space<vmem>>, vector<1x1x16xf32>,
        %get3A_127 = arith.index_cast %rem3A_62 : i32 to index
        %get3A_128 = arith.index_cast %scan3A_111 : i32 to index
        %get3A_129 = arith.constant 16 : index
        %get3A_130 = tpu.vector_load %arg8[%get3A_127, %get3A_128, %get3A_129] {strides = array<i32>} : memref<2x64x128xf32, #tpu.memory_space<vmem>>, vector<1x1x16xf32>,
        %get3A_131 = vector.shape_cast %get3A_130 : vector<1x1x16xf32> to vector<16xf32>
        %get3A_132 = arith.index_cast %rem3A_62 : i32 to index
        %get3A_133 = arith.index_cast %scan3A_111 : i32 to index
        %get3A_134 = arith.constant 16 : index
        %get3A_135 = tpu.vector_load %arg9[%get3A_132, %get3A_133, %get3A_134] {strides = array<i32>} : memref<2x64x128xf32, #tpu.memory_space<vmem>>, vector<1x1x16xf32>,
        %get3A_136 = vector.shape_cast %get3A_135 : vector<1x1x16xf32> to vector<16xf32>
        %add3A_137 = arith.addf %get3A_131, %get3A_136 : vector<16xf32>
        %swap3A_138 = arith.index_cast %rem3A_62 : i32 to index
        %swap3A_139 = arith.index_cast %scan3A_111 : i32 to index
        %swap3A_140 = arith.constant 16 : index
        %swap3A_141 = tpu.vector_load %arg8[%swap3A_138, %swap3A_139, %swap3A_140] {strides = array<i32>} : memref<2x64x128xf32, #tpu.memory_space<vmem>>, vector<1x1x16xf32>,
        %swap3A_142 = vector.shape_cast %swap3A_141 : vector<1x1x16xf32> to vector<16xf32>
        %swap3A_143 = vector.shape_cast %add3A_137 : vector<16xf32> to vector<1x1x16xf32>
        tpu.vector_store %arg8[%swap3A_138, %swap3A_139, %swap3A_140], %swap3A_143 {strides = array<i32>} : memref<2x64x128xf32, #tpu.memory_space<vmem>>, vector<1x1x16xf32>,
        %get3A_144 = arith.index_cast %rem3A_62 : i32 to index
        %get3A_145 = arith.index_cast %scan3A_111 : i32 to index
        %get3A_146 = arith.constant 32 : index
        %get3A_147 = tpu.vector_load %arg8[%get3A_144, %get3A_145, %get3A_146] {strides = array<i32>} : memref<2x64x128xf32, #tpu.memory_space<vmem>>, vector<1x1x16xf32>,
        %get3A_148 = vector.shape_cast %get3A_147 : vector<1x1x16xf32> to vector<16xf32>
        %get3A_149 = arith.index_cast %rem3A_62 : i32 to index
        %get3A_150 = arith.index_cast %scan3A_111 : i32 to index
        %get3A_151 = arith.constant 32 : index
        %get3A_152 = tpu.vector_load %arg9[%get3A_149, %get3A_150, %get3A_151] {strides = array<i32>} : memref<2x64x128xf32, #tpu.memory_space<vmem>>, vector<1x1x16xf32>,
        %get3A_153 = vector.shape_cast %get3A_152 : vector<1x1x16xf32> to vector<16xf32>
        %add3A_154 = arith.addf %get3A_148, %get3A_153 : vector<16xf32>
        %swap3A_155 = arith.index_cast %rem3A_62 : i32 to index
        %swap3A_156 = arith.index_cast %scan3A_111 : i32 to index
        %swap3A_157 = arith.constant 32 : index
        %swap3A_158 = tpu.vector_load %arg8[%swap3A_155, %swap3A_156, %swap3A_157] {strides = array<i32>} : memref<2x64x128xf32, #tpu.memory_space<vmem>>, vector<1x1x16xf32>,
        %swap3A_159 = vector.shape_cast %swap3A_158 : vector<1x1x16xf32> to vector<16xf32>
        %swap3A_160 = vector.shape_cast %add3A_154 : vector<16xf32> to vector<1x1x16xf32>
        tpu.vector_store %arg8[%swap3A_155, %swap3A_156, %swap3A_157], %swap3A_160 {strides = array<i32>} : memref<2x64x128xf32, #tpu.memory_space<vmem>>, vector<1x1x16xf32>,
        %get3A_161 = arith.index_cast %rem3A_62 : i32 to index
        %get3A_162 = arith.index_cast %scan3A_111 : i32 to index
        %get3A_163 = arith.constant 48 : index
        %get3A_164 = tpu.vector_load %arg8[%get3A_161, %get3A_162, %get3A_163] {strides = array<i32>} : memref<2x64x128xf32, #tpu.memory_space<vmem>>, vector<1x1x16xf32>,
        %get3A_165 = vector.shape_cast %get3A_164 : vector<1x1x16xf32> to vector<16xf32>
        %get3A_166 = arith.index_cast %rem3A_62 : i32 to index
        %get3A_167 = arith.index_cast %scan3A_111 : i32 to index
        %get3A_168 = arith.constant 48 : index
        %get3A_169 = tpu.vector_load %arg9[%get3A_166, %get3A_167, %get3A_168] {strides = array<i32>} : memref<2x64x128xf32, #tpu.memory_space<vmem>>, vector<1x1x16xf32>,
        %get3A_170 = vector.shape_cast %get3A_169 : vector<1x1x16xf32> to vector<16xf32>
        %add3A_171 = arith.addf %get3A_165, %get3A_170 : vector<16xf32>
        %swap3A_172 = arith.index_cast %rem3A_62 : i32 to index
        %swap3A_173 = arith.index_cast %scan3A_111 : i32 to index
        %swap3A_174 = arith.constant 48 : index
        %swap3A_175 = tpu.vector_load %arg8[%swap3A_172, %swap3A_173, %swap3A_174] {strides = array<i32>} : memref<2x64x128xf32, #tpu.memory_space<vmem>>, vector<1x1x16xf32>,
        %swap3A_176 = vector.shape_cast %swap3A_175 : vector<1x1x16xf32> to vector<16xf32>
        %swap3A_177 = vector.shape_cast %add3A_171 : vector<16xf32> to vector<1x1x16xf32>
        tpu.vector_store %arg8[%swap3A_172, %swap3A_173, %swap3A_174], %swap3A_177 {strides = array<i32>} : memref<2x64x128xf32, #tpu.memory_space<vmem>>, vector<1x1x16xf32>,
        %get3A_178 = arith.index_cast %rem3A_62 : i32 to index
        %get3A_179 = arith.index_cast %scan3A_111 : i32 to index
        %get3A_180 = arith.constant 64 : index
        %get3A_181 = tpu.vector_load %arg8[%get3A_178, %get3A_179, %get3A_180] {strides = array<i32>} : memref<2x64x128xf32, #tpu.memory_space<vmem>>, vector<1x1x16xf32>,
        %get3A_182 = vector.shape_cast %get3A_181 : vector<1x1x16xf32> to vector<16xf32>
        %get3A_183 = arith.index_cast %rem3A_62 : i32 to index
        %get3A_184 = arith.index_cast %scan3A_111 : i32 to index
        %get3A_185 = arith.constant 64 : index
        %get3A_186 = tpu.vector_load %arg9[%get3A_183, %get3A_184, %get3A_185] {strides = array<i32>} : memref<2x64x128xf32, #tpu.memory_space<vmem>>, vector<1x1x16xf32>,
        %get3A_187 = vector.shape_cast %get3A_186 : vector<1x1x16xf32> to vector<16xf32>
        %add3A_188 = arith.addf %get3A_182, %get3A_187 : vector<16xf32>
        %swap3A_189 = arith.index_cast %rem3A_62 : i32 to index
        %swap3A_190 = arith.index_cast %scan3A_111 : i32 to index
        %swap3A_191 = arith.constant 64 : index
        %swap3A_192 = tpu.vector_load %arg8[%swap3A_189, %swap3A_190, %swap3A_191] {strides = array<i32>} : memref<2x64x128xf32, #tpu.memory_space<vmem>>, vector<1x1x16xf32>,
        %swap3A_193 = vector.shape_cast %swap3A_192 : vector<1x1x16xf32> to vector<16xf32>
        %swap3A_194 = vector.shape_cast %add3A_188 : vector<16xf32> to vector<1x1x16xf32>
        tpu.vector_store %arg8[%swap3A_189, %swap3A_190, %swap3A_191], %swap3A_194 {strides = array<i32>} : memref<2x64x128xf32, #tpu.memory_space<vmem>>, vector<1x1x16xf32>,
        %get3A_195 = arith.index_cast %rem3A_62 : i32 to index
        %get3A_196 = arith.index_cast %scan3A_111 : i32 to index
        %get3A_197 = arith.constant 80 : index
        %get3A_198 = tpu.vector_load %arg8[%get3A_195, %get3A_196, %get3A_197] {strides = array<i32>} : memref<2x64x128xf32, #tpu.memory_space<vmem>>, vector<1x1x16xf32>,
        %get3A_199 = vector.shape_cast %get3A_198 : vector<1x1x16xf32> to vector<16xf32>
        %get3A_200 = arith.index_cast %rem3A_62 : i32 to index
        %get3A_201 = arith.index_cast %scan3A_111 : i32 to index
        %get3A_202 = arith.constant 80 : index
        %get3A_203 = tpu.vector_load %arg9[%get3A_200, %get3A_201, %get3A_202] {strides = array<i32>} : memref<2x64x128xf32, #tpu.memory_space<vmem>>, vector<1x1x16xf32>,
        %get3A_204 = vector.shape_cast %get3A_203 : vector<1x1x16xf32> to vector<16xf32>
        %add3A_205 = arith.addf %get3A_199, %get3A_204 : vector<16xf32>
        %swap3A_206 = arith.index_cast %rem3A_62 : i32 to index
        %swap3A_207 = arith.index_cast %scan3A_111 : i32 to index
        %swap3A_208 = arith.constant 80 : index
        %swap3A_209 = tpu.vector_load %arg8[%swap3A_206, %swap3A_207, %swap3A_208] {strides = array<i32>} : memref<2x64x128xf32, #tpu.memory_space<vmem>>, vector<1x1x16xf32>,
        %swap3A_210 = vector.shape_cast %swap3A_209 : vector<1x1x16xf32> to vector<16xf32>
        %swap3A_211 = vector.shape_cast %add3A_205 : vector<16xf32> to vector<1x1x16xf32>
        tpu.vector_store %arg8[%swap3A_206, %swap3A_207, %swap3A_208], %swap3A_211 {strides = array<i32>} : memref<2x64x128xf32, #tpu.memory_space<vmem>>, vector<1x1x16xf32>,
        %get3A_212 = arith.index_cast %rem3A_62 : i32 to index
        %get3A_213 = arith.index_cast %scan3A_111 : i32 to index
        %get3A_214 = arith.constant 96 : index
        %get3A_215 = tpu.vector_load %arg8[%get3A_212, %get3A_213, %get3A_214] {strides = array<i32>} : memref<2x64x128xf32, #tpu.memory_space<vmem>>, vector<1x1x16xf32>,
        %get3A_216 = vector.shape_cast %get3A_215 : vector<1x1x16xf32> to vector<16xf32>
        %get3A_217 = arith.index_cast %rem3A_62 : i32 to index
        %get3A_218 = arith.index_cast %scan3A_111 : i32 to index
        %get3A_219 = arith.constant 96 : index
        %get3A_220 = tpu.vector_load %arg9[%get3A_217, %get3A_218, %get3A_219] {strides = array<i32>} : memref<2x64x128xf32, #tpu.memory_space<vmem>>, vector<1x1x16xf32>,
        %get3A_221 = vector.shape_cast %get3A_220 : vector<1x1x16xf32> to vector<16xf32>
        %add3A_222 = arith.addf %get3A_216, %get3A_221 : vector<16xf32>
        %swap3A_223 = arith.index_cast %rem3A_62 : i32 to index
        %swap3A_224 = arith.index_cast %scan3A_111 : i32 to index
        %swap3A_225 = arith.constant 96 : index
        %swap3A_226 = tpu.vector_load %arg8[%swap3A_223, %swap3A_224, %swap3A_225] {strides = array<i32>} : memref<2x64x128xf32, #tpu.memory_space<vmem>>, vector<1x1x16xf32>,
        %swap3A_227 = vector.shape_cast %swap3A_226 : vector<1x1x16xf32> to vector<16xf32>
        %swap3A_228 = vector.shape_cast %add3A_222 : vector<16xf32> to vector<1x1x16xf32>
        tpu.vector_store %arg8[%swap3A_223, %swap3A_224, %swap3A_225], %swap3A_228 {strides = array<i32>} : memref<2x64x128xf32, #tpu.memory_space<vmem>>, vector<1x1x16xf32>,
        %get3A_229 = arith.index_cast %rem3A_62 : i32 to index
        %get3A_230 = arith.index_cast %scan3A_111 : i32 to index
        %get3A_231 = arith.constant 112 : index
        %get3A_232 = tpu.vector_load %arg8[%get3A_229, %get3A_230, %get3A_231] {strides = array<i32>} : memref<2x64x128xf32, #tpu.memory_space<vmem>>, vector<1x1x16xf32>,
        %get3A_233 = vector.shape_cast %get3A_232 : vector<1x1x16xf32> to vector<16xf32>
        %get3A_234 = arith.index_cast %rem3A_62 : i32 to index
        %get3A_235 = arith.index_cast %scan3A_111 : i32 to index
        %get3A_236 = arith.constant 112 : index
        %get3A_237 = tpu.vector_load %arg9[%get3A_234, %get3A_235, %get3A_236] {strides = array<i32>} : memref<2x64x128xf32, #tpu.memory_space<vmem>>, vector<1x1x16xf32>,
        %get3A_238 = vector.shape_cast %get3A_237 : vector<1x1x16xf32> to vector<16xf32>
        %add3A_239 = arith.addf %get3A_233, %get3A_238 : vector<16xf32>
        %swap3A_240 = arith.index_cast %rem3A_62 : i32 to index
        %swap3A_241 = arith.index_cast %scan3A_111 : i32 to index
        %swap3A_242 = arith.constant 112 : index
        %swap3A_243 = tpu.vector_load %arg8[%swap3A_240, %swap3A_241, %swap3A_242] {strides = array<i32>} : memref<2x64x128xf32, #tpu.memory_space<vmem>>, vector<1x1x16xf32>,
        %swap3A_244 = vector.shape_cast %swap3A_243 : vector<1x1x16xf32> to vector<16xf32>
        %swap3A_245 = vector.shape_cast %add3A_239 : vector<16xf32> to vector<1x1x16xf32>
        tpu.vector_store %arg8[%swap3A_240, %swap3A_241, %swap3A_242], %swap3A_245 {strides = array<i32>} : memref<2x64x128xf32, #tpu.memory_space<vmem>>, vector<1x1x16xf32>,
        %scan3A_246 = arith.constant 1 : i32
        %scan3A_247 = arith.addi %scan3A_111, %scan3A_246 : i32
        %get3A_248 = arith.index_cast %rem3A_62 : i32 to index
        %get3A_249 = arith.index_cast %scan3A_247 : i32 to index
        %get3A_250 = arith.constant 0 : index
        %get3A_251 = tpu.vector_load %arg8[%get3A_248, %get3A_249, %get3A_250] {strides = array<i32>} : memref<2x64x128xf32, #tpu.memory_space<vmem>>, vector<1x1x16xf32>,
        %get3A_252 = vector.shape_cast %get3A_251 : vector<1x1x16xf32> to vector<16xf32>
        %get3A_253 = arith.index_cast %rem3A_62 : i32 to index
        %get3A_254 = arith.index_cast %scan3A_247 : i32 to index
        %get3A_255 = arith.constant 0 : index
        %get3A_256 = tpu.vector_load %arg9[%get3A_253, %get3A_254, %get3A_255] {strides = array<i32>} : memref<2x64x128xf32, #tpu.memory_space<vmem>>, vector<1x1x16xf32>,
        %get3A_257 = vector.shape_cast %get3A_256 : vector<1x1x16xf32> to vector<16xf32>
        %add3A_258 = arith.addf %get3A_252, %get3A_257 : vector<16xf32>
        %swap3A_259 = arith.index_cast %rem3A_62 : i32 to index
        %swap3A_260 = arith.index_cast %scan3A_247 : i32 to index
        %swap3A_261 = arith.constant 0 : index
        %swap3A_262 = tpu.vector_load %arg8[%swap3A_259, %swap3A_260, %swap3A_261] {strides = array<i32>} : memref<2x64x128xf32, #tpu.memory_space<vmem>>, vector<1x1x16xf32>,
        %swap3A_263 = vector.shape_cast %swap3A_262 : vector<1x1x16xf32> to vector<16xf32>
        %swap3A_264 = vector.shape_cast %add3A_258 : vector<16xf32> to vector<1x1x16xf32>
        tpu.vector_store %arg8[%swap3A_259, %swap3A_260, %swap3A_261], %swap3A_264 {strides = array<i32>} : memref<2x64x128xf32, #tpu.memory_space<vmem>>, vector<1x1x16xf32>,
        %get3A_265 = arith.index_cast %rem3A_62 : i32 to index
        %get3A_266 = arith.index_cast %scan3A_247 : i32 to index
        %get3A_267 = arith.constant 16 : index
        %get3A_268 = tpu.vector_load %arg8[%get3A_265, %get3A_266, %get3A_267] {strides = array<i32>} : memref<2x64x128xf32, #tpu.memory_space<vmem>>, vector<1x1x16xf32>,
        %get3A_269 = vector.shape_cast %get3A_268 : vector<1x1x16xf32> to vector<16xf32>
        %get3A_270 = arith.index_cast %rem3A_62 : i32 to index
        %get3A_271 = arith.index_cast %scan3A_247 : i32 to index
        %get3A_272 = arith.constant 16 : index
        %get3A_273 = tpu.vector_load %arg9[%get3A_270, %get3A_271, %get3A_272] {strides = array<i32>} : memref<2x64x128xf32, #tpu.memory_space<vmem>>, vector<1x1x16xf32>,
        %get3A_274 = vector.shape_cast %get3A_273 : vector<1x1x16xf32> to vector<16xf32>
        %add3A_275 = arith.addf %get3A_269, %get3A_274 : vector<16xf32>
        %swap3A_276 = arith.index_cast %rem3A_62 : i32 to index
        %swap3A_277 = arith.index_cast %scan3A_247 : i32 to index
        %swap3A_278 = arith.constant 16 : index
        %swap3A_279 = tpu.vector_load %arg8[%swap3A_276, %swap3A_277, %swap3A_278] {strides = array<i32>} : memref<2x64x128xf32, #tpu.memory_space<vmem>>, vector<1x1x16xf32>,
        %swap3A_280 = vector.shape_cast %swap3A_279 : vector<1x1x16xf32> to vector<16xf32>
        %swap3A_281 = vector.shape_cast %add3A_275 : vector<16xf32> to vector<1x1x16xf32>
        tpu.vector_store %arg8[%swap3A_276, %swap3A_277, %swap3A_278], %swap3A_281 {strides = array<i32>} : memref<2x64x128xf32, #tpu.memory_space<vmem>>, vector<1x1x16xf32>,
        %get3A_282 = arith.index_cast %rem3A_62 : i32 to index
        %get3A_283 = arith.index_cast %scan3A_247 : i32 to index
        %get3A_284 = arith.constant 32 : index
        %get3A_285 = tpu.vector_load %arg8[%get3A_282, %get3A_283, %get3A_284] {strides = array<i32>} : memref<2x64x128xf32, #tpu.memory_space<vmem>>, vector<1x1x16xf32>,
        %get3A_286 = vector.shape_cast %get3A_285 : vector<1x1x16xf32> to vector<16xf32>
        %get3A_287 = arith.index_cast %rem3A_62 : i32 to index
        %get3A_288 = arith.index_cast %scan3A_247 : i32 to index
        %get3A_289 = arith.constant 32 : index
        %get3A_290 = tpu.vector_load %arg9[%get3A_287, %get3A_288, %get3A_289] {strides = array<i32>} : memref<2x64x128xf32, #tpu.memory_space<vmem>>, vector<1x1x16xf32>,
        %get3A_291 = vector.shape_cast %get3A_290 : vector<1x1x16xf32> to vector<16xf32>
        %add3A_292 = arith.addf %get3A_286, %get3A_291 : vector<16xf32>
        %swap3A_293 = arith.index_cast %rem3A_62 : i32 to index
        %swap3A_294 = arith.index_cast %scan3A_247 : i32 to index
        %swap3A_295 = arith.constant 32 : index
        %swap3A_296 = tpu.vector_load %arg8[%swap3A_293, %swap3A_294, %swap3A_295] {strides = array<i32>} : memref<2x64x128xf32, #tpu.memory_space<vmem>>, vector<1x1x16xf32>,
        %swap3A_297 = vector.shape_cast %swap3A_296 : vector<1x1x16xf32> to vector<16xf32>
        %swap3A_298 = vector.shape_cast %add3A_292 : vector<16xf32> to vector<1x1x16xf32>
        tpu.vector_store %arg8[%swap3A_293, %swap3A_294, %swap3A_295], %swap3A_298 {strides = array<i32>} : memref<2x64x128xf32, #tpu.memory_space<vmem>>, vector<1x1x16xf32>,
        %get3A_299 = arith.index_cast %rem3A_62 : i32 to index
        %get3A_300 = arith.index_cast %scan3A_247 : i32 to index
        %get3A_301 = arith.constant 48 : index
        %get3A_302 = tpu.vector_load %arg8[%get3A_299, %get3A_300, %get3A_301] {strides = array<i32>} : memref<2x64x128xf32, #tpu.memory_space<vmem>>, vector<1x1x16xf32>,
        %get3A_303 = vector.shape_cast %get3A_302 : vector<1x1x16xf32> to vector<16xf32>
        %get3A_304 = arith.index_cast %rem3A_62 : i32 to index
        %get3A_305 = arith.index_cast %scan3A_247 : i32 to index
        %get3A_306 = arith.constant 48 : index
        %get3A_307 = tpu.vector_load %arg9[%get3A_304, %get3A_305, %get3A_306] {strides = array<i32>} : memref<2x64x128xf32, #tpu.memory_space<vmem>>, vector<1x1x16xf32>,
        %get3A_308 = vector.shape_cast %get3A_307 : vector<1x1x16xf32> to vector<16xf32>
        %add3A_309 = arith.addf %get3A_303, %get3A_308 : vector<16xf32>
        %swap3A_310 = arith.index_cast %rem3A_62 : i32 to index
        %swap3A_311 = arith.index_cast %scan3A_247 : i32 to index
        %swap3A_312 = arith.constant 48 : index
        %swap3A_313 = tpu.vector_load %arg8[%swap3A_310, %swap3A_311, %swap3A_312] {strides = array<i32>} : memref<2x64x128xf32, #tpu.memory_space<vmem>>, vector<1x1x16xf32>,
        %swap3A_314 = vector.shape_cast %swap3A_313 : vector<1x1x16xf32> to vector<16xf32>
        %swap3A_315 = vector.shape_cast %add3A_309 : vector<16xf32> to vector<1x1x16xf32>
        tpu.vector_store %arg8[%swap3A_310, %swap3A_311, %swap3A_312], %swap3A_315 {strides = array<i32>} : memref<2x64x128xf32, #tpu.memory_space<vmem>>, vector<1x1x16xf32>,
        %get3A_316 = arith.index_cast %rem3A_62 : i32 to index
        %get3A_317 = arith.index_cast %scan3A_247 : i32 to index
        %get3A_318 = arith.constant 64 : index
        %get3A_319 = tpu.vector_load %arg8[%get3A_316, %get3A_317, %get3A_318] {strides = array<i32>} : memref<2x64x128xf32, #tpu.memory_space<vmem>>, vector<1x1x16xf32>,
        %get3A_320 = vector.shape_cast %get3A_319 : vector<1x1x16xf32> to vector<16xf32>
        %get3A_321 = arith.index_cast %rem3A_62 : i32 to index
        %get3A_322 = arith.index_cast %scan3A_247 : i32 to index
        %get3A_323 = arith.constant 64 : index
        %get3A_324 = tpu.vector_load %arg9[%get3A_321, %get3A_322, %get3A_323] {strides = array<i32>} : memref<2x64x128xf32, #tpu.memory_space<vmem>>, vector<1x1x16xf32>,
        %get3A_325 = vector.shape_cast %get3A_324 : vector<1x1x16xf32> to vector<16xf32>
        %add3A_326 = arith.addf %get3A_320, %get3A_325 : vector<16xf32>
        %swap3A_327 = arith.index_cast %rem3A_62 : i32 to index
        %swap3A_328 = arith.index_cast %scan3A_247 : i32 to index
        %swap3A_329 = arith.constant 64 : index
        %swap3A_330 = tpu.vector_load %arg8[%swap3A_327, %swap3A_328, %swap3A_329] {strides = array<i32>} : memref<2x64x128xf32, #tpu.memory_space<vmem>>, vector<1x1x16xf32>,
        %swap3A_331 = vector.shape_cast %swap3A_330 : vector<1x1x16xf32> to vector<16xf32>
        %swap3A_332 = vector.shape_cast %add3A_326 : vector<16xf32> to vector<1x1x16xf32>
        tpu.vector_store %arg8[%swap3A_327, %swap3A_328, %swap3A_329], %swap3A_332 {strides = array<i32>} : memref<2x64x128xf32, #tpu.memory_space<vmem>>, vector<1x1x16xf32>,
        %get3A_333 = arith.index_cast %rem3A_62 : i32 to index
        %get3A_334 = arith.index_cast %scan3A_247 : i32 to index
        %get3A_335 = arith.constant 80 : index
        %get3A_336 = tpu.vector_load %arg8[%get3A_333, %get3A_334, %get3A_335] {strides = array<i32>} : memref<2x64x128xf32, #tpu.memory_space<vmem>>, vector<1x1x16xf32>,
        %get3A_337 = vector.shape_cast %get3A_336 : vector<1x1x16xf32> to vector<16xf32>
        %get3A_338 = arith.index_cast %rem3A_62 : i32 to index
        %get3A_339 = arith.index_cast %scan3A_247 : i32 to index
        %get3A_340 = arith.constant 80 : index
        %get3A_341 = tpu.vector_load %arg9[%get3A_338, %get3A_339, %get3A_340] {strides = array<i32>} : memref<2x64x128xf32, #tpu.memory_space<vmem>>, vector<1x1x16xf32>,
        %get3A_342 = vector.shape_cast %get3A_341 : vector<1x1x16xf32> to vector<16xf32>
        %add3A_343 = arith.addf %get3A_337, %get3A_342 : vector<16xf32>
        %swap3A_344 = arith.index_cast %rem3A_62 : i32 to index
        %swap3A_345 = arith.index_cast %scan3A_247 : i32 to index
        %swap3A_346 = arith.constant 80 : index
        %swap3A_347 = tpu.vector_load %arg8[%swap3A_344, %swap3A_345, %swap3A_346] {strides = array<i32>} : memref<2x64x128xf32, #tpu.memory_space<vmem>>, vector<1x1x16xf32>,
        %swap3A_348 = vector.shape_cast %swap3A_347 : vector<1x1x16xf32> to vector<16xf32>
        %swap3A_349 = vector.shape_cast %add3A_343 : vector<16xf32> to vector<1x1x16xf32>
        tpu.vector_store %arg8[%swap3A_344, %swap3A_345, %swap3A_346], %swap3A_349 {strides = array<i32>} : memref<2x64x128xf32, #tpu.memory_space<vmem>>, vector<1x1x16xf32>,
        %get3A_350 = arith.index_cast %rem3A_62 : i32 to index
        %get3A_351 = arith.index_cast %scan3A_247 : i32 to index
        %get3A_352 = arith.constant 96 : index
        %get3A_353 = tpu.vector_load %arg8[%get3A_350, %get3A_351, %get3A_352] {strides = array<i32>} : memref<2x64x128xf32, #tpu.memory_space<vmem>>, vector<1x1x16xf32>,
        %get3A_354 = vector.shape_cast %get3A_353 : vector<1x1x16xf32> to vector<16xf32>
        %get3A_355 = arith.index_cast %rem3A_62 : i32 to index
        %get3A_356 = arith.index_cast %scan3A_247 : i32 to index
        %get3A_357 = arith.constant 96 : index
        %get3A_358 = tpu.vector_load %arg9[%get3A_355, %get3A_356, %get3A_357] {strides = array<i32>} : memref<2x64x128xf32, #tpu.memory_space<vmem>>, vector<1x1x16xf32>,
        %get3A_359 = vector.shape_cast %get3A_358 : vector<1x1x16xf32> to vector<16xf32>
        %add3A_360 = arith.addf %get3A_354, %get3A_359 : vector<16xf32>
        %swap3A_361 = arith.index_cast %rem3A_62 : i32 to index
        %swap3A_362 = arith.index_cast %scan3A_247 : i32 to index
        %swap3A_363 = arith.constant 96 : index
        %swap3A_364 = tpu.vector_load %arg8[%swap3A_361, %swap3A_362, %swap3A_363] {strides = array<i32>} : memref<2x64x128xf32, #tpu.memory_space<vmem>>, vector<1x1x16xf32>,
        %swap3A_365 = vector.shape_cast %swap3A_364 : vector<1x1x16xf32> to vector<16xf32>
        %swap3A_366 = vector.shape_cast %add3A_360 : vector<16xf32> to vector<1x1x16xf32>
        tpu.vector_store %arg8[%swap3A_361, %swap3A_362, %swap3A_363], %swap3A_366 {strides = array<i32>} : memref<2x64x128xf32, #tpu.memory_space<vmem>>, vector<1x1x16xf32>,
        %get3A_367 = arith.index_cast %rem3A_62 : i32 to index
        %get3A_368 = arith.index_cast %scan3A_247 : i32 to index
        %get3A_369 = arith.constant 112 : index
        %get3A_370 = tpu.vector_load %arg8[%get3A_367, %get3A_368, %get3A_369] {strides = array<i32>} : memref<2x64x128xf32, #tpu.memory_space<vmem>>, vector<1x1x16xf32>,
        %get3A_371 = vector.shape_cast %get3A_370 : vector<1x1x16xf32> to vector<16xf32>
        %get3A_372 = arith.index_cast %rem3A_62 : i32 to index
        %get3A_373 = arith.index_cast %scan3A_247 : i32 to index
        %get3A_374 = arith.constant 112 : index
        %get3A_375 = tpu.vector_load %arg9[%get3A_372, %get3A_373, %get3A_374] {strides = array<i32>} : memref<2x64x128xf32, #tpu.memory_space<vmem>>, vector<1x1x16xf32>,
        %get3A_376 = vector.shape_cast %get3A_375 : vector<1x1x16xf32> to vector<16xf32>
        %add3A_377 = arith.addf %get3A_371, %get3A_376 : vector<16xf32>
        %swap3A_378 = arith.index_cast %rem3A_62 : i32 to index
        %swap3A_379 = arith.index_cast %scan3A_247 : i32 to index
        %swap3A_380 = arith.constant 112 : index
        %swap3A_381 = tpu.vector_load %arg8[%swap3A_378, %swap3A_379, %swap3A_380] {strides = array<i32>} : memref<2x64x128xf32, #tpu.memory_space<vmem>>, vector<1x1x16xf32>,
        %swap3A_382 = vector.shape_cast %swap3A_381 : vector<1x1x16xf32> to vector<16xf32>
        %swap3A_383 = vector.shape_cast %add3A_377 : vector<16xf32> to vector<1x1x16xf32>
        tpu.vector_store %arg8[%swap3A_378, %swap3A_379, %swap3A_380], %swap3A_383 {strides = array<i32>} : memref<2x64x128xf32, #tpu.memory_space<vmem>>, vector<1x1x16xf32>,
        %scan3A_384 = arith.constant 2 : i32
        %scan3A_385 = arith.addi %scan3A_111, %scan3A_384 : i32
        %get3A_386 = arith.index_cast %rem3A_62 : i32 to index
        %get3A_387 = arith.index_cast %scan3A_385 : i32 to index
        %get3A_388 = arith.constant 0 : index
        %get3A_389 = tpu.vector_load %arg8[%get3A_386, %get3A_387, %get3A_388] {strides = array<i32>} : memref<2x64x128xf32, #tpu.memory_space<vmem>>, vector<1x1x16xf32>,
        %get3A_390 = vector.shape_cast %get3A_389 : vector<1x1x16xf32> to vector<16xf32>
        %get3A_391 = arith.index_cast %rem3A_62 : i32 to index
        %get3A_392 = arith.index_cast %scan3A_385 : i32 to index
        %get3A_393 = arith.constant 0 : index
        %get3A_394 = tpu.vector_load %arg9[%get3A_391, %get3A_392, %get3A_393] {strides = array<i32>} : memref<2x64x128xf32, #tpu.memory_space<vmem>>, vector<1x1x16xf32>,
        %get3A_395 = vector.shape_cast %get3A_394 : vector<1x1x16xf32> to vector<16xf32>
        %add3A_396 = arith.addf %get3A_390, %get3A_395 : vector<16xf32>
        %swap3A_397 = arith.index_cast %rem3A_62 : i32 to index
        %swap3A_398 = arith.index_cast %scan3A_385 : i32 to index
        %swap3A_399 = arith.constant 0 : index
        %swap3A_400 = tpu.vector_load %arg8[%swap3A_397, %swap3A_398, %swap3A_399] {strides = array<i32>} : memref<2x64x128xf32, #tpu.memory_space<vmem>>, vector<1x1x16xf32>,
        %swap3A_401 = vector.shape_cast %swap3A_400 : vector<1x1x16xf32> to vector<16xf32>
        %swap3A_402 = vector.shape_cast %add3A_396 : vector<16xf32> to vector<1x1x16xf32>
        tpu.vector_store %arg8[%swap3A_397, %swap3A_398, %swap3A_399], %swap3A_402 {strides = array<i32>} : memref<2x64x128xf32, #tpu.memory_space<vmem>>, vector<1x1x16xf32>,
        %get3A_403 = arith.index_cast %rem3A_62 : i32 to index
        %get3A_404 = arith.index_cast %scan3A_385 : i32 to index
        %get3A_405 = arith.constant 16 : index
        %get3A_406 = tpu.vector_load %arg8[%get3A_403, %get3A_404, %get3A_405] {strides = array<i32>} : memref<2x64x128xf32, #tpu.memory_space<vmem>>, vector<1x1x16xf32>,
        %get3A_407 = vector.shape_cast %get3A_406 : vector<1x1x16xf32> to vector<16xf32>
        %get3A_408 = arith.index_cast %rem3A_62 : i32 to index
        %get3A_409 = arith.index_cast %scan3A_385 : i32 to index
        %get3A_410 = arith.constant 16 : index
        %get3A_411 = tpu.vector_load %arg9[%get3A_408, %get3A_409, %get3A_410] {strides = array<i32>} : memref<2x64x128xf32, #tpu.memory_space<vmem>>, vector<1x1x16xf32>,
        %get3A_412 = vector.shape_cast %get3A_411 : vector<1x1x16xf32> to vector<16xf32>
        %add3A_413 = arith.addf %get3A_407, %get3A_412 : vector<16xf32>
        %swap3A_414 = arith.index_cast %rem3A_62 : i32 to index
        %swap3A_415 = arith.index_cast %scan3A_385 : i32 to index
        %swap3A_416 = arith.constant 16 : index
        %swap3A_417 = tpu.vector_load %arg8[%swap3A_414, %swap3A_415, %swap3A_416] {strides = array<i32>} : memref<2x64x128xf32, #tpu.memory_space<vmem>>, vector<1x1x16xf32>,
        %swap3A_418 = vector.shape_cast %swap3A_417 : vector<1x1x16xf32> to vector<16xf32>
        %swap3A_419 = vector.shape_cast %add3A_413 : vector<16xf32> to vector<1x1x16xf32>
        tpu.vector_store %arg8[%swap3A_414, %swap3A_415, %swap3A_416], %swap3A_419 {strides = array<i32>} : memref<2x64x128xf32, #tpu.memory_space<vmem>>, vector<1x1x16xf32>,
        %get3A_420 = arith.index_cast %rem3A_62 : i32 to index
        %get3A_421 = arith.index_cast %scan3A_385 : i32 to index
        %get3A_422 = arith.constant 32 : index
        %get3A_423 = tpu.vector_load %arg8[%get3A_420, %get3A_421, %get3A_422] {strides = array<i32>} : memref<2x64x128xf32, #tpu.memory_space<vmem>>, vector<1x1x16xf32>,
        %get3A_424 = vector.shape_cast %get3A_423 : vector<1x1x16xf32> to vector<16xf32>
        %get3A_425 = arith.index_cast %rem3A_62 : i32 to index
        %get3A_426 = arith.index_cast %scan3A_385 : i32 to index
        %get3A_427 = arith.constant 32 : index
        %get3A_428 = tpu.vector_load %arg9[%get3A_425, %get3A_426, %get3A_427] {strides = array<i32>} : memref<2x64x128xf32, #tpu.memory_space<vmem>>, vector<1x1x16xf32>,
        %get3A_429 = vector.shape_cast %get3A_428 : vector<1x1x16xf32> to vector<16xf32>
        %add3A_430 = arith.addf %get3A_424, %get3A_429 : vector<16xf32>
        %swap3A_431 = arith.index_cast %rem3A_62 : i32 to index
        %swap3A_432 = arith.index_cast %scan3A_385 : i32 to index
        %swap3A_433 = arith.constant 32 : index
        %swap3A_434 = tpu.vector_load %arg8[%swap3A_431, %swap3A_432, %swap3A_433] {strides = array<i32>} : memref<2x64x128xf32, #tpu.memory_space<vmem>>, vector<1x1x16xf32>,
        %swap3A_435 = vector.shape_cast %swap3A_434 : vector<1x1x16xf32> to vector<16xf32>
        %swap3A_436 = vector.shape_cast %add3A_430 : vector<16xf32> to vector<1x1x16xf32>
        tpu.vector_store %arg8[%swap3A_431, %swap3A_432, %swap3A_433], %swap3A_436 {strides = array<i32>} : memref<2x64x128xf32, #tpu.memory_space<vmem>>, vector<1x1x16xf32>,
        %get3A_437 = arith.index_cast %rem3A_62 : i32 to index
        %get3A_438 = arith.index_cast %scan3A_385 : i32 to index
        %get3A_439 = arith.constant 48 : index
        %get3A_440 = tpu.vector_load %arg8[%get3A_437, %get3A_438, %get3A_439] {strides = array<i32>} : memref<2x64x128xf32, #tpu.memory_space<vmem>>, vector<1x1x16xf32>,
        %get3A_441 = vector.shape_cast %get3A_440 : vector<1x1x16xf32> to vector<16xf32>
        %get3A_442 = arith.index_cast %rem3A_62 : i32 to index
        %get3A_443 = arith.index_cast %scan3A_385 : i32 to index
        %get3A_444 = arith.constant 48 : index
        %get3A_445 = tpu.vector_load %arg9[%get3A_442, %get3A_443, %get3A_444] {strides = array<i32>} : memref<2x64x128xf32, #tpu.memory_space<vmem>>, vector<1x1x16xf32>,
        %get3A_446 = vector.shape_cast %get3A_445 : vector<1x1x16xf32> to vector<16xf32>
        %add3A_447 = arith.addf %get3A_441, %get3A_446 : vector<16xf32>
        %swap3A_448 = arith.index_cast %rem3A_62 : i32 to index
        %swap3A_449 = arith.index_cast %scan3A_385 : i32 to index
        %swap3A_450 = arith.constant 48 : index
        %swap3A_451 = tpu.vector_load %arg8[%swap3A_448, %swap3A_449, %swap3A_450] {strides = array<i32>} : memref<2x64x128xf32, #tpu.memory_space<vmem>>, vector<1x1x16xf32>,
        %swap3A_452 = vector.shape_cast %swap3A_451 : vector<1x1x16xf32> to vector<16xf32>
        %swap3A_453 = vector.shape_cast %add3A_447 : vector<16xf32> to vector<1x1x16xf32>
        tpu.vector_store %arg8[%swap3A_448, %swap3A_449, %swap3A_450], %swap3A_453 {strides = array<i32>} : memref<2x64x128xf32, #tpu.memory_space<vmem>>, vector<1x1x16xf32>,
        %get3A_454 = arith.index_cast %rem3A_62 : i32 to index
        %get3A_455 = arith.index_cast %scan3A_385 : i32 to index
        %get3A_456 = arith.constant 64 : index
        %get3A_457 = tpu.vector_load %arg8[%get3A_454, %get3A_455, %get3A_456] {strides = array<i32>} : memref<2x64x128xf32, #tpu.memory_space<vmem>>, vector<1x1x16xf32>,
        %get3A_458 = vector.shape_cast %get3A_457 : vector<1x1x16xf32> to vector<16xf32>
        %get3A_459 = arith.index_cast %rem3A_62 : i32 to index
        %get3A_460 = arith.index_cast %scan3A_385 : i32 to index
        %get3A_461 = arith.constant 64 : index
        %get3A_462 = tpu.vector_load %arg9[%get3A_459, %get3A_460, %get3A_461] {strides = array<i32>} : memref<2x64x128xf32, #tpu.memory_space<vmem>>, vector<1x1x16xf32>,
        %get3A_463 = vector.shape_cast %get3A_462 : vector<1x1x16xf32> to vector<16xf32>
        %add3A_464 = arith.addf %get3A_458, %get3A_463 : vector<16xf32>
        %swap3A_465 = arith.index_cast %rem3A_62 : i32 to index
        %swap3A_466 = arith.index_cast %scan3A_385 : i32 to index
        %swap3A_467 = arith.constant 64 : index
        %swap3A_468 = tpu.vector_load %arg8[%swap3A_465, %swap3A_466, %swap3A_467] {strides = array<i32>} : memref<2x64x128xf32, #tpu.memory_space<vmem>>, vector<1x1x16xf32>,
        %swap3A_469 = vector.shape_cast %swap3A_468 : vector<1x1x16xf32> to vector<16xf32>
        %swap3A_470 = vector.shape_cast %add3A_464 : vector<16xf32> to vector<1x1x16xf32>
        tpu.vector_store %arg8[%swap3A_465, %swap3A_466, %swap3A_467], %swap3A_470 {strides = array<i32>} : memref<2x64x128xf32, #tpu.memory_space<vmem>>, vector<1x1x16xf32>,
        %get3A_471 = arith.index_cast %rem3A_62 : i32 to index
        %get3A_472 = arith.index_cast %scan3A_385 : i32 to index
        %get3A_473 = arith.constant 80 : index
        %get3A_474 = tpu.vector_load %arg8[%get3A_471, %get3A_472, %get3A_473] {strides = array<i32>} : memref<2x64x128xf32, #tpu.memory_space<vmem>>, vector<1x1x16xf32>,
        %get3A_475 = vector.shape_cast %get3A_474 : vector<1x1x16xf32> to vector<16xf32>
        %get3A_476 = arith.index_cast %rem3A_62 : i32 to index
        %get3A_477 = arith.index_cast %scan3A_385 : i32 to index
        %get3A_478 = arith.constant 80 : index
        %get3A_479 = tpu.vector_load %arg9[%get3A_476, %get3A_477, %get3A_478] {strides = array<i32>} : memref<2x64x128xf32, #tpu.memory_space<vmem>>, vector<1x1x16xf32>,
        %get3A_480 = vector.shape_cast %get3A_479 : vector<1x1x16xf32> to vector<16xf32>
        %add3A_481 = arith.addf %get3A_475, %get3A_480 : vector<16xf32>
        %swap3A_482 = arith.index_cast %rem3A_62 : i32 to index
        %swap3A_483 = arith.index_cast %scan3A_385 : i32 to index
        %swap3A_484 = arith.constant 80 : index
        %swap3A_485 = tpu.vector_load %arg8[%swap3A_482, %swap3A_483, %swap3A_484] {strides = array<i32>} : memref<2x64x128xf32, #tpu.memory_space<vmem>>, vector<1x1x16xf32>,
        %swap3A_486 = vector.shape_cast %swap3A_485 : vector<1x1x16xf32> to vector<16xf32>
        %swap3A_487 = vector.shape_cast %add3A_481 : vector<16xf32> to vector<1x1x16xf32>
        tpu.vector_store %arg8[%swap3A_482, %swap3A_483, %swap3A_484], %swap3A_487 {strides = array<i32>} : memref<2x64x128xf32, #tpu.memory_space<vmem>>, vector<1x1x16xf32>,
        %get3A_488 = arith.index_cast %rem3A_62 : i32 to index
        %get3A_489 = arith.index_cast %scan3A_385 : i32 to index
        %get3A_490 = arith.constant 96 : index
        %get3A_491 = tpu.vector_load %arg8[%get3A_488, %get3A_489, %get3A_490] {strides = array<i32>} : memref<2x64x128xf32, #tpu.memory_space<vmem>>, vector<1x1x16xf32>,
        %get3A_492 = vector.shape_cast %get3A_491 : vector<1x1x16xf32> to vector<16xf32>
        %get3A_493 = arith.index_cast %rem3A_62 : i32 to index
        %get3A_494 = arith.index_cast %scan3A_385 : i32 to index
        %get3A_495 = arith.constant 96 : index
        %get3A_496 = tpu.vector_load %arg9[%get3A_493, %get3A_494, %get3A_495] {strides = array<i32>} : memref<2x64x128xf32, #tpu.memory_space<vmem>>, vector<1x1x16xf32>,
        %get3A_497 = vector.shape_cast %get3A_496 : vector<1x1x16xf32> to vector<16xf32>
        %add3A_498 = arith.addf %get3A_492, %get3A_497 : vector<16xf32>
        %swap3A_499 = arith.index_cast %rem3A_62 : i32 to index
        %swap3A_500 = arith.index_cast %scan3A_385 : i32 to index
        %swap3A_501 = arith.constant 96 : index
        %swap3A_502 = tpu.vector_load %arg8[%swap3A_499, %swap3A_500, %swap3A_501] {strides = array<i32>} : memref<2x64x128xf32, #tpu.memory_space<vmem>>, vector<1x1x16xf32>,
        %swap3A_503 = vector.shape_cast %swap3A_502 : vector<1x1x16xf32> to vector<16xf32>
        %swap3A_504 = vector.shape_cast %add3A_498 : vector<16xf32> to vector<1x1x16xf32>
        tpu.vector_store %arg8[%swap3A_499, %swap3A_500, %swap3A_501], %swap3A_504 {strides = array<i32>} : memref<2x64x128xf32, #tpu.memory_space<vmem>>, vector<1x1x16xf32>,
        %get3A_505 = arith.index_cast %rem3A_62 : i32 to index
        %get3A_506 = arith.index_cast %scan3A_385 : i32 to index
        %get3A_507 = arith.constant 112 : index
        %get3A_508 = tpu.vector_load %arg8[%get3A_505, %get3A_506, %get3A_507] {strides = array<i32>} : memref<2x64x128xf32, #tpu.memory_space<vmem>>, vector<1x1x16xf32>,
        %get3A_509 = vector.shape_cast %get3A_508 : vector<1x1x16xf32> to vector<16xf32>
        %get3A_510 = arith.index_cast %rem3A_62 : i32 to index
        %get3A_511 = arith.index_cast %scan3A_385 : i32 to index
        %get3A_512 = arith.constant 112 : index
        %get3A_513 = tpu.vector_load %arg9[%get3A_510, %get3A_511, %get3A_512] {strides = array<i32>} : memref<2x64x128xf32, #tpu.memory_space<vmem>>, vector<1x1x16xf32>,
        %get3A_514 = vector.shape_cast %get3A_513 : vector<1x1x16xf32> to vector<16xf32>
        %add3A_515 = arith.addf %get3A_509, %get3A_514 : vector<16xf32>
        %swap3A_516 = arith.index_cast %rem3A_62 : i32 to index
        %swap3A_517 = arith.index_cast %scan3A_385 : i32 to index
        %swap3A_518 = arith.constant 112 : index
        %swap3A_519 = tpu.vector_load %arg8[%swap3A_516, %swap3A_517, %swap3A_518] {strides = array<i32>} : memref<2x64x128xf32, #tpu.memory_space<vmem>>, vector<1x1x16xf32>,
        %swap3A_520 = vector.shape_cast %swap3A_519 : vector<1x1x16xf32> to vector<16xf32>
        %swap3A_521 = vector.shape_cast %add3A_515 : vector<16xf32> to vector<1x1x16xf32>
        tpu.vector_store %arg8[%swap3A_516, %swap3A_517, %swap3A_518], %swap3A_521 {strides = array<i32>} : memref<2x64x128xf32, #tpu.memory_space<vmem>>, vector<1x1x16xf32>,
        %scan3A_522 = arith.constant 3 : i32
        %scan3A_523 = arith.addi %scan3A_111, %scan3A_522 : i32
        %get3A_524 = arith.index_cast %rem3A_62 : i32 to index
        %get3A_525 = arith.index_cast %scan3A_523 : i32 to index
        %get3A_526 = arith.constant 0 : index
        %get3A_527 = tpu.vector_load %arg8[%get3A_524, %get3A_525, %get3A_526] {strides = array<i32>} : memref<2x64x128xf32, #tpu.memory_space<vmem>>, vector<1x1x16xf32>,
        %get3A_528 = vector.shape_cast %get3A_527 : vector<1x1x16xf32> to vector<16xf32>
        %get3A_529 = arith.index_cast %rem3A_62 : i32 to index
        %get3A_530 = arith.index_cast %scan3A_523 : i32 to index
        %get3A_531 = arith.constant 0 : index
        %get3A_532 = tpu.vector_load %arg9[%get3A_529, %get3A_530, %get3A_531] {strides = array<i32>} : memref<2x64x128xf32, #tpu.memory_space<vmem>>, vector<1x1x16xf32>,
        %get3A_533 = vector.shape_cast %get3A_532 : vector<1x1x16xf32> to vector<16xf32>
        %add3A_534 = arith.addf %get3A_528, %get3A_533 : vector<16xf32>
        %swap3A_535 = arith.index_cast %rem3A_62 : i32 to index
        %swap3A_536 = arith.index_cast %scan3A_523 : i32 to index
        %swap3A_537 = arith.constant 0 : index
        %swap3A_538 = tpu.vector_load %arg8[%swap3A_535, %swap3A_536, %swap3A_537] {strides = array<i32>} : memref<2x64x128xf32, #tpu.memory_space<vmem>>, vector<1x1x16xf32>,
        %swap3A_539 = vector.shape_cast %swap3A_538 : vector<1x1x16xf32> to vector<16xf32>
        %swap3A_540 = vector.shape_cast %add3A_534 : vector<16xf32> to vector<1x1x16xf32>
        tpu.vector_store %arg8[%swap3A_535, %swap3A_536, %swap3A_537], %swap3A_540 {strides = array<i32>} : memref<2x64x128xf32, #tpu.memory_space<vmem>>, vector<1x1x16xf32>,
        %get3A_541 = arith.index_cast %rem3A_62 : i32 to index
        %get3A_542 = arith.index_cast %scan3A_523 : i32 to index
        %get3A_543 = arith.constant 16 : index
        %get3A_544 = tpu.vector_load %arg8[%get3A_541, %get3A_542, %get3A_543] {strides = array<i32>} : memref<2x64x128xf32, #tpu.memory_space<vmem>>, vector<1x1x16xf32>,
        %get3A_545 = vector.shape_cast %get3A_544 : vector<1x1x16xf32> to vector<16xf32>
        %get3A_546 = arith.index_cast %rem3A_62 : i32 to index
        %get3A_547 = arith.index_cast %scan3A_523 : i32 to index
        %get3A_548 = arith.constant 16 : index
        %get3A_549 = tpu.vector_load %arg9[%get3A_546, %get3A_547, %get3A_548] {strides = array<i32>} : memref<2x64x128xf32, #tpu.memory_space<vmem>>, vector<1x1x16xf32>,
        %get3A_550 = vector.shape_cast %get3A_549 : vector<1x1x16xf32> to vector<16xf32>
        %add3A_551 = arith.addf %get3A_545, %get3A_550 : vector<16xf32>
        %swap3A_552 = arith.index_cast %rem3A_62 : i32 to index
        %swap3A_553 = arith.index_cast %scan3A_523 : i32 to index
        %swap3A_554 = arith.constant 16 : index
        %swap3A_555 = tpu.vector_load %arg8[%swap3A_552, %swap3A_553, %swap3A_554] {strides = array<i32>} : memref<2x64x128xf32, #tpu.memory_space<vmem>>, vector<1x1x16xf32>,
        %swap3A_556 = vector.shape_cast %swap3A_555 : vector<1x1x16xf32> to vector<16xf32>
        %swap3A_557 = vector.shape_cast %add3A_551 : vector<16xf32> to vector<1x1x16xf32>
        tpu.vector_store %arg8[%swap3A_552, %swap3A_553, %swap3A_554], %swap3A_557 {strides = array<i32>} : memref<2x64x128xf32, #tpu.memory_space<vmem>>, vector<1x1x16xf32>,
        %get3A_558 = arith.index_cast %rem3A_62 : i32 to index
        %get3A_559 = arith.index_cast %scan3A_523 : i32 to index
        %get3A_560 = arith.constant 32 : index
        %get3A_561 = tpu.vector_load %arg8[%get3A_558, %get3A_559, %get3A_560] {strides = array<i32>} : memref<2x64x128xf32, #tpu.memory_space<vmem>>, vector<1x1x16xf32>,
        %get3A_562 = vector.shape_cast %get3A_561 : vector<1x1x16xf32> to vector<16xf32>
        %get3A_563 = arith.index_cast %rem3A_62 : i32 to index
        %get3A_564 = arith.index_cast %scan3A_523 : i32 to index
        %get3A_565 = arith.constant 32 : index
        %get3A_566 = tpu.vector_load %arg9[%get3A_563, %get3A_564, %get3A_565] {strides = array<i32>} : memref<2x64x128xf32, #tpu.memory_space<vmem>>, vector<1x1x16xf32>,
        %get3A_567 = vector.shape_cast %get3A_566 : vector<1x1x16xf32> to vector<16xf32>
        %add3A_568 = arith.addf %get3A_562, %get3A_567 : vector<16xf32>
        %swap3A_569 = arith.index_cast %rem3A_62 : i32 to index
        %swap3A_570 = arith.index_cast %scan3A_523 : i32 to index
        %swap3A_571 = arith.constant 32 : index
        %swap3A_572 = tpu.vector_load %arg8[%swap3A_569, %swap3A_570, %swap3A_571] {strides = array<i32>} : memref<2x64x128xf32, #tpu.memory_space<vmem>>, vector<1x1x16xf32>,
        %swap3A_573 = vector.shape_cast %swap3A_572 : vector<1x1x16xf32> to vector<16xf32>
        %swap3A_574 = vector.shape_cast %add3A_568 : vector<16xf32> to vector<1x1x16xf32>
        tpu.vector_store %arg8[%swap3A_569, %swap3A_570, %swap3A_571], %swap3A_574 {strides = array<i32>} : memref<2x64x128xf32, #tpu.memory_space<vmem>>, vector<1x1x16xf32>,
        %get3A_575 = arith.index_cast %rem3A_62 : i32 to index
        %get3A_576 = arith.index_cast %scan3A_523 : i32 to index
        %get3A_577 = arith.constant 48 : index
        %get3A_578 = tpu.vector_load %arg8[%get3A_575, %get3A_576, %get3A_577] {strides = array<i32>} : memref<2x64x128xf32, #tpu.memory_space<vmem>>, vector<1x1x16xf32>,
        %get3A_579 = vector.shape_cast %get3A_578 : vector<1x1x16xf32> to vector<16xf32>
        %get3A_580 = arith.index_cast %rem3A_62 : i32 to index
        %get3A_581 = arith.index_cast %scan3A_523 : i32 to index
        %get3A_582 = arith.constant 48 : index
        %get3A_583 = tpu.vector_load %arg9[%get3A_580, %get3A_581, %get3A_582] {strides = array<i32>} : memref<2x64x128xf32, #tpu.memory_space<vmem>>, vector<1x1x16xf32>,
        %get3A_584 = vector.shape_cast %get3A_583 : vector<1x1x16xf32> to vector<16xf32>
        %add3A_585 = arith.addf %get3A_579, %get3A_584 : vector<16xf32>
        %swap3A_586 = arith.index_cast %rem3A_62 : i32 to index
        %swap3A_587 = arith.index_cast %scan3A_523 : i32 to index
        %swap3A_588 = arith.constant 48 : index
        %swap3A_589 = tpu.vector_load %arg8[%swap3A_586, %swap3A_587, %swap3A_588] {strides = array<i32>} : memref<2x64x128xf32, #tpu.memory_space<vmem>>, vector<1x1x16xf32>,
        %swap3A_590 = vector.shape_cast %swap3A_589 : vector<1x1x16xf32> to vector<16xf32>
        %swap3A_591 = vector.shape_cast %add3A_585 : vector<16xf32> to vector<1x1x16xf32>
        tpu.vector_store %arg8[%swap3A_586, %swap3A_587, %swap3A_588], %swap3A_591 {strides = array<i32>} : memref<2x64x128xf32, #tpu.memory_space<vmem>>, vector<1x1x16xf32>,
        %get3A_592 = arith.index_cast %rem3A_62 : i32 to index
        %get3A_593 = arith.index_cast %scan3A_523 : i32 to index
        %get3A_594 = arith.constant 64 : index
        %get3A_595 = tpu.vector_load %arg8[%get3A_592, %get3A_593, %get3A_594] {strides = array<i32>} : memref<2x64x128xf32, #tpu.memory_space<vmem>>, vector<1x1x16xf32>,
        %get3A_596 = vector.shape_cast %get3A_595 : vector<1x1x16xf32> to vector<16xf32>
        %get3A_597 = arith.index_cast %rem3A_62 : i32 to index
        %get3A_598 = arith.index_cast %scan3A_523 : i32 to index
        %get3A_599 = arith.constant 64 : index
        %get3A_600 = tpu.vector_load %arg9[%get3A_597, %get3A_598, %get3A_599] {strides = array<i32>} : memref<2x64x128xf32, #tpu.memory_space<vmem>>, vector<1x1x16xf32>,
        %get3A_601 = vector.shape_cast %get3A_600 : vector<1x1x16xf32> to vector<16xf32>
        %add3A_602 = arith.addf %get3A_596, %get3A_601 : vector<16xf32>
        %swap3A_603 = arith.index_cast %rem3A_62 : i32 to index
        %swap3A_604 = arith.index_cast %scan3A_523 : i32 to index
        %swap3A_605 = arith.constant 64 : index
        %swap3A_606 = tpu.vector_load %arg8[%swap3A_603, %swap3A_604, %swap3A_605] {strides = array<i32>} : memref<2x64x128xf32, #tpu.memory_space<vmem>>, vector<1x1x16xf32>,
        %swap3A_607 = vector.shape_cast %swap3A_606 : vector<1x1x16xf32> to vector<16xf32>
        %swap3A_608 = vector.shape_cast %add3A_602 : vector<16xf32> to vector<1x1x16xf32>
        tpu.vector_store %arg8[%swap3A_603, %swap3A_604, %swap3A_605], %swap3A_608 {strides = array<i32>} : memref<2x64x128xf32, #tpu.memory_space<vmem>>, vector<1x1x16xf32>,
        %get3A_609 = arith.index_cast %rem3A_62 : i32 to index
        %get3A_610 = arith.index_cast %scan3A_523 : i32 to index
        %get3A_611 = arith.constant 80 : index
        %get3A_612 = tpu.vector_load %arg8[%get3A_609, %get3A_610, %get3A_611] {strides = array<i32>} : memref<2x64x128xf32, #tpu.memory_space<vmem>>, vector<1x1x16xf32>,
        %get3A_613 = vector.shape_cast %get3A_612 : vector<1x1x16xf32> to vector<16xf32>
        %get3A_614 = arith.index_cast %rem3A_62 : i32 to index
        %get3A_615 = arith.index_cast %scan3A_523 : i32 to index
        %get3A_616 = arith.constant 80 : index
        %get3A_617 = tpu.vector_load %arg9[%get3A_614, %get3A_615, %get3A_616] {strides = array<i32>} : memref<2x64x128xf32, #tpu.memory_space<vmem>>, vector<1x1x16xf32>,
        %get3A_618 = vector.shape_cast %get3A_617 : vector<1x1x16xf32> to vector<16xf32>
        %add3A_619 = arith.addf %get3A_613, %get3A_618 : vector<16xf32>
        %swap3A_620 = arith.index_cast %rem3A_62 : i32 to index
        %swap3A_621 = arith.index_cast %scan3A_523 : i32 to index
        %swap3A_622 = arith.constant 80 : index
        %swap3A_623 = tpu.vector_load %arg8[%swap3A_620, %swap3A_621, %swap3A_622] {strides = array<i32>} : memref<2x64x128xf32, #tpu.memory_space<vmem>>, vector<1x1x16xf32>,
        %swap3A_624 = vector.shape_cast %swap3A_623 : vector<1x1x16xf32> to vector<16xf32>
        %swap3A_625 = vector.shape_cast %add3A_619 : vector<16xf32> to vector<1x1x16xf32>
        tpu.vector_store %arg8[%swap3A_620, %swap3A_621, %swap3A_622], %swap3A_625 {strides = array<i32>} : memref<2x64x128xf32, #tpu.memory_space<vmem>>, vector<1x1x16xf32>,
        %get3A_626 = arith.index_cast %rem3A_62 : i32 to index
        %get3A_627 = arith.index_cast %scan3A_523 : i32 to index
        %get3A_628 = arith.constant 96 : index
        %get3A_629 = tpu.vector_load %arg8[%get3A_626, %get3A_627, %get3A_628] {strides = array<i32>} : memref<2x64x128xf32, #tpu.memory_space<vmem>>, vector<1x1x16xf32>,
        %get3A_630 = vector.shape_cast %get3A_629 : vector<1x1x16xf32> to vector<16xf32>
        %get3A_631 = arith.index_cast %rem3A_62 : i32 to index
        %get3A_632 = arith.index_cast %scan3A_523 : i32 to index
        %get3A_633 = arith.constant 96 : index
        %get3A_634 = tpu.vector_load %arg9[%get3A_631, %get3A_632, %get3A_633] {strides = array<i32>} : memref<2x64x128xf32, #tpu.memory_space<vmem>>, vector<1x1x16xf32>,
        %get3A_635 = vector.shape_cast %get3A_634 : vector<1x1x16xf32> to vector<16xf32>
        %add3A_636 = arith.addf %get3A_630, %get3A_635 : vector<16xf32>
        %swap3A_637 = arith.index_cast %rem3A_62 : i32 to index
        %swap3A_638 = arith.index_cast %scan3A_523 : i32 to index
        %swap3A_639 = arith.constant 96 : index
        %swap3A_640 = tpu.vector_load %arg8[%swap3A_637, %swap3A_638, %swap3A_639] {strides = array<i32>} : memref<2x64x128xf32, #tpu.memory_space<vmem>>, vector<1x1x16xf32>,
        %swap3A_641 = vector.shape_cast %swap3A_640 : vector<1x1x16xf32> to vector<16xf32>
        %swap3A_642 = vector.shape_cast %add3A_636 : vector<16xf32> to vector<1x1x16xf32>
        tpu.vector_store %arg8[%swap3A_637, %swap3A_638, %swap3A_639], %swap3A_642 {strides = array<i32>} : memref<2x64x128xf32, #tpu.memory_space<vmem>>, vector<1x1x16xf32>,
        %get3A_643 = arith.index_cast %rem3A_62 : i32 to index
        %get3A_644 = arith.index_cast %scan3A_523 : i32 to index
        %get3A_645 = arith.constant 112 : index
        %get3A_646 = tpu.vector_load %arg8[%get3A_643, %get3A_644, %get3A_645] {strides = array<i32>} : memref<2x64x128xf32, #tpu.memory_space<vmem>>, vector<1x1x16xf32>,
        %get3A_647 = vector.shape_cast %get3A_646 : vector<1x1x16xf32> to vector<16xf32>
        %get3A_648 = arith.index_cast %rem3A_62 : i32 to index
        %get3A_649 = arith.index_cast %scan3A_523 : i32 to index
        %get3A_650 = arith.constant 112 : index
        %get3A_651 = tpu.vector_load %arg9[%get3A_648, %get3A_649, %get3A_650] {strides = array<i32>} : memref<2x64x128xf32, #tpu.memory_space<vmem>>, vector<1x1x16xf32>,
        %get3A_652 = vector.shape_cast %get3A_651 : vector<1x1x16xf32> to vector<16xf32>
        %add3A_653 = arith.addf %get3A_647, %get3A_652 : vector<16xf32>
        %swap3A_654 = arith.index_cast %rem3A_62 : i32 to index
        %swap3A_655 = arith.index_cast %scan3A_523 : i32 to index
        %swap3A_656 = arith.constant 112 : index
        %swap3A_657 = tpu.vector_load %arg8[%swap3A_654, %swap3A_655, %swap3A_656] {strides = array<i32>} : memref<2x64x128xf32, #tpu.memory_space<vmem>>, vector<1x1x16xf32>,
        %swap3A_658 = vector.shape_cast %swap3A_657 : vector<1x1x16xf32> to vector<16xf32>
        %swap3A_659 = vector.shape_cast %add3A_653 : vector<16xf32> to vector<1x1x16xf32>
        tpu.vector_store %arg8[%swap3A_654, %swap3A_655, %swap3A_656], %swap3A_659 {strides = array<i32>} : memref<2x64x128xf32, #tpu.memory_space<vmem>>, vector<1x1x16xf32>,
      }
      %scan3A_93 = arith.constant 64 : i32
      %mul3A_94 = arith.constant 3200 : i32
      %mul3A_95 = arith.muli %add3A, %mul3A_94 : i32
      %mul3A_96 = arith.constant 64 : i32
      %mul3A_97 = arith.muli %scan3A_60, %mul3A_96 : i32
      %add3A_98 = arith.addi %mul3A_95, %mul3A_97 : i32
      %dma_start3A_99 = arith.constant 0 : i32
      %dma_start3A_100 = arith.constant 0 : i32
      %dma_start3A_101 = tpu.memref_slice %arg8[%rem3A_62, %dma_start3A_99, %dma_start3A_100] : memref<2x64x128xf32, #tpu.memory_space<vmem>> -> memref<1x64x128xf32, #tpu.memory_space<vmem>>
      %dma_start3A_102 = tpu.memref_squeeze %dma_start3A_101 : memref<1x64x128xf32, #tpu.memory_space<vmem>> -> memref<64x128xf32, #tpu.memory_space<vmem>>
      %dma_start3A_103 = arith.constant 0 : i32
      %dma_start3A_104 = tpu.memref_slice %arg5[%add3A_98, %dma_start3A_103] : memref<102400x128xf32, #tpu.memory_space<hbm>> -> memref<64x128xf32, #tpu.memory_space<hbm>>
      %dma_start3A_105 = arith.constant 0 : i32
      %dma_start3A_106 = tpu.memref_slice %arg5[%add3A_98, %dma_start3A_105] : memref<102400x128xf32, #tpu.memory_space<hbm>> -> memref<64x128xf32, #tpu.memory_space<hbm>>
      %dma_start3A_107 = arith.constant 0 : i32
      %dma_start3A_108 = arith.constant 0 : i32
      %dma_start3A_109 = tpu.memref_slice %arg8[%rem3A_62, %dma_start3A_107, %dma_start3A_108] : memref<2x64x128xf32, #tpu.memory_space<vmem>> -> memref<1x64x128xf32, #tpu.memory_space<vmem>>
      %dma_start3A_110 = tpu.memref_squeeze %dma_start3A_109 : memref<1x64x128xf32, #tpu.memory_space<vmem>> -> memref<64x128xf32, #tpu.memory_space<vmem>>
      tpu.enqueue_dma source(%dma_start3A_110 : memref<64x128xf32, #tpu.memory_space<vmem>>) target(%dma_start3A_106 : memref<64x128xf32, #tpu.memory_space<hbm>>) target_semaphore(%arg12 : memref<!tpu.dma_semaphore, #tpu.memory_space<semaphore_mem>>)
    }
    %scan3A_43 = arith.constant 50 : i32
    %rem3A = arith.constant 49 : i32
    %rem3A_44 = arith.constant 2 : i32
    %rem3A_45 = arith.remsi %rem3A, %rem3A_44 : i32
    %mul3A_46 = arith.constant 3200 : i32
    %mul3A_47 = arith.muli %add3A, %mul3A_46 : i32
    %dma_wait3A_48 = arith.constant 0 : i32
    %dma_wait3A_49 = arith.constant 0 : i32
    %dma_wait3A_50 = tpu.memref_slice %arg8[%rem3A_45, %dma_wait3A_48, %dma_wait3A_49] : memref<2x64x128xf32, #tpu.memory_space<vmem>> -> memref<1x64x128xf32, #tpu.memory_space<vmem>>
    %dma_wait3A_51 = tpu.memref_squeeze %dma_wait3A_50 : memref<1x64x128xf32, #tpu.memory_space<vmem>> -> memref<64x128xf32, #tpu.memory_space<vmem>>
    %dma_wait3A_52 = arith.constant 0 : i32
    %dma_wait3A_53 = tpu.memref_slice %arg5[%mul3A_47, %dma_wait3A_52] : memref<102400x128xf32, #tpu.memory_space<hbm>> -> memref<64x128xf32, #tpu.memory_space<hbm>>
    %dma_wait3A_54 = arith.constant 0 : i32
    %dma_wait3A_55 = tpu.memref_slice %arg5[%mul3A_47, %dma_wait3A_54] : memref<102400x128xf32, #tpu.memory_space<hbm>> -> memref<64x128xf32, #tpu.memory_space<hbm>>
    %dma_wait3A_56 = arith.constant 0 : i32
    %dma_wait3A_57 = arith.constant 0 : i32
    %dma_wait3A_58 = tpu.memref_slice %arg8[%rem3A_45, %dma_wait3A_56, %dma_wait3A_57] : memref<2x64x128xf32, #tpu.memory_space<vmem>> -> memref<1x64x128xf32, #tpu.memory_space<vmem>>
    %dma_wait3A_59 = tpu.memref_squeeze %dma_wait3A_58 : memref<1x64x128xf32, #tpu.memory_space<vmem>> -> memref<64x128xf32, #tpu.memory_space<vmem>>
    tpu.wait_dma2 semaphore(%arg12 : memref<!tpu.dma_semaphore, #tpu.memory_space<semaphore_mem>>) src(%dma_wait3A_59 : memref<64x128xf32, #tpu.memory_space<vmem>>) dst(%dma_wait3A_55 : memref<64x128xf32, #tpu.memory_space<hbm>>)
    return
  }
}

#map = affine_map<(d0, d1) -> (0, 0)>
#map1 = affine_map<(d0, d1) -> (0)>
#map2 = affine_map<(d0, d1) -> (0, 0, 0)>
module attributes {stable_mosaic.version = 14 : i64} {
  func.func @_segsum_body(%arg0: i32, %arg1: i32, %arg2: memref<10240x128xf32, #tpu.memory_space<hbm>>, %arg3: memref<327680xi32, #tpu.memory_space<hbm>>, %arg4: memref<2560x128xi32, #tpu.memory_space<hbm>>, %arg5: memref<2x10240x128xf32, #tpu.memory_space<hbm>>, %arg6: memref<3x128xi32, #tpu.memory_space<vmem>>, %arg7: memref<104x128xi32, #tpu.memory_space<vmem>>, %arg8: memref<2x128x128xf32, #tpu.memory_space<vmem>>, %arg9: memref<8x128xf32, #tpu.memory_space<vmem>>, %arg10: memref<10240x128xf32, #tpu.memory_space<vmem_shared>>, %arg11: memref<!tpu.dma_semaphore, #tpu.memory_space<semaphore_mem>>, %arg12: memref<!tpu.dma_semaphore, #tpu.memory_space<semaphore_mem>>) attributes {dimension_semantics = [#tpu.dimension_semantics<core_parallel>, #tpu.dimension_semantics<subcore_parallel>], iteration_bounds = array<i64: 2, 16>, scalar_prefetch = 0 : i64, scratch_operands = 7 : i64, tpu.core_type = #tpu.core_type<sc_vector_subcore>, window_params = [{transform_indices = #map}, {transform_indices = #map1}, {transform_indices = #map}, {transform_indices = #map2}]} {
    %broadcast_in_dim3A = arith.constant 0.000000e+00 : f32
    %broadcast_in_dim3A_0 = vector.broadcast %broadcast_in_dim3A : f32 to vector<16xf32>
    %scan3A = arith.constant 0 : i32
    %scan3A_1 = arith.constant 64 : i32
    %scan3A_2 = arith.addi %scan3A, %scan3A_1 : i32
    %scan3A_3 = arith.constant 8 : i32
    scf.for %scan3A_92 = %scan3A to %scan3A_2 step %scan3A_3  : i32 {
      %jit3A_93 = arith.constant 8 : i32
      %div3A = arith.divsi %scan3A_92, %jit3A_93 : i32
      %sign3A = arith.constant 0 : i32
      %sign3A_94 = arith.cmpi sgt, %scan3A_92, %sign3A : i32
      %sign3A_95 = arith.extui %sign3A_94 : i1 to i32
      %sign3A_96 = arith.constant 0 : i32
      %sign3A_97 = arith.cmpi slt, %scan3A_92, %sign3A_96 : i32
      %sign3A_98 = arith.extui %sign3A_97 : i1 to i32
      %sign3A_99 = arith.subi %sign3A_95, %sign3A_98 : i32
      %sign3A_100 = arith.constant 0 : i32
      %sign3A_101 = arith.cmpi sgt, %jit3A_93, %sign3A_100 : i32
      %sign3A_102 = arith.extui %sign3A_101 : i1 to i32
      %sign3A_103 = arith.constant 0 : i32
      %sign3A_104 = arith.cmpi slt, %jit3A_93, %sign3A_103 : i32
      %sign3A_105 = arith.extui %sign3A_104 : i1 to i32
      %sign3A_106 = arith.subi %sign3A_102, %sign3A_105 : i32
      %ne3A = arith.cmpi ne, %sign3A_99, %sign3A_106 : i32
      %rem3A_107 = arith.remsi %scan3A_92, %jit3A_93 : i32
      %ne3A_108 = arith.constant 0 : i32
      %ne3A_109 = arith.cmpi ne, %rem3A_107, %ne3A_108 : i32
      %and3A = arith.andi %ne3A, %ne3A_109 : i1
      %sub3A = arith.constant 1 : i32
      %sub3A_110 = arith.subi %div3A, %sub3A : i32
      %select_n3A_111 = arith.select %and3A, %sub3A_110, %div3A : i32
      %jit3A_112 = arith.constant 8 : i32
      %eq3A_113 = arith.constant 0 : i32
      %eq3A_114 = arith.cmpi eq, %jit3A_112, %eq3A_113 : i32
      %jit3A_115 = arith.constant 1 : i32
      %select_n3A_116 = arith.select %eq3A_114, %jit3A_115, %jit3A_112 : i32
      %rem3A_117 = arith.remsi %scan3A_92, %select_n3A_116 : i32
      %ne3A_118 = arith.constant 0 : i32
      %ne3A_119 = arith.cmpi ne, %rem3A_117, %ne3A_118 : i32
      %lt3A = arith.constant 0 : i32
      %lt3A_120 = arith.cmpi slt, %rem3A_117, %lt3A : i32
      %lt3A_121 = arith.constant 0 : i32
      %lt3A_122 = arith.cmpi slt, %select_n3A_116, %lt3A_121 : i32
      %ne3A_123 = arith.xori %lt3A_120, %lt3A_122 : i1
      %and3A_124 = arith.andi %ne3A_123, %ne3A_119 : i1
      %add3A_125 = arith.addi %rem3A_117, %select_n3A_116 : i32
      %select_n3A_126 = arith.select %and3A_124, %add3A_125, %rem3A_117 : i32
      %mul3A_127 = arith.constant 16 : i32
      %mul3A_128 = arith.muli %select_n3A_126, %mul3A_127 : i32
      %swap3A = arith.index_cast %select_n3A_111 : i32 to index
      %swap3A_129 = arith.index_cast %mul3A_128 : i32 to index
      %swap3A_130 = tpu.vector_load %arg9[%swap3A, %swap3A_129] {strides = array<i32>} : memref<8x128xf32, #tpu.memory_space<vmem>>, vector<1x16xf32>,
      %swap3A_131 = vector.shape_cast %swap3A_130 : vector<1x16xf32> to vector<16xf32>
      %swap3A_132 = vector.shape_cast %broadcast_in_dim3A_0 : vector<16xf32> to vector<1x16xf32>
      tpu.vector_store %arg9[%swap3A, %swap3A_129], %swap3A_132 {strides = array<i32>} : memref<8x128xf32, #tpu.memory_space<vmem>>, vector<1x16xf32>,
      %scan3A_133 = arith.constant 1 : i32
      %scan3A_134 = arith.addi %scan3A_92, %scan3A_133 : i32
      %jit3A_135 = arith.constant 8 : i32
      %div3A_136 = arith.divsi %scan3A_134, %jit3A_135 : i32
      %sign3A_137 = arith.constant 0 : i32
      %sign3A_138 = arith.cmpi sgt, %scan3A_134, %sign3A_137 : i32
      %sign3A_139 = arith.extui %sign3A_138 : i1 to i32
      %sign3A_140 = arith.constant 0 : i32
      %sign3A_141 = arith.cmpi slt, %scan3A_134, %sign3A_140 : i32
      %sign3A_142 = arith.extui %sign3A_141 : i1 to i32
      %sign3A_143 = arith.subi %sign3A_139, %sign3A_142 : i32
      %sign3A_144 = arith.constant 0 : i32
      %sign3A_145 = arith.cmpi sgt, %jit3A_135, %sign3A_144 : i32
      %sign3A_146 = arith.extui %sign3A_145 : i1 to i32
      %sign3A_147 = arith.constant 0 : i32
      %sign3A_148 = arith.cmpi slt, %jit3A_135, %sign3A_147 : i32
      %sign3A_149 = arith.extui %sign3A_148 : i1 to i32
      %sign3A_150 = arith.subi %sign3A_146, %sign3A_149 : i32
      %ne3A_151 = arith.cmpi ne, %sign3A_143, %sign3A_150 : i32
      %rem3A_152 = arith.remsi %scan3A_134, %jit3A_135 : i32
      %ne3A_153 = arith.constant 0 : i32
      %ne3A_154 = arith.cmpi ne, %rem3A_152, %ne3A_153 : i32
      %and3A_155 = arith.andi %ne3A_151, %ne3A_154 : i1
      %sub3A_156 = arith.constant 1 : i32
      %sub3A_157 = arith.subi %div3A_136, %sub3A_156 : i32
      %select_n3A_158 = arith.select %and3A_155, %sub3A_157, %div3A_136 : i32
      %jit3A_159 = arith.constant 8 : i32
      %eq3A_160 = arith.constant 0 : i32
      %eq3A_161 = arith.cmpi eq, %jit3A_159, %eq3A_160 : i32
      %jit3A_162 = arith.constant 1 : i32
      %select_n3A_163 = arith.select %eq3A_161, %jit3A_162, %jit3A_159 : i32
      %rem3A_164 = arith.remsi %scan3A_134, %select_n3A_163 : i32
      %ne3A_165 = arith.constant 0 : i32
      %ne3A_166 = arith.cmpi ne, %rem3A_164, %ne3A_165 : i32
      %lt3A_167 = arith.constant 0 : i32
      %lt3A_168 = arith.cmpi slt, %rem3A_164, %lt3A_167 : i32
      %lt3A_169 = arith.constant 0 : i32
      %lt3A_170 = arith.cmpi slt, %select_n3A_163, %lt3A_169 : i32
      %ne3A_171 = arith.xori %lt3A_168, %lt3A_170 : i1
      %and3A_172 = arith.andi %ne3A_171, %ne3A_166 : i1
      %add3A_173 = arith.addi %rem3A_164, %select_n3A_163 : i32
      %select_n3A_174 = arith.select %and3A_172, %add3A_173, %rem3A_164 : i32
      %mul3A_175 = arith.constant 16 : i32
      %mul3A_176 = arith.muli %select_n3A_174, %mul3A_175 : i32
      %swap3A_177 = arith.index_cast %select_n3A_158 : i32 to index
      %swap3A_178 = arith.index_cast %mul3A_176 : i32 to index
      %swap3A_179 = tpu.vector_load %arg9[%swap3A_177, %swap3A_178] {strides = array<i32>} : memref<8x128xf32, #tpu.memory_space<vmem>>, vector<1x16xf32>,
      %swap3A_180 = vector.shape_cast %swap3A_179 : vector<1x16xf32> to vector<16xf32>
      %swap3A_181 = vector.shape_cast %broadcast_in_dim3A_0 : vector<16xf32> to vector<1x16xf32>
      tpu.vector_store %arg9[%swap3A_177, %swap3A_178], %swap3A_181 {strides = array<i32>} : memref<8x128xf32, #tpu.memory_space<vmem>>, vector<1x16xf32>,
      %scan3A_182 = arith.constant 2 : i32
      %scan3A_183 = arith.addi %scan3A_92, %scan3A_182 : i32
      %jit3A_184 = arith.constant 8 : i32
      %div3A_185 = arith.divsi %scan3A_183, %jit3A_184 : i32
      %sign3A_186 = arith.constant 0 : i32
      %sign3A_187 = arith.cmpi sgt, %scan3A_183, %sign3A_186 : i32
      %sign3A_188 = arith.extui %sign3A_187 : i1 to i32
      %sign3A_189 = arith.constant 0 : i32
      %sign3A_190 = arith.cmpi slt, %scan3A_183, %sign3A_189 : i32
      %sign3A_191 = arith.extui %sign3A_190 : i1 to i32
      %sign3A_192 = arith.subi %sign3A_188, %sign3A_191 : i32
      %sign3A_193 = arith.constant 0 : i32
      %sign3A_194 = arith.cmpi sgt, %jit3A_184, %sign3A_193 : i32
      %sign3A_195 = arith.extui %sign3A_194 : i1 to i32
      %sign3A_196 = arith.constant 0 : i32
      %sign3A_197 = arith.cmpi slt, %jit3A_184, %sign3A_196 : i32
      %sign3A_198 = arith.extui %sign3A_197 : i1 to i32
      %sign3A_199 = arith.subi %sign3A_195, %sign3A_198 : i32
      %ne3A_200 = arith.cmpi ne, %sign3A_192, %sign3A_199 : i32
      %rem3A_201 = arith.remsi %scan3A_183, %jit3A_184 : i32
      %ne3A_202 = arith.constant 0 : i32
      %ne3A_203 = arith.cmpi ne, %rem3A_201, %ne3A_202 : i32
      %and3A_204 = arith.andi %ne3A_200, %ne3A_203 : i1
      %sub3A_205 = arith.constant 1 : i32
      %sub3A_206 = arith.subi %div3A_185, %sub3A_205 : i32
      %select_n3A_207 = arith.select %and3A_204, %sub3A_206, %div3A_185 : i32
      %jit3A_208 = arith.constant 8 : i32
      %eq3A_209 = arith.constant 0 : i32
      %eq3A_210 = arith.cmpi eq, %jit3A_208, %eq3A_209 : i32
      %jit3A_211 = arith.constant 1 : i32
      %select_n3A_212 = arith.select %eq3A_210, %jit3A_211, %jit3A_208 : i32
      %rem3A_213 = arith.remsi %scan3A_183, %select_n3A_212 : i32
      %ne3A_214 = arith.constant 0 : i32
      %ne3A_215 = arith.cmpi ne, %rem3A_213, %ne3A_214 : i32
      %lt3A_216 = arith.constant 0 : i32
      %lt3A_217 = arith.cmpi slt, %rem3A_213, %lt3A_216 : i32
      %lt3A_218 = arith.constant 0 : i32
      %lt3A_219 = arith.cmpi slt, %select_n3A_212, %lt3A_218 : i32
      %ne3A_220 = arith.xori %lt3A_217, %lt3A_219 : i1
      %and3A_221 = arith.andi %ne3A_220, %ne3A_215 : i1
      %add3A_222 = arith.addi %rem3A_213, %select_n3A_212 : i32
      %select_n3A_223 = arith.select %and3A_221, %add3A_222, %rem3A_213 : i32
      %mul3A_224 = arith.constant 16 : i32
      %mul3A_225 = arith.muli %select_n3A_223, %mul3A_224 : i32
      %swap3A_226 = arith.index_cast %select_n3A_207 : i32 to index
      %swap3A_227 = arith.index_cast %mul3A_225 : i32 to index
      %swap3A_228 = tpu.vector_load %arg9[%swap3A_226, %swap3A_227] {strides = array<i32>} : memref<8x128xf32, #tpu.memory_space<vmem>>, vector<1x16xf32>,
      %swap3A_229 = vector.shape_cast %swap3A_228 : vector<1x16xf32> to vector<16xf32>
      %swap3A_230 = vector.shape_cast %broadcast_in_dim3A_0 : vector<16xf32> to vector<1x16xf32>
      tpu.vector_store %arg9[%swap3A_226, %swap3A_227], %swap3A_230 {strides = array<i32>} : memref<8x128xf32, #tpu.memory_space<vmem>>, vector<1x16xf32>,
      %scan3A_231 = arith.constant 3 : i32
      %scan3A_232 = arith.addi %scan3A_92, %scan3A_231 : i32
      %jit3A_233 = arith.constant 8 : i32
      %div3A_234 = arith.divsi %scan3A_232, %jit3A_233 : i32
      %sign3A_235 = arith.constant 0 : i32
      %sign3A_236 = arith.cmpi sgt, %scan3A_232, %sign3A_235 : i32
      %sign3A_237 = arith.extui %sign3A_236 : i1 to i32
      %sign3A_238 = arith.constant 0 : i32
      %sign3A_239 = arith.cmpi slt, %scan3A_232, %sign3A_238 : i32
      %sign3A_240 = arith.extui %sign3A_239 : i1 to i32
      %sign3A_241 = arith.subi %sign3A_237, %sign3A_240 : i32
      %sign3A_242 = arith.constant 0 : i32
      %sign3A_243 = arith.cmpi sgt, %jit3A_233, %sign3A_242 : i32
      %sign3A_244 = arith.extui %sign3A_243 : i1 to i32
      %sign3A_245 = arith.constant 0 : i32
      %sign3A_246 = arith.cmpi slt, %jit3A_233, %sign3A_245 : i32
      %sign3A_247 = arith.extui %sign3A_246 : i1 to i32
      %sign3A_248 = arith.subi %sign3A_244, %sign3A_247 : i32
      %ne3A_249 = arith.cmpi ne, %sign3A_241, %sign3A_248 : i32
      %rem3A_250 = arith.remsi %scan3A_232, %jit3A_233 : i32
      %ne3A_251 = arith.constant 0 : i32
      %ne3A_252 = arith.cmpi ne, %rem3A_250, %ne3A_251 : i32
      %and3A_253 = arith.andi %ne3A_249, %ne3A_252 : i1
      %sub3A_254 = arith.constant 1 : i32
      %sub3A_255 = arith.subi %div3A_234, %sub3A_254 : i32
      %select_n3A_256 = arith.select %and3A_253, %sub3A_255, %div3A_234 : i32
      %jit3A_257 = arith.constant 8 : i32
      %eq3A_258 = arith.constant 0 : i32
      %eq3A_259 = arith.cmpi eq, %jit3A_257, %eq3A_258 : i32
      %jit3A_260 = arith.constant 1 : i32
      %select_n3A_261 = arith.select %eq3A_259, %jit3A_260, %jit3A_257 : i32
      %rem3A_262 = arith.remsi %scan3A_232, %select_n3A_261 : i32
      %ne3A_263 = arith.constant 0 : i32
      %ne3A_264 = arith.cmpi ne, %rem3A_262, %ne3A_263 : i32
      %lt3A_265 = arith.constant 0 : i32
      %lt3A_266 = arith.cmpi slt, %rem3A_262, %lt3A_265 : i32
      %lt3A_267 = arith.constant 0 : i32
      %lt3A_268 = arith.cmpi slt, %select_n3A_261, %lt3A_267 : i32
      %ne3A_269 = arith.xori %lt3A_266, %lt3A_268 : i1
      %and3A_270 = arith.andi %ne3A_269, %ne3A_264 : i1
      %add3A_271 = arith.addi %rem3A_262, %select_n3A_261 : i32
      %select_n3A_272 = arith.select %and3A_270, %add3A_271, %rem3A_262 : i32
      %mul3A_273 = arith.constant 16 : i32
      %mul3A_274 = arith.muli %select_n3A_272, %mul3A_273 : i32
      %swap3A_275 = arith.index_cast %select_n3A_256 : i32 to index
      %swap3A_276 = arith.index_cast %mul3A_274 : i32 to index
      %swap3A_277 = tpu.vector_load %arg9[%swap3A_275, %swap3A_276] {strides = array<i32>} : memref<8x128xf32, #tpu.memory_space<vmem>>, vector<1x16xf32>,
      %swap3A_278 = vector.shape_cast %swap3A_277 : vector<1x16xf32> to vector<16xf32>
      %swap3A_279 = vector.shape_cast %broadcast_in_dim3A_0 : vector<16xf32> to vector<1x16xf32>
      tpu.vector_store %arg9[%swap3A_275, %swap3A_276], %swap3A_279 {strides = array<i32>} : memref<8x128xf32, #tpu.memory_space<vmem>>, vector<1x16xf32>,
      %scan3A_280 = arith.constant 4 : i32
      %scan3A_281 = arith.addi %scan3A_92, %scan3A_280 : i32
      %jit3A_282 = arith.constant 8 : i32
      %div3A_283 = arith.divsi %scan3A_281, %jit3A_282 : i32
      %sign3A_284 = arith.constant 0 : i32
      %sign3A_285 = arith.cmpi sgt, %scan3A_281, %sign3A_284 : i32
      %sign3A_286 = arith.extui %sign3A_285 : i1 to i32
      %sign3A_287 = arith.constant 0 : i32
      %sign3A_288 = arith.cmpi slt, %scan3A_281, %sign3A_287 : i32
      %sign3A_289 = arith.extui %sign3A_288 : i1 to i32
      %sign3A_290 = arith.subi %sign3A_286, %sign3A_289 : i32
      %sign3A_291 = arith.constant 0 : i32
      %sign3A_292 = arith.cmpi sgt, %jit3A_282, %sign3A_291 : i32
      %sign3A_293 = arith.extui %sign3A_292 : i1 to i32
      %sign3A_294 = arith.constant 0 : i32
      %sign3A_295 = arith.cmpi slt, %jit3A_282, %sign3A_294 : i32
      %sign3A_296 = arith.extui %sign3A_295 : i1 to i32
      %sign3A_297 = arith.subi %sign3A_293, %sign3A_296 : i32
      %ne3A_298 = arith.cmpi ne, %sign3A_290, %sign3A_297 : i32
      %rem3A_299 = arith.remsi %scan3A_281, %jit3A_282 : i32
      %ne3A_300 = arith.constant 0 : i32
      %ne3A_301 = arith.cmpi ne, %rem3A_299, %ne3A_300 : i32
      %and3A_302 = arith.andi %ne3A_298, %ne3A_301 : i1
      %sub3A_303 = arith.constant 1 : i32
      %sub3A_304 = arith.subi %div3A_283, %sub3A_303 : i32
      %select_n3A_305 = arith.select %and3A_302, %sub3A_304, %div3A_283 : i32
      %jit3A_306 = arith.constant 8 : i32
      %eq3A_307 = arith.constant 0 : i32
      %eq3A_308 = arith.cmpi eq, %jit3A_306, %eq3A_307 : i32
      %jit3A_309 = arith.constant 1 : i32
      %select_n3A_310 = arith.select %eq3A_308, %jit3A_309, %jit3A_306 : i32
      %rem3A_311 = arith.remsi %scan3A_281, %select_n3A_310 : i32
      %ne3A_312 = arith.constant 0 : i32
      %ne3A_313 = arith.cmpi ne, %rem3A_311, %ne3A_312 : i32
      %lt3A_314 = arith.constant 0 : i32
      %lt3A_315 = arith.cmpi slt, %rem3A_311, %lt3A_314 : i32
      %lt3A_316 = arith.constant 0 : i32
      %lt3A_317 = arith.cmpi slt, %select_n3A_310, %lt3A_316 : i32
      %ne3A_318 = arith.xori %lt3A_315, %lt3A_317 : i1
      %and3A_319 = arith.andi %ne3A_318, %ne3A_313 : i1
      %add3A_320 = arith.addi %rem3A_311, %select_n3A_310 : i32
      %select_n3A_321 = arith.select %and3A_319, %add3A_320, %rem3A_311 : i32
      %mul3A_322 = arith.constant 16 : i32
      %mul3A_323 = arith.muli %select_n3A_321, %mul3A_322 : i32
      %swap3A_324 = arith.index_cast %select_n3A_305 : i32 to index
      %swap3A_325 = arith.index_cast %mul3A_323 : i32 to index
      %swap3A_326 = tpu.vector_load %arg9[%swap3A_324, %swap3A_325] {strides = array<i32>} : memref<8x128xf32, #tpu.memory_space<vmem>>, vector<1x16xf32>,
      %swap3A_327 = vector.shape_cast %swap3A_326 : vector<1x16xf32> to vector<16xf32>
      %swap3A_328 = vector.shape_cast %broadcast_in_dim3A_0 : vector<16xf32> to vector<1x16xf32>
      tpu.vector_store %arg9[%swap3A_324, %swap3A_325], %swap3A_328 {strides = array<i32>} : memref<8x128xf32, #tpu.memory_space<vmem>>, vector<1x16xf32>,
      %scan3A_329 = arith.constant 5 : i32
      %scan3A_330 = arith.addi %scan3A_92, %scan3A_329 : i32
      %jit3A_331 = arith.constant 8 : i32
      %div3A_332 = arith.divsi %scan3A_330, %jit3A_331 : i32
      %sign3A_333 = arith.constant 0 : i32
      %sign3A_334 = arith.cmpi sgt, %scan3A_330, %sign3A_333 : i32
      %sign3A_335 = arith.extui %sign3A_334 : i1 to i32
      %sign3A_336 = arith.constant 0 : i32
      %sign3A_337 = arith.cmpi slt, %scan3A_330, %sign3A_336 : i32
      %sign3A_338 = arith.extui %sign3A_337 : i1 to i32
      %sign3A_339 = arith.subi %sign3A_335, %sign3A_338 : i32
      %sign3A_340 = arith.constant 0 : i32
      %sign3A_341 = arith.cmpi sgt, %jit3A_331, %sign3A_340 : i32
      %sign3A_342 = arith.extui %sign3A_341 : i1 to i32
      %sign3A_343 = arith.constant 0 : i32
      %sign3A_344 = arith.cmpi slt, %jit3A_331, %sign3A_343 : i32
      %sign3A_345 = arith.extui %sign3A_344 : i1 to i32
      %sign3A_346 = arith.subi %sign3A_342, %sign3A_345 : i32
      %ne3A_347 = arith.cmpi ne, %sign3A_339, %sign3A_346 : i32
      %rem3A_348 = arith.remsi %scan3A_330, %jit3A_331 : i32
      %ne3A_349 = arith.constant 0 : i32
      %ne3A_350 = arith.cmpi ne, %rem3A_348, %ne3A_349 : i32
      %and3A_351 = arith.andi %ne3A_347, %ne3A_350 : i1
      %sub3A_352 = arith.constant 1 : i32
      %sub3A_353 = arith.subi %div3A_332, %sub3A_352 : i32
      %select_n3A_354 = arith.select %and3A_351, %sub3A_353, %div3A_332 : i32
      %jit3A_355 = arith.constant 8 : i32
      %eq3A_356 = arith.constant 0 : i32
      %eq3A_357 = arith.cmpi eq, %jit3A_355, %eq3A_356 : i32
      %jit3A_358 = arith.constant 1 : i32
      %select_n3A_359 = arith.select %eq3A_357, %jit3A_358, %jit3A_355 : i32
      %rem3A_360 = arith.remsi %scan3A_330, %select_n3A_359 : i32
      %ne3A_361 = arith.constant 0 : i32
      %ne3A_362 = arith.cmpi ne, %rem3A_360, %ne3A_361 : i32
      %lt3A_363 = arith.constant 0 : i32
      %lt3A_364 = arith.cmpi slt, %rem3A_360, %lt3A_363 : i32
      %lt3A_365 = arith.constant 0 : i32
      %lt3A_366 = arith.cmpi slt, %select_n3A_359, %lt3A_365 : i32
      %ne3A_367 = arith.xori %lt3A_364, %lt3A_366 : i1
      %and3A_368 = arith.andi %ne3A_367, %ne3A_362 : i1
      %add3A_369 = arith.addi %rem3A_360, %select_n3A_359 : i32
      %select_n3A_370 = arith.select %and3A_368, %add3A_369, %rem3A_360 : i32
      %mul3A_371 = arith.constant 16 : i32
      %mul3A_372 = arith.muli %select_n3A_370, %mul3A_371 : i32
      %swap3A_373 = arith.index_cast %select_n3A_354 : i32 to index
      %swap3A_374 = arith.index_cast %mul3A_372 : i32 to index
      %swap3A_375 = tpu.vector_load %arg9[%swap3A_373, %swap3A_374] {strides = array<i32>} : memref<8x128xf32, #tpu.memory_space<vmem>>, vector<1x16xf32>,
      %swap3A_376 = vector.shape_cast %swap3A_375 : vector<1x16xf32> to vector<16xf32>
      %swap3A_377 = vector.shape_cast %broadcast_in_dim3A_0 : vector<16xf32> to vector<1x16xf32>
      tpu.vector_store %arg9[%swap3A_373, %swap3A_374], %swap3A_377 {strides = array<i32>} : memref<8x128xf32, #tpu.memory_space<vmem>>, vector<1x16xf32>,
      %scan3A_378 = arith.constant 6 : i32
      %scan3A_379 = arith.addi %scan3A_92, %scan3A_378 : i32
      %jit3A_380 = arith.constant 8 : i32
      %div3A_381 = arith.divsi %scan3A_379, %jit3A_380 : i32
      %sign3A_382 = arith.constant 0 : i32
      %sign3A_383 = arith.cmpi sgt, %scan3A_379, %sign3A_382 : i32
      %sign3A_384 = arith.extui %sign3A_383 : i1 to i32
      %sign3A_385 = arith.constant 0 : i32
      %sign3A_386 = arith.cmpi slt, %scan3A_379, %sign3A_385 : i32
      %sign3A_387 = arith.extui %sign3A_386 : i1 to i32
      %sign3A_388 = arith.subi %sign3A_384, %sign3A_387 : i32
      %sign3A_389 = arith.constant 0 : i32
      %sign3A_390 = arith.cmpi sgt, %jit3A_380, %sign3A_389 : i32
      %sign3A_391 = arith.extui %sign3A_390 : i1 to i32
      %sign3A_392 = arith.constant 0 : i32
      %sign3A_393 = arith.cmpi slt, %jit3A_380, %sign3A_392 : i32
      %sign3A_394 = arith.extui %sign3A_393 : i1 to i32
      %sign3A_395 = arith.subi %sign3A_391, %sign3A_394 : i32
      %ne3A_396 = arith.cmpi ne, %sign3A_388, %sign3A_395 : i32
      %rem3A_397 = arith.remsi %scan3A_379, %jit3A_380 : i32
      %ne3A_398 = arith.constant 0 : i32
      %ne3A_399 = arith.cmpi ne, %rem3A_397, %ne3A_398 : i32
      %and3A_400 = arith.andi %ne3A_396, %ne3A_399 : i1
      %sub3A_401 = arith.constant 1 : i32
      %sub3A_402 = arith.subi %div3A_381, %sub3A_401 : i32
      %select_n3A_403 = arith.select %and3A_400, %sub3A_402, %div3A_381 : i32
      %jit3A_404 = arith.constant 8 : i32
      %eq3A_405 = arith.constant 0 : i32
      %eq3A_406 = arith.cmpi eq, %jit3A_404, %eq3A_405 : i32
      %jit3A_407 = arith.constant 1 : i32
      %select_n3A_408 = arith.select %eq3A_406, %jit3A_407, %jit3A_404 : i32
      %rem3A_409 = arith.remsi %scan3A_379, %select_n3A_408 : i32
      %ne3A_410 = arith.constant 0 : i32
      %ne3A_411 = arith.cmpi ne, %rem3A_409, %ne3A_410 : i32
      %lt3A_412 = arith.constant 0 : i32
      %lt3A_413 = arith.cmpi slt, %rem3A_409, %lt3A_412 : i32
      %lt3A_414 = arith.constant 0 : i32
      %lt3A_415 = arith.cmpi slt, %select_n3A_408, %lt3A_414 : i32
      %ne3A_416 = arith.xori %lt3A_413, %lt3A_415 : i1
      %and3A_417 = arith.andi %ne3A_416, %ne3A_411 : i1
      %add3A_418 = arith.addi %rem3A_409, %select_n3A_408 : i32
      %select_n3A_419 = arith.select %and3A_417, %add3A_418, %rem3A_409 : i32
      %mul3A_420 = arith.constant 16 : i32
      %mul3A_421 = arith.muli %select_n3A_419, %mul3A_420 : i32
      %swap3A_422 = arith.index_cast %select_n3A_403 : i32 to index
      %swap3A_423 = arith.index_cast %mul3A_421 : i32 to index
      %swap3A_424 = tpu.vector_load %arg9[%swap3A_422, %swap3A_423] {strides = array<i32>} : memref<8x128xf32, #tpu.memory_space<vmem>>, vector<1x16xf32>,
      %swap3A_425 = vector.shape_cast %swap3A_424 : vector<1x16xf32> to vector<16xf32>
      %swap3A_426 = vector.shape_cast %broadcast_in_dim3A_0 : vector<16xf32> to vector<1x16xf32>
      tpu.vector_store %arg9[%swap3A_422, %swap3A_423], %swap3A_426 {strides = array<i32>} : memref<8x128xf32, #tpu.memory_space<vmem>>, vector<1x16xf32>,
      %scan3A_427 = arith.constant 7 : i32
      %scan3A_428 = arith.addi %scan3A_92, %scan3A_427 : i32
      %jit3A_429 = arith.constant 8 : i32
      %div3A_430 = arith.divsi %scan3A_428, %jit3A_429 : i32
      %sign3A_431 = arith.constant 0 : i32
      %sign3A_432 = arith.cmpi sgt, %scan3A_428, %sign3A_431 : i32
      %sign3A_433 = arith.extui %sign3A_432 : i1 to i32
      %sign3A_434 = arith.constant 0 : i32
      %sign3A_435 = arith.cmpi slt, %scan3A_428, %sign3A_434 : i32
      %sign3A_436 = arith.extui %sign3A_435 : i1 to i32
      %sign3A_437 = arith.subi %sign3A_433, %sign3A_436 : i32
      %sign3A_438 = arith.constant 0 : i32
      %sign3A_439 = arith.cmpi sgt, %jit3A_429, %sign3A_438 : i32
      %sign3A_440 = arith.extui %sign3A_439 : i1 to i32
      %sign3A_441 = arith.constant 0 : i32
      %sign3A_442 = arith.cmpi slt, %jit3A_429, %sign3A_441 : i32
      %sign3A_443 = arith.extui %sign3A_442 : i1 to i32
      %sign3A_444 = arith.subi %sign3A_440, %sign3A_443 : i32
      %ne3A_445 = arith.cmpi ne, %sign3A_437, %sign3A_444 : i32
      %rem3A_446 = arith.remsi %scan3A_428, %jit3A_429 : i32
      %ne3A_447 = arith.constant 0 : i32
      %ne3A_448 = arith.cmpi ne, %rem3A_446, %ne3A_447 : i32
      %and3A_449 = arith.andi %ne3A_445, %ne3A_448 : i1
      %sub3A_450 = arith.constant 1 : i32
      %sub3A_451 = arith.subi %div3A_430, %sub3A_450 : i32
      %select_n3A_452 = arith.select %and3A_449, %sub3A_451, %div3A_430 : i32
      %jit3A_453 = arith.constant 8 : i32
      %eq3A_454 = arith.constant 0 : i32
      %eq3A_455 = arith.cmpi eq, %jit3A_453, %eq3A_454 : i32
      %jit3A_456 = arith.constant 1 : i32
      %select_n3A_457 = arith.select %eq3A_455, %jit3A_456, %jit3A_453 : i32
      %rem3A_458 = arith.remsi %scan3A_428, %select_n3A_457 : i32
      %ne3A_459 = arith.constant 0 : i32
      %ne3A_460 = arith.cmpi ne, %rem3A_458, %ne3A_459 : i32
      %lt3A_461 = arith.constant 0 : i32
      %lt3A_462 = arith.cmpi slt, %rem3A_458, %lt3A_461 : i32
      %lt3A_463 = arith.constant 0 : i32
      %lt3A_464 = arith.cmpi slt, %select_n3A_457, %lt3A_463 : i32
      %ne3A_465 = arith.xori %lt3A_462, %lt3A_464 : i1
      %and3A_466 = arith.andi %ne3A_465, %ne3A_460 : i1
      %add3A_467 = arith.addi %rem3A_458, %select_n3A_457 : i32
      %select_n3A_468 = arith.select %and3A_466, %add3A_467, %rem3A_458 : i32
      %mul3A_469 = arith.constant 16 : i32
      %mul3A_470 = arith.muli %select_n3A_468, %mul3A_469 : i32
      %swap3A_471 = arith.index_cast %select_n3A_452 : i32 to index
      %swap3A_472 = arith.index_cast %mul3A_470 : i32 to index
      %swap3A_473 = tpu.vector_load %arg9[%swap3A_471, %swap3A_472] {strides = array<i32>} : memref<8x128xf32, #tpu.memory_space<vmem>>, vector<1x16xf32>,
      %swap3A_474 = vector.shape_cast %swap3A_473 : vector<1x16xf32> to vector<16xf32>
      %swap3A_475 = vector.shape_cast %broadcast_in_dim3A_0 : vector<16xf32> to vector<1x16xf32>
      tpu.vector_store %arg9[%swap3A_471, %swap3A_472], %swap3A_475 {strides = array<i32>} : memref<8x128xf32, #tpu.memory_space<vmem>>, vector<1x16xf32>,
    }
    %scan3A_4 = arith.constant 64 : i32
    %scan3A_5 = arith.constant 0 : i32
    %scan3A_6 = arith.constant 80 : i32
    %scan3A_7 = arith.addi %scan3A_5, %scan3A_6 : i32
    %scan3A_8 = arith.constant 1 : i32
    scf.for %scan3A_92 = %scan3A_5 to %scan3A_7 step %scan3A_8  : i32 {
      %mul3A_93 = arith.constant 640 : i32
      %mul3A_94 = arith.muli %arg1, %mul3A_93 : i32
      %mul3A_95 = arith.constant 8 : i32
      %mul3A_96 = arith.muli %scan3A_92, %mul3A_95 : i32
      %add3A_97 = arith.addi %mul3A_94, %mul3A_96 : i32
      "tpu.region"() ({
        %run_scoped3A = tpu.sem_alloc : memref<!tpu.dma_semaphore, #tpu.memory_space<semaphore_mem>>
        %dma_start3A_98 = arith.constant 0 : i32
        %dma_start3A_99 = tpu.memref_slice %arg10[%add3A_97, %dma_start3A_98] : memref<10240x128xf32, #tpu.memory_space<vmem_shared>> -> memref<8x128xf32, #tpu.memory_space<vmem_shared>>
        %dma_start3A_100 = arith.constant 0 : i32
        %dma_start3A_101 = tpu.memref_slice %arg10[%add3A_97, %dma_start3A_100] : memref<10240x128xf32, #tpu.memory_space<vmem_shared>> -> memref<8x128xf32, #tpu.memory_space<vmem_shared>>
        tpu.enqueue_dma source(%arg9 : memref<8x128xf32, #tpu.memory_space<vmem>>) target(%dma_start3A_101 : memref<8x128xf32, #tpu.memory_space<vmem_shared>>) target_semaphore(%run_scoped3A : memref<!tpu.dma_semaphore, #tpu.memory_space<semaphore_mem>>)
        %dma_wait3A_102 = arith.constant 0 : i32
        %dma_wait3A_103 = tpu.memref_slice %arg10[%add3A_97, %dma_wait3A_102] : memref<10240x128xf32, #tpu.memory_space<vmem_shared>> -> memref<8x128xf32, #tpu.memory_space<vmem_shared>>
        %dma_wait3A_104 = arith.constant 0 : i32
        %dma_wait3A_105 = tpu.memref_slice %arg10[%add3A_97, %dma_wait3A_104] : memref<10240x128xf32, #tpu.memory_space<vmem_shared>> -> memref<8x128xf32, #tpu.memory_space<vmem_shared>>
        tpu.wait_dma2 semaphore(%run_scoped3A : memref<!tpu.dma_semaphore, #tpu.memory_space<semaphore_mem>>) src(%arg9 : memref<8x128xf32, #tpu.memory_space<vmem>>) dst(%dma_wait3A_105 : memref<8x128xf32, #tpu.memory_space<vmem_shared>>)
        tpu.yield
      }) : () -> ()
    }
    %scan3A_9 = arith.constant 80 : i32
    %eq3A = arith.constant 0 : i32
    %eq3A_10 = arith.cmpi eq, %arg0, %eq3A : i32
    %jit3A = arith.constant 56 : i32
    %jit3A_11 = arith.constant 104 : i32
    %select_n3A = arith.select %eq3A_10, %jit3A, %jit3A_11 : i32
    %eq3A_12 = arith.constant 0 : i32
    %eq3A_13 = arith.cmpi eq, %arg0, %eq3A_12 : i32
    %mul3A = arith.constant 56 : i32
    %mul3A_14 = arith.muli %arg1, %mul3A : i32
    %mul3A_15 = arith.constant 104 : i32
    %mul3A_16 = arith.muli %arg1, %mul3A_15 : i32
    %add3A = arith.constant 896 : i32
    %add3A_17 = arith.addi %add3A, %mul3A_16 : i32
    %select_n3A_18 = arith.select %eq3A_13, %mul3A_14, %add3A_17 : i32
    %dma_start3A = arith.constant 0 : i32
    %dma_start3A_19 = tpu.memref_slice %arg4[%select_n3A_18, %dma_start3A] : memref<2560x128xi32, #tpu.memory_space<hbm>> -> memref<104x128xi32, #tpu.memory_space<hbm>>
    %dma_start3A_20 = arith.constant 0 : i32
    %dma_start3A_21 = tpu.memref_slice %arg4[%select_n3A_18, %dma_start3A_20] : memref<2560x128xi32, #tpu.memory_space<hbm>> -> memref<104x128xi32, #tpu.memory_space<hbm>>
    tpu.enqueue_dma source(%dma_start3A_21 : memref<104x128xi32, #tpu.memory_space<hbm>>) target(%arg7 : memref<104x128xi32, #tpu.memory_space<vmem>>) target_semaphore(%arg12 : memref<!tpu.dma_semaphore, #tpu.memory_space<semaphore_mem>>)
    %dma_wait3A = arith.constant 0 : i32
    %dma_wait3A_22 = tpu.memref_slice %arg4[%select_n3A_18, %dma_wait3A] : memref<2560x128xi32, #tpu.memory_space<hbm>> -> memref<104x128xi32, #tpu.memory_space<hbm>>
    %dma_wait3A_23 = arith.constant 0 : i32
    %dma_wait3A_24 = tpu.memref_slice %arg4[%select_n3A_18, %dma_wait3A_23] : memref<2560x128xi32, #tpu.memory_space<hbm>> -> memref<104x128xi32, #tpu.memory_space<hbm>>
    tpu.wait_dma2 semaphore(%arg12 : memref<!tpu.dma_semaphore, #tpu.memory_space<semaphore_mem>>) src(%dma_wait3A_24 : memref<104x128xi32, #tpu.memory_space<hbm>>) dst(%arg7 : memref<104x128xi32, #tpu.memory_space<vmem>>)
    %barrier3A = arith.constant 0 : index
    tpu.barrier barrier_id(%barrier3A)
    %mul3A_25 = arith.constant 128 : i32
    %mul3A_26 = arith.muli %select_n3A_18, %mul3A_25 : i32
    %add3A_27 = arith.constant 0 : i32
    %add3A_28 = arith.addi %mul3A_26, %add3A_27 : i32
    %rem3A = arith.constant 0 : i32
    %rem3A_29 = arith.constant 3 : i32
    %rem3A_30 = arith.remsi %rem3A, %rem3A_29 : i32
    %dma_start3A_31 = arith.constant 0 : i32
    %dma_start3A_32 = tpu.memref_slice %arg6[%rem3A_30, %dma_start3A_31] : memref<3x128xi32, #tpu.memory_space<vmem>> -> memref<1x128xi32, #tpu.memory_space<vmem>>
    %dma_start3A_33 = tpu.memref_squeeze %dma_start3A_32 : memref<1x128xi32, #tpu.memory_space<vmem>> -> memref<128xi32, #tpu.memory_space<vmem>>
    %dma_start3A_34 = tpu.memref_slice %arg3[%add3A_28] : memref<327680xi32, #tpu.memory_space<hbm>> -> memref<128xi32, #tpu.memory_space<hbm>>
    %dma_start3A_35 = arith.constant 0 : i32
    %dma_start3A_36 = tpu.memref_slice %arg6[%rem3A_30, %dma_start3A_35] : memref<3x128xi32, #tpu.memory_space<vmem>> -> memref<1x128xi32, #tpu.memory_space<vmem>>
    %dma_start3A_37 = tpu.memref_squeeze %dma_start3A_36 : memref<1x128xi32, #tpu.memory_space<vmem>> -> memref<128xi32, #tpu.memory_space<vmem>>
    %dma_start3A_38 = tpu.memref_slice %arg3[%add3A_28] : memref<327680xi32, #tpu.memory_space<hbm>> -> memref<128xi32, #tpu.memory_space<hbm>>
    tpu.enqueue_dma source(%dma_start3A_38 : memref<128xi32, #tpu.memory_space<hbm>>) target(%dma_start3A_37 : memref<128xi32, #tpu.memory_space<vmem>>) target_semaphore(%arg12 : memref<!tpu.dma_semaphore, #tpu.memory_space<semaphore_mem>>)
    %rem3A_39 = arith.constant 0 : i32
    %rem3A_40 = arith.constant 3 : i32
    %rem3A_41 = arith.remsi %rem3A_39, %rem3A_40 : i32
    %dma_wait3A_42 = arith.constant 0 : i32
    %dma_wait3A_43 = tpu.memref_slice %arg6[%rem3A_41, %dma_wait3A_42] : memref<3x128xi32, #tpu.memory_space<vmem>> -> memref<1x128xi32, #tpu.memory_space<vmem>>
    %dma_wait3A_44 = tpu.memref_squeeze %dma_wait3A_43 : memref<1x128xi32, #tpu.memory_space<vmem>> -> memref<128xi32, #tpu.memory_space<vmem>>
    %dma_wait3A_45 = tpu.memref_slice %arg3[%mul3A_26] : memref<327680xi32, #tpu.memory_space<hbm>> -> memref<128xi32, #tpu.memory_space<hbm>>
    %dma_wait3A_46 = arith.constant 0 : i32
    %dma_wait3A_47 = tpu.memref_slice %arg6[%rem3A_41, %dma_wait3A_46] : memref<3x128xi32, #tpu.memory_space<vmem>> -> memref<1x128xi32, #tpu.memory_space<vmem>>
    %dma_wait3A_48 = tpu.memref_squeeze %dma_wait3A_47 : memref<1x128xi32, #tpu.memory_space<vmem>> -> memref<128xi32, #tpu.memory_space<vmem>>
    %dma_wait3A_49 = tpu.memref_slice %arg3[%mul3A_26] : memref<327680xi32, #tpu.memory_space<hbm>> -> memref<128xi32, #tpu.memory_space<hbm>>
    tpu.wait_dma2 semaphore(%arg12 : memref<!tpu.dma_semaphore, #tpu.memory_space<semaphore_mem>>) src(%dma_wait3A_49 : memref<128xi32, #tpu.memory_space<hbm>>) dst(%dma_wait3A_48 : memref<128xi32, #tpu.memory_space<vmem>>)
    %rem3A_50 = arith.constant 0 : i32
    %rem3A_51 = arith.constant 3 : i32
    %rem3A_52 = arith.remsi %rem3A_50, %rem3A_51 : i32
    %rem3A_53 = arith.constant 0 : i32
    %rem3A_54 = arith.constant 2 : i32
    %rem3A_55 = arith.remsi %rem3A_53, %rem3A_54 : i32
    %dma_start3A_56 = arith.constant 0 : i32
    %dma_start3A_57 = arith.constant 0 : i32
    %dma_start3A_58 = tpu.memref_slice %arg8[%rem3A_55, %dma_start3A_56, %dma_start3A_57] : memref<2x128x128xf32, #tpu.memory_space<vmem>> -> memref<1x128x128xf32, #tpu.memory_space<vmem>>
    %dma_start3A_59 = tpu.memref_squeeze %dma_start3A_58 : memref<1x128x128xf32, #tpu.memory_space<vmem>> -> memref<128x128xf32, #tpu.memory_space<vmem>>
    %dma_start3A_60 = arith.constant 0 : i32
    %dma_start3A_61 = tpu.memref_slice %arg6[%rem3A_52, %dma_start3A_60] : memref<3x128xi32, #tpu.memory_space<vmem>> -> memref<1x128xi32, #tpu.memory_space<vmem>>
    %dma_start3A_62 = tpu.memref_squeeze %dma_start3A_61 : memref<1x128xi32, #tpu.memory_space<vmem>> -> memref<128xi32, #tpu.memory_space<vmem>>
    %dma_start3A_63 = arith.constant 0 : i32
    %dma_start3A_64 = arith.constant 0 : i32
    %dma_start3A_65 = tpu.memref_slice %arg2[%dma_start3A_63, %dma_start3A_64] : memref<10240x128xf32, #tpu.memory_space<hbm>> -> memref<10240x128xf32, #tpu.memory_space<hbm>>
    tpu.enqueue_indirect_dma source(%dma_start3A_65 : memref<10240x128xf32, #tpu.memory_space<hbm>>) target(%dma_start3A_59 : memref<128x128xf32, #tpu.memory_space<vmem>>) offsets(%dma_start3A_62 : memref<128xi32, #tpu.memory_space<vmem>>) semaphore(%arg11 : memref<!tpu.dma_semaphore, #tpu.memory_space<semaphore_mem>>)
    %add3A_66 = arith.constant 128 : i32
    %add3A_67 = arith.addi %mul3A_26, %add3A_66 : i32
    %rem3A_68 = arith.constant 1 : i32
    %rem3A_69 = arith.constant 3 : i32
    %rem3A_70 = arith.remsi %rem3A_68, %rem3A_69 : i32
    %dma_start3A_71 = arith.constant 0 : i32
    %dma_start3A_72 = tpu.memref_slice %arg6[%rem3A_70, %dma_start3A_71] : memref<3x128xi32, #tpu.memory_space<vmem>> -> memref<1x128xi32, #tpu.memory_space<vmem>>
    %dma_start3A_73 = tpu.memref_squeeze %dma_start3A_72 : memref<1x128xi32, #tpu.memory_space<vmem>> -> memref<128xi32, #tpu.memory_space<vmem>>
    %dma_start3A_74 = tpu.memref_slice %arg3[%add3A_67] : memref<327680xi32, #tpu.memory_space<hbm>> -> memref<128xi32, #tpu.memory_space<hbm>>
    %dma_start3A_75 = arith.constant 0 : i32
    %dma_start3A_76 = tpu.memref_slice %arg6[%rem3A_70, %dma_start3A_75] : memref<3x128xi32, #tpu.memory_space<vmem>> -> memref<1x128xi32, #tpu.memory_space<vmem>>
    %dma_start3A_77 = tpu.memref_squeeze %dma_start3A_76 : memref<1x128xi32, #tpu.memory_space<vmem>> -> memref<128xi32, #tpu.memory_space<vmem>>
    %dma_start3A_78 = tpu.memref_slice %arg3[%add3A_67] : memref<327680xi32, #tpu.memory_space<hbm>> -> memref<128xi32, #tpu.memory_space<hbm>>
    tpu.enqueue_dma source(%dma_start3A_78 : memref<128xi32, #tpu.memory_space<hbm>>) target(%dma_start3A_77 : memref<128xi32, #tpu.memory_space<vmem>>) target_semaphore(%arg12 : memref<!tpu.dma_semaphore, #tpu.memory_space<semaphore_mem>>)
    %while3A = arith.constant 0 : i32
    %while3A_79 = arith.subi %select_n3A, %while3A : i32
    %while3A_80 = arith.addi %while3A, %while3A_79 : i32
    %while3A_81 = arith.constant 1 : i32
    %while3A_82 = arith.divsi %while3A_79, %while3A_81 : i32
    %while3A_83 = arith.muli %while3A_82, %while3A_81 : i32
    %while3A_84 = arith.addi %while3A, %while3A_83 : i32
    %while3A_85 = arith.constant 1 : i32
    scf.for %while3A_92 = %while3A to %while3A_84 step %while3A_85  : i32 {
      %rem3A_93 = arith.constant 2 : i32
      %rem3A_94 = arith.remsi %while3A_92, %rem3A_93 : i32
      %add3A_95 = arith.constant 1 : i32
      %add3A_96 = arith.addi %while3A_92, %add3A_95 : i32
      %lt3A = arith.cmpi slt, %add3A_96, %select_n3A : i32
      %convert_element_type3A = arith.extui %lt3A : i1 to i32
      %cond3A = arith.constant 0 : i32
      %cond3A_97 = arith.cmpi ne, %convert_element_type3A, %cond3A : i32
      scf.if %cond3A_97 {
        %add3A_110 = arith.constant 1 : i32
        %add3A_111 = arith.addi %while3A_92, %add3A_110 : i32
        %rem3A_112 = arith.constant 3 : i32
        %rem3A_113 = arith.remsi %add3A_111, %rem3A_112 : i32
        %dma_wait3A_114 = arith.constant 0 : i32
        %dma_wait3A_115 = tpu.memref_slice %arg6[%rem3A_113, %dma_wait3A_114] : memref<3x128xi32, #tpu.memory_space<vmem>> -> memref<1x128xi32, #tpu.memory_space<vmem>>
        %dma_wait3A_116 = tpu.memref_squeeze %dma_wait3A_115 : memref<1x128xi32, #tpu.memory_space<vmem>> -> memref<128xi32, #tpu.memory_space<vmem>>
        %dma_wait3A_117 = tpu.memref_slice %arg3[%mul3A_26] : memref<327680xi32, #tpu.memory_space<hbm>> -> memref<128xi32, #tpu.memory_space<hbm>>
        %dma_wait3A_118 = arith.constant 0 : i32
        %dma_wait3A_119 = tpu.memref_slice %arg6[%rem3A_113, %dma_wait3A_118] : memref<3x128xi32, #tpu.memory_space<vmem>> -> memref<1x128xi32, #tpu.memory_space<vmem>>
        %dma_wait3A_120 = tpu.memref_squeeze %dma_wait3A_119 : memref<1x128xi32, #tpu.memory_space<vmem>> -> memref<128xi32, #tpu.memory_space<vmem>>
        %dma_wait3A_121 = tpu.memref_slice %arg3[%mul3A_26] : memref<327680xi32, #tpu.memory_space<hbm>> -> memref<128xi32, #tpu.memory_space<hbm>>
        tpu.wait_dma2 semaphore(%arg12 : memref<!tpu.dma_semaphore, #tpu.memory_space<semaphore_mem>>) src(%dma_wait3A_121 : memref<128xi32, #tpu.memory_space<hbm>>) dst(%dma_wait3A_120 : memref<128xi32, #tpu.memory_space<vmem>>)
        %add3A_122 = arith.constant 1 : i32
        %add3A_123 = arith.addi %while3A_92, %add3A_122 : i32
        %rem3A_124 = arith.constant 3 : i32
        %rem3A_125 = arith.remsi %add3A_123, %rem3A_124 : i32
        %rem3A_126 = arith.constant 2 : i32
        %rem3A_127 = arith.remsi %add3A_123, %rem3A_126 : i32
        %dma_start3A_128 = arith.constant 0 : i32
        %dma_start3A_129 = arith.constant 0 : i32
        %dma_start3A_130 = tpu.memref_slice %arg8[%rem3A_127, %dma_start3A_128, %dma_start3A_129] : memref<2x128x128xf32, #tpu.memory_space<vmem>> -> memref<1x128x128xf32, #tpu.memory_space<vmem>>
        %dma_start3A_131 = tpu.memref_squeeze %dma_start3A_130 : memref<1x128x128xf32, #tpu.memory_space<vmem>> -> memref<128x128xf32, #tpu.memory_space<vmem>>
        %dma_start3A_132 = arith.constant 0 : i32
        %dma_start3A_133 = tpu.memref_slice %arg6[%rem3A_125, %dma_start3A_132] : memref<3x128xi32, #tpu.memory_space<vmem>> -> memref<1x128xi32, #tpu.memory_space<vmem>>
        %dma_start3A_134 = tpu.memref_squeeze %dma_start3A_133 : memref<1x128xi32, #tpu.memory_space<vmem>> -> memref<128xi32, #tpu.memory_space<vmem>>
        %dma_start3A_135 = arith.constant 0 : i32
        %dma_start3A_136 = arith.constant 0 : i32
        %dma_start3A_137 = tpu.memref_slice %arg2[%dma_start3A_135, %dma_start3A_136] : memref<10240x128xf32, #tpu.memory_space<hbm>> -> memref<10240x128xf32, #tpu.memory_space<hbm>>
        tpu.enqueue_indirect_dma source(%dma_start3A_137 : memref<10240x128xf32, #tpu.memory_space<hbm>>) target(%dma_start3A_131 : memref<128x128xf32, #tpu.memory_space<vmem>>) offsets(%dma_start3A_134 : memref<128xi32, #tpu.memory_space<vmem>>) semaphore(%arg11 : memref<!tpu.dma_semaphore, #tpu.memory_space<semaphore_mem>>)
        %add3A_138 = arith.constant 2 : i32
        %add3A_139 = arith.addi %while3A_92, %add3A_138 : i32
        %lt3A_140 = arith.cmpi slt, %add3A_139, %select_n3A : i32
        %convert_element_type3A_141 = arith.extui %lt3A_140 : i1 to i32
        %cond3A_142 = arith.constant 0 : i32
        %cond3A_143 = arith.cmpi ne, %convert_element_type3A_141, %cond3A_142 : i32
        scf.if %cond3A_143 {
          %add3A_144 = arith.constant 2 : i32
          %add3A_145 = arith.addi %while3A_92, %add3A_144 : i32
          %mul3A_146 = arith.constant 128 : i32
          %mul3A_147 = arith.muli %add3A_145, %mul3A_146 : i32
          %add3A_148 = arith.addi %mul3A_26, %mul3A_147 : i32
          %rem3A_149 = arith.constant 3 : i32
          %rem3A_150 = arith.remsi %add3A_145, %rem3A_149 : i32
          %dma_start3A_151 = arith.constant 0 : i32
          %dma_start3A_152 = tpu.memref_slice %arg6[%rem3A_150, %dma_start3A_151] : memref<3x128xi32, #tpu.memory_space<vmem>> -> memref<1x128xi32, #tpu.memory_space<vmem>>
          %dma_start3A_153 = tpu.memref_squeeze %dma_start3A_152 : memref<1x128xi32, #tpu.memory_space<vmem>> -> memref<128xi32, #tpu.memory_space<vmem>>
          %dma_start3A_154 = tpu.memref_slice %arg3[%add3A_148] : memref<327680xi32, #tpu.memory_space<hbm>> -> memref<128xi32, #tpu.memory_space<hbm>>
          %dma_start3A_155 = arith.constant 0 : i32
          %dma_start3A_156 = tpu.memref_slice %arg6[%rem3A_150, %dma_start3A_155] : memref<3x128xi32, #tpu.memory_space<vmem>> -> memref<1x128xi32, #tpu.memory_space<vmem>>
          %dma_start3A_157 = tpu.memref_squeeze %dma_start3A_156 : memref<1x128xi32, #tpu.memory_space<vmem>> -> memref<128xi32, #tpu.memory_space<vmem>>
          %dma_start3A_158 = tpu.memref_slice %arg3[%add3A_148] : memref<327680xi32, #tpu.memory_space<hbm>> -> memref<128xi32, #tpu.memory_space<hbm>>
          tpu.enqueue_dma source(%dma_start3A_158 : memref<128xi32, #tpu.memory_space<hbm>>) target(%dma_start3A_157 : memref<128xi32, #tpu.memory_space<vmem>>) target_semaphore(%arg12 : memref<!tpu.dma_semaphore, #tpu.memory_space<semaphore_mem>>)
        } else {
        }
      } else {
      }
      %rem3A_98 = arith.constant 3 : i32
      %rem3A_99 = arith.remsi %while3A_92, %rem3A_98 : i32
      %dma_wait3A_100 = arith.constant 0 : i32
      %dma_wait3A_101 = arith.constant 0 : i32
      %dma_wait3A_102 = tpu.memref_slice %arg8[%rem3A_94, %dma_wait3A_100, %dma_wait3A_101] : memref<2x128x128xf32, #tpu.memory_space<vmem>> -> memref<1x128x128xf32, #tpu.memory_space<vmem>>
      %dma_wait3A_103 = tpu.memref_squeeze %dma_wait3A_102 : memref<1x128x128xf32, #tpu.memory_space<vmem>> -> memref<128x128xf32, #tpu.memory_space<vmem>>
      %dma_wait3A_104 = arith.constant 0 : i32
      %dma_wait3A_105 = tpu.memref_slice %arg6[%rem3A_99, %dma_wait3A_104] : memref<3x128xi32, #tpu.memory_space<vmem>> -> memref<1x128xi32, #tpu.memory_space<vmem>>
      %dma_wait3A_106 = tpu.memref_squeeze %dma_wait3A_105 : memref<1x128xi32, #tpu.memory_space<vmem>> -> memref<128xi32, #tpu.memory_space<vmem>>
      %dma_wait3A_107 = arith.constant 0 : i32
      %dma_wait3A_108 = arith.constant 0 : i32
      %dma_wait3A_109 = tpu.memref_slice %arg2[%dma_wait3A_107, %dma_wait3A_108] : memref<10240x128xf32, #tpu.memory_space<hbm>> -> memref<10240x128xf32, #tpu.memory_space<hbm>>
      tpu.wait_indirect_dma semaphore(%arg11 : memref<!tpu.dma_semaphore, #tpu.memory_space<semaphore_mem>>) src(%dma_wait3A_109 : memref<10240x128xf32, #tpu.memory_space<hbm>>) dst(%dma_wait3A_103 : memref<128x128xf32, #tpu.memory_space<vmem>>)
      "tpu.region"() ({
        %run_scoped3A = tpu.sem_alloc : memref<!tpu.dma_semaphore, #tpu.memory_space<semaphore_mem>>
        %dma_start3A_110 = arith.constant 0 : i32
        %dma_start3A_111 = arith.constant 0 : i32
        %dma_start3A_112 = tpu.memref_slice %arg8[%rem3A_94, %dma_start3A_110, %dma_start3A_111] : memref<2x128x128xf32, #tpu.memory_space<vmem>> -> memref<1x128x128xf32, #tpu.memory_space<vmem>>
        %dma_start3A_113 = tpu.memref_squeeze %dma_start3A_112 : memref<1x128x128xf32, #tpu.memory_space<vmem>> -> memref<128x128xf32, #tpu.memory_space<vmem>>
        %dma_start3A_114 = arith.constant 0 : i32
        %dma_start3A_115 = tpu.memref_slice %arg7[%while3A_92, %dma_start3A_114] : memref<104x128xi32, #tpu.memory_space<vmem>> -> memref<1x128xi32, #tpu.memory_space<vmem>>
        %dma_start3A_116 = tpu.memref_squeeze %dma_start3A_115 : memref<1x128xi32, #tpu.memory_space<vmem>> -> memref<128xi32, #tpu.memory_space<vmem>>
        %dma_start3A_117 = arith.constant 0 : i32
        %dma_start3A_118 = arith.constant 0 : i32
        %dma_start3A_119 = tpu.memref_slice %arg10[%dma_start3A_117, %dma_start3A_118] : memref<10240x128xf32, #tpu.memory_space<vmem_shared>> -> memref<10240x128xf32, #tpu.memory_space<vmem_shared>>
        tpu.enqueue_indirect_dma source(%dma_start3A_113 : memref<128x128xf32, #tpu.memory_space<vmem>>) target(%dma_start3A_119 : memref<10240x128xf32, #tpu.memory_space<vmem_shared>>) offsets(%dma_start3A_116 : memref<128xi32, #tpu.memory_space<vmem>>) semaphore(%run_scoped3A : memref<!tpu.dma_semaphore, #tpu.memory_space<semaphore_mem>>) {add = true}
        %dma_wait3A_120 = arith.constant 0 : i32
        %dma_wait3A_121 = arith.constant 0 : i32
        %dma_wait3A_122 = tpu.memref_slice %arg8[%rem3A_94, %dma_wait3A_120, %dma_wait3A_121] : memref<2x128x128xf32, #tpu.memory_space<vmem>> -> memref<1x128x128xf32, #tpu.memory_space<vmem>>
        %dma_wait3A_123 = tpu.memref_squeeze %dma_wait3A_122 : memref<1x128x128xf32, #tpu.memory_space<vmem>> -> memref<128x128xf32, #tpu.memory_space<vmem>>
        %dma_wait3A_124 = arith.constant 0 : i32
        %dma_wait3A_125 = tpu.memref_slice %arg7[%while3A_92, %dma_wait3A_124] : memref<104x128xi32, #tpu.memory_space<vmem>> -> memref<1x128xi32, #tpu.memory_space<vmem>>
        %dma_wait3A_126 = tpu.memref_squeeze %dma_wait3A_125 : memref<1x128xi32, #tpu.memory_space<vmem>> -> memref<128xi32, #tpu.memory_space<vmem>>
        %dma_wait3A_127 = arith.constant 0 : i32
        %dma_wait3A_128 = arith.constant 0 : i32
        %dma_wait3A_129 = tpu.memref_slice %arg10[%dma_wait3A_127, %dma_wait3A_128] : memref<10240x128xf32, #tpu.memory_space<vmem_shared>> -> memref<10240x128xf32, #tpu.memory_space<vmem_shared>>
        tpu.wait_indirect_dma semaphore(%run_scoped3A : memref<!tpu.dma_semaphore, #tpu.memory_space<semaphore_mem>>) src(%dma_wait3A_123 : memref<128x128xf32, #tpu.memory_space<vmem>>) dst(%dma_wait3A_129 : memref<10240x128xf32, #tpu.memory_space<vmem_shared>>)
        tpu.yield
      }) : () -> ()
    }
    %while3A_86 = arith.constant 1 : i32
    scf.for %while3A_92 = %while3A_84 to %while3A_80 step %while3A_86  : i32 {
      %rem3A_93 = arith.constant 2 : i32
      %rem3A_94 = arith.remsi %while3A_92, %rem3A_93 : i32
      %add3A_95 = arith.constant 1 : i32
      %add3A_96 = arith.addi %while3A_92, %add3A_95 : i32
      %lt3A = arith.cmpi slt, %add3A_96, %select_n3A : i32
      %convert_element_type3A = arith.extui %lt3A : i1 to i32
      %cond3A = arith.constant 0 : i32
      %cond3A_97 = arith.cmpi ne, %convert_element_type3A, %cond3A : i32
      scf.if %cond3A_97 {
        %add3A_110 = arith.constant 1 : i32
        %add3A_111 = arith.addi %while3A_92, %add3A_110 : i32
        %rem3A_112 = arith.constant 3 : i32
        %rem3A_113 = arith.remsi %add3A_111, %rem3A_112 : i32
        %dma_wait3A_114 = arith.constant 0 : i32
        %dma_wait3A_115 = tpu.memref_slice %arg6[%rem3A_113, %dma_wait3A_114] : memref<3x128xi32, #tpu.memory_space<vmem>> -> memref<1x128xi32, #tpu.memory_space<vmem>>
        %dma_wait3A_116 = tpu.memref_squeeze %dma_wait3A_115 : memref<1x128xi32, #tpu.memory_space<vmem>> -> memref<128xi32, #tpu.memory_space<vmem>>
        %dma_wait3A_117 = tpu.memref_slice %arg3[%mul3A_26] : memref<327680xi32, #tpu.memory_space<hbm>> -> memref<128xi32, #tpu.memory_space<hbm>>
        %dma_wait3A_118 = arith.constant 0 : i32
        %dma_wait3A_119 = tpu.memref_slice %arg6[%rem3A_113, %dma_wait3A_118] : memref<3x128xi32, #tpu.memory_space<vmem>> -> memref<1x128xi32, #tpu.memory_space<vmem>>
        %dma_wait3A_120 = tpu.memref_squeeze %dma_wait3A_119 : memref<1x128xi32, #tpu.memory_space<vmem>> -> memref<128xi32, #tpu.memory_space<vmem>>
        %dma_wait3A_121 = tpu.memref_slice %arg3[%mul3A_26] : memref<327680xi32, #tpu.memory_space<hbm>> -> memref<128xi32, #tpu.memory_space<hbm>>
        tpu.wait_dma2 semaphore(%arg12 : memref<!tpu.dma_semaphore, #tpu.memory_space<semaphore_mem>>) src(%dma_wait3A_121 : memref<128xi32, #tpu.memory_space<hbm>>) dst(%dma_wait3A_120 : memref<128xi32, #tpu.memory_space<vmem>>)
        %add3A_122 = arith.constant 1 : i32
        %add3A_123 = arith.addi %while3A_92, %add3A_122 : i32
        %rem3A_124 = arith.constant 3 : i32
        %rem3A_125 = arith.remsi %add3A_123, %rem3A_124 : i32
        %rem3A_126 = arith.constant 2 : i32
        %rem3A_127 = arith.remsi %add3A_123, %rem3A_126 : i32
        %dma_start3A_128 = arith.constant 0 : i32
        %dma_start3A_129 = arith.constant 0 : i32
        %dma_start3A_130 = tpu.memref_slice %arg8[%rem3A_127, %dma_start3A_128, %dma_start3A_129] : memref<2x128x128xf32, #tpu.memory_space<vmem>> -> memref<1x128x128xf32, #tpu.memory_space<vmem>>
        %dma_start3A_131 = tpu.memref_squeeze %dma_start3A_130 : memref<1x128x128xf32, #tpu.memory_space<vmem>> -> memref<128x128xf32, #tpu.memory_space<vmem>>
        %dma_start3A_132 = arith.constant 0 : i32
        %dma_start3A_133 = tpu.memref_slice %arg6[%rem3A_125, %dma_start3A_132] : memref<3x128xi32, #tpu.memory_space<vmem>> -> memref<1x128xi32, #tpu.memory_space<vmem>>
        %dma_start3A_134 = tpu.memref_squeeze %dma_start3A_133 : memref<1x128xi32, #tpu.memory_space<vmem>> -> memref<128xi32, #tpu.memory_space<vmem>>
        %dma_start3A_135 = arith.constant 0 : i32
        %dma_start3A_136 = arith.constant 0 : i32
        %dma_start3A_137 = tpu.memref_slice %arg2[%dma_start3A_135, %dma_start3A_136] : memref<10240x128xf32, #tpu.memory_space<hbm>> -> memref<10240x128xf32, #tpu.memory_space<hbm>>
        tpu.enqueue_indirect_dma source(%dma_start3A_137 : memref<10240x128xf32, #tpu.memory_space<hbm>>) target(%dma_start3A_131 : memref<128x128xf32, #tpu.memory_space<vmem>>) offsets(%dma_start3A_134 : memref<128xi32, #tpu.memory_space<vmem>>) semaphore(%arg11 : memref<!tpu.dma_semaphore, #tpu.memory_space<semaphore_mem>>)
        %add3A_138 = arith.constant 2 : i32
        %add3A_139 = arith.addi %while3A_92, %add3A_138 : i32
        %lt3A_140 = arith.cmpi slt, %add3A_139, %select_n3A : i32
        %convert_element_type3A_141 = arith.extui %lt3A_140 : i1 to i32
        %cond3A_142 = arith.constant 0 : i32
        %cond3A_143 = arith.cmpi ne, %convert_element_type3A_141, %cond3A_142 : i32
        scf.if %cond3A_143 {
          %add3A_144 = arith.constant 2 : i32
          %add3A_145 = arith.addi %while3A_92, %add3A_144 : i32
          %mul3A_146 = arith.constant 128 : i32
          %mul3A_147 = arith.muli %add3A_145, %mul3A_146 : i32
          %add3A_148 = arith.addi %mul3A_26, %mul3A_147 : i32
          %rem3A_149 = arith.constant 3 : i32
          %rem3A_150 = arith.remsi %add3A_145, %rem3A_149 : i32
          %dma_start3A_151 = arith.constant 0 : i32
          %dma_start3A_152 = tpu.memref_slice %arg6[%rem3A_150, %dma_start3A_151] : memref<3x128xi32, #tpu.memory_space<vmem>> -> memref<1x128xi32, #tpu.memory_space<vmem>>
          %dma_start3A_153 = tpu.memref_squeeze %dma_start3A_152 : memref<1x128xi32, #tpu.memory_space<vmem>> -> memref<128xi32, #tpu.memory_space<vmem>>
          %dma_start3A_154 = tpu.memref_slice %arg3[%add3A_148] : memref<327680xi32, #tpu.memory_space<hbm>> -> memref<128xi32, #tpu.memory_space<hbm>>
          %dma_start3A_155 = arith.constant 0 : i32
          %dma_start3A_156 = tpu.memref_slice %arg6[%rem3A_150, %dma_start3A_155] : memref<3x128xi32, #tpu.memory_space<vmem>> -> memref<1x128xi32, #tpu.memory_space<vmem>>
          %dma_start3A_157 = tpu.memref_squeeze %dma_start3A_156 : memref<1x128xi32, #tpu.memory_space<vmem>> -> memref<128xi32, #tpu.memory_space<vmem>>
          %dma_start3A_158 = tpu.memref_slice %arg3[%add3A_148] : memref<327680xi32, #tpu.memory_space<hbm>> -> memref<128xi32, #tpu.memory_space<hbm>>
          tpu.enqueue_dma source(%dma_start3A_158 : memref<128xi32, #tpu.memory_space<hbm>>) target(%dma_start3A_157 : memref<128xi32, #tpu.memory_space<vmem>>) target_semaphore(%arg12 : memref<!tpu.dma_semaphore, #tpu.memory_space<semaphore_mem>>)
        } else {
        }
      } else {
      }
      %rem3A_98 = arith.constant 3 : i32
      %rem3A_99 = arith.remsi %while3A_92, %rem3A_98 : i32
      %dma_wait3A_100 = arith.constant 0 : i32
      %dma_wait3A_101 = arith.constant 0 : i32
      %dma_wait3A_102 = tpu.memref_slice %arg8[%rem3A_94, %dma_wait3A_100, %dma_wait3A_101] : memref<2x128x128xf32, #tpu.memory_space<vmem>> -> memref<1x128x128xf32, #tpu.memory_space<vmem>>
      %dma_wait3A_103 = tpu.memref_squeeze %dma_wait3A_102 : memref<1x128x128xf32, #tpu.memory_space<vmem>> -> memref<128x128xf32, #tpu.memory_space<vmem>>
      %dma_wait3A_104 = arith.constant 0 : i32
      %dma_wait3A_105 = tpu.memref_slice %arg6[%rem3A_99, %dma_wait3A_104] : memref<3x128xi32, #tpu.memory_space<vmem>> -> memref<1x128xi32, #tpu.memory_space<vmem>>
      %dma_wait3A_106 = tpu.memref_squeeze %dma_wait3A_105 : memref<1x128xi32, #tpu.memory_space<vmem>> -> memref<128xi32, #tpu.memory_space<vmem>>
      %dma_wait3A_107 = arith.constant 0 : i32
      %dma_wait3A_108 = arith.constant 0 : i32
      %dma_wait3A_109 = tpu.memref_slice %arg2[%dma_wait3A_107, %dma_wait3A_108] : memref<10240x128xf32, #tpu.memory_space<hbm>> -> memref<10240x128xf32, #tpu.memory_space<hbm>>
      tpu.wait_indirect_dma semaphore(%arg11 : memref<!tpu.dma_semaphore, #tpu.memory_space<semaphore_mem>>) src(%dma_wait3A_109 : memref<10240x128xf32, #tpu.memory_space<hbm>>) dst(%dma_wait3A_103 : memref<128x128xf32, #tpu.memory_space<vmem>>)
      "tpu.region"() ({
        %run_scoped3A = tpu.sem_alloc : memref<!tpu.dma_semaphore, #tpu.memory_space<semaphore_mem>>
        %dma_start3A_110 = arith.constant 0 : i32
        %dma_start3A_111 = arith.constant 0 : i32
        %dma_start3A_112 = tpu.memref_slice %arg8[%rem3A_94, %dma_start3A_110, %dma_start3A_111] : memref<2x128x128xf32, #tpu.memory_space<vmem>> -> memref<1x128x128xf32, #tpu.memory_space<vmem>>
        %dma_start3A_113 = tpu.memref_squeeze %dma_start3A_112 : memref<1x128x128xf32, #tpu.memory_space<vmem>> -> memref<128x128xf32, #tpu.memory_space<vmem>>
        %dma_start3A_114 = arith.constant 0 : i32
        %dma_start3A_115 = tpu.memref_slice %arg7[%while3A_92, %dma_start3A_114] : memref<104x128xi32, #tpu.memory_space<vmem>> -> memref<1x128xi32, #tpu.memory_space<vmem>>
        %dma_start3A_116 = tpu.memref_squeeze %dma_start3A_115 : memref<1x128xi32, #tpu.memory_space<vmem>> -> memref<128xi32, #tpu.memory_space<vmem>>
        %dma_start3A_117 = arith.constant 0 : i32
        %dma_start3A_118 = arith.constant 0 : i32
        %dma_start3A_119 = tpu.memref_slice %arg10[%dma_start3A_117, %dma_start3A_118] : memref<10240x128xf32, #tpu.memory_space<vmem_shared>> -> memref<10240x128xf32, #tpu.memory_space<vmem_shared>>
        tpu.enqueue_indirect_dma source(%dma_start3A_113 : memref<128x128xf32, #tpu.memory_space<vmem>>) target(%dma_start3A_119 : memref<10240x128xf32, #tpu.memory_space<vmem_shared>>) offsets(%dma_start3A_116 : memref<128xi32, #tpu.memory_space<vmem>>) semaphore(%run_scoped3A : memref<!tpu.dma_semaphore, #tpu.memory_space<semaphore_mem>>) {add = true}
        %dma_wait3A_120 = arith.constant 0 : i32
        %dma_wait3A_121 = arith.constant 0 : i32
        %dma_wait3A_122 = tpu.memref_slice %arg8[%rem3A_94, %dma_wait3A_120, %dma_wait3A_121] : memref<2x128x128xf32, #tpu.memory_space<vmem>> -> memref<1x128x128xf32, #tpu.memory_space<vmem>>
        %dma_wait3A_123 = tpu.memref_squeeze %dma_wait3A_122 : memref<1x128x128xf32, #tpu.memory_space<vmem>> -> memref<128x128xf32, #tpu.memory_space<vmem>>
        %dma_wait3A_124 = arith.constant 0 : i32
        %dma_wait3A_125 = tpu.memref_slice %arg7[%while3A_92, %dma_wait3A_124] : memref<104x128xi32, #tpu.memory_space<vmem>> -> memref<1x128xi32, #tpu.memory_space<vmem>>
        %dma_wait3A_126 = tpu.memref_squeeze %dma_wait3A_125 : memref<1x128xi32, #tpu.memory_space<vmem>> -> memref<128xi32, #tpu.memory_space<vmem>>
        %dma_wait3A_127 = arith.constant 0 : i32
        %dma_wait3A_128 = arith.constant 0 : i32
        %dma_wait3A_129 = tpu.memref_slice %arg10[%dma_wait3A_127, %dma_wait3A_128] : memref<10240x128xf32, #tpu.memory_space<vmem_shared>> -> memref<10240x128xf32, #tpu.memory_space<vmem_shared>>
        tpu.wait_indirect_dma semaphore(%run_scoped3A : memref<!tpu.dma_semaphore, #tpu.memory_space<semaphore_mem>>) src(%dma_wait3A_123 : memref<128x128xf32, #tpu.memory_space<vmem>>) dst(%dma_wait3A_129 : memref<10240x128xf32, #tpu.memory_space<vmem_shared>>)
        tpu.yield
      }) : () -> ()
    }
    %barrier3A_87 = arith.constant 0 : index
    tpu.barrier barrier_id(%barrier3A_87)
    %mul3A_88 = arith.constant 640 : i32
    %mul3A_89 = arith.muli %arg1, %mul3A_88 : i32
    %mul3A_90 = arith.constant 640 : i32
    %mul3A_91 = arith.muli %arg1, %mul3A_90 : i32
    "tpu.region"() ({
      %run_scoped3A = tpu.sem_alloc : memref<!tpu.dma_semaphore, #tpu.memory_space<semaphore_mem>>
      %dma_start3A_92 = arith.constant 0 : i32
      %dma_start3A_93 = tpu.memref_slice %arg5[%arg0, %mul3A_91, %dma_start3A_92] : memref<2x10240x128xf32, #tpu.memory_space<hbm>> -> memref<1x640x128xf32, #tpu.memory_space<hbm>>
      %dma_start3A_94 = tpu.memref_squeeze %dma_start3A_93 : memref<1x640x128xf32, #tpu.memory_space<hbm>> -> memref<640x128xf32, #tpu.memory_space<hbm>>
      %dma_start3A_95 = arith.constant 0 : i32
      %dma_start3A_96 = tpu.memref_slice %arg10[%mul3A_89, %dma_start3A_95] : memref<10240x128xf32, #tpu.memory_space<vmem_shared>> -> memref<640x128xf32, #tpu.memory_space<vmem_shared>>
      tpu.enqueue_dma source(%dma_start3A_96 : memref<640x128xf32, #tpu.memory_space<vmem_shared>>) target(%dma_start3A_94 : memref<640x128xf32, #tpu.memory_space<hbm>>) target_semaphore(%run_scoped3A : memref<!tpu.dma_semaphore, #tpu.memory_space<semaphore_mem>>)
      %dma_wait3A_97 = arith.constant 0 : i32
      %dma_wait3A_98 = tpu.memref_slice %arg5[%arg0, %mul3A_91, %dma_wait3A_97] : memref<2x10240x128xf32, #tpu.memory_space<hbm>> -> memref<1x640x128xf32, #tpu.memory_space<hbm>>
      %dma_wait3A_99 = tpu.memref_squeeze %dma_wait3A_98 : memref<1x640x128xf32, #tpu.memory_space<hbm>> -> memref<640x128xf32, #tpu.memory_space<hbm>>
      %dma_wait3A_100 = arith.constant 0 : i32
      %dma_wait3A_101 = tpu.memref_slice %arg10[%mul3A_89, %dma_wait3A_100] : memref<10240x128xf32, #tpu.memory_space<vmem_shared>> -> memref<640x128xf32, #tpu.memory_space<vmem_shared>>
      tpu.wait_dma2 semaphore(%run_scoped3A : memref<!tpu.dma_semaphore, #tpu.memory_space<semaphore_mem>>) src(%dma_wait3A_101 : memref<640x128xf32, #tpu.memory_space<vmem_shared>>) dst(%dma_wait3A_99 : memref<640x128xf32, #tpu.memory_space<hbm>>)
      tpu.yield
    }) : () -> ()
    return
  }
}

module attributes {stable_mosaic.version = 14 : i64} {
  func.func @_tc_layer_body2(%arg0: i32, %arg1: memref<2x1024x128xf32, #tpu.memory_space<vmem>>, %arg2: memref<1024x128xf32, #tpu.memory_space<vmem>>, %arg3: memref<1024x1xf32, #tpu.memory_space<vmem>>, %arg4: memref<1x128xf32, #tpu.memory_space<vmem>>, %arg5: memref<128x128xf32, #tpu.memory_space<vmem>>, %arg6: memref<1024x128xf32, #tpu.memory_space<vmem>>) attributes {dimension_semantics = [#tpu.dimension_semantics<arbitrary>], iteration_bounds = array<i64: 10>, scalar_prefetch = 0 : i64, scratch_operands = 0 : i64, tpu.core_type = #tpu.core_type<tc>, window_params = [{transform_indices = @transform_0, window_bounds = array<i64: 2, 1024, 128>}, {transform_indices = @transform_1, window_bounds = array<i64: 1024, 128>}, {transform_indices = @transform_2, window_bounds = array<i64: 1024, 1>}, {pipeline_mode = #tpu.pipeline_mode<synchronous>, transform_indices = @transform_3, window_bounds = array<i64: 1, 128>}, {pipeline_mode = #tpu.pipeline_mode<synchronous>, transform_indices = @transform_4, window_bounds = array<i64: 128, 128>}, {transform_indices = @transform_5, window_bounds = array<i64: 1024, 128>}]} {
    %get3A = arith.constant 0 : index
    %get3A_0 = arith.constant 0 : index
    %get3A_1 = vector.load %arg3[%get3A, %get3A_0] : memref<1024x1xf32, #tpu.memory_space<vmem>>, vector<1024x1xf32>
    %get3A_2 = arith.constant 0 : index
    %get3A_3 = arith.constant 0 : index
    %get3A_4 = arith.constant 0 : index
    %get3A_5 = vector.load %arg1[%get3A_2, %get3A_3, %get3A_4] : memref<2x1024x128xf32, #tpu.memory_space<vmem>>, vector<1x1024x128xf32>
    %get3A_6 = vector.shape_cast %get3A_5 : vector<1x1024x128xf32> to vector<1024x128xf32>
    %get3A_7 = arith.constant 1 : index
    %get3A_8 = arith.constant 0 : index
    %get3A_9 = arith.constant 0 : index
    %get3A_10 = vector.load %arg1[%get3A_7, %get3A_8, %get3A_9] : memref<2x1024x128xf32, #tpu.memory_space<vmem>>, vector<1x1024x128xf32>
    %get3A_11 = vector.shape_cast %get3A_10 : vector<1x1024x128xf32> to vector<1024x128xf32>
    %add3A = arith.addf %get3A_6, %get3A_11 : vector<1024x128xf32>
    %get3A_12 = arith.constant 0 : index
    %get3A_13 = arith.constant 0 : index
    %get3A_14 = vector.load %arg2[%get3A_12, %get3A_13] : memref<1024x128xf32, #tpu.memory_space<vmem>>, vector<1024x128xf32>
    %add3A_15 = arith.addf %add3A, %get3A_14 : vector<1024x128xf32>
    %mul3A = vector.broadcast %get3A_1 : vector<1024x1xf32> to vector<1024x128xf32>
    %mul3A_16 = arith.mulf %mul3A, %add3A_15 : vector<1024x128xf32>
    %get3A_17 = arith.constant 0 : index
    %get3A_18 = arith.constant 0 : index
    %get3A_19 = vector.load %arg4[%get3A_17, %get3A_18] : memref<1x128xf32, #tpu.memory_space<vmem>>, vector<1x128xf32>
    %add3A_20 = vector.broadcast %get3A_19 : vector<1x128xf32> to vector<1024x128xf32>
    %add3A_21 = arith.addf %mul3A_16, %add3A_20 : vector<1024x128xf32>
    %max3A = arith.constant 0.000000e+00 : f32
    %max3A_22 = vector.broadcast %max3A : f32 to vector<1024x128xf32>
    %max3A_23 = arith.maximumf %add3A_21, %max3A_22 : vector<1024x128xf32>
    %get3A_24 = arith.constant 0 : index
    %get3A_25 = arith.constant 0 : index
    %get3A_26 = vector.load %arg5[%get3A_24, %get3A_25] : memref<128x128xf32, #tpu.memory_space<vmem>>, vector<128x128xf32>
    %dot_general3A = arith.constant dense<0.000000e+00> : vector<1024x128xf32>
    %dot_general3A_27 = tpu.matmul %max3A_23, %get3A_26, %dot_general3A {dimension_numbers = #tpu.dot_dimension_numbers<[1], [0], [0], [1], [0, 0, 1, 1], [], []>, transpose_lhs_hint = false} : vector<1024x128xf32>, vector<128x128xf32>, vector<1024x128xf32> -> vector<1024x128xf32>
    %mul3A_28 = vector.broadcast %get3A_1 : vector<1024x1xf32> to vector<1024x128xf32>
    %mul3A_29 = arith.mulf %dot_general3A_27, %mul3A_28 : vector<1024x128xf32>
    %swap3A = arith.constant 0 : index
    %swap3A_30 = arith.constant 0 : index
    %swap3A_31 = vector.load %arg6[%swap3A, %swap3A_30] : memref<1024x128xf32, #tpu.memory_space<vmem>>, vector<1024x128xf32>
    tpu.vector_store %arg6[%swap3A, %swap3A_30], %mul3A_29 {strides = array<i32>} : memref<1024x128xf32, #tpu.memory_space<vmem>>, vector<1024x128xf32>,
    return
  }
  func.func @transform_0(%arg0: i32) -> (i32, i32, i32) {
    %c0_i32 = arith.constant 0 : i32
    %c0_i32_0 = arith.constant 0 : i32
    %c0_i32_1 = arith.constant 0 : i32
    return %c0_i32, %arg0, %c0_i32_0 : i32, i32, i32
  }
  func.func @transform_1(%arg0: i32) -> (i32, i32) {
    %c0_i32 = arith.constant 0 : i32
    %c0_i32_0 = arith.constant 0 : i32
    return %arg0, %c0_i32 : i32, i32
  }
  func.func @transform_2(%arg0: i32) -> (i32, i32) {
    %c0_i32 = arith.constant 0 : i32
    %c0_i32_0 = arith.constant 0 : i32
    return %arg0, %c0_i32 : i32, i32
  }
  func.func @transform_3(%arg0: i32) -> (i32, i32) {
    %c0_i32 = arith.constant 0 : i32
    %c0_i32_0 = arith.constant 0 : i32
    %c0_i32_1 = arith.constant 0 : i32
    return %c0_i32, %c0_i32_0 : i32, i32
  }
  func.func @transform_4(%arg0: i32) -> (i32, i32) {
    %c0_i32 = arith.constant 0 : i32
    %c0_i32_0 = arith.constant 0 : i32
    %c0_i32_1 = arith.constant 0 : i32
    return %c0_i32, %c0_i32_0 : i32, i32
  }
  func.func @transform_5(%arg0: i32) -> (i32, i32) {
    %c0_i32 = arith.constant 0 : i32
    %c0_i32_0 = arith.constant 0 : i32
    return %arg0, %c0_i32 : i32, i32
  }
}

module attributes {stable_mosaic.version = 14 : i64} {
  func.func @_tc_b_body(%arg0: i32, %arg1: memref<2x1024x16xf32, #tpu.memory_space<vmem>>, %arg2: memref<1024x128xf32, #tpu.memory_space<vmem>>, %arg3: memref<128x128xf32, #tpu.memory_space<vmem>>, %arg4: memref<1024x128xf32, #tpu.memory_space<vmem>>, %arg5: memref<1024x1xf32, #tpu.memory_space<vmem>>) attributes {dimension_semantics = [#tpu.dimension_semantics<arbitrary>], iteration_bounds = array<i64: 10>, scalar_prefetch = 0 : i64, scratch_operands = 0 : i64, tpu.core_type = #tpu.core_type<tc>, window_params = [{transform_indices = @transform_0, window_bounds = array<i64: 2, 1024, 16>}, {transform_indices = @transform_1, window_bounds = array<i64: 1024, 128>}, {pipeline_mode = #tpu.pipeline_mode<synchronous>, transform_indices = @transform_2, window_bounds = array<i64: 128, 128>}, {transform_indices = @transform_3, window_bounds = array<i64: 1024, 128>}, {transform_indices = @transform_4, window_bounds = array<i64: 1024, 1>}]} {
    %get3A = arith.constant 0 : index
    %get3A_0 = arith.constant 0 : index
    %get3A_1 = arith.constant 0 : index
    %get3A_2 = vector.load %arg1[%get3A, %get3A_0, %get3A_1] : memref<2x1024x16xf32, #tpu.memory_space<vmem>>, vector<1x1024x1xf32>
    %get3A_3 = vector.shape_cast %get3A_2 : vector<1x1024x1xf32> to vector<1024x1xf32>
    %get3A_4 = arith.constant 1 : index
    %get3A_5 = arith.constant 0 : index
    %get3A_6 = arith.constant 0 : index
    %get3A_7 = vector.load %arg1[%get3A_4, %get3A_5, %get3A_6] : memref<2x1024x16xf32, #tpu.memory_space<vmem>>, vector<1x1024x1xf32>
    %get3A_8 = vector.shape_cast %get3A_7 : vector<1x1024x1xf32> to vector<1024x1xf32>
    %add3A = arith.addf %get3A_3, %get3A_8 : vector<1024x1xf32>
    %add3A_9 = arith.constant 1.000000e+00 : f32
    %add3A_10 = vector.broadcast %add3A_9 : f32 to vector<1024x1xf32>
    %add3A_11 = arith.addf %add3A, %add3A_10 : vector<1024x1xf32>
    %rsqrt3A = math.rsqrt %add3A_11 : vector<1024x1xf32>
    %get3A_12 = arith.constant 0 : index
    %get3A_13 = arith.constant 0 : index
    %get3A_14 = vector.load %arg2[%get3A_12, %get3A_13] : memref<1024x128xf32, #tpu.memory_space<vmem>>, vector<1024x128xf32>
    %get3A_15 = arith.constant 0 : index
    %get3A_16 = arith.constant 0 : index
    %get3A_17 = vector.load %arg3[%get3A_15, %get3A_16] : memref<128x128xf32, #tpu.memory_space<vmem>>, vector<128x128xf32>
    %dot_general3A = arith.constant dense<0.000000e+00> : vector<1024x128xf32>
    %dot_general3A_18 = tpu.matmul %get3A_14, %get3A_17, %dot_general3A {dimension_numbers = #tpu.dot_dimension_numbers<[1], [0], [0], [1], [0, 0, 1, 1], [], []>, transpose_lhs_hint = false} : vector<1024x128xf32>, vector<128x128xf32>, vector<1024x128xf32> -> vector<1024x128xf32>
    %mul3A = vector.broadcast %rsqrt3A : vector<1024x1xf32> to vector<1024x128xf32>
    %mul3A_19 = arith.mulf %dot_general3A_18, %mul3A : vector<1024x128xf32>
    %swap3A = arith.constant 0 : index
    %swap3A_20 = arith.constant 0 : index
    %swap3A_21 = vector.load %arg4[%swap3A, %swap3A_20] : memref<1024x128xf32, #tpu.memory_space<vmem>>, vector<1024x128xf32>
    tpu.vector_store %arg4[%swap3A, %swap3A_20], %mul3A_19 {strides = array<i32>} : memref<1024x128xf32, #tpu.memory_space<vmem>>, vector<1024x128xf32>,
    %swap3A_22 = arith.constant 0 : index
    %swap3A_23 = arith.constant 0 : index
    %swap3A_24 = vector.load %arg5[%swap3A_22, %swap3A_23] : memref<1024x1xf32, #tpu.memory_space<vmem>>, vector<1024x1xf32>
    tpu.vector_store %arg5[%swap3A_22, %swap3A_23], %rsqrt3A {strides = array<i32>} : memref<1024x1xf32, #tpu.memory_space<vmem>>, vector<1024x1xf32>,
    return
  }
  func.func @transform_0(%arg0: i32) -> (i32, i32, i32) {
    %c0_i32 = arith.constant 0 : i32
    %c0_i32_0 = arith.constant 0 : i32
    %c0_i32_1 = arith.constant 0 : i32
    return %c0_i32, %arg0, %c0_i32_0 : i32, i32, i32
  }
  func.func @transform_1(%arg0: i32) -> (i32, i32) {
    %c0_i32 = arith.constant 0 : i32
    %c0_i32_0 = arith.constant 0 : i32
    return %arg0, %c0_i32 : i32, i32
  }
  func.func @transform_2(%arg0: i32) -> (i32, i32) {
    %c0_i32 = arith.constant 0 : i32
    %c0_i32_0 = arith.constant 0 : i32
    %c0_i32_1 = arith.constant 0 : i32
    return %c0_i32, %c0_i32_0 : i32, i32
  }
  func.func @transform_3(%arg0: i32) -> (i32, i32) {
    %c0_i32 = arith.constant 0 : i32
    %c0_i32_0 = arith.constant 0 : i32
    return %arg0, %c0_i32 : i32, i32
  }
  func.func @transform_4(%arg0: i32) -> (i32, i32) {
    %c0_i32 = arith.constant 0 : i32
    %c0_i32_0 = arith.constant 0 : i32
    return %arg0, %c0_i32 : i32, i32
  }
}

module attributes {stable_mosaic.version = 14 : i64} {
  func.func @_tc_layer_body2(%arg0: i32, %arg1: memref<2x1024x128xf32, #tpu.memory_space<vmem>>, %arg2: memref<1024x128xf32, #tpu.memory_space<vmem>>, %arg3: memref<1024x1xf32, #tpu.memory_space<vmem>>, %arg4: memref<1x128xf32, #tpu.memory_space<vmem>>, %arg5: memref<128x128xf32, #tpu.memory_space<vmem>>, %arg6: memref<1024x128xf32, #tpu.memory_space<vmem>>) attributes {dimension_semantics = [#tpu.dimension_semantics<arbitrary>], iteration_bounds = array<i64: 10>, scalar_prefetch = 0 : i64, scratch_operands = 0 : i64, tpu.core_type = #tpu.core_type<tc>, window_params = [{transform_indices = @transform_0, window_bounds = array<i64: 2, 1024, 128>}, {transform_indices = @transform_1, window_bounds = array<i64: 1024, 128>}, {transform_indices = @transform_2, window_bounds = array<i64: 1024, 1>}, {pipeline_mode = #tpu.pipeline_mode<synchronous>, transform_indices = @transform_3, window_bounds = array<i64: 1, 128>}, {pipeline_mode = #tpu.pipeline_mode<synchronous>, transform_indices = @transform_4, window_bounds = array<i64: 128, 128>}, {transform_indices = @transform_5, window_bounds = array<i64: 1024, 128>}]} {
    %get3A = arith.constant 0 : index
    %get3A_0 = arith.constant 0 : index
    %get3A_1 = vector.load %arg3[%get3A, %get3A_0] : memref<1024x1xf32, #tpu.memory_space<vmem>>, vector<1024x1xf32>
    %get3A_2 = arith.constant 0 : index
    %get3A_3 = arith.constant 0 : index
    %get3A_4 = arith.constant 0 : index
    %get3A_5 = vector.load %arg1[%get3A_2, %get3A_3, %get3A_4] : memref<2x1024x128xf32, #tpu.memory_space<vmem>>, vector<1x1024x128xf32>
    %get3A_6 = vector.shape_cast %get3A_5 : vector<1x1024x128xf32> to vector<1024x128xf32>
    %get3A_7 = arith.constant 1 : index
    %get3A_8 = arith.constant 0 : index
    %get3A_9 = arith.constant 0 : index
    %get3A_10 = vector.load %arg1[%get3A_7, %get3A_8, %get3A_9] : memref<2x1024x128xf32, #tpu.memory_space<vmem>>, vector<1x1024x128xf32>
    %get3A_11 = vector.shape_cast %get3A_10 : vector<1x1024x128xf32> to vector<1024x128xf32>
    %add3A = arith.addf %get3A_6, %get3A_11 : vector<1024x128xf32>
    %get3A_12 = arith.constant 0 : index
    %get3A_13 = arith.constant 0 : index
    %get3A_14 = vector.load %arg2[%get3A_12, %get3A_13] : memref<1024x128xf32, #tpu.memory_space<vmem>>, vector<1024x128xf32>
    %add3A_15 = arith.addf %add3A, %get3A_14 : vector<1024x128xf32>
    %mul3A = vector.broadcast %get3A_1 : vector<1024x1xf32> to vector<1024x128xf32>
    %mul3A_16 = arith.mulf %mul3A, %add3A_15 : vector<1024x128xf32>
    %get3A_17 = arith.constant 0 : index
    %get3A_18 = arith.constant 0 : index
    %get3A_19 = vector.load %arg4[%get3A_17, %get3A_18] : memref<1x128xf32, #tpu.memory_space<vmem>>, vector<1x128xf32>
    %add3A_20 = vector.broadcast %get3A_19 : vector<1x128xf32> to vector<1024x128xf32>
    %add3A_21 = arith.addf %mul3A_16, %add3A_20 : vector<1024x128xf32>
    %max3A = arith.constant 0.000000e+00 : f32
    %max3A_22 = vector.broadcast %max3A : f32 to vector<1024x128xf32>
    %max3A_23 = arith.maximumf %add3A_21, %max3A_22 : vector<1024x128xf32>
    %get3A_24 = arith.constant 0 : index
    %get3A_25 = arith.constant 0 : index
    %get3A_26 = vector.load %arg5[%get3A_24, %get3A_25] : memref<128x128xf32, #tpu.memory_space<vmem>>, vector<128x128xf32>
    %dot_general3A = arith.constant dense<0.000000e+00> : vector<1024x128xf32>
    %dot_general3A_27 = tpu.matmul %max3A_23, %get3A_26, %dot_general3A {dimension_numbers = #tpu.dot_dimension_numbers<[1], [0], [0], [1], [0, 0, 1, 1], [], []>, transpose_lhs_hint = false} : vector<1024x128xf32>, vector<128x128xf32>, vector<1024x128xf32> -> vector<1024x128xf32>
    %swap3A = arith.constant 0 : index
    %swap3A_28 = arith.constant 0 : index
    %swap3A_29 = vector.load %arg6[%swap3A, %swap3A_28] : memref<1024x128xf32, #tpu.memory_space<vmem>>, vector<1024x128xf32>
    tpu.vector_store %arg6[%swap3A, %swap3A_28], %dot_general3A_27 {strides = array<i32>} : memref<1024x128xf32, #tpu.memory_space<vmem>>, vector<1024x128xf32>,
    return
  }
  func.func @transform_0(%arg0: i32) -> (i32, i32, i32) {
    %c0_i32 = arith.constant 0 : i32
    %c0_i32_0 = arith.constant 0 : i32
    %c0_i32_1 = arith.constant 0 : i32
    return %c0_i32, %arg0, %c0_i32_0 : i32, i32, i32
  }
  func.func @transform_1(%arg0: i32) -> (i32, i32) {
    %c0_i32 = arith.constant 0 : i32
    %c0_i32_0 = arith.constant 0 : i32
    return %arg0, %c0_i32 : i32, i32
  }
  func.func @transform_2(%arg0: i32) -> (i32, i32) {
    %c0_i32 = arith.constant 0 : i32
    %c0_i32_0 = arith.constant 0 : i32
    return %arg0, %c0_i32 : i32, i32
  }
  func.func @transform_3(%arg0: i32) -> (i32, i32) {
    %c0_i32 = arith.constant 0 : i32
    %c0_i32_0 = arith.constant 0 : i32
    %c0_i32_1 = arith.constant 0 : i32
    return %c0_i32, %c0_i32_0 : i32, i32
  }
  func.func @transform_4(%arg0: i32) -> (i32, i32) {
    %c0_i32 = arith.constant 0 : i32
    %c0_i32_0 = arith.constant 0 : i32
    %c0_i32_1 = arith.constant 0 : i32
    return %c0_i32, %c0_i32_0 : i32, i32
  }
  func.func @transform_5(%arg0: i32) -> (i32, i32) {
    %c0_i32 = arith.constant 0 : i32
    %c0_i32_0 = arith.constant 0 : i32
    return %arg0, %c0_i32 : i32, i32
  }
}

module attributes {stable_mosaic.version = 14 : i64} {
  func.func @_tc_g_body(%arg0: i32, %arg1: memref<2048x128xf32, #tpu.memory_space<vmem>>, %arg2: memref<1x128xf32, #tpu.memory_space<vmem>>, %arg3: memref<128x1xf32, #tpu.memory_space<vmem>>, %arg4: memref<1x1xf32, #tpu.memory_space<vmem>>, %arg5: memref<2048x1xf32, #tpu.memory_space<vmem>>) attributes {dimension_semantics = [#tpu.dimension_semantics<arbitrary>], iteration_bounds = array<i64: 50>, scalar_prefetch = 0 : i64, scratch_operands = 0 : i64, tpu.core_type = #tpu.core_type<tc>, window_params = [{transform_indices = @transform_0, window_bounds = array<i64: 2048, 128>}, {pipeline_mode = #tpu.pipeline_mode<synchronous>, transform_indices = @transform_1, window_bounds = array<i64: 1, 128>}, {pipeline_mode = #tpu.pipeline_mode<synchronous>, transform_indices = @transform_2, window_bounds = array<i64: 128, 1>}, {pipeline_mode = #tpu.pipeline_mode<synchronous>, transform_indices = @transform_3, window_bounds = array<i64: 1, 1>}, {transform_indices = @transform_4, window_bounds = array<i64: 2048, 1>}]} {
    %get3A = arith.constant 0 : index
    %get3A_0 = arith.constant 0 : index
    %get3A_1 = vector.load %arg1[%get3A, %get3A_0] : memref<2048x128xf32, #tpu.memory_space<vmem>>, vector<2048x128xf32>
    %get3A_2 = arith.constant 0 : index
    %get3A_3 = arith.constant 0 : index
    %get3A_4 = vector.load %arg2[%get3A_2, %get3A_3] : memref<1x128xf32, #tpu.memory_space<vmem>>, vector<1x128xf32>
    %add3A = vector.broadcast %get3A_4 : vector<1x128xf32> to vector<2048x128xf32>
    %add3A_5 = arith.addf %get3A_1, %add3A : vector<2048x128xf32>
    %max3A = arith.constant 0.000000e+00 : f32
    %max3A_6 = vector.broadcast %max3A : f32 to vector<2048x128xf32>
    %max3A_7 = arith.maximumf %add3A_5, %max3A_6 : vector<2048x128xf32>
    %get3A_8 = arith.constant 0 : index
    %get3A_9 = arith.constant 0 : index
    %get3A_10 = vector.load %arg3[%get3A_8, %get3A_9] : memref<128x1xf32, #tpu.memory_space<vmem>>, vector<128x1xf32>
    %dot_general3A = arith.constant dense<0.000000e+00> : vector<2048x1xf32>
    %dot_general3A_11 = tpu.matmul %max3A_7, %get3A_10, %dot_general3A {dimension_numbers = #tpu.dot_dimension_numbers<[1], [0], [0], [1], [0, 0, 1, 1], [], []>, transpose_lhs_hint = false} : vector<2048x128xf32>, vector<128x1xf32>, vector<2048x1xf32> -> vector<2048x1xf32>
    %get3A_12 = arith.constant 0 : index
    %get3A_13 = arith.constant 0 : index
    %get3A_14 = vector.load %arg4[%get3A_12, %get3A_13] : memref<1x1xf32, #tpu.memory_space<vmem>>, vector<1x1xf32>
    %add3A_15 = vector.broadcast %get3A_14 : vector<1x1xf32> to vector<2048x1xf32>
    %add3A_16 = arith.addf %dot_general3A_11, %add3A_15 : vector<2048x1xf32>
    %swap3A = arith.constant 0 : index
    %swap3A_17 = arith.constant 0 : index
    %swap3A_18 = vector.load %arg5[%swap3A, %swap3A_17] : memref<2048x1xf32, #tpu.memory_space<vmem>>, vector<2048x1xf32>
    tpu.vector_store %arg5[%swap3A, %swap3A_17], %add3A_16 {strides = array<i32>} : memref<2048x1xf32, #tpu.memory_space<vmem>>, vector<2048x1xf32>,
    return
  }
  func.func @transform_0(%arg0: i32) -> (i32, i32) {
    %c0_i32 = arith.constant 0 : i32
    %c0_i32_0 = arith.constant 0 : i32
    return %arg0, %c0_i32 : i32, i32
  }
  func.func @transform_1(%arg0: i32) -> (i32, i32) {
    %c0_i32 = arith.constant 0 : i32
    %c0_i32_0 = arith.constant 0 : i32
    %c0_i32_1 = arith.constant 0 : i32
    return %c0_i32, %c0_i32_0 : i32, i32
  }
  func.func @transform_2(%arg0: i32) -> (i32, i32) {
    %c0_i32 = arith.constant 0 : i32
    %c0_i32_0 = arith.constant 0 : i32
    %c0_i32_1 = arith.constant 0 : i32
    return %c0_i32, %c0_i32_0 : i32, i32
  }
  func.func @transform_3(%arg0: i32) -> (i32, i32) {
    %c0_i32 = arith.constant 0 : i32
    %c0_i32_0 = arith.constant 0 : i32
    %c0_i32_1 = arith.constant 0 : i32
    return %c0_i32, %c0_i32_0 : i32, i32
  }
  func.func @transform_4(%arg0: i32) -> (i32, i32) {
    %c0_i32 = arith.constant 0 : i32
    %c0_i32_0 = arith.constant 0 : i32
    return %arg0, %c0_i32 : i32, i32
  }
}

</mosaic_0001>

<sc_bundles>
// kernel: kernel.10.cloned.1.call-start
scs
__scs_entry_jumppad:
0x0: {  	(pc) =	sbr.rel $0x88, $3  }
0x1: {  	(tag) =	ssettag $0x0;
	lr =	simm.s32 $0x1  }
0x2: {  	[smem:$0x3F96] =	sst lr;
	_ =	strace $0xD0000000  }
0x3: {  	_ = 	snop  }
0x4: {  	_ = 	snop  }
0x5: {  	_ = 	snop  }
0x6: {  	_ = 	snop  }
0x7: {  	_ = 	snop  }
__scs_overlays_trampoline_lowered:
0x8: {  	[smem:$0x3FA5] =	sst s0  }
0x9: {  	[smem:$0x3FA6] =	sst s1  }
0xa: {  	[smem:$0x3FA7] =	sst s2  }
0xb: {  	[smem:$0x3FA8] =	sst s3  }
0xc: {  	[smem:$0x3FA9] =	sst s4  }
0xd: {  	[smem:$0x3FAA] =	sst s5  }
0xe: {  	[smem:$0x3FAB] =	sst s6  }
0xf: {  	[smem:$0x3FAC] =	sst s7  }
0x10: {  	[smem:$0x3FAD] =	sst s8  }
0x11: {  	[smem:$0x3FAE] =	sst s9;
	s0 =	simm.s32 @!p0 $0x0  }
0x12: {  	s1 =	sld [smem:$0x3F94];
	s0 =	simm.s32 @p0 $0x1  }
0x13: {  	[smem:$0x3FAF] =	sst s0;
	s0 =	simm.s32 @!p1 $0x0  }
0x14: {  	s2 =	sld [smem:$0x3F93];
	s0 =	simm.s32 @p1 $0x1  }
0x15: {  	[smem:$0x3FB0] =	sst s0;
	s0 =	simm.s32 @!p2 $0x0  }
0x16: {  	s3 =	sld [smem:$0x3FDB];
	s0 =	simm.s32 @p2 $0x1  }
0x17: {  	s4 =	simm.s32 $0x1BF5;
	[smem:$0x3FB2] =	sst s0  }
0x18: {  	s0 =	sld [smem:$0x3F95];
	_ =	swait.ge [sflag:s4], $0x0  }
0x19: {  	s7 =	sld [smem:$0x3F96]  }
0x1a: {  	s8 =	sadd.s32 $0xFFFFE003, lr  }
0x1b: {  	s9 =	sadd.s32 $0xFFFFFEF7, lr;
	s5 =	simm.s32 $0xFFFFFFFF;
	p2 =	slt.u32 s8, $0xFFFFF086  }
0x1c: {  	p1 =	slt.u32 s9, $0xF7A;
	s5 =	simm.s32 @!p2 $0x0  }
0x1d: {  	s5 =	simm.s32 @p1 $0x1;
	p0 =	seq.s32 s7, s2  }
0x1e: {  	s7 =	smul.u32 @!p0 $0xF7A, s2;
	p2 =	seq.s32 @!p0 s5, $0x0  }
0x1f: {  	s9 =	smul.u32 $0xF7A, s1;
	s8 =	simm.s32 @!p0 $0x1BF5;
	p2 =	por !p2, p0  }
0x20: {  	[sflag:s8] =	ssyncset.s32 @!p0 $0xFFFFF086;
	s6 =	sadd.s32 @!p0 s3, s7;
	s7 =	simm.s32 @!p0 $0x108  }
0x21: {  	s3 =	sadd.s32 s3, s9;
	s6 =	sadd.s32 @!p0 $0x88, s6;
	s7 =	simm.s32 @p2 $0x1082  }
0x22: {  	[simem:s7], [sflag:s8] =	dma.local @!p0 [hbm:s6], $0xF7A  }
0x23: {  	s9 =	sor.u32 $0xD0000000, s2;
	s6 =	simm.s32 $0x108;
	_ =	swait.ge @!p0 [sflag:s8], $0x0  }
0x24: {  	s3 =	sadd.s32 $0x88, s3;
	s6 =	simm.s32 @!p1 $0x1082;
	[sflag:s4] =	ssyncset.s32 $0xFFFFF086  }
0x25: {  	[simem:s6], [sflag:s4] =	dma.local [hbm:s3], $0xF7A  }
0x26: {  	[smem:$0x3F96] =	sst s1;
	(tag) =	ssettag s2;
	_ =	strace s9  }
0x27: {  	s1 =	sld [smem:$0x3FA6]  }
0x28: {  	s2 =	sld [smem:$0x3FA7]  }
0x29: {  	s4 =	sld [smem:$0x3FA9]  }
0x2a: {  	p0 =	seq.s32 s5, $0x0;
	s5 =	sld [smem:$0x3FAA]  }
0x2b: {  	s6 =	sld [smem:$0x3FAB]  }
0x2c: {  	s7 =	sld [smem:$0x3FAC]  }
0x2d: {  	s3 =	simm.s32 $0x108;
	s8 =	sld [smem:$0x3FAD]  }
0x2e: {  	s3 =	simm.s32 @!p0 $0x1082;
	s9 =	sld [smem:$0x3FAE]  }
0x2f: {  	lr =	sadd.s32 s0, s3;
	s0 =	sld [smem:$0x3FA5]  }
0x30: {  	s3 =	sld [smem:$0x3FA8]  }
0x31: {  	[smem:$0x3FB1] =	sst s10  }
0x32: {  	s10 =	sld [smem:$0x3FAF];
	_ =	sdelay $0x3  }
0x33: {  	p0 =	seq.s32 s10, $0x1;
	s10 =	sld [smem:$0x3FB1];
	_ =	sdelay $0x3  }
0x34: {  	[smem:$0x3FB1] =	sst s10  }
0x35: {  	s10 =	sld [smem:$0x3FB0];
	_ =	sdelay $0x3  }
0x36: {  	p1 =	seq.s32 s10, $0x1;
	s10 =	sld [smem:$0x3FB1];
	_ =	sdelay $0x3  }
0x37: {  	[smem:$0x3FB1] =	sst s10  }
0x38: {  	s10 =	sld [smem:$0x3FB2]  }
0x39: {  	_ = 	snop;
	(pc) =	sbr.ind lr, $3  }
0x3a: {  	_ = 	snop  }
0x3b: {  	_ = 	snop  }
0x3c: {  	p2 =	seq.s32 s10, $0x1;
	s10 =	sld [smem:$0x3FB1]  }
0x3d: {  	_ =	shalt  }
0x3e: {  	_ =	shalt  }
0x3f: {  	_ =	shalt  }
0x40: {  	_ =	shalt  }
0x41: {  	_ =	shalt  }
0x42: {  	_ =	shalt  }
0x43: {  	_ =	shalt  }
0x44: {  	_ =	shalt  }
0x45: {  	_ =	shalt  }
0x46: {  	_ =	shalt  }
0x47: {  	_ =	shalt  }
0x48: {  	_ =	shalt  }
0x49: {  	_ =	shalt  }
0x4a: {  	_ =	shalt  }
0x4b: {  	_ =	shalt  }
0x4c: {  	_ =	shalt  }
0x4d: {  	_ =	shalt  }
0x4e: {  	_ =	shalt  }
0x4f: {  	_ =	shalt  }
0x50: {  	_ =	shalt  }
0x51: {  	_ =	shalt  }
0x52: {  	_ =	shalt  }
0x53: {  	_ =	shalt  }
0x54: {  	_ =	shalt  }
0x55: {  	_ =	shalt  }
0x56: {  	_ =	shalt  }
0x57: {  	_ =	shalt  }
0x58: {  	_ =	shalt  }
0x59: {  	_ =	shalt  }
0x5a: {  	_ =	shalt  }
0x5b: {  	_ =	shalt  }
0x5c: {  	_ =	shalt  }
0x5d: {  	_ =	shalt  }
0x5e: {  	_ =	shalt  }
0x5f: {  	_ =	shalt  }
0x60: {  	_ =	shalt  }
0x61: {  	_ =	shalt  }
0x62: {  	_ =	shalt  }
0x63: {  	_ =	shalt  }
0x64: {  	_ =	shalt  }
0x65: {  	_ =	shalt  }
0x66: {  	_ =	shalt  }
0x67: {  	_ =	shalt  }
0x68: {  	_ =	shalt  }
0x69: {  	_ =	shalt  }
0x6a: {  	_ =	shalt  }
0x6b: {  	_ =	shalt  }
0x6c: {  	_ =	shalt  }
0x6d: {  	_ =	shalt  }
0x6e: {  	_ =	shalt  }
0x6f: {  	_ =	shalt  }
0x70: {  	_ =	shalt  }
0x71: {  	_ =	shalt  }
0x72: {  	_ =	shalt  }
0x73: {  	_ =	shalt  }
0x74: {  	_ =	shalt  }
0x75: {  	_ =	shalt  }
0x76: {  	_ =	shalt  }
0x77: {  	_ =	shalt  }
0x78: {  	_ =	shalt  }
0x79: {  	_ =	shalt  }
0x7a: {  	_ =	shalt  }
0x7b: {  	_ =	shalt  }
0x7c: {  	_ =	shalt  }
0x7d: {  	_ =	shalt  }
0x7e: {  	_ =	shalt  }
0x7f: {  	_ =	shalt  }
0x80: {  	_ =	shalt  }
0x81: {  	_ =	shalt  }
0x82: {  	_ =	shalt  }
0x83: {  	_ =	shalt  }
0x84: {  	_ =	shalt  }
0x85: {  	_ =	shalt  }
0x86: {  	_ =	shalt  }
0x87: {  	_ =	shalt  }
.Lfunc_end0:
.L_simem_size_0:
called_computation_lowered:
.L_overlay_start_0:
0x88: {  	s2 =	sld [smem:$0x3FD9]  }
0x89: {  	s3 =	sld [smem:$0x3FFE];
	_ =	sdelay $0x1  }
0x8a: {  	s1 =	srdreg.scid  }
0x8b: {  	s0 =	sand.u32 $0x1, s1  }
0x8c: {  	s16 =	sshll.u32 s0, $0xA;
	s2 =	sadd.s32 s3, s2  }
0x8d: {  	s2 =	sadd.s32 s2, s16  }
0x8e: {  	[smem:$0x3FBD] =	sst s2  }
0x8f: {  	_ = 	snop  }
0x90: {  	(tm) =	ssettm $0x1  }
0x91: {  	s17 =	sld [smem:$0x3FFB];
	_ =	sdelay $0x3  }
0x92: {  	_ =	strace s17  }
0x93: {  	s2 =	sld [smem:$0x3FFC];
	_ =	sdelay $0x3  }
0x94: {  	_ =	strace s2  }
0x95: {  	s2 =	sld [smem:$0x3FFD];
	_ =	sdelay $0x3  }
0x96: {  	_ =	strace s2  }
0x97: {  	_ =	strace $0x8FFFFFFF  }
0x98: {  	s18 =	sld [smem:$0x3FDB];
	_ =	sdelay $0x1  }
0x99: {  	s19 =	simm.s32 $_scs_section_size  }
0x9a: {  	s4 =	simm.s32 $_size__tile_overlayer_lowered;
	s5 =	simm.s32 $_tile_overlayer_lowered  }
0x9b: {  	s22 =	simm.s32 $0x1BFF;
	s21 =	sshll.u32 s5, $0x1;
	s2 =	sadd.s32 s19, s18  }
0x9c: {  	s6 =	simm.s32 $0x0;
	s20 =	sshll.u32 s4, $0x1;
	s4 =	sadd.s32 s21, s2  }
0x9d: {  	[timem:s6], [sflag:s22] =	dma.local [hbm:s4], s20  }
0x9e: {  	_ =	swait.ge [sflag:s22], s20  }
0x9f: {  	s3 =	ssub.s32 $0x0, s20;
	[sflag:s22] =	ssyncset.done $0x0  }
0xa0: {  	[sflag:s22] =	ssyncadd.s32 s3;
	_ =	sdelay $0x1  }
0xa1: {  	s23 =	simm.s32 $0x1B8B  }
0xa2: {  	_ =	swait.ge [sflag:s23], $0x1  }
0xa3: {  	[sflag:s23] =	ssyncset.done $0x0  }
0xa4: {  	s25 =	simm.s32 $0x1B8E;
	s24 =	sld [smem:$0x3FFE];
	[sflag:s23] =	ssyncadd.s32 $0xFFFFFFFF  }
0xa5: {  	s26 =	simm.s32 $execute0_lowered;
	[smem:$0x3FD2] =	sst s25  }
0xa6: {  	s4 =	sshll.u32 s26, $0x1;
	_ =	strace $0x80000046;
	[dreg:$0x1] =	wrdreg $0xFFFFFFFF  }
0xa7: {  	s28 =	simm.s32 $_size_execute0_lowered;
	s2 =	sadd.s32 s2, s4;
	[dreg:$0x0] =	wrdreg $0x0  }
0xa8: {  	s4 =	sshll.u32 s28, $0x1;
	[dreg:$0x2] =	wrdreg s2  }
0xa9: {  	[dreg:$0x3] =	wrdreg s4  }
0xaa: {  	[dreg:$0x4] =	wrdreg $0xC0  }
0xab: {  	_ =	task [dreg:s6], $0x5FFFF  }
0xac: {  	[dreg:$0x1] =	wrdreg $0xFFFFFFFF  }
0xad: {  	[dreg:$0x0] =	wrdreg $0x60  }
0xae: {  	[dreg:$0x2] =	wrdreg s24  }
0xaf: {  	[dreg:$0x3] =	wrdreg $0x88000  }
0xb0: {  	[dreg:$0x4] =	wrdreg $0x9  }
0xb1: {  	_ =	task.clear_ibuf [dreg:s6], $0x5FFFF;
	_ =	strace $0x90000046  }
0xb2: {  	s29 =	simm.s32 $0x9;
	_ =	strace $0x80000048  }
0xb3: {  	_ =	swait.ge [sflag:s29], $0x1  }
0xb4: {  	[sflag:s29] =	ssyncadd.s32 $0xFFFFFFFF  }
0xb5: {  	_ =	strace $0x90000048  }
0xb6: {  	_ =	sfence  }
0xb7: {  	s30 =	sld [smem:$0x0];
	_ =	sdelay $0x2  }
0xb8: {  	s31 =	sshll.u32 s1, $0xD;
	s1 =	sshrl.u32 s1, $0x2  }
0xb9: {  	s3 =	sand.u32 $0x4000, s31;
	s1 =	sadd.s32 s1, s30  }
0xba: {  	s0 =	sor.u32 s3, s0;
	s1 =	sshll.u32 s1, $0x11  }
0xbb: {  	s0 =	sor.u32 s1, s0  }
0xbc: {  	s0 =	sadd.s32 $0x8F2B, s0  }
0xbd: {  	[sflag:s0] =	ssyncadd.remote.s32 $0x1  }
0xbe: {  	_ =	sfence.sel $0xFFFF  }
0xbf: {  	[dreg:$0x0] =	wrdreg $0xFFFFFFFF;
	(pc) =	sbr.abs _section_cstart, $3  }
0xc0: {  	[dreg:$0x1] =	wrdreg $0xFFFFFFFF  }
0xc1: {  	_ =	task.clear_ibuf [dreg:s6], $0x2FFFF;
	_ =	strace $0x9FFFFFFF  }
0xc2: {  	(tm) =	ssettm $0x7FFFFFFF  }
0xc3: {  	_ =	shalt  }
tec
execute0_lowered:
.L_overlay_start_1:
0x0: {  	(tag) =	ssettag $0x1  }
0x1: {  	s4 =	rddreg [dreg:$0x0]  }
0x2: {  	s2 =	rddreg [dreg:$0x1];
	s1 =	srdreg.scid  }
0x3: {  	s0 =	rddreg [dreg:$0x2];
	s3 =	simm.s32 $0x0;
	s17 =	simm.s32 $0x6800  }
0x4: {  	s18 =	simm.s32 $0x2;
	s19 =	simm.s32 $0x1;
	s20 =	simm.s32 $0x80  }
0x5: {  	s21 =	simm.s32 $0x2800;
	s5 =	sand.u32 $0x1, s1;
	s1 =	stileid.u32  }
0x6: {  	s22 =	simm.s32 $0x0;
	[smem:$0x7FF] =	sst s3;
	s6 =	smul.u32 $0x140000, s5  }
0x7: {  	s7 =	sshll.u32 s5, $0x4;
	s8 =	smul.u32 $0x14000, s1;
	_ =	strace $0x80000047  }
0x8: {  	s5 =	ssub.s32 $0x2, s5;
	s29 =	smul.u32 $0x50000, s1;
	s7 =	sor.u32 s1, s7  }
0x9: {  	s30 =	sshrl.u32 s5, $0x1;
	s7 =	smul.u32 $0x500, s7;
	s6 =	sadd.s32 s8, s6  }
0xa: {  	s9 =	ssub.s32 s5, s30;
	s31 =	sshrl.u32 s29, $0x2;
	s6 =	sshrl.u32 s6, $0x3  }
0xb: {  	s5 =	sadd.s32 s31, s2;
	s7 =	sadd.s32 s7, s4;
	s6 =	sadd.s32 s6, s4  }
0xc: {  	s8 =	sadd.s32 $0x2000, s5;
	s10 =	sadd.s32 $0x6000, s5;
	s11 =	sadd.s32 $0x8000, s5  }
0xd: {  	s12 =	sadd.s32 $0xA000, s5;
	s13 =	sadd.s32 $0xC000, s5;
	s14 =	sadd.s32 $0xE000, s5  }
0xe: {  	s15 =	sadd.s32 $0x10000, s5;
	s16 =	sadd.s32 $0x12000, s5;
	s4 =	sadd.s32 $0x1E00, s7  }
0xf: {  	v0 =	vimm.f32 $1.000000000e+00;
	v1 =	vimm.f32 $0.0e+00;
	s6 =	sadd.s32 $0x15E00, s6;
	s7 =	smax.u32 s9, $0x1;
	s9 =	sadd.s32 $0x4000, s5  }
.LBB2_1:
0x10: {  	[tilespmem:s3], [sflag:$0x1] =	stream.linear.gather [hbm4b:s4+s3], $0x2800, $0x38;
	[tilespmem:$0xB000] =	vst v63  }
0x11: {  	s23 =	simm.s32 $0x2A00;
	s24 =	simm.s32 $0x0  }
0x12: {  	[tilespmem:s23+$0xFFFFFE00] =	vst v0;
	s24 =	sand.u32 $0x1C00, s24  }
0x13: {  	s25 =	simm.s32 $0x80;
	[tilespmem:s24+$0x6800] =	vst v1  }
0x14: {  	s24 =	sand.u32 $0x1C80, s25;
	[tilespmem:s23+$0xFFFFFE80] =	vst v0  }
0x15: {  	s26 =	simm.s32 $0x100;
	[tilespmem:s24+$0x6800] =	vst v1  }
0x16: {  	s24 =	sand.u32 $0x1D00, s26;
	[tilespmem:s23+$0xFFFFFF00] =	vst v0  }
0x17: {  	s28 =	simm.s32 $0x180;
	[tilespmem:s24+$0x6800] =	vst v1  }
0x18: {  	s24 =	sand.u32 $0x1D80, s28;
	[tilespmem:s23+$0xFFFFFF80] =	vst v0  }
0x19: {  	s29 =	simm.s32 $0x200;
	[tilespmem:s24+$0x6800] =	vst v1  }
0x1a: {  	s24 =	sand.u32 $0x1E00, s29;
	[tilespmem:s23+$0x0] =	vst v0  }
0x1b: {  	s30 =	simm.s32 $0x280;
	[tilespmem:s24+$0x6800] =	vst v1  }
0x1c: {  	s24 =	sand.u32 $0x1E80, s30;
	[tilespmem:s23+$0x80] =	vst v0  }
0x1d: {  	s31 =	simm.s32 $0x300;
	[tilespmem:s24+$0x6800] =	vst v1  }
0x1e: {  	s24 =	sand.u32 $0x1F00, s31;
	[tilespmem:s23+$0x100] =	vst v0  }
0x1f: {  	s25 =	simm.s32 $0x380;
	[tilespmem:s24+$0x6800] =	vst v1  }
0x20: {  	s26 =	sand.u32 $0x1F80, s25;
	s25 =	simm.s32 $0x780;
	s24 =	simm.s32 $0x0;
	[tilespmem:s23+$0x180] =	vst v0  }
.LBB2_2:
0x21: {  	s28 =	sadd.s32 $0xFFFFFC80, s25;
	[tilespmem:s26+$0x6800] =	vst v1;
	s23 =	sadd.s32 $0x400, s23  }
0x22: {  	[tilespmem:s23+$0xFFFFFE00] =	vst v0;
	s26 =	sand.u32 $0x1C00, s28  }
0x23: {  	[tilespmem:s26+$0x6800] =	vst v1;
	s26 =	sadd.s32 $0xFFFFFD00, s25  }
0x24: {  	[tilespmem:s23+$0xFFFFFE80] =	vst v0;
	s26 =	sand.u32 $0x1C80, s26  }
0x25: {  	[tilespmem:s26+$0x6800] =	vst v1;
	s26 =	sadd.s32 $0xFFFFFD80, s25  }
0x26: {  	[tilespmem:s23+$0xFFFFFF00] =	vst v0;
	s26 =	sand.u32 $0x1D00, s26  }
0x27: {  	[tilespmem:s26+$0x6800] =	vst v1;
	s26 =	sadd.s32 $0xFFFFFE00, s25  }
0x28: {  	[tilespmem:s23+$0xFFFFFF80] =	vst v0;
	s26 =	sand.u32 $0x1D80, s26  }
0x29: {  	[tilespmem:s26+$0x6800] =	vst v1;
	s26 =	sadd.s32 $0xFFFFFE80, s25  }
0x2a: {  	s24 =	sadd.s32 $0x8, s24;
	[tilespmem:s23+$0x0] =	vst v0;
	s26 =	sand.u32 $0x1E00, s26  }
0x2b: {  	p0 =	slt.u32 s24, $0x78;
	[tilespmem:s26+$0x6800] =	vst v1;
	s26 =	sadd.s32 $0xFFFFFF00, s25  }
.Ltmp0:
0x2c: {  	[tilespmem:s23+$0x80] =	vst v0;
	s26 =	sand.u32 $0x1E80, s26;
	(pc) =	sbr.rel @p0 .LBB2_2-.Ltmp0, $4  }
0x2d: {  	[tilespmem:s26+$0x6800] =	vst v1;
	s26 =	sadd.s32 $0xFFFFFF80, s25  }
0x2e: {  	[tilespmem:s23+$0x100] =	vst v0;
	s26 =	sand.u32 $0x1F00, s26  }
0x2f: {  	[tilespmem:s26+$0x6800] =	vst v1  }
0x30: {  	s26 =	sand.u32 $0x1F80, s25;
	s25 =	sadd.s32 $0x400, s25;
	[tilespmem:s23+$0x180] =	vst v0  }
0x31: {  	[tilespmem:s26+$0x6800] =	vst v1  }
0x32: {  	[spmem:s5] =	stream.linear.scatter [tilespmem:s17], [sflag:$0x2], $0x2000, $0x38;
	[tilespmem:$0xB000] =	vst v63  }
0x33: {  	_ =	swait.ge [sflag:s18], $0x2000  }
0x34: {  	[sflag:s18] =	ssyncset.done $0x0  }
0x35: {  	[sflag:s18] =	ssyncadd.s32 $0xFFFFE000  }
0x36: {  	[spmem:s8] =	stream.linear.scatter [tilespmem:s17], [sflag:$0x2], $0x2000, $0x38;
	[tilespmem:$0xB000] =	vst v63  }
0x37: {  	_ =	swait.ge [sflag:s18], $0x2000  }
0x38: {  	[sflag:s18] =	ssyncset.done $0x0  }
0x39: {  	[sflag:s18] =	ssyncadd.s32 $0xFFFFE000  }
0x3a: {  	[spmem:s9] =	stream.linear.scatter [tilespmem:s17], [sflag:$0x2], $0x2000, $0x38;
	[tilespmem:$0xB000] =	vst v63  }
0x3b: {  	_ =	swait.ge [sflag:s18], $0x2000  }
0x3c: {  	[sflag:s18] =	ssyncset.done $0x0  }
0x3d: {  	[sflag:s18] =	ssyncadd.s32 $0xFFFFE000  }
0x3e: {  	[spmem:s10] =	stream.linear.scatter [tilespmem:s17], [sflag:$0x2], $0x2000, $0x38;
	[tilespmem:$0xB000] =	vst v63  }
0x3f: {  	_ =	swait.ge [sflag:s18], $0x2000  }
0x40: {  	[sflag:s18] =	ssyncset.done $0x0  }
0x41: {  	[sflag:s18] =	ssyncadd.s32 $0xFFFFE000  }
0x42: {  	[spmem:s11] =	stream.linear.scatter [tilespmem:s17], [sflag:$0x2], $0x2000, $0x38;
	[tilespmem:$0xB000] =	vst v63  }
0x43: {  	_ =	swait.ge [sflag:s18], $0x2000  }
0x44: {  	[sflag:s18] =	ssyncset.done $0x0  }
0x45: {  	[sflag:s18] =	ssyncadd.s32 $0xFFFFE000  }
0x46: {  	[spmem:s12] =	stream.linear.scatter [tilespmem:s17], [sflag:$0x2], $0x2000, $0x38;
	[tilespmem:$0xB000] =	vst v63  }
0x47: {  	_ =	swait.ge [sflag:s18], $0x2000  }
0x48: {  	[sflag:s18] =	ssyncset.done $0x0  }
0x49: {  	[sflag:s18] =	ssyncadd.s32 $0xFFFFE000  }
0x4a: {  	[spmem:s13] =	stream.linear.scatter [tilespmem:s17], [sflag:$0x2], $0x2000, $0x38;
	[tilespmem:$0xB000] =	vst v63  }
0x4b: {  	_ =	swait.ge [sflag:s18], $0x2000  }
0x4c: {  	[sflag:s18] =	ssyncset.done $0x0  }
0x4d: {  	[sflag:s18] =	ssyncadd.s32 $0xFFFFE000  }
0x4e: {  	[spmem:s14] =	stream.linear.scatter [tilespmem:s17], [sflag:$0x2], $0x2000, $0x38;
	[tilespmem:$0xB000] =	vst v63  }
0x4f: {  	_ =	swait.ge [sflag:s18], $0x2000  }
0x50: {  	[sflag:s18] =	ssyncset.done $0x0  }
0x51: {  	[sflag:s18] =	ssyncadd.s32 $0xFFFFE000  }
0x52: {  	[spmem:s15] =	stream.linear.scatter [tilespmem:s17], [sflag:$0x2], $0x2000, $0x38;
	[tilespmem:$0xB000] =	vst v63  }
0x53: {  	_ =	swait.ge [sflag:s18], $0x2000  }
0x54: {  	[sflag:s18] =	ssyncset.done $0x0  }
0x55: {  	[sflag:s18] =	ssyncadd.s32 $0xFFFFE000  }
0x56: {  	[spmem:s16] =	stream.linear.scatter [tilespmem:s17], [sflag:$0x2], $0x2000, $0x38;
	[tilespmem:$0xB000] =	vst v63  }
0x57: {  	_ =	swait.ge [sflag:s18], $0x2000  }
0x58: {  	[sflag:s18] =	ssyncset.done $0x0  }
0x59: {  	[sflag:s18] =	ssyncadd.s32 $0xFFFFE000  }
0x5a: {  	_ =	swait.ge [sflag:s19], $0x2800  }
0x5b: {  	[sflag:s19] =	ssyncset.done $0x0  }
0x5c: {  	[sflag:s19] =	ssyncadd.s32 $0xFFFFD800  }
0x5d: {  	s23 =	simm.s32 $0x0;
	[bflag:$0x0] =	sbarrier.arrive $0xFFFF  }
0x5e: {  	[spmem:s2] =	stream.indirect.scatter.add.f32 [tilespmem:s21], [sflag:$0x2], $0x10, s23, s20, $0xb8;
	[tilespmem:$0xB000] =	vst v63  }
0x5f: {  	_ =	swait.ge [sflag:s18], $0x800  }
0x60: {  	s23 =	simm.s32 $0x200;
	[sflag:s18] =	ssyncset.done $0x0  }
.LBB2_4:
0x61: {  	s24 =	sshra.s32 s23, $0x2;
	[sflag:s18] =	ssyncadd.s32 $0xFFFFF800;
	p0 =	sne.s32 s23, $0x9E00  }
0x62: {  	[spmem:s2] =	stream.indirect.scatter.add.f32 [tilespmem:s21], [sflag:$0x2], $0x10, s24, s20, $0xb8;
	[tilespmem:$0xB000] =	vst v63  }
.Ltmp1:
0x63: {  	_ = 	snop;
	(pc) =	sbr.rel @p0 .LBB2_4-.Ltmp1, $4  }
0x64: {  	_ = 	snop  }
0x65: {  	s23 =	sadd.s32 $0x200, s23  }
0x66: {  	_ =	swait.ge [sflag:s18], $0x800  }
0x67: {  	[sflag:s18] =	ssyncset.done $0x0  }
0x68: {  	[sflag:s18] =	ssyncadd.s32 $0xFFFFF800;
	s22 =	sadd.s32 $0x1, s22  }
0x69: {  	s23 =	sshll.u32 s1, $0x6;
	s24 =	sshrl.u32 s5, $0x3;
	p0 =	sne.s32 s22, s7  }
.Ltmp2:
0x6a: {  	[bflag:$0x0] =	sbarrier.arrive $0xFFFF;
	s23 =	sor.u32 $0x1C02, s23;
	(pc) =	sbr.rel @p0 .LBB2_1-.Ltmp2, $4  }
0x6b: {  	[hbm:s6], [sflag:s23] =	dma.local [spmem:s24], $0x2800  }
0x6c: {  	_ =	swait.ge [sflag:s18], $0x2800  }
0x6d: {  	[sflag:s18] =	ssyncset.done $0x0  }
0x6e: {  	[sflag:s18] =	ssyncadd.s32 $0xFFFFD800  }
0x6f: {  	_ =	sfence.sel $0x180000  }
0x70: {  	[bflag:$0x0] =	sbarrier.arrive $0xFFFF  }
0x71: {  	p0 =	sne.s32 s1, $0x0;
	_ =	strace $0x90000047  }
0x72: {  	s0 =	sadd.s32 @!p0 $0x100000, s0;
	[bflag:$0x2] =	sbarrier.arrive $0xFFFF  }
0x73: {  	[sflag:s0] =	ssyncadd.tile.s32 @!p0 $0x1;
	_ =	shalt  }
.Lfunc_end2:
_tile_overlayer_lowered:
.L_overlay_start_2:
0x74: {  	(tag) =	ssettag $0x2  }
0x75: {  	s0 =	rddreg [dreg:$0x0];
	s2 =	stileid.u32  }
0x76: {  	s1 =	rddreg [dreg:$0x1];
	p0 =	sne.s32 s2, $0x0  }
0x77: {  	s3 =	rddreg [dreg:$0x2];
	[bflag:$0x3] =	sbarrier.arrive $0xFFFF;
	s2 =	simm.s32 @!p0 $0x1C02  }
0x78: {  	[timem:s3], [sflag:s2] =	dma.local @!p0 [hbm:s0], s1  }
0x79: {  	s0 =	simm.s32 @!p0 $0x2  }
0x7a: {  	_ =	swait.ge @!p0 [sflag:s0], s1  }
0x7b: {  	s1 =	ssub.s32 @!p0 $0x0, s1;
	[sflag:s0] =	ssyncset.done @!p0 $0x0  }
0x7c: {  	[sflag:s0] =	ssyncadd.s32 @!p0 s1  }
0x7d: {  	[bflag:$0x3] =	sbarrier.arrive $0xFFFF  }
0x7e: {  	_ =	shalt  }

// kernel: kernel.13.cloned.1.call-start
scs
__scs_entry_jumppad:
0x0: {  	(pc) =	sbr.rel $0x88, $3  }
0x1: {  	(tag) =	ssettag $0x0;
	lr =	simm.s32 $0x1  }
0x2: {  	[smem:$0x3F96] =	sst lr;
	_ =	strace $0xD0000000  }
0x3: {  	_ = 	snop  }
0x4: {  	_ = 	snop  }
0x5: {  	_ = 	snop  }
0x6: {  	_ = 	snop  }
0x7: {  	_ = 	snop  }
__scs_overlays_trampoline_lowered:
0x8: {  	[smem:$0x3FA5] =	sst s0  }
0x9: {  	[smem:$0x3FA6] =	sst s1  }
0xa: {  	[smem:$0x3FA7] =	sst s2  }
0xb: {  	[smem:$0x3FA8] =	sst s3  }
0xc: {  	[smem:$0x3FA9] =	sst s4  }
0xd: {  	[smem:$0x3FAA] =	sst s5  }
0xe: {  	[smem:$0x3FAB] =	sst s6  }
0xf: {  	[smem:$0x3FAC] =	sst s7  }
0x10: {  	[smem:$0x3FAD] =	sst s8  }
0x11: {  	[smem:$0x3FAE] =	sst s9;
	s0 =	simm.s32 @!p0 $0x0  }
0x12: {  	s1 =	sld [smem:$0x3F94];
	s0 =	simm.s32 @p0 $0x1  }
0x13: {  	[smem:$0x3FAF] =	sst s0;
	s0 =	simm.s32 @!p1 $0x0  }
0x14: {  	s2 =	sld [smem:$0x3F93];
	s0 =	simm.s32 @p1 $0x1  }
0x15: {  	[smem:$0x3FB0] =	sst s0;
	s0 =	simm.s32 @!p2 $0x0  }
0x16: {  	s3 =	sld [smem:$0x3FDB];
	s0 =	simm.s32 @p2 $0x1  }
0x17: {  	s4 =	simm.s32 $0x1BF5;
	[smem:$0x3FB2] =	sst s0  }
0x18: {  	s0 =	sld [smem:$0x3F95];
	_ =	swait.ge [sflag:s4], $0x0  }
0x19: {  	s7 =	sld [smem:$0x3F96]  }
0x1a: {  	s8 =	sadd.s32 $0xFFFFE003, lr  }
0x1b: {  	s9 =	sadd.s32 $0xFFFFFEF7, lr;
	s5 =	simm.s32 $0xFFFFFFFF;
	p2 =	slt.u32 s8, $0xFFFFF086  }
0x1c: {  	p1 =	slt.u32 s9, $0xF7A;
	s5 =	simm.s32 @!p2 $0x0  }
0x1d: {  	s5 =	simm.s32 @p1 $0x1;
	p0 =	seq.s32 s7, s2  }
0x1e: {  	s7 =	smul.u32 @!p0 $0xF7A, s2;
	p2 =	seq.s32 @!p0 s5, $0x0  }
0x1f: {  	s9 =	smul.u32 $0xF7A, s1;
	s8 =	simm.s32 @!p0 $0x1BF5;
	p2 =	por !p2, p0  }
0x20: {  	[sflag:s8] =	ssyncset.s32 @!p0 $0xFFFFF086;
	s6 =	sadd.s32 @!p0 s3, s7;
	s7 =	simm.s32 @!p0 $0x108  }
0x21: {  	s3 =	sadd.s32 s3, s9;
	s6 =	sadd.s32 @!p0 $0x88, s6;
	s7 =	simm.s32 @p2 $0x1082  }
0x22: {  	[simem:s7], [sflag:s8] =	dma.local @!p0 [hbm:s6], $0xF7A  }
0x23: {  	s9 =	sor.u32 $0xD0000000, s2;
	s6 =	simm.s32 $0x108;
	_ =	swait.ge @!p0 [sflag:s8], $0x0  }
0x24: {  	s3 =	sadd.s32 $0x88, s3;
	s6 =	simm.s32 @!p1 $0x1082;
	[sflag:s4] =	ssyncset.s32 $0xFFFFF086  }
0x25: {  	[simem:s6], [sflag:s4] =	dma.local [hbm:s3], $0xF7A  }
0x26: {  	[smem:$0x3F96] =	sst s1;
	(tag) =	ssettag s2;
	_ =	strace s9  }
0x27: {  	s1 =	sld [smem:$0x3FA6]  }
0x28: {  	s2 =	sld [smem:$0x3FA7]  }
0x29: {  	s4 =	sld [smem:$0x3FA9]  }
0x2a: {  	p0 =	seq.s32 s5, $0x0;
	s5 =	sld [smem:$0x3FAA]  }
0x2b: {  	s6 =	sld [smem:$0x3FAB]  }
0x2c: {  	s7 =	sld [smem:$0x3FAC]  }
0x2d: {  	s3 =	simm.s32 $0x108;
	s8 =	sld [smem:$0x3FAD]  }
0x2e: {  	s3 =	simm.s32 @!p0 $0x1082;
	s9 =	sld [smem:$0x3FAE]  }
0x2f: {  	lr =	sadd.s32 s0, s3;
	s0 =	sld [smem:$0x3FA5]  }
0x30: {  	s3 =	sld [smem:$0x3FA8]  }
0x31: {  	[smem:$0x3FB1] =	sst s10  }
0x32: {  	s10 =	sld [smem:$0x3FAF];
	_ =	sdelay $0x3  }
0x33: {  	p0 =	seq.s32 s10, $0x1;
	s10 =	sld [smem:$0x3FB1];
	_ =	sdelay $0x3  }
0x34: {  	[smem:$0x3FB1] =	sst s10  }
0x35: {  	s10 =	sld [smem:$0x3FB0];
	_ =	sdelay $0x3  }
0x36: {  	p1 =	seq.s32 s10, $0x1;
	s10 =	sld [smem:$0x3FB1];
	_ =	sdelay $0x3  }
0x37: {  	[smem:$0x3FB1] =	sst s10  }
0x38: {  	s10 =	sld [smem:$0x3FB2]  }
0x39: {  	_ = 	snop;
	(pc) =	sbr.ind lr, $3  }
0x3a: {  	_ = 	snop  }
0x3b: {  	_ = 	snop  }
0x3c: {  	p2 =	seq.s32 s10, $0x1;
	s10 =	sld [smem:$0x3FB1]  }
0x3d: {  	_ =	shalt  }
0x3e: {  	_ =	shalt  }
0x3f: {  	_ =	shalt  }
0x40: {  	_ =	shalt  }
0x41: {  	_ =	shalt  }
0x42: {  	_ =	shalt  }
0x43: {  	_ =	shalt  }
0x44: {  	_ =	shalt  }
0x45: {  	_ =	shalt  }
0x46: {  	_ =	shalt  }
0x47: {  	_ =	shalt  }
0x48: {  	_ =	shalt  }
0x49: {  	_ =	shalt  }
0x4a: {  	_ =	shalt  }
0x4b: {  	_ =	shalt  }
0x4c: {  	_ =	shalt  }
0x4d: {  	_ =	shalt  }
0x4e: {  	_ =	shalt  }
0x4f: {  	_ =	shalt  }
0x50: {  	_ =	shalt  }
0x51: {  	_ =	shalt  }
0x52: {  	_ =	shalt  }
0x53: {  	_ =	shalt  }
0x54: {  	_ =	shalt  }
0x55: {  	_ =	shalt  }
0x56: {  	_ =	shalt  }
0x57: {  	_ =	shalt  }
0x58: {  	_ =	shalt  }
0x59: {  	_ =	shalt  }
0x5a: {  	_ =	shalt  }
0x5b: {  	_ =	shalt  }
0x5c: {  	_ =	shalt  }
0x5d: {  	_ =	shalt  }
0x5e: {  	_ =	shalt  }
0x5f: {  	_ =	shalt  }
0x60: {  	_ =	shalt  }
0x61: {  	_ =	shalt  }
0x62: {  	_ =	shalt  }
0x63: {  	_ =	shalt  }
0x64: {  	_ =	shalt  }
0x65: {  	_ =	shalt  }
0x66: {  	_ =	shalt  }
0x67: {  	_ =	shalt  }
0x68: {  	_ =	shalt  }
0x69: {  	_ =	shalt  }
0x6a: {  	_ =	shalt  }
0x6b: {  	_ =	shalt  }
0x6c: {  	_ =	shalt  }
0x6d: {  	_ =	shalt  }
0x6e: {  	_ =	shalt  }
0x6f: {  	_ =	shalt  }
0x70: {  	_ =	shalt  }
0x71: {  	_ =	shalt  }
0x72: {  	_ =	shalt  }
0x73: {  	_ =	shalt  }
0x74: {  	_ =	shalt  }
0x75: {  	_ =	shalt  }
0x76: {  	_ =	shalt  }
0x77: {  	_ =	shalt  }
0x78: {  	_ =	shalt  }
0x79: {  	_ =	shalt  }
0x7a: {  	_ =	shalt  }
0x7b: {  	_ =	shalt  }
0x7c: {  	_ =	shalt  }
0x7d: {  	_ =	shalt  }
0x7e: {  	_ =	shalt  }
0x7f: {  	_ =	shalt  }
0x80: {  	_ =	shalt  }
0x81: {  	_ =	shalt  }
0x82: {  	_ =	shalt  }
0x83: {  	_ =	shalt  }
0x84: {  	_ =	shalt  }
0x85: {  	_ =	shalt  }
0x86: {  	_ =	shalt  }
0x87: {  	_ =	shalt  }
.Lfunc_end0:
.L_simem_size_0:
called_computation.1_lowered:
.L_overlay_start_0:
0x88: {  	s2 =	sld [smem:$0x3FD9]  }
0x89: {  	s3 =	sld [smem:$0x3FFE];
	_ =	sdelay $0x1  }
0x8a: {  	s1 =	srdreg.scid  }
0x8b: {  	s0 =	sand.u32 $0x1, s1  }
0x8c: {  	s16 =	sshll.u32 s0, $0xA;
	s2 =	sadd.s32 s3, s2  }
0x8d: {  	s2 =	sadd.s32 s2, s16  }
0x8e: {  	[smem:$0x3FBD] =	sst s2  }
0x8f: {  	_ = 	snop  }
0x90: {  	(tm) =	ssettm $0x1  }
0x91: {  	s17 =	sld [smem:$0x3FFB];
	_ =	sdelay $0x3  }
0x92: {  	_ =	strace s17  }
0x93: {  	s2 =	sld [smem:$0x3FFC];
	_ =	sdelay $0x3  }
0x94: {  	_ =	strace s2  }
0x95: {  	s2 =	sld [smem:$0x3FFD];
	_ =	sdelay $0x3  }
0x96: {  	_ =	strace s2  }
0x97: {  	_ =	strace $0x8FFFFFFF  }
0x98: {  	s18 =	sld [smem:$0x3FDB];
	_ =	sdelay $0x1  }
0x99: {  	s19 =	simm.s32 $_scs_section_size  }
0x9a: {  	s4 =	simm.s32 $_size__tile_overlayer_lowered;
	s5 =	simm.s32 $_tile_overlayer_lowered  }
0x9b: {  	s22 =	simm.s32 $0x1BFF;
	s21 =	sshll.u32 s5, $0x1;
	s2 =	sadd.s32 s19, s18  }
0x9c: {  	s6 =	simm.s32 $0x0;
	s20 =	sshll.u32 s4, $0x1;
	s4 =	sadd.s32 s21, s2  }
0x9d: {  	[timem:s6], [sflag:s22] =	dma.local [hbm:s4], s20  }
0x9e: {  	_ =	swait.ge [sflag:s22], s20  }
0x9f: {  	s3 =	ssub.s32 $0x0, s20;
	[sflag:s22] =	ssyncset.done $0x0  }
0xa0: {  	[sflag:s22] =	ssyncadd.s32 s3;
	_ =	sdelay $0x1  }
0xa1: {  	s23 =	simm.s32 $0x1B8B  }
0xa2: {  	_ =	swait.ge [sflag:s23], $0x1  }
0xa3: {  	[sflag:s23] =	ssyncset.done $0x0  }
0xa4: {  	s25 =	simm.s32 $0x1B8E;
	s24 =	sld [smem:$0x3FFE];
	[sflag:s23] =	ssyncadd.s32 $0xFFFFFFFF  }
0xa5: {  	s26 =	simm.s32 $execute0_lowered;
	[smem:$0x3FD2] =	sst s25  }
0xa6: {  	s4 =	sshll.u32 s26, $0x1;
	_ =	strace $0x80000049;
	[dreg:$0x1] =	wrdreg $0xFFFFFFFF  }
0xa7: {  	s28 =	simm.s32 $_size_execute0_lowered;
	s2 =	sadd.s32 s2, s4;
	[dreg:$0x0] =	wrdreg $0x0  }
0xa8: {  	s4 =	sshll.u32 s28, $0x1;
	[dreg:$0x2] =	wrdreg s2  }
0xa9: {  	[dreg:$0x3] =	wrdreg s4  }
0xaa: {  	[dreg:$0x4] =	wrdreg $0xC0  }
0xab: {  	_ =	task [dreg:s6], $0x5FFFF  }
0xac: {  	[dreg:$0x1] =	wrdreg $0xFFFFFFFF  }
0xad: {  	[dreg:$0x0] =	wrdreg $0x60  }
0xae: {  	[dreg:$0x2] =	wrdreg s24  }
0xaf: {  	[dreg:$0x3] =	wrdreg $0xBA000  }
0xb0: {  	[dreg:$0x4] =	wrdreg $0x9  }
0xb1: {  	_ =	task.clear_ibuf [dreg:s6], $0x5FFFF;
	_ =	strace $0x90000049  }
0xb2: {  	s29 =	simm.s32 $0x9;
	_ =	strace $0x8000004B  }
0xb3: {  	_ =	swait.ge [sflag:s29], $0x1  }
0xb4: {  	[sflag:s29] =	ssyncadd.s32 $0xFFFFFFFF  }
0xb5: {  	_ =	strace $0x9000004B  }
0xb6: {  	_ =	sfence  }
0xb7: {  	s30 =	sld [smem:$0x0];
	_ =	sdelay $0x2  }
0xb8: {  	s31 =	sshll.u32 s1, $0xD;
	s1 =	sshrl.u32 s1, $0x2  }
0xb9: {  	s3 =	sand.u32 $0x4000, s31;
	s1 =	sadd.s32 s1, s30  }
0xba: {  	s0 =	sor.u32 s3, s0;
	s1 =	sshll.u32 s1, $0x11  }
0xbb: {  	s0 =	sor.u32 s1, s0  }
0xbc: {  	s0 =	sadd.s32 $0x8F2B, s0  }
0xbd: {  	[sflag:s0] =	ssyncadd.remote.s32 $0x1  }
0xbe: {  	_ =	sfence.sel $0xFFFF  }
0xbf: {  	[dreg:$0x0] =	wrdreg $0xFFFFFFFF;
	(pc) =	sbr.abs _section_cstart, $3  }
0xc0: {  	[dreg:$0x1] =	wrdreg $0xFFFFFFFF  }
0xc1: {  	_ =	task.clear_ibuf [dreg:s6], $0x2FFFF;
	_ =	strace $0x9FFFFFFF  }
0xc2: {  	(tm) =	ssettm $0x7FFFFFFF  }
0xc3: {  	_ =	shalt  }
tec
execute0_lowered:
.L_overlay_start_1:
0x0: {  	(tag) =	ssettag $0x1  }
0x1: {  	s5 =	rddreg [dreg:$0x0]  }
0x2: {  	s2 =	rddreg [dreg:$0x1]  }
0x3: {  	s0 =	rddreg [dreg:$0x2]  }
0x4: {  	s1 =	stileid.u32;
	s4 =	srdreg.scid  }
0x5: {  	s3 =	simm.s32 $0x0;
	s14 =	simm.s32 $0x3;
	s6 =	smul.u32 $0x38, s1  }
0x6: {  	s15 =	simm.s32 $0x200;
	s16 =	simm.s32 $0x80;
	s25 =	smul.u32 $0x68, s1  }
0x7: {  	s17 =	simm.s32 $0x3600;
	s18 =	simm.s32 $0x1;
	s10 =	smul.u32 $0x14000, s1  }
0x8: {  	s7 =	sand.u32 $0x1, s4;
	[smem:$0x7FF] =	sst s3;
	s26 =	smul.u32 $0x50000, s1  }
0x9: {  	s4 =	sadd.s32 $0x15E00, s5;
	s8 =	smul.u32 $0x140000, s7;
	p0 =	seq.s32 s7, $0x0  }
0xa: {  	_ =	strace $0x8000004A;
	s7 =	ssub.s32 $0x2, s7;
	s9 =	sadd.s32 $0x380, s25  }
0xb: {  	s30 =	sshrl.u32 s7, $0x1;
	s31 =	sshrl.u32 s26, $0x2;
	s9 =	smov.u32 @p0 s6  }
0xc: {  	s8 =	sadd.s32 s10, s8;
	s11 =	ssub.s32 s7, s30;
	s6 =	sshll.u32 s9, $0x4  }
0xd: {  	s28 =	sshrl.u32 s8, $0x3;
	s11 =	smax.u32 s11, $0x1;
	s12 =	sadd.s32 s6, s5  }
0xe: {  	s29 =	sadd.s32 s28, s5;
	s5 =	sadd.s32 s31, s2;
	s6 =	simm.s32 $0x38  }
0xf: {  	s6 =	simm.s32 @!p0 $0x68;
	s7 =	sadd.s32 $0xBE00, s12;
	s8 =	sadd.s32 $0x65E00, s12  }
0x10: {  	s9 =	sadd.s32 $0x65E10, s12;
	s10 =	sadd.s32 $0x6FE00, s29;
	s13 =	sshll.u32 s6, $0x9  }
0x11: {  	v0 =	vimm.f32 $0.0e+00;
	s12 =	sadd.s32 $0x65E20, s12;
	[dreg:$0x3] =	wrdreg s13;
	s13 =	simm.s32 $0xB600  }
.LBB2_1:
0x12: {  	[tilespmem:$0xB600] =	vst v0  }
0x13: {  	[tilespmem:$0xB610] =	vst v0  }
0x14: {  	[tilespmem:$0xB620] =	vst v0  }
0x15: {  	[tilespmem:$0xB630] =	vst v0  }
0x16: {  	[tilespmem:$0xB640] =	vst v0  }
0x17: {  	[tilespmem:$0xB650] =	vst v0  }
0x18: {  	[tilespmem:$0xB660] =	vst v0  }
0x19: {  	[tilespmem:$0xB670] =	vst v0  }
0x1a: {  	[tilespmem:$0xB680] =	vst v0  }
0x1b: {  	[tilespmem:$0xB690] =	vst v0  }
0x1c: {  	[tilespmem:$0xB6A0] =	vst v0  }
0x1d: {  	[tilespmem:$0xB6B0] =	vst v0  }
0x1e: {  	[tilespmem:$0xB6C0] =	vst v0  }
0x1f: {  	[tilespmem:$0xB6D0] =	vst v0  }
0x20: {  	[tilespmem:$0xB6E0] =	vst v0  }
0x21: {  	[tilespmem:$0xB6F0] =	vst v0  }
0x22: {  	[tilespmem:$0xB700] =	vst v0  }
0x23: {  	[tilespmem:$0xB710] =	vst v0  }
0x24: {  	[tilespmem:$0xB720] =	vst v0  }
0x25: {  	[tilespmem:$0xB730] =	vst v0  }
0x26: {  	[tilespmem:$0xB740] =	vst v0  }
0x27: {  	[tilespmem:$0xB750] =	vst v0  }
0x28: {  	[tilespmem:$0xB760] =	vst v0  }
0x29: {  	[tilespmem:$0xB770] =	vst v0  }
0x2a: {  	[tilespmem:$0xB780] =	vst v0  }
0x2b: {  	[tilespmem:$0xB790] =	vst v0  }
0x2c: {  	[tilespmem:$0xB7A0] =	vst v0  }
0x2d: {  	[tilespmem:$0xB7B0] =	vst v0  }
0x2e: {  	[tilespmem:$0xB7C0] =	vst v0  }
0x2f: {  	[tilespmem:$0xB7D0] =	vst v0  }
0x30: {  	[tilespmem:$0xB7E0] =	vst v0  }
0x31: {  	[tilespmem:$0xB7F0] =	vst v0  }
0x32: {  	[tilespmem:$0xB800] =	vst v0  }
0x33: {  	[tilespmem:$0xB810] =	vst v0  }
0x34: {  	[tilespmem:$0xB820] =	vst v0  }
0x35: {  	[tilespmem:$0xB830] =	vst v0  }
0x36: {  	[tilespmem:$0xB840] =	vst v0  }
0x37: {  	[tilespmem:$0xB850] =	vst v0  }
0x38: {  	[tilespmem:$0xB860] =	vst v0  }
0x39: {  	[tilespmem:$0xB870] =	vst v0  }
0x3a: {  	[tilespmem:$0xB880] =	vst v0  }
0x3b: {  	[tilespmem:$0xB890] =	vst v0  }
0x3c: {  	[tilespmem:$0xB8A0] =	vst v0  }
0x3d: {  	[tilespmem:$0xB8B0] =	vst v0  }
0x3e: {  	[tilespmem:$0xB8C0] =	vst v0  }
0x3f: {  	[tilespmem:$0xB8D0] =	vst v0  }
0x40: {  	[tilespmem:$0xB8E0] =	vst v0  }
0x41: {  	[tilespmem:$0xB8F0] =	vst v0  }
0x42: {  	[tilespmem:$0xB900] =	vst v0  }
0x43: {  	[tilespmem:$0xB910] =	vst v0  }
0x44: {  	[tilespmem:$0xB920] =	vst v0  }
0x45: {  	[tilespmem:$0xB930] =	vst v0  }
0x46: {  	[tilespmem:$0xB940] =	vst v0  }
0x47: {  	[tilespmem:$0xB950] =	vst v0  }
0x48: {  	[tilespmem:$0xB960] =	vst v0  }
0x49: {  	[tilespmem:$0xB970] =	vst v0  }
0x4a: {  	[tilespmem:$0xB980] =	vst v0  }
0x4b: {  	[tilespmem:$0xB990] =	vst v0  }
0x4c: {  	[tilespmem:$0xB9A0] =	vst v0  }
0x4d: {  	[tilespmem:$0xB9B0] =	vst v0  }
0x4e: {  	[tilespmem:$0xB9C0] =	vst v0  }
0x4f: {  	[tilespmem:$0xB9D0] =	vst v0  }
0x50: {  	[tilespmem:$0xB9E0] =	vst v0  }
0x51: {  	[tilespmem:$0xB9F0] =	vst v0;
	s19 =	sadd.s32 $0x0, s5  }
0x52: {  	[spmem:s19] =	stream.linear.scatter [tilespmem:s13], [sflag:$0x3], $0x400, $0x38;
	[tilespmem:$0x1FA00] =	vst v63  }
0x53: {  	s19 =	simm.s32 $0x1000;
	_ =	swait.ge [sflag:s14], $0x400  }
.LBB2_2:
0x54: {  	s20 =	sshra.s32 s19, $0x2;
	[sflag:s14] =	ssyncset.done $0x0;
	p0 =	sne.s32 s19, $0x4F000  }
.Ltmp0:
0x55: {  	s20 =	sadd.s32 s20, s5;
	[sflag:s14] =	ssyncadd.s32 $0xFFFFFC00;
	(pc) =	sbr.rel @p0 .LBB2_2-.Ltmp0, $3  }
0x56: {  	[spmem:s20] =	stream.linear.scatter [tilespmem:s13], [sflag:$0x3], $0x400, $0x38;
	[tilespmem:$0x1FA00] =	vst v63  }
0x57: {  	s19 =	sadd.s32 $0x1000, s19;
	_ =	sdelay $0x1  }
0x58: {  	_ =	swait.ge [sflag:s14], $0x400  }
0x59: {  	[sflag:s14] =	ssyncset.done $0x0  }
0x5a: {  	s19 =	simm.s32 $0x0;
	s20 =	simm.s32 $0x2;
	[sflag:s14] =	ssyncadd.s32 $0xFFFFFC00  }
0x5b: {  	[tilespmem:s15], [sflag:$0x2] =	stream.linear.gather [hbm4b:s7+s19], $0x3400, $0x38;
	[tilespmem:$0x1FA00] =	vst v63  }
0x5c: {  	_ =	swait.ge [sflag:s20], $0x3400  }
0x5d: {  	[sflag:s20] =	ssyncset.done $0x0  }
0x5e: {  	[sflag:s20] =	ssyncadd.s32 $0xFFFFCC00  }
0x5f: {  	[bflag:$0x0] =	sbarrier.arrive $0xFFFF  }
0x60: {  	[tilespmem:s19], [sflag:$0x2] =	stream.linear.gather [hbm4b:s8+s19], $0x80, $0x38;
	[tilespmem:$0x1FA00] =	vst v63  }
0x61: {  	_ =	swait.ge [sflag:s20], $0x80  }
0x62: {  	[sflag:s20] =	ssyncset.done $0x0  }
0x63: {  	[sflag:s20] =	ssyncadd.s32 $0xFFFFFF80  }
0x64: {  	[tilespmem:s17], [sflag:$0x1] =	stream.indirect.gather [hbm4b:s4+s16], $0x80, s19, s16, $0xb8;
	[tilespmem:$0x1FA00] =	vst v63  }
0x65: {  	s21 =	simm.s32 $0x1;
	s22 =	simm.s32 $0x10000;
	s23 =	smov.u32 s12  }
0x66: {  	[tilespmem:s16], [sflag:$0x2] =	stream.linear.gather [hbm4b:s9+s19], $0x80, $0x38;
	[tilespmem:$0x1FA00] =	vst v63  }
.LBB2_4:
0x67: {  	s24 =	smulhi.u32 $0xAAAAAAAB, s21;
	_ =	sdelay $0x1  }
0x68: {  	s25 =	smulhi.u32 $0xAAAAAAAB, s20;
	s24 =	sshrl.u32 s24, $0x1  }
0x69: {  	s26 =	sadd.s32 $0xFFFFFFFF, s20;
	s24 =	smul.u32 $0xFFFFFA00, s24  }
0x6a: {  	p0 =	sge.u32 s26, s6  }
0x6b: {  	s25 =	sshrl.u32 s25, $0x1;
	s26 =	sshra.s32 @!p0 s19, $0x2;
	s24 =	sshra.s32 s24, $0x2  }
0x6c: {  	s28 =	simm.s32 @!p0 $0x2;
	p1 =	sge.u32 @!p0 s20, s6;
	s24 =	sadd.s32 $0x80, s24  }
0x6d: {  	_ =	swait.ge @!p0 [sflag:s28], $0x80;
	s24 =	sadd.s32 @!p0 s26, s24;
	s26 =	sand.u32 @!p0 $0x10000, s22  }
0x6e: {  	s25 =	smul.u32 $0xFFFFFA00, s25;
	[sflag:s28] =	ssyncset.done @!p0 $0x0;
	s26 =	sshrl.u32 @!p0 s26, $0x2  }
0x6f: {  	[sflag:s28] =	ssyncadd.s32 @!p0 $0xFFFFFF80;
	s28 =	simm.s32 @!p0 $0x80;
	s26 =	sor.u32 @!p0 $0x3600, s26  }
0x70: {  	[tilespmem:s26], [sflag:$0x1] =	stream.indirect.gather @!p0 [hbm4b:s4+s28], $0x80, s24, s28, $0xb8;
	[tilespmem:$0x1FA00] =	vst v63  }
0x71: {  	s28 =	sshra.s32 s25, $0x2;
	p0 =	por p1, p0  }
0x72: {  	s24 =	sadd.s32 $0x100, s28;
	s25 =	sshra.s32 @!p0 s19, $0x2  }
0x73: {  	s29 =	sadd.s32 $0xFFFF0000, s22;
	s24 =	sadd.s32 @!p0 s25, s24;
	s25 =	simm.s32 @!p0 $0x0  }
0x74: {  	[tilespmem:s24], [sflag:$0x2] =	stream.linear.gather @!p0 [hbm4b:s23+s25], $0x80, $0x38;
	[tilespmem:$0x1FA00] =	vst v63  }
0x75: {  	s24 =	sand.u32 $0x10000, s29;
	_ =	swait.ge [sflag:s18], $0x4000  }
0x76: {  	s30 =	sshra.s32 s19, $0x2;
	s24 =	sshrl.u32 s24, $0x2;
	[sflag:s18] =	ssyncset.done $0x0  }
0x77: {  	s25 =	sadd.s32 $0x200, s30;
	s24 =	sor.u32 $0x3600, s24;
	[sflag:s18] =	ssyncadd.s32 $0xFFFFC000  }
0x78: {  	[spmem:s2] =	stream.indirect.scatter.add.f32 [tilespmem:s24], [sflag:$0x3], $0x80, s25, s16, $0xb8;
	[tilespmem:$0x1FA00] =	vst v63  }
0x79: {  	_ =	swait.ge [sflag:s14], $0x4000  }
0x7a: {  	s19 =	sadd.s32 $0x200, s19;
	s31 =	rddreg [dreg:$0x3]  }
0x7b: {  	p0 =	sne.s32 s31, s19  }
.Ltmp1:
0x7c: {  	_ = 	snop;
	(pc) =	sbr.rel @p0 .LBB2_4-.Ltmp1, $3  }
0x7d: {  	_ =	sdelay $0x1  }
0x7e: {  	s21 =	sadd.s32 $0x1, s21;
	s20 =	sadd.s32 $0x1, s20;
	[sflag:s14] =	ssyncset.done $0x0  }
0x7f: {  	s22 =	sadd.s32 $0x10000, s22;
	s23 =	sadd.s32 $0x10, s23;
	[sflag:s14] =	ssyncadd.s32 $0xFFFFC000  }
0x80: {  	s3 =	sadd.s32 $0x1, s3  }
0x81: {  	s19 =	sshll.u32 s1, $0x6;
	[bflag:$0x0] =	sbarrier.arrive $0xFFFF;
	p0 =	sne.s32 s3, s11  }
.Ltmp2:
0x82: {  	s20 =	sshrl.u32 s5, $0x3;
	s19 =	sor.u32 $0x1C03, s19;
	(pc) =	sbr.rel @p0 .LBB2_1-.Ltmp2, $4  }
0x83: {  	[hbm:s10], [sflag:s19] =	dma.local [spmem:s20], $0x2800  }
0x84: {  	_ =	swait.ge [sflag:s14], $0x2800  }
0x85: {  	[sflag:s14] =	ssyncset.done $0x0  }
0x86: {  	[sflag:s14] =	ssyncadd.s32 $0xFFFFD800  }
0x87: {  	_ =	sfence.sel $0x180000  }
0x88: {  	[bflag:$0x0] =	sbarrier.arrive $0xFFFF  }
0x89: {  	p0 =	sne.s32 s1, $0x0;
	_ =	strace $0x9000004A  }
0x8a: {  	s0 =	sadd.s32 @!p0 $0x100000, s0;
	[bflag:$0x2] =	sbarrier.arrive $0xFFFF  }
0x8b: {  	[sflag:s0] =	ssyncadd.tile.s32 @!p0 $0x1;
	_ =	shalt  }
.Lfunc_end2:
_tile_overlayer_lowered:
.L_overlay_start_2:
0x8c: {  	(tag) =	ssettag $0x2  }
0x8d: {  	s0 =	rddreg [dreg:$0x0];
	s2 =	stileid.u32  }
0x8e: {  	s1 =	rddreg [dreg:$0x1];
	p0 =	sne.s32 s2, $0x0  }
0x8f: {  	s3 =	rddreg [dreg:$0x2];
	[bflag:$0x3] =	sbarrier.arrive $0xFFFF;
	s2 =	simm.s32 @!p0 $0x1C03  }
0x90: {  	[timem:s3], [sflag:s2] =	dma.local @!p0 [hbm:s0], s1  }
0x91: {  	s0 =	simm.s32 @!p0 $0x3  }
0x92: {  	_ =	swait.ge @!p0 [sflag:s0], s1  }
0x93: {  	s1 =	ssub.s32 @!p0 $0x0, s1;
	[sflag:s0] =	ssyncset.done @!p0 $0x0  }
0x94: {  	[sflag:s0] =	ssyncadd.s32 @!p0 s1  }
0x95: {  	[bflag:$0x3] =	sbarrier.arrive $0xFFFF  }
0x96: {  	_ =	shalt  }

// kernel: kernel.16.cloned.1.call-start
scs
__scs_entry_jumppad:
0x0: {  	(pc) =	sbr.rel $0x88, $3  }
0x1: {  	(tag) =	ssettag $0x0;
	lr =	simm.s32 $0x1  }
0x2: {  	[smem:$0x3F96] =	sst lr;
	_ =	strace $0xD0000000  }
0x3: {  	_ = 	snop  }
0x4: {  	_ = 	snop  }
0x5: {  	_ = 	snop  }
0x6: {  	_ = 	snop  }
0x7: {  	_ = 	snop  }
__scs_overlays_trampoline_lowered:
0x8: {  	[smem:$0x3FA5] =	sst s0  }
0x9: {  	[smem:$0x3FA6] =	sst s1  }
0xa: {  	[smem:$0x3FA7] =	sst s2  }
0xb: {  	[smem:$0x3FA8] =	sst s3  }
0xc: {  	[smem:$0x3FA9] =	sst s4  }
0xd: {  	[smem:$0x3FAA] =	sst s5  }
0xe: {  	[smem:$0x3FAB] =	sst s6  }
0xf: {  	[smem:$0x3FAC] =	sst s7  }
0x10: {  	[smem:$0x3FAD] =	sst s8  }
0x11: {  	[smem:$0x3FAE] =	sst s9;
	s0 =	simm.s32 @!p0 $0x0  }
0x12: {  	s1 =	sld [smem:$0x3F94];
	s0 =	simm.s32 @p0 $0x1  }
0x13: {  	[smem:$0x3FAF] =	sst s0;
	s0 =	simm.s32 @!p1 $0x0  }
0x14: {  	s2 =	sld [smem:$0x3F93];
	s0 =	simm.s32 @p1 $0x1  }
0x15: {  	[smem:$0x3FB0] =	sst s0;
	s0 =	simm.s32 @!p2 $0x0  }
0x16: {  	s3 =	sld [smem:$0x3FDB];
	s0 =	simm.s32 @p2 $0x1  }
0x17: {  	s4 =	simm.s32 $0x1BF5;
	[smem:$0x3FB2] =	sst s0  }
0x18: {  	s0 =	sld [smem:$0x3F95];
	_ =	swait.ge [sflag:s4], $0x0  }
0x19: {  	s7 =	sld [smem:$0x3F96]  }
0x1a: {  	s8 =	sadd.s32 $0xFFFFE003, lr  }
0x1b: {  	s9 =	sadd.s32 $0xFFFFFEF7, lr;
	s5 =	simm.s32 $0xFFFFFFFF;
	p2 =	slt.u32 s8, $0xFFFFF086  }
0x1c: {  	p1 =	slt.u32 s9, $0xF7A;
	s5 =	simm.s32 @!p2 $0x0  }
0x1d: {  	s5 =	simm.s32 @p1 $0x1;
	p0 =	seq.s32 s7, s2  }
0x1e: {  	s7 =	smul.u32 @!p0 $0xF7A, s2;
	p2 =	seq.s32 @!p0 s5, $0x0  }
0x1f: {  	s9 =	smul.u32 $0xF7A, s1;
	s8 =	simm.s32 @!p0 $0x1BF5;
	p2 =	por !p2, p0  }
0x20: {  	[sflag:s8] =	ssyncset.s32 @!p0 $0xFFFFF086;
	s6 =	sadd.s32 @!p0 s3, s7;
	s7 =	simm.s32 @!p0 $0x108  }
0x21: {  	s3 =	sadd.s32 s3, s9;
	s6 =	sadd.s32 @!p0 $0x88, s6;
	s7 =	simm.s32 @p2 $0x1082  }
0x22: {  	[simem:s7], [sflag:s8] =	dma.local @!p0 [hbm:s6], $0xF7A  }
0x23: {  	s9 =	sor.u32 $0xD0000000, s2;
	s6 =	simm.s32 $0x108;
	_ =	swait.ge @!p0 [sflag:s8], $0x0  }
0x24: {  	s3 =	sadd.s32 $0x88, s3;
	s6 =	simm.s32 @!p1 $0x1082;
	[sflag:s4] =	ssyncset.s32 $0xFFFFF086  }
0x25: {  	[simem:s6], [sflag:s4] =	dma.local [hbm:s3], $0xF7A  }
0x26: {  	[smem:$0x3F96] =	sst s1;
	(tag) =	ssettag s2;
	_ =	strace s9  }
0x27: {  	s1 =	sld [smem:$0x3FA6]  }
0x28: {  	s2 =	sld [smem:$0x3FA7]  }
0x29: {  	s4 =	sld [smem:$0x3FA9]  }
0x2a: {  	p0 =	seq.s32 s5, $0x0;
	s5 =	sld [smem:$0x3FAA]  }
0x2b: {  	s6 =	sld [smem:$0x3FAB]  }
0x2c: {  	s7 =	sld [smem:$0x3FAC]  }
0x2d: {  	s3 =	simm.s32 $0x108;
	s8 =	sld [smem:$0x3FAD]  }
0x2e: {  	s3 =	simm.s32 @!p0 $0x1082;
	s9 =	sld [smem:$0x3FAE]  }
0x2f: {  	lr =	sadd.s32 s0, s3;
	s0 =	sld [smem:$0x3FA5]  }
0x30: {  	s3 =	sld [smem:$0x3FA8]  }
0x31: {  	[smem:$0x3FB1] =	sst s10  }
0x32: {  	s10 =	sld [smem:$0x3FAF];
	_ =	sdelay $0x3  }
0x33: {  	p0 =	seq.s32 s10, $0x1;
	s10 =	sld [smem:$0x3FB1];
	_ =	sdelay $0x3  }
0x34: {  	[smem:$0x3FB1] =	sst s10  }
0x35: {  	s10 =	sld [smem:$0x3FB0];
	_ =	sdelay $0x3  }
0x36: {  	p1 =	seq.s32 s10, $0x1;
	s10 =	sld [smem:$0x3FB1];
	_ =	sdelay $0x3  }
0x37: {  	[smem:$0x3FB1] =	sst s10  }
0x38: {  	s10 =	sld [smem:$0x3FB2]  }
0x39: {  	_ = 	snop;
	(pc) =	sbr.ind lr, $3  }
0x3a: {  	_ = 	snop  }
0x3b: {  	_ = 	snop  }
0x3c: {  	p2 =	seq.s32 s10, $0x1;
	s10 =	sld [smem:$0x3FB1]  }
0x3d: {  	_ =	shalt  }
0x3e: {  	_ =	shalt  }
0x3f: {  	_ =	shalt  }
0x40: {  	_ =	shalt  }
0x41: {  	_ =	shalt  }
0x42: {  	_ =	shalt  }
0x43: {  	_ =	shalt  }
0x44: {  	_ =	shalt  }
0x45: {  	_ =	shalt  }
0x46: {  	_ =	shalt  }
0x47: {  	_ =	shalt  }
0x48: {  	_ =	shalt  }
0x49: {  	_ =	shalt  }
0x4a: {  	_ =	shalt  }
0x4b: {  	_ =	shalt  }
0x4c: {  	_ =	shalt  }
0x4d: {  	_ =	shalt  }
0x4e: {  	_ =	shalt  }
0x4f: {  	_ =	shalt  }
0x50: {  	_ =	shalt  }
0x51: {  	_ =	shalt  }
0x52: {  	_ =	shalt  }
0x53: {  	_ =	shalt  }
0x54: {  	_ =	shalt  }
0x55: {  	_ =	shalt  }
0x56: {  	_ =	shalt  }
0x57: {  	_ =	shalt  }
0x58: {  	_ =	shalt  }
0x59: {  	_ =	shalt  }
0x5a: {  	_ =	shalt  }
0x5b: {  	_ =	shalt  }
0x5c: {  	_ =	shalt  }
0x5d: {  	_ =	shalt  }
0x5e: {  	_ =	shalt  }
0x5f: {  	_ =	shalt  }
0x60: {  	_ =	shalt  }
0x61: {  	_ =	shalt  }
0x62: {  	_ =	shalt  }
0x63: {  	_ =	shalt  }
0x64: {  	_ =	shalt  }
0x65: {  	_ =	shalt  }
0x66: {  	_ =	shalt  }
0x67: {  	_ =	shalt  }
0x68: {  	_ =	shalt  }
0x69: {  	_ =	shalt  }
0x6a: {  	_ =	shalt  }
0x6b: {  	_ =	shalt  }
0x6c: {  	_ =	shalt  }
0x6d: {  	_ =	shalt  }
0x6e: {  	_ =	shalt  }
0x6f: {  	_ =	shalt  }
0x70: {  	_ =	shalt  }
0x71: {  	_ =	shalt  }
0x72: {  	_ =	shalt  }
0x73: {  	_ =	shalt  }
0x74: {  	_ =	shalt  }
0x75: {  	_ =	shalt  }
0x76: {  	_ =	shalt  }
0x77: {  	_ =	shalt  }
0x78: {  	_ =	shalt  }
0x79: {  	_ =	shalt  }
0x7a: {  	_ =	shalt  }
0x7b: {  	_ =	shalt  }
0x7c: {  	_ =	shalt  }
0x7d: {  	_ =	shalt  }
0x7e: {  	_ =	shalt  }
0x7f: {  	_ =	shalt  }
0x80: {  	_ =	shalt  }
0x81: {  	_ =	shalt  }
0x82: {  	_ =	shalt  }
0x83: {  	_ =	shalt  }
0x84: {  	_ =	shalt  }
0x85: {  	_ =	shalt  }
0x86: {  	_ =	shalt  }
0x87: {  	_ =	shalt  }
.Lfunc_end0:
.L_simem_size_0:
called_computation.2_lowered:
.L_overlay_start_0:
0x88: {  	s2 =	sld [smem:$0x3FD9]  }
0x89: {  	s3 =	sld [smem:$0x3FFE];
	_ =	sdelay $0x1  }
0x8a: {  	s1 =	srdreg.scid  }
0x8b: {  	s0 =	sand.u32 $0x1, s1  }
0x8c: {  	s16 =	sshll.u32 s0, $0xA;
	s2 =	sadd.s32 s3, s2  }
0x8d: {  	s2 =	sadd.s32 s2, s16  }
0x8e: {  	[smem:$0x3FBD] =	sst s2  }
0x8f: {  	_ = 	snop  }
0x90: {  	(tm) =	ssettm $0x1  }
0x91: {  	s17 =	sld [smem:$0x3FFB];
	_ =	sdelay $0x3  }
0x92: {  	_ =	strace s17  }
0x93: {  	s2 =	sld [smem:$0x3FFC];
	_ =	sdelay $0x3  }
0x94: {  	_ =	strace s2  }
0x95: {  	s2 =	sld [smem:$0x3FFD];
	_ =	sdelay $0x3  }
0x96: {  	_ =	strace s2  }
0x97: {  	_ =	strace $0x8FFFFFFF  }
0x98: {  	s18 =	sld [smem:$0x3FDB];
	_ =	sdelay $0x1  }
0x99: {  	s19 =	simm.s32 $_scs_section_size  }
0x9a: {  	s4 =	simm.s32 $_size__tile_overlayer_lowered;
	s5 =	simm.s32 $_tile_overlayer_lowered  }
0x9b: {  	s22 =	simm.s32 $0x1BFF;
	s21 =	sshll.u32 s5, $0x1;
	s2 =	sadd.s32 s19, s18  }
0x9c: {  	s6 =	simm.s32 $0x0;
	s20 =	sshll.u32 s4, $0x1;
	s4 =	sadd.s32 s21, s2  }
0x9d: {  	[timem:s6], [sflag:s22] =	dma.local [hbm:s4], s20  }
0x9e: {  	_ =	swait.ge [sflag:s22], s20  }
0x9f: {  	s3 =	ssub.s32 $0x0, s20;
	[sflag:s22] =	ssyncset.done $0x0  }
0xa0: {  	[sflag:s22] =	ssyncadd.s32 s3;
	_ =	sdelay $0x1  }
0xa1: {  	s23 =	simm.s32 $0x1B8B  }
0xa2: {  	_ =	swait.ge [sflag:s23], $0x1  }
0xa3: {  	[sflag:s23] =	ssyncset.done $0x0  }
0xa4: {  	s25 =	simm.s32 $0x1B8E;
	s24 =	sld [smem:$0x3FFE];
	[sflag:s23] =	ssyncadd.s32 $0xFFFFFFFF  }
0xa5: {  	s26 =	simm.s32 $execute0_lowered;
	[smem:$0x3FD2] =	sst s25  }
0xa6: {  	s4 =	sshll.u32 s26, $0x1;
	_ =	strace $0x8000004C;
	[dreg:$0x1] =	wrdreg $0xFFFFFFFF  }
0xa7: {  	s28 =	simm.s32 $_size_execute0_lowered;
	s2 =	sadd.s32 s2, s4;
	[dreg:$0x0] =	wrdreg $0x0  }
0xa8: {  	s4 =	sshll.u32 s28, $0x1;
	[dreg:$0x2] =	wrdreg s2  }
0xa9: {  	[dreg:$0x3] =	wrdreg s4  }
0xaa: {  	[dreg:$0x4] =	wrdreg $0xC0  }
0xab: {  	_ =	task [dreg:s6], $0x5FFFF  }
0xac: {  	[dreg:$0x1] =	wrdreg $0xFFFFFFFF  }
0xad: {  	[dreg:$0x0] =	wrdreg $0x60  }
0xae: {  	[dreg:$0x2] =	wrdreg s24  }
0xaf: {  	[dreg:$0x3] =	wrdreg $0xBA000  }
0xb0: {  	[dreg:$0x4] =	wrdreg $0x9  }
0xb1: {  	_ =	task.clear_ibuf [dreg:s6], $0x5FFFF;
	_ =	strace $0x9000004C  }
0xb2: {  	s29 =	simm.s32 $0x9;
	_ =	strace $0x8000004E  }
0xb3: {  	_ =	swait.ge [sflag:s29], $0x1  }
0xb4: {  	[sflag:s29] =	ssyncadd.s32 $0xFFFFFFFF  }
0xb5: {  	_ =	strace $0x9000004E  }
0xb6: {  	_ =	sfence  }
0xb7: {  	s30 =	sld [smem:$0x0];
	_ =	sdelay $0x2  }
0xb8: {  	s31 =	sshll.u32 s1, $0xD;
	s1 =	sshrl.u32 s1, $0x2  }
0xb9: {  	s3 =	sand.u32 $0x4000, s31;
	s1 =	sadd.s32 s1, s30  }
0xba: {  	s0 =	sor.u32 s3, s0;
	s1 =	sshll.u32 s1, $0x11  }
0xbb: {  	s0 =	sor.u32 s1, s0  }
0xbc: {  	s0 =	sadd.s32 $0x8F2B, s0  }
0xbd: {  	[sflag:s0] =	ssyncadd.remote.s32 $0x1  }
0xbe: {  	_ =	sfence.sel $0xFFFF  }
0xbf: {  	[dreg:$0x0] =	wrdreg $0xFFFFFFFF;
	(pc) =	sbr.abs _section_cstart, $3  }
0xc0: {  	[dreg:$0x1] =	wrdreg $0xFFFFFFFF  }
0xc1: {  	_ =	task.clear_ibuf [dreg:s6], $0x2FFFF;
	_ =	strace $0x9FFFFFFF  }
0xc2: {  	(tm) =	ssettm $0x7FFFFFFF  }
0xc3: {  	_ =	shalt  }
tec
execute0_lowered:
.L_overlay_start_1:
0x0: {  	(tag) =	ssettag $0x1  }
0x1: {  	s5 =	rddreg [dreg:$0x0]  }
0x2: {  	s2 =	rddreg [dreg:$0x1]  }
0x3: {  	s0 =	rddreg [dreg:$0x2]  }
0x4: {  	s1 =	stileid.u32;
	s4 =	srdreg.scid  }
0x5: {  	s3 =	simm.s32 $0x0;
	s14 =	simm.s32 $0x3;
	s6 =	smul.u32 $0x38, s1  }
0x6: {  	s15 =	simm.s32 $0x200;
	s16 =	simm.s32 $0x80;
	s25 =	smul.u32 $0x68, s1  }
0x7: {  	s17 =	simm.s32 $0x3600;
	s18 =	simm.s32 $0x1;
	s10 =	smul.u32 $0x14000, s1  }
0x8: {  	s7 =	sand.u32 $0x1, s4;
	[smem:$0x7FF] =	sst s3;
	s26 =	smul.u32 $0x50000, s1  }
0x9: {  	s4 =	sadd.s32 $0x15E00, s5;
	s8 =	smul.u32 $0x140000, s7;
	p0 =	seq.s32 s7, $0x0  }
0xa: {  	_ =	strace $0x8000004D;
	s7 =	ssub.s32 $0x2, s7;
	s9 =	sadd.s32 $0x380, s25  }
0xb: {  	s30 =	sshrl.u32 s7, $0x1;
	s31 =	sshrl.u32 s26, $0x2;
	s9 =	smov.u32 @p0 s6  }
0xc: {  	s8 =	sadd.s32 s10, s8;
	s11 =	ssub.s32 s7, s30;
	s6 =	sshll.u32 s9, $0x4  }
0xd: {  	s28 =	sshrl.u32 s8, $0x3;
	s11 =	smax.u32 s11, $0x1;
	s12 =	sadd.s32 s6, s5  }
0xe: {  	s29 =	sadd.s32 s28, s5;
	s5 =	sadd.s32 s31, s2;
	s6 =	simm.s32 $0x38  }
0xf: {  	s6 =	simm.s32 @!p0 $0x68;
	s7 =	sadd.s32 $0xBE00, s12;
	s8 =	sadd.s32 $0x65E00, s12  }
0x10: {  	s9 =	sadd.s32 $0x65E10, s12;
	s10 =	sadd.s32 $0x6FE00, s29;
	s13 =	sshll.u32 s6, $0x9  }
0x11: {  	v0 =	vimm.f32 $0.0e+00;
	s12 =	sadd.s32 $0x65E20, s12;
	[dreg:$0x3] =	wrdreg s13;
	s13 =	simm.s32 $0xB600  }
.LBB2_1:
0x12: {  	[tilespmem:$0xB600] =	vst v0  }
0x13: {  	[tilespmem:$0xB610] =	vst v0  }
0x14: {  	[tilespmem:$0xB620] =	vst v0  }
0x15: {  	[tilespmem:$0xB630] =	vst v0  }
0x16: {  	[tilespmem:$0xB640] =	vst v0  }
0x17: {  	[tilespmem:$0xB650] =	vst v0  }
0x18: {  	[tilespmem:$0xB660] =	vst v0  }
0x19: {  	[tilespmem:$0xB670] =	vst v0  }
0x1a: {  	[tilespmem:$0xB680] =	vst v0  }
0x1b: {  	[tilespmem:$0xB690] =	vst v0  }
0x1c: {  	[tilespmem:$0xB6A0] =	vst v0  }
0x1d: {  	[tilespmem:$0xB6B0] =	vst v0  }
0x1e: {  	[tilespmem:$0xB6C0] =	vst v0  }
0x1f: {  	[tilespmem:$0xB6D0] =	vst v0  }
0x20: {  	[tilespmem:$0xB6E0] =	vst v0  }
0x21: {  	[tilespmem:$0xB6F0] =	vst v0  }
0x22: {  	[tilespmem:$0xB700] =	vst v0  }
0x23: {  	[tilespmem:$0xB710] =	vst v0  }
0x24: {  	[tilespmem:$0xB720] =	vst v0  }
0x25: {  	[tilespmem:$0xB730] =	vst v0  }
0x26: {  	[tilespmem:$0xB740] =	vst v0  }
0x27: {  	[tilespmem:$0xB750] =	vst v0  }
0x28: {  	[tilespmem:$0xB760] =	vst v0  }
0x29: {  	[tilespmem:$0xB770] =	vst v0  }
0x2a: {  	[tilespmem:$0xB780] =	vst v0  }
0x2b: {  	[tilespmem:$0xB790] =	vst v0  }
0x2c: {  	[tilespmem:$0xB7A0] =	vst v0  }
0x2d: {  	[tilespmem:$0xB7B0] =	vst v0  }
0x2e: {  	[tilespmem:$0xB7C0] =	vst v0  }
0x2f: {  	[tilespmem:$0xB7D0] =	vst v0  }
0x30: {  	[tilespmem:$0xB7E0] =	vst v0  }
0x31: {  	[tilespmem:$0xB7F0] =	vst v0  }
0x32: {  	[tilespmem:$0xB800] =	vst v0  }
0x33: {  	[tilespmem:$0xB810] =	vst v0  }
0x34: {  	[tilespmem:$0xB820] =	vst v0  }
0x35: {  	[tilespmem:$0xB830] =	vst v0  }
0x36: {  	[tilespmem:$0xB840] =	vst v0  }
0x37: {  	[tilespmem:$0xB850] =	vst v0  }
0x38: {  	[tilespmem:$0xB860] =	vst v0  }
0x39: {  	[tilespmem:$0xB870] =	vst v0  }
0x3a: {  	[tilespmem:$0xB880] =	vst v0  }
0x3b: {  	[tilespmem:$0xB890] =	vst v0  }
0x3c: {  	[tilespmem:$0xB8A0] =	vst v0  }
0x3d: {  	[tilespmem:$0xB8B0] =	vst v0  }
0x3e: {  	[tilespmem:$0xB8C0] =	vst v0  }
0x3f: {  	[tilespmem:$0xB8D0] =	vst v0  }
0x40: {  	[tilespmem:$0xB8E0] =	vst v0  }
0x41: {  	[tilespmem:$0xB8F0] =	vst v0  }
0x42: {  	[tilespmem:$0xB900] =	vst v0  }
0x43: {  	[tilespmem:$0xB910] =	vst v0  }
0x44: {  	[tilespmem:$0xB920] =	vst v0  }
0x45: {  	[tilespmem:$0xB930] =	vst v0  }
0x46: {  	[tilespmem:$0xB940] =	vst v0  }
0x47: {  	[tilespmem:$0xB950] =	vst v0  }
0x48: {  	[tilespmem:$0xB960] =	vst v0  }
0x49: {  	[tilespmem:$0xB970] =	vst v0  }
0x4a: {  	[tilespmem:$0xB980] =	vst v0  }
0x4b: {  	[tilespmem:$0xB990] =	vst v0  }
0x4c: {  	[tilespmem:$0xB9A0] =	vst v0  }
0x4d: {  	[tilespmem:$0xB9B0] =	vst v0  }
0x4e: {  	[tilespmem:$0xB9C0] =	vst v0  }
0x4f: {  	[tilespmem:$0xB9D0] =	vst v0  }
0x50: {  	[tilespmem:$0xB9E0] =	vst v0  }
0x51: {  	[tilespmem:$0xB9F0] =	vst v0;
	s19 =	sadd.s32 $0x0, s5  }
0x52: {  	[spmem:s19] =	stream.linear.scatter [tilespmem:s13], [sflag:$0x3], $0x400, $0x38;
	[tilespmem:$0x1FA00] =	vst v63  }
0x53: {  	s19 =	simm.s32 $0x1000;
	_ =	swait.ge [sflag:s14], $0x400  }
.LBB2_2:
0x54: {  	s20 =	sshra.s32 s19, $0x2;
	[sflag:s14] =	ssyncset.done $0x0;
	p0 =	sne.s32 s19, $0x4F000  }
.Ltmp0:
0x55: {  	s20 =	sadd.s32 s20, s5;
	[sflag:s14] =	ssyncadd.s32 $0xFFFFFC00;
	(pc) =	sbr.rel @p0 .LBB2_2-.Ltmp0, $3  }
0x56: {  	[spmem:s20] =	stream.linear.scatter [tilespmem:s13], [sflag:$0x3], $0x400, $0x38;
	[tilespmem:$0x1FA00] =	vst v63  }
0x57: {  	s19 =	sadd.s32 $0x1000, s19;
	_ =	sdelay $0x1  }
0x58: {  	_ =	swait.ge [sflag:s14], $0x400  }
0x59: {  	[sflag:s14] =	ssyncset.done $0x0  }
0x5a: {  	s19 =	simm.s32 $0x0;
	s20 =	simm.s32 $0x2;
	[sflag:s14] =	ssyncadd.s32 $0xFFFFFC00  }
0x5b: {  	[tilespmem:s15], [sflag:$0x2] =	stream.linear.gather [hbm4b:s7+s19], $0x3400, $0x38;
	[tilespmem:$0x1FA00] =	vst v63  }
0x5c: {  	_ =	swait.ge [sflag:s20], $0x3400  }
0x5d: {  	[sflag:s20] =	ssyncset.done $0x0  }
0x5e: {  	[sflag:s20] =	ssyncadd.s32 $0xFFFFCC00  }
0x5f: {  	[bflag:$0x0] =	sbarrier.arrive $0xFFFF  }
0x60: {  	[tilespmem:s19], [sflag:$0x2] =	stream.linear.gather [hbm4b:s8+s19], $0x80, $0x38;
	[tilespmem:$0x1FA00] =	vst v63  }
0x61: {  	_ =	swait.ge [sflag:s20], $0x80  }
0x62: {  	[sflag:s20] =	ssyncset.done $0x0  }
0x63: {  	[sflag:s20] =	ssyncadd.s32 $0xFFFFFF80  }
0x64: {  	[tilespmem:s17], [sflag:$0x1] =	stream.indirect.gather [hbm4b:s4+s16], $0x80, s19, s16, $0xb8;
	[tilespmem:$0x1FA00] =	vst v63  }
0x65: {  	s21 =	simm.s32 $0x1;
	s22 =	simm.s32 $0x10000;
	s23 =	smov.u32 s12  }
0x66: {  	[tilespmem:s16], [sflag:$0x2] =	stream.linear.gather [hbm4b:s9+s19], $0x80, $0x38;
	[tilespmem:$0x1FA00] =	vst v63  }
.LBB2_4:
0x67: {  	s24 =	smulhi.u32 $0xAAAAAAAB, s21;
	_ =	sdelay $0x1  }
0x68: {  	s25 =	smulhi.u32 $0xAAAAAAAB, s20;
	s24 =	sshrl.u32 s24, $0x1  }
0x69: {  	s26 =	sadd.s32 $0xFFFFFFFF, s20;
	s24 =	smul.u32 $0xFFFFFA00, s24  }
0x6a: {  	p0 =	sge.u32 s26, s6  }
0x6b: {  	s25 =	sshrl.u32 s25, $0x1;
	s26 =	sshra.s32 @!p0 s19, $0x2;
	s24 =	sshra.s32 s24, $0x2  }
0x6c: {  	s28 =	simm.s32 @!p0 $0x2;
	p1 =	sge.u32 @!p0 s20, s6;
	s24 =	sadd.s32 $0x80, s24  }
0x6d: {  	_ =	swait.ge @!p0 [sflag:s28], $0x80;
	s24 =	sadd.s32 @!p0 s26, s24;
	s26 =	sand.u32 @!p0 $0x10000, s22  }
0x6e: {  	s25 =	smul.u32 $0xFFFFFA00, s25;
	[sflag:s28] =	ssyncset.done @!p0 $0x0;
	s26 =	sshrl.u32 @!p0 s26, $0x2  }
0x6f: {  	[sflag:s28] =	ssyncadd.s32 @!p0 $0xFFFFFF80;
	s28 =	simm.s32 @!p0 $0x80;
	s26 =	sor.u32 @!p0 $0x3600, s26  }
0x70: {  	[tilespmem:s26], [sflag:$0x1] =	stream.indirect.gather @!p0 [hbm4b:s4+s28], $0x80, s24, s28, $0xb8;
	[tilespmem:$0x1FA00] =	vst v63  }
0x71: {  	s28 =	sshra.s32 s25, $0x2;
	p0 =	por p1, p0  }
0x72: {  	s24 =	sadd.s32 $0x100, s28;
	s25 =	sshra.s32 @!p0 s19, $0x2  }
0x73: {  	s29 =	sadd.s32 $0xFFFF0000, s22;
	s24 =	sadd.s32 @!p0 s25, s24;
	s25 =	simm.s32 @!p0 $0x0  }
0x74: {  	[tilespmem:s24], [sflag:$0x2] =	stream.linear.gather @!p0 [hbm4b:s23+s25], $0x80, $0x38;
	[tilespmem:$0x1FA00] =	vst v63  }
0x75: {  	s24 =	sand.u32 $0x10000, s29;
	_ =	swait.ge [sflag:s18], $0x4000  }
0x76: {  	s30 =	sshra.s32 s19, $0x2;
	s24 =	sshrl.u32 s24, $0x2;
	[sflag:s18] =	ssyncset.done $0x0  }
0x77: {  	s25 =	sadd.s32 $0x200, s30;
	s24 =	sor.u32 $0x3600, s24;
	[sflag:s18] =	ssyncadd.s32 $0xFFFFC000  }
0x78: {  	[spmem:s2] =	stream.indirect.scatter.add.f32 [tilespmem:s24], [sflag:$0x3], $0x80, s25, s16, $0xb8;
	[tilespmem:$0x1FA00] =	vst v63  }
0x79: {  	_ =	swait.ge [sflag:s14], $0x4000  }
0x7a: {  	s19 =	sadd.s32 $0x200, s19;
	s31 =	rddreg [dreg:$0x3]  }
0x7b: {  	p0 =	sne.s32 s31, s19  }
.Ltmp1:
0x7c: {  	_ = 	snop;
	(pc) =	sbr.rel @p0 .LBB2_4-.Ltmp1, $3  }
0x7d: {  	_ =	sdelay $0x1  }
0x7e: {  	s21 =	sadd.s32 $0x1, s21;
	s20 =	sadd.s32 $0x1, s20;
	[sflag:s14] =	ssyncset.done $0x0  }
0x7f: {  	s22 =	sadd.s32 $0x10000, s22;
	s23 =	sadd.s32 $0x10, s23;
	[sflag:s14] =	ssyncadd.s32 $0xFFFFC000  }
0x80: {  	s3 =	sadd.s32 $0x1, s3  }
0x81: {  	s19 =	sshll.u32 s1, $0x6;
	[bflag:$0x0] =	sbarrier.arrive $0xFFFF;
	p0 =	sne.s32 s3, s11  }
.Ltmp2:
0x82: {  	s20 =	sshrl.u32 s5, $0x3;
	s19 =	sor.u32 $0x1C03, s19;
	(pc) =	sbr.rel @p0 .LBB2_1-.Ltmp2, $4  }
0x83: {  	[hbm:s10], [sflag:s19] =	dma.local [spmem:s20], $0x2800  }
0x84: {  	_ =	swait.ge [sflag:s14], $0x2800  }
0x85: {  	[sflag:s14] =	ssyncset.done $0x0  }
0x86: {  	[sflag:s14] =	ssyncadd.s32 $0xFFFFD800  }
0x87: {  	_ =	sfence.sel $0x180000  }
0x88: {  	[bflag:$0x0] =	sbarrier.arrive $0xFFFF  }
0x89: {  	p0 =	sne.s32 s1, $0x0;
	_ =	strace $0x9000004D  }
0x8a: {  	s0 =	sadd.s32 @!p0 $0x100000, s0;
	[bflag:$0x2] =	sbarrier.arrive $0xFFFF  }
0x8b: {  	[sflag:s0] =	ssyncadd.tile.s32 @!p0 $0x1;
	_ =	shalt  }
.Lfunc_end2:
_tile_overlayer_lowered:
.L_overlay_start_2:
0x8c: {  	(tag) =	ssettag $0x2  }
0x8d: {  	s0 =	rddreg [dreg:$0x0];
	s2 =	stileid.u32  }
0x8e: {  	s1 =	rddreg [dreg:$0x1];
	p0 =	sne.s32 s2, $0x0  }
0x8f: {  	s3 =	rddreg [dreg:$0x2];
	[bflag:$0x3] =	sbarrier.arrive $0xFFFF;
	s2 =	simm.s32 @!p0 $0x1C03  }
0x90: {  	[timem:s3], [sflag:s2] =	dma.local @!p0 [hbm:s0], s1  }
0x91: {  	s0 =	simm.s32 @!p0 $0x3  }
0x92: {  	_ =	swait.ge @!p0 [sflag:s0], s1  }
0x93: {  	s1 =	ssub.s32 @!p0 $0x0, s1;
	[sflag:s0] =	ssyncset.done @!p0 $0x0  }
0x94: {  	[sflag:s0] =	ssyncadd.s32 @!p0 s1  }
0x95: {  	[bflag:$0x3] =	sbarrier.arrive $0xFFFF  }
0x96: {  	_ =	shalt  }

// kernel: kernel.19.cloned.1.call-start
scs
__scs_entry_jumppad:
0x0: {  	(pc) =	sbr.rel $0x88, $3  }
0x1: {  	(tag) =	ssettag $0x0;
	lr =	simm.s32 $0x1  }
0x2: {  	[smem:$0x3F96] =	sst lr;
	_ =	strace $0xD0000000  }
0x3: {  	_ = 	snop  }
0x4: {  	_ = 	snop  }
0x5: {  	_ = 	snop  }
0x6: {  	_ = 	snop  }
0x7: {  	_ = 	snop  }
__scs_overlays_trampoline_lowered:
0x8: {  	[smem:$0x3FA5] =	sst s0  }
0x9: {  	[smem:$0x3FA6] =	sst s1  }
0xa: {  	[smem:$0x3FA7] =	sst s2  }
0xb: {  	[smem:$0x3FA8] =	sst s3  }
0xc: {  	[smem:$0x3FA9] =	sst s4  }
0xd: {  	[smem:$0x3FAA] =	sst s5  }
0xe: {  	[smem:$0x3FAB] =	sst s6  }
0xf: {  	[smem:$0x3FAC] =	sst s7  }
0x10: {  	[smem:$0x3FAD] =	sst s8  }
0x11: {  	[smem:$0x3FAE] =	sst s9;
	s0 =	simm.s32 @!p0 $0x0  }
0x12: {  	s1 =	sld [smem:$0x3F94];
	s0 =	simm.s32 @p0 $0x1  }
0x13: {  	[smem:$0x3FAF] =	sst s0;
	s0 =	simm.s32 @!p1 $0x0  }
0x14: {  	s2 =	sld [smem:$0x3F93];
	s0 =	simm.s32 @p1 $0x1  }
0x15: {  	[smem:$0x3FB0] =	sst s0;
	s0 =	simm.s32 @!p2 $0x0  }
0x16: {  	s3 =	sld [smem:$0x3FDB];
	s0 =	simm.s32 @p2 $0x1  }
0x17: {  	s4 =	simm.s32 $0x1BF5;
	[smem:$0x3FB2] =	sst s0  }
0x18: {  	s0 =	sld [smem:$0x3F95];
	_ =	swait.ge [sflag:s4], $0x0  }
0x19: {  	s7 =	sld [smem:$0x3F96]  }
0x1a: {  	s8 =	sadd.s32 $0xFFFFE003, lr  }
0x1b: {  	s9 =	sadd.s32 $0xFFFFFEF7, lr;
	s5 =	simm.s32 $0xFFFFFFFF;
	p2 =	slt.u32 s8, $0xFFFFF086  }
0x1c: {  	p1 =	slt.u32 s9, $0xF7A;
	s5 =	simm.s32 @!p2 $0x0  }
0x1d: {  	s5 =	simm.s32 @p1 $0x1;
	p0 =	seq.s32 s7, s2  }
0x1e: {  	s7 =	smul.u32 @!p0 $0xF7A, s2;
	p2 =	seq.s32 @!p0 s5, $0x0  }
0x1f: {  	s9 =	smul.u32 $0xF7A, s1;
	s8 =	simm.s32 @!p0 $0x1BF5;
	p2 =	por !p2, p0  }
0x20: {  	[sflag:s8] =	ssyncset.s32 @!p0 $0xFFFFF086;
	s6 =	sadd.s32 @!p0 s3, s7;
	s7 =	simm.s32 @!p0 $0x108  }
0x21: {  	s3 =	sadd.s32 s3, s9;
	s6 =	sadd.s32 @!p0 $0x88, s6;
	s7 =	simm.s32 @p2 $0x1082  }
0x22: {  	[simem:s7], [sflag:s8] =	dma.local @!p0 [hbm:s6], $0xF7A  }
0x23: {  	s9 =	sor.u32 $0xD0000000, s2;
	s6 =	simm.s32 $0x108;
	_ =	swait.ge @!p0 [sflag:s8], $0x0  }
0x24: {  	s3 =	sadd.s32 $0x88, s3;
	s6 =	simm.s32 @!p1 $0x1082;
	[sflag:s4] =	ssyncset.s32 $0xFFFFF086  }
0x25: {  	[simem:s6], [sflag:s4] =	dma.local [hbm:s3], $0xF7A  }
0x26: {  	[smem:$0x3F96] =	sst s1;
	(tag) =	ssettag s2;
	_ =	strace s9  }
0x27: {  	s1 =	sld [smem:$0x3FA6]  }
0x28: {  	s2 =	sld [smem:$0x3FA7]  }
0x29: {  	s4 =	sld [smem:$0x3FA9]  }
0x2a: {  	p0 =	seq.s32 s5, $0x0;
	s5 =	sld [smem:$0x3FAA]  }
0x2b: {  	s6 =	sld [smem:$0x3FAB]  }
0x2c: {  	s7 =	sld [smem:$0x3FAC]  }
0x2d: {  	s3 =	simm.s32 $0x108;
	s8 =	sld [smem:$0x3FAD]  }
0x2e: {  	s3 =	simm.s32 @!p0 $0x1082;
	s9 =	sld [smem:$0x3FAE]  }
0x2f: {  	lr =	sadd.s32 s0, s3;
	s0 =	sld [smem:$0x3FA5]  }
0x30: {  	s3 =	sld [smem:$0x3FA8]  }
0x31: {  	[smem:$0x3FB1] =	sst s10  }
0x32: {  	s10 =	sld [smem:$0x3FAF];
	_ =	sdelay $0x3  }
0x33: {  	p0 =	seq.s32 s10, $0x1;
	s10 =	sld [smem:$0x3FB1];
	_ =	sdelay $0x3  }
0x34: {  	[smem:$0x3FB1] =	sst s10  }
0x35: {  	s10 =	sld [smem:$0x3FB0];
	_ =	sdelay $0x3  }
0x36: {  	p1 =	seq.s32 s10, $0x1;
	s10 =	sld [smem:$0x3FB1];
	_ =	sdelay $0x3  }
0x37: {  	[smem:$0x3FB1] =	sst s10  }
0x38: {  	s10 =	sld [smem:$0x3FB2]  }
0x39: {  	_ = 	snop;
	(pc) =	sbr.ind lr, $3  }
0x3a: {  	_ = 	snop  }
0x3b: {  	_ = 	snop  }
0x3c: {  	p2 =	seq.s32 s10, $0x1;
	s10 =	sld [smem:$0x3FB1]  }
0x3d: {  	_ =	shalt  }
0x3e: {  	_ =	shalt  }
0x3f: {  	_ =	shalt  }
0x40: {  	_ =	shalt  }
0x41: {  	_ =	shalt  }
0x42: {  	_ =	shalt  }
0x43: {  	_ =	shalt  }
0x44: {  	_ =	shalt  }
0x45: {  	_ =	shalt  }
0x46: {  	_ =	shalt  }
0x47: {  	_ =	shalt  }
0x48: {  	_ =	shalt  }
0x49: {  	_ =	shalt  }
0x4a: {  	_ =	shalt  }
0x4b: {  	_ =	shalt  }
0x4c: {  	_ =	shalt  }
0x4d: {  	_ =	shalt  }
0x4e: {  	_ =	shalt  }
0x4f: {  	_ =	shalt  }
0x50: {  	_ =	shalt  }
0x51: {  	_ =	shalt  }
0x52: {  	_ =	shalt  }
0x53: {  	_ =	shalt  }
0x54: {  	_ =	shalt  }
0x55: {  	_ =	shalt  }
0x56: {  	_ =	shalt  }
0x57: {  	_ =	shalt  }
0x58: {  	_ =	shalt  }
0x59: {  	_ =	shalt  }
0x5a: {  	_ =	shalt  }
0x5b: {  	_ =	shalt  }
0x5c: {  	_ =	shalt  }
0x5d: {  	_ =	shalt  }
0x5e: {  	_ =	shalt  }
0x5f: {  	_ =	shalt  }
0x60: {  	_ =	shalt  }
0x61: {  	_ =	shalt  }
0x62: {  	_ =	shalt  }
0x63: {  	_ =	shalt  }
0x64: {  	_ =	shalt  }
0x65: {  	_ =	shalt  }
0x66: {  	_ =	shalt  }
0x67: {  	_ =	shalt  }
0x68: {  	_ =	shalt  }
0x69: {  	_ =	shalt  }
0x6a: {  	_ =	shalt  }
0x6b: {  	_ =	shalt  }
0x6c: {  	_ =	shalt  }
0x6d: {  	_ =	shalt  }
0x6e: {  	_ =	shalt  }
0x6f: {  	_ =	shalt  }
0x70: {  	_ =	shalt  }
0x71: {  	_ =	shalt  }
0x72: {  	_ =	shalt  }
0x73: {  	_ =	shalt  }
0x74: {  	_ =	shalt  }
0x75: {  	_ =	shalt  }
0x76: {  	_ =	shalt  }
0x77: {  	_ =	shalt  }
0x78: {  	_ =	shalt  }
0x79: {  	_ =	shalt  }
0x7a: {  	_ =	shalt  }
0x7b: {  	_ =	shalt  }
0x7c: {  	_ =	shalt  }
0x7d: {  	_ =	shalt  }
0x7e: {  	_ =	shalt  }
0x7f: {  	_ =	shalt  }
0x80: {  	_ =	shalt  }
0x81: {  	_ =	shalt  }
0x82: {  	_ =	shalt  }
0x83: {  	_ =	shalt  }
0x84: {  	_ =	shalt  }
0x85: {  	_ =	shalt  }
0x86: {  	_ =	shalt  }
0x87: {  	_ =	shalt  }
.Lfunc_end0:
.L_simem_size_0:
called_computation.3_lowered:
.L_overlay_start_0:
0x88: {  	s2 =	sld [smem:$0x3FD9]  }
0x89: {  	s3 =	sld [smem:$0x3FFE];
	_ =	sdelay $0x1  }
0x8a: {  	s1 =	srdreg.scid  }
0x8b: {  	s0 =	sand.u32 $0x1, s1  }
0x8c: {  	s16 =	sshll.u32 s0, $0xA;
	s2 =	sadd.s32 s3, s2  }
0x8d: {  	s2 =	sadd.s32 s2, s16  }
0x8e: {  	[smem:$0x3FBD] =	sst s2  }
0x8f: {  	_ = 	snop  }
0x90: {  	(tm) =	ssettm $0x1  }
0x91: {  	s17 =	sld [smem:$0x3FFB];
	_ =	sdelay $0x3  }
0x92: {  	_ =	strace s17  }
0x93: {  	s2 =	sld [smem:$0x3FFC];
	_ =	sdelay $0x3  }
0x94: {  	_ =	strace s2  }
0x95: {  	s2 =	sld [smem:$0x3FFD];
	_ =	sdelay $0x3  }
0x96: {  	_ =	strace s2  }
0x97: {  	_ =	strace $0x8FFFFFFF  }
0x98: {  	s18 =	sld [smem:$0x3FDB];
	_ =	sdelay $0x1  }
0x99: {  	s19 =	simm.s32 $_scs_section_size  }
0x9a: {  	s4 =	simm.s32 $_size__tile_overlayer_lowered;
	s5 =	simm.s32 $_tile_overlayer_lowered  }
0x9b: {  	s22 =	simm.s32 $0x1BFF;
	s21 =	sshll.u32 s5, $0x1;
	s2 =	sadd.s32 s19, s18  }
0x9c: {  	s6 =	simm.s32 $0x0;
	s20 =	sshll.u32 s4, $0x1;
	s4 =	sadd.s32 s21, s2  }
0x9d: {  	[timem:s6], [sflag:s22] =	dma.local [hbm:s4], s20  }
0x9e: {  	_ =	swait.ge [sflag:s22], s20  }
0x9f: {  	s3 =	ssub.s32 $0x0, s20;
	[sflag:s22] =	ssyncset.done $0x0  }
0xa0: {  	[sflag:s22] =	ssyncadd.s32 s3;
	_ =	sdelay $0x1  }
0xa1: {  	s23 =	simm.s32 $0x1B8B  }
0xa2: {  	_ =	swait.ge [sflag:s23], $0x1  }
0xa3: {  	[sflag:s23] =	ssyncset.done $0x0  }
0xa4: {  	s25 =	simm.s32 $0x1B8E;
	s24 =	sld [smem:$0x3FFE];
	[sflag:s23] =	ssyncadd.s32 $0xFFFFFFFF  }
0xa5: {  	s26 =	simm.s32 $execute0_lowered;
	[smem:$0x3FD2] =	sst s25  }
0xa6: {  	s4 =	sshll.u32 s26, $0x1;
	_ =	strace $0x8000004F;
	[dreg:$0x1] =	wrdreg $0xFFFFFFFF  }
0xa7: {  	s28 =	simm.s32 $_size_execute0_lowered;
	s2 =	sadd.s32 s2, s4;
	[dreg:$0x0] =	wrdreg $0x0  }
0xa8: {  	s4 =	sshll.u32 s28, $0x1;
	[dreg:$0x2] =	wrdreg s2  }
0xa9: {  	[dreg:$0x3] =	wrdreg s4  }
0xaa: {  	[dreg:$0x4] =	wrdreg $0xC0  }
0xab: {  	_ =	task [dreg:s6], $0x5FFFF  }
0xac: {  	[dreg:$0x1] =	wrdreg $0xFFFFFFFF  }
0xad: {  	[dreg:$0x0] =	wrdreg $0x60  }
0xae: {  	[dreg:$0x2] =	wrdreg s24  }
0xaf: {  	[dreg:$0x3] =	wrdreg $0x99000  }
0xb0: {  	[dreg:$0x4] =	wrdreg $0x9  }
0xb1: {  	_ =	task.clear_ibuf [dreg:s6], $0x5FFFF;
	_ =	strace $0x9000004F  }
0xb2: {  	s29 =	simm.s32 $0x9;
	_ =	strace $0x80000051  }
0xb3: {  	_ =	swait.ge [sflag:s29], $0x1  }
0xb4: {  	[sflag:s29] =	ssyncadd.s32 $0xFFFFFFFF  }
0xb5: {  	_ =	strace $0x90000051  }
0xb6: {  	_ =	sfence  }
0xb7: {  	s30 =	sld [smem:$0x0];
	_ =	sdelay $0x2  }
0xb8: {  	s31 =	sshll.u32 s1, $0xD;
	s1 =	sshrl.u32 s1, $0x2  }
0xb9: {  	s3 =	sand.u32 $0x4000, s31;
	s1 =	sadd.s32 s1, s30  }
0xba: {  	s0 =	sor.u32 s3, s0;
	s1 =	sshll.u32 s1, $0x11  }
0xbb: {  	s0 =	sor.u32 s1, s0  }
0xbc: {  	s0 =	sadd.s32 $0x8F2B, s0  }
0xbd: {  	[sflag:s0] =	ssyncadd.remote.s32 $0x1  }
0xbe: {  	_ =	sfence.sel $0xFFFF  }
0xbf: {  	[dreg:$0x0] =	wrdreg $0xFFFFFFFF;
	(pc) =	sbr.abs _section_cstart, $3  }
0xc0: {  	[dreg:$0x1] =	wrdreg $0xFFFFFFFF  }
0xc1: {  	_ =	task.clear_ibuf [dreg:s6], $0x2FFFF;
	_ =	strace $0x9FFFFFFF  }
0xc2: {  	(tm) =	ssettm $0x7FFFFFFF  }
0xc3: {  	_ =	shalt  }
tec
execute0_lowered:
.L_overlay_start_1:
0x0: {  	(tag) =	ssettag $0x1  }
0x1: {  	s0 =	rddreg [dreg:$0x0]  }
0x2: {  	s1 =	rddreg [dreg:$0x1];
	s2 =	simm.s32 $0x0;
	s3 =	srdreg.scid  }
0x3: {  	s17 =	stileid.u32;
	s30 =	simm.s32 $0xC80;
	s31 =	simm.s32 $0x1900  }
0x4: {  	[smem:$0x7FF] =	sst s2;
	s3 =	sand.u32 $0x1, s3;
	s5 =	smul.u32 $0x280, s17  }
0x5: {  	s7 =	smul.u32 $0x2800, s17;
	s8 =	sadd.s32 $0x8200, s0;
	s4 =	sshll.u32 s3, $0x4  }
0x6: {  	s23 =	smul.u32 $0x50000, s17;
	s3 =	ssub.s32 $0x2, s3;
	s4 =	sor.u32 s17, s4  }
0x7: {  	s6 =	sshrl.u32 s3, $0x1;
	s14 =	sadd.s32 s8, s7;
	s7 =	sadd.s32 $0x80, s5  }
0x8: {  	s12 =	sadd.s32 $0xC0, s5;
	s26 =	sadd.s32 $0x200, s5;
	s25 =	sshrl.u32 s23, $0x2  }
0x9: {  	s9 =	smul.u32 $0x190, s4;
	s3 =	ssub.s32 s3, s6;
	[dreg:$0x3] =	wrdreg s14  }
0xa: {  	s6 =	sor.u32 $0x40, s5;
	s11 =	sshll.u32 s7, $0x4;
	s16 =	sshll.u32 s12, $0x4  }
0xb: {  	s17 =	smul.u32 $0x64000, s4;
	s7 =	sshll.u32 s7, $0x7;
	s4 =	simm.s32 $0x1  }
0xc: {  	s10 =	sshll.u32 s6, $0x4;
	s15 =	sadd.s32 s8, s11;
	s11 =	sadd.s32 $0x140, s5  }
0xd: {  	s6 =	sshll.u32 s6, $0x7;
	s10 =	sadd.s32 s8, s10;
	[dreg:$0x5] =	wrdreg s15  }
0xe: {  	s14 =	sshll.u32 s11, $0x4;
	s15 =	sadd.s32 $0x180, s5;
	s9 =	sadd.s32 s9, s0  }
0xf: {  	[dreg:$0x4] =	wrdreg s10;
	s10 =	sadd.s32 s8, s16;
	s18 =	sadd.s32 s8, s14  }
0x10: {  	s19 =	sshll.u32 s15, $0x4;
	s16 =	sshll.u32 s26, $0x4;
	[dreg:$0x6] =	wrdreg s10  }
0x11: {  	s24 =	sadd.s32 $0x5000, s9;
	s10 =	sadd.s32 $0x100, s5;
	[dreg:$0x8] =	wrdreg s18  }
0x12: {  	s21 =	sadd.s32 s8, s16;
	s16 =	sadd.s32 $0x1E00, s9;
	s18 =	smax.u32 s3, $0x1  }
0x13: {  	s3 =	simm.s32 $0x40;
	s13 =	sshll.u32 s10, $0x4;
	[dreg:$0xb] =	wrdreg s21  }
0x14: {  	s21 =	sadd.s32 s7, s1;
	s9 =	sshll.u32 s10, $0x7;
	s10 =	sshll.u32 s11, $0x7  }
0x15: {  	s11 =	sshll.u32 s15, $0x7;
	s13 =	sadd.s32 s8, s13;
	s23 =	sadd.s32 s9, s1  }
0x16: {  	[dreg:$0x7] =	wrdreg s13;
	s13 =	sadd.s32 s8, s19;
	s19 =	sadd.s32 s25, s1  }
0x17: {  	[dreg:$0x9] =	wrdreg s13;
	s13 =	sadd.s32 $0x1C0, s5;
	s5 =	sadd.s32 $0x240, s5  }
0x18: {  	s25 =	sadd.s32 s11, s1;
	s20 =	sshll.u32 s13, $0x4;
	s22 =	sshll.u32 s5, $0x4  }
0x19: {  	s15 =	sshll.u32 s5, $0x7;
	s5 =	simm.s32 $0x2;
	s14 =	sadd.s32 s8, s20  }
0x1a: {  	s8 =	sadd.s32 s8, s22;
	s20 =	sadd.s32 s6, s1;
	[dreg:$0xa] =	wrdreg s14  }
0x1b: {  	s29 =	sadd.s32 s15, s1;
	s6 =	simm.s32 $0x0;
	[dreg:$0xc] =	wrdreg s8  }
0x1c: {  	s14 =	sadd.s32 $0x30200, s0;
	s8 =	sshll.u32 s12, $0x7;
	s12 =	sshll.u32 s13, $0x7  }
0x1d: {  	s13 =	sshll.u32 s26, $0x7;
	s0 =	simm.s32 $0x3;
	_ =	strace $0x80000050  }
0x1e: {  	[dreg:$0xd] =	wrdreg s24;
	s22 =	sadd.s32 s8, s1;
	s24 =	sadd.s32 s10, s1  }
0x1f: {  	s26 =	sadd.s32 s12, s1;
	s28 =	sadd.s32 s13, s1;
	s10 =	simm.s32 $0x4  }
.LBB2_1:
0x20: {  	s7 =	rddreg [dreg:$0xd]  }
0x21: {  	[tilespmem:s2], [sflag:$0x3] =	stream.linear.gather [hbm4b:s7+s2], $0xC80, $0x38;
	[tilespmem:$0x1D900] =	vst v63  }
0x22: {  	_ = 	snop  }
0x23: {  	[tilespmem:s30], [sflag:$0x3] =	stream.linear.gather [hbm4b:s16+s2], $0xC80, $0x38;
	[tilespmem:$0x1D900] =	vst v63  }
0x24: {  	s9 =	rddreg [dreg:$0x3]  }
0x25: {  	[tilespmem:s31], [sflag:$0x4] =	stream.linear.gather [hbm4b:s9+s2], $0x2000, $0x38;
	[tilespmem:$0x1D900] =	vst v63  }
0x26: {  	_ =	swait.ge [sflag:s10], $0x2000  }
0x27: {  	[sflag:s10] =	ssyncset.done $0x0  }
0x28: {  	[sflag:s10] =	ssyncadd.s32 $0xFFFFE000  }
0x29: {  	[spmem:s19] =	stream.linear.scatter [tilespmem:s31], [sflag:$0x4], $0x2000, $0x38;
	[tilespmem:$0x1D900] =	vst v63  }
0x2a: {  	_ =	swait.ge [sflag:s10], $0x2000  }
0x2b: {  	[sflag:s10] =	ssyncset.done $0x0  }
0x2c: {  	s11 =	rddreg [dreg:$0x4];
	[sflag:s10] =	ssyncadd.s32 $0xFFFFE000  }
0x2d: {  	[tilespmem:s31], [sflag:$0x4] =	stream.linear.gather [hbm4b:s11+s2], $0x2000, $0x38;
	[tilespmem:$0x1D900] =	vst v63  }
0x2e: {  	_ =	swait.ge [sflag:s10], $0x2000  }
0x2f: {  	[sflag:s10] =	ssyncset.done $0x0  }
0x30: {  	[sflag:s10] =	ssyncadd.s32 $0xFFFFE000  }
0x31: {  	[spmem:s20] =	stream.linear.scatter [tilespmem:s31], [sflag:$0x4], $0x2000, $0x38;
	[tilespmem:$0x1D900] =	vst v63  }
0x32: {  	_ =	swait.ge [sflag:s10], $0x2000  }
0x33: {  	[sflag:s10] =	ssyncset.done $0x0  }
0x34: {  	s12 =	rddreg [dreg:$0x5];
	[sflag:s10] =	ssyncadd.s32 $0xFFFFE000  }
0x35: {  	[tilespmem:s31], [sflag:$0x4] =	stream.linear.gather [hbm4b:s12+s2], $0x2000, $0x38;
	[tilespmem:$0x1D900] =	vst v63  }
0x36: {  	_ =	swait.ge [sflag:s10], $0x2000  }
0x37: {  	[sflag:s10] =	ssyncset.done $0x0  }
0x38: {  	[sflag:s10] =	ssyncadd.s32 $0xFFFFE000  }
0x39: {  	[spmem:s21] =	stream.linear.scatter [tilespmem:s31], [sflag:$0x4], $0x2000, $0x38;
	[tilespmem:$0x1D900] =	vst v63  }
0x3a: {  	_ =	swait.ge [sflag:s10], $0x2000  }
0x3b: {  	[sflag:s10] =	ssyncset.done $0x0  }
0x3c: {  	s13 =	rddreg [dreg:$0x6];
	[sflag:s10] =	ssyncadd.s32 $0xFFFFE000  }
0x3d: {  	[tilespmem:s31], [sflag:$0x4] =	stream.linear.gather [hbm4b:s13+s2], $0x2000, $0x38;
	[tilespmem:$0x1D900] =	vst v63  }
0x3e: {  	_ =	swait.ge [sflag:s10], $0x2000  }
0x3f: {  	[sflag:s10] =	ssyncset.done $0x0  }
0x40: {  	[sflag:s10] =	ssyncadd.s32 $0xFFFFE000  }
0x41: {  	[spmem:s22] =	stream.linear.scatter [tilespmem:s31], [sflag:$0x4], $0x2000, $0x38;
	[tilespmem:$0x1D900] =	vst v63  }
0x42: {  	_ =	swait.ge [sflag:s10], $0x2000  }
0x43: {  	[sflag:s10] =	ssyncset.done $0x0  }
0x44: {  	s15 =	rddreg [dreg:$0x7];
	[sflag:s10] =	ssyncadd.s32 $0xFFFFE000  }
0x45: {  	[tilespmem:s31], [sflag:$0x4] =	stream.linear.gather [hbm4b:s15+s2], $0x2000, $0x38;
	[tilespmem:$0x1D900] =	vst v63  }
0x46: {  	_ =	swait.ge [sflag:s10], $0x2000  }
0x47: {  	[sflag:s10] =	ssyncset.done $0x0  }
0x48: {  	[sflag:s10] =	ssyncadd.s32 $0xFFFFE000  }
0x49: {  	[spmem:s23] =	stream.linear.scatter [tilespmem:s31], [sflag:$0x4], $0x2000, $0x38;
	[tilespmem:$0x1D900] =	vst v63  }
0x4a: {  	_ =	swait.ge [sflag:s10], $0x2000  }
0x4b: {  	[sflag:s10] =	ssyncset.done $0x0  }
0x4c: {  	s8 =	rddreg [dreg:$0x8];
	[sflag:s10] =	ssyncadd.s32 $0xFFFFE000  }
0x4d: {  	[tilespmem:s31], [sflag:$0x4] =	stream.linear.gather [hbm4b:s8+s2], $0x2000, $0x38;
	[tilespmem:$0x1D900] =	vst v63  }
0x4e: {  	_ =	swait.ge [sflag:s10], $0x2000  }
0x4f: {  	[sflag:s10] =	ssyncset.done $0x0  }
0x50: {  	[sflag:s10] =	ssyncadd.s32 $0xFFFFE000  }
0x51: {  	[spmem:s24] =	stream.linear.scatter [tilespmem:s31], [sflag:$0x4], $0x2000, $0x38;
	[tilespmem:$0x1D900] =	vst v63  }
0x52: {  	_ =	swait.ge [sflag:s10], $0x2000  }
0x53: {  	[sflag:s10] =	ssyncset.done $0x0  }
0x54: {  	s9 =	rddreg [dreg:$0x9];
	[sflag:s10] =	ssyncadd.s32 $0xFFFFE000  }
0x55: {  	[tilespmem:s31], [sflag:$0x4] =	stream.linear.gather [hbm4b:s9+s2], $0x2000, $0x38;
	[tilespmem:$0x1D900] =	vst v63  }
0x56: {  	_ =	swait.ge [sflag:s10], $0x2000  }
0x57: {  	[sflag:s10] =	ssyncset.done $0x0  }
0x58: {  	[sflag:s10] =	ssyncadd.s32 $0xFFFFE000  }
0x59: {  	[spmem:s25] =	stream.linear.scatter [tilespmem:s31], [sflag:$0x4], $0x2000, $0x38;
	[tilespmem:$0x1D900] =	vst v63  }
0x5a: {  	_ =	swait.ge [sflag:s10], $0x2000  }
0x5b: {  	[sflag:s10] =	ssyncset.done $0x0  }
0x5c: {  	s11 =	rddreg [dreg:$0xa];
	[sflag:s10] =	ssyncadd.s32 $0xFFFFE000  }
0x5d: {  	[tilespmem:s31], [sflag:$0x4] =	stream.linear.gather [hbm4b:s11+s2], $0x2000, $0x38;
	[tilespmem:$0x1D900] =	vst v63  }
0x5e: {  	_ =	swait.ge [sflag:s10], $0x2000  }
0x5f: {  	[sflag:s10] =	ssyncset.done $0x0  }
0x60: {  	[sflag:s10] =	ssyncadd.s32 $0xFFFFE000  }
0x61: {  	[spmem:s26] =	stream.linear.scatter [tilespmem:s31], [sflag:$0x4], $0x2000, $0x38;
	[tilespmem:$0x1D900] =	vst v63  }
0x62: {  	_ =	swait.ge [sflag:s10], $0x2000  }
0x63: {  	[sflag:s10] =	ssyncset.done $0x0  }
0x64: {  	s12 =	rddreg [dreg:$0xb];
	[sflag:s10] =	ssyncadd.s32 $0xFFFFE000  }
0x65: {  	[tilespmem:s31], [sflag:$0x4] =	stream.linear.gather [hbm4b:s12+s2], $0x2000, $0x38;
	[tilespmem:$0x1D900] =	vst v63  }
0x66: {  	_ =	swait.ge [sflag:s10], $0x2000  }
0x67: {  	[sflag:s10] =	ssyncset.done $0x0  }
0x68: {  	[sflag:s10] =	ssyncadd.s32 $0xFFFFE000  }
0x69: {  	[spmem:s28] =	stream.linear.scatter [tilespmem:s31], [sflag:$0x4], $0x2000, $0x38;
	[tilespmem:$0x1D900] =	vst v63  }
0x6a: {  	_ =	swait.ge [sflag:s10], $0x2000  }
0x6b: {  	[sflag:s10] =	ssyncset.done $0x0  }
0x6c: {  	s13 =	rddreg [dreg:$0xc];
	[sflag:s10] =	ssyncadd.s32 $0xFFFFE000  }
0x6d: {  	[tilespmem:s31], [sflag:$0x4] =	stream.linear.gather [hbm4b:s13+s2], $0x2000, $0x38;
	[tilespmem:$0x1D900] =	vst v63  }
0x6e: {  	_ =	swait.ge [sflag:s10], $0x2000  }
0x6f: {  	[sflag:s10] =	ssyncset.done $0x0  }
0x70: {  	[sflag:s10] =	ssyncadd.s32 $0xFFFFE000  }
0x71: {  	[spmem:s29] =	stream.linear.scatter [tilespmem:s31], [sflag:$0x4], $0x2000, $0x38;
	[tilespmem:$0x1D900] =	vst v63  }
0x72: {  	_ =	swait.ge [sflag:s10], $0x2000  }
0x73: {  	[sflag:s10] =	ssyncset.done $0x0  }
0x74: {  	[sflag:s10] =	ssyncadd.s32 $0xFFFFE000  }
0x75: {  	_ =	swait.ge [sflag:s0], $0xC80  }
0x76: {  	[sflag:s0] =	ssyncset.done $0x0  }
0x77: {  	[sflag:s0] =	ssyncadd.s32 $0xFFFFF380  }
0x78: {  	_ =	swait.ge [sflag:s0], $0xC80  }
0x79: {  	[sflag:s0] =	ssyncset.done $0x0  }
0x7a: {  	[sflag:s0] =	ssyncadd.s32 $0xFFFFF380  }
0x7b: {  	[bflag:$0x0] =	sbarrier.arrive $0xFFFF  }
0x7c: {  	[tilespmem:s31], [sflag:$0x1] =	stream.indirect.gather [spmem:s1], $0x80, s2, s3, $0xb8;
	[tilespmem:$0x1D900] =	vst v63  }
0x7d: {  	p0 =	por $0x0, $0x0;
	s7 =	simm.s32 $0x0;
	s15 =	simm.s32 $0x5900  }
0x7e: {  	[tilespmem:s15], [sflag:$0x1] =	stream.indirect.gather [spmem:s1], $0x80, s30, s3, $0xb8;
	[tilespmem:$0x1D900] =	vst v63  }
.LBB2_2:
0x7f: {  	p1 =	seq.s32 s7, $0x0  }
0x80: {  	s11 =	smov.u32 s7;
	s7 =	simm.s32 @!p1 $0x2  }
0x81: {  	_ =	swait.ge @!p1 [sflag:s7], $0x2000  }
0x82: {  	[sflag:s7] =	ssyncset.done @!p1 $0x0  }
0x83: {  	[sflag:s7] =	ssyncadd.s32 @!p1 $0xFFFFE000  }
0x84: {  	s8 =	simm.s32 $0x1;
	_ =	swait.ge [sflag:s4], $0x2000  }
0x85: {  	s8 =	simm.s32 @!p0 $0x0;
	[sflag:s4] =	ssyncset.done $0x0  }
0x86: {  	s7 =	sadd.s32 $0x1, s11;
	p1 =	seq.s32 s11, $0x31;
	[sflag:s4] =	ssyncadd.s32 $0xFFFFE000  }
0x87: {  	s12 =	sshll.u32 s8, $0xD;
	s9 =	sshll.u32 @!p1 s7, $0xD;
	_ =	swait.ge [sflag:s4], $0x2000  }
0x88: {  	s13 =	sshll.u32 @!p1 s7, $0x6;
	s9 =	sand.u32 @!p1 $0x2000, s9;
	[sflag:s4] =	ssyncset.done $0x0  }
0x89: {  	s15 =	simm.s32 @!p1 $0x40;
	s8 =	sor.u32 @!p1 $0x1900, s9;
	[sflag:s4] =	ssyncadd.s32 $0xFFFFE000  }
0x8a: {  	[tilespmem:s8], [sflag:$0x1] =	stream.indirect.gather @!p1 [spmem:s1], $0x80, s13, s15, $0xb8;
	[tilespmem:$0x1D900] =	vst v63  }
0x8b: {  	s9 =	sor.u32 @!p1 $0x5900, s9;
	s8 =	sor.u32 $0x1A00, s12;
	s13 =	sadd.s32 @!p1 $0xC80, s13  }
0x8c: {  	[tilespmem:s9], [sflag:$0x1] =	stream.indirect.gather @!p1 [spmem:s1], $0x80, s13, s15, $0xb8;
	[tilespmem:$0x1D900] =	vst v63  }
0x8d: {  	s9 =	sor.u32 $0x5A00, s12;
	v0 =	vld [tilespmem:s8+$0xFFFFFF00]  }
0x8e: {  	v1 =	vld [tilespmem:s9+$0xFFFFFF00];
	_ =	sdelay $0x4  }
0x8f: {  	v0 =	vadd.f32 v1, v0;
	_ =	sdelay $0x1  }
0x90: {  	[tilespmem:s8+$0xFFFFFF00] =	vst v0;
	v0 =	vld [tilespmem:s8+$0xFFFFFF10]  }
0x91: {  	v1 =	vld [tilespmem:s9+$0xFFFFFF10];
	_ =	sdelay $0x4  }
0x92: {  	v0 =	vadd.f32 v1, v0;
	_ =	sdelay $0x1  }
0x93: {  	[tilespmem:s8+$0xFFFFFF10] =	vst v0;
	v0 =	vld [tilespmem:s8+$0xFFFFFF20]  }
0x94: {  	v1 =	vld [tilespmem:s9+$0xFFFFFF20];
	_ =	sdelay $0x4  }
0x95: {  	v0 =	vadd.f32 v1, v0;
	_ =	sdelay $0x1  }
0x96: {  	[tilespmem:s8+$0xFFFFFF20] =	vst v0;
	v0 =	vld [tilespmem:s8+$0xFFFFFF30]  }
0x97: {  	v1 =	vld [tilespmem:s9+$0xFFFFFF30];
	_ =	sdelay $0x4  }
0x98: {  	v0 =	vadd.f32 v1, v0;
	_ =	sdelay $0x1  }
0x99: {  	[tilespmem:s8+$0xFFFFFF30] =	vst v0;
	v0 =	vld [tilespmem:s8+$0xFFFFFF40]  }
0x9a: {  	v1 =	vld [tilespmem:s9+$0xFFFFFF40];
	_ =	sdelay $0x4  }
0x9b: {  	v0 =	vadd.f32 v1, v0;
	_ =	sdelay $0x1  }
0x9c: {  	[tilespmem:s8+$0xFFFFFF40] =	vst v0;
	v0 =	vld [tilespmem:s8+$0xFFFFFF50]  }
0x9d: {  	v1 =	vld [tilespmem:s9+$0xFFFFFF50];
	_ =	sdelay $0x4  }
0x9e: {  	v0 =	vadd.f32 v1, v0;
	_ =	sdelay $0x1  }
0x9f: {  	[tilespmem:s8+$0xFFFFFF50] =	vst v0;
	v0 =	vld [tilespmem:s8+$0xFFFFFF60]  }
0xa0: {  	v1 =	vld [tilespmem:s9+$0xFFFFFF60];
	_ =	sdelay $0x4  }
0xa1: {  	v0 =	vadd.f32 v1, v0;
	_ =	sdelay $0x1  }
0xa2: {  	[tilespmem:s8+$0xFFFFFF60] =	vst v0;
	v0 =	vld [tilespmem:s8+$0xFFFFFF70]  }
0xa3: {  	v1 =	vld [tilespmem:s9+$0xFFFFFF70];
	_ =	sdelay $0x4  }
0xa4: {  	v0 =	vadd.f32 v1, v0;
	_ =	sdelay $0x1  }
0xa5: {  	[tilespmem:s8+$0xFFFFFF70] =	vst v0;
	v0 =	vld [tilespmem:s8+$0xFFFFFF80]  }
0xa6: {  	v1 =	vld [tilespmem:s9+$0xFFFFFF80];
	_ =	sdelay $0x4  }
0xa7: {  	v0 =	vadd.f32 v1, v0;
	_ =	sdelay $0x1  }
0xa8: {  	[tilespmem:s8+$0xFFFFFF80] =	vst v0;
	v0 =	vld [tilespmem:s8+$0xFFFFFF90]  }
0xa9: {  	v1 =	vld [tilespmem:s9+$0xFFFFFF90];
	_ =	sdelay $0x4  }
0xaa: {  	v0 =	vadd.f32 v1, v0;
	_ =	sdelay $0x1  }
0xab: {  	[tilespmem:s8+$0xFFFFFF90] =	vst v0;
	v0 =	vld [tilespmem:s8+$0xFFFFFFA0]  }
0xac: {  	v1 =	vld [tilespmem:s9+$0xFFFFFFA0];
	_ =	sdelay $0x4  }
0xad: {  	v0 =	vadd.f32 v1, v0;
	_ =	sdelay $0x1  }
0xae: {  	[tilespmem:s8+$0xFFFFFFA0] =	vst v0;
	v0 =	vld [tilespmem:s8+$0xFFFFFFB0]  }
0xaf: {  	v1 =	vld [tilespmem:s9+$0xFFFFFFB0];
	_ =	sdelay $0x4  }
0xb0: {  	v0 =	vadd.f32 v1, v0;
	_ =	sdelay $0x1  }
0xb1: {  	[tilespmem:s8+$0xFFFFFFB0] =	vst v0;
	v0 =	vld [tilespmem:s8+$0xFFFFFFC0]  }
0xb2: {  	v1 =	vld [tilespmem:s9+$0xFFFFFFC0];
	_ =	sdelay $0x4  }
0xb3: {  	v0 =	vadd.f32 v1, v0;
	_ =	sdelay $0x1  }
0xb4: {  	[tilespmem:s8+$0xFFFFFFC0] =	vst v0;
	v0 =	vld [tilespmem:s8+$0xFFFFFFD0]  }
0xb5: {  	v1 =	vld [tilespmem:s9+$0xFFFFFFD0];
	_ =	sdelay $0x4  }
0xb6: {  	v0 =	vadd.f32 v1, v0;
	_ =	sdelay $0x1  }
0xb7: {  	[tilespmem:s8+$0xFFFFFFD0] =	vst v0;
	v0 =	vld [tilespmem:s8+$0xFFFFFFE0]  }
0xb8: {  	v1 =	vld [tilespmem:s9+$0xFFFFFFE0];
	_ =	sdelay $0x4  }
0xb9: {  	v0 =	vadd.f32 v1, v0;
	_ =	sdelay $0x1  }
0xba: {  	[tilespmem:s8+$0xFFFFFFE0] =	vst v0;
	v0 =	vld [tilespmem:s8+$0xFFFFFFF0]  }
0xbb: {  	v1 =	vld [tilespmem:s9+$0xFFFFFFF0];
	_ =	sdelay $0x4  }
0xbc: {  	v0 =	vadd.f32 v1, v0;
	_ =	sdelay $0x1  }
0xbd: {  	[tilespmem:s8+$0xFFFFFFF0] =	vst v0;
	v0 =	vld [tilespmem:s8+$0x0]  }
0xbe: {  	v1 =	vld [tilespmem:s9+$0x0];
	_ =	sdelay $0x4  }
0xbf: {  	v0 =	vadd.f32 v1, v0;
	_ =	sdelay $0x1  }
0xc0: {  	[tilespmem:s8+$0x0] =	vst v0;
	v0 =	vld [tilespmem:s8+$0x10]  }
0xc1: {  	v1 =	vld [tilespmem:s9+$0x10];
	_ =	sdelay $0x4  }
0xc2: {  	v0 =	vadd.f32 v1, v0;
	_ =	sdelay $0x1  }
0xc3: {  	[tilespmem:s8+$0x10] =	vst v0;
	v0 =	vld [tilespmem:s8+$0x20]  }
0xc4: {  	v1 =	vld [tilespmem:s9+$0x20];
	_ =	sdelay $0x4  }
0xc5: {  	v0 =	vadd.f32 v1, v0;
	_ =	sdelay $0x1  }
0xc6: {  	[tilespmem:s8+$0x20] =	vst v0;
	v0 =	vld [tilespmem:s8+$0x30]  }
0xc7: {  	v1 =	vld [tilespmem:s9+$0x30];
	_ =	sdelay $0x4  }
0xc8: {  	v0 =	vadd.f32 v1, v0;
	_ =	sdelay $0x1  }
0xc9: {  	[tilespmem:s8+$0x30] =	vst v0;
	v0 =	vld [tilespmem:s8+$0x40]  }
0xca: {  	v1 =	vld [tilespmem:s9+$0x40];
	_ =	sdelay $0x4  }
0xcb: {  	v0 =	vadd.f32 v1, v0;
	_ =	sdelay $0x1  }
0xcc: {  	[tilespmem:s8+$0x40] =	vst v0;
	v0 =	vld [tilespmem:s8+$0x50]  }
0xcd: {  	v1 =	vld [tilespmem:s9+$0x50];
	_ =	sdelay $0x4  }
0xce: {  	v0 =	vadd.f32 v1, v0;
	_ =	sdelay $0x1  }
0xcf: {  	[tilespmem:s8+$0x50] =	vst v0;
	v0 =	vld [tilespmem:s8+$0x60]  }
0xd0: {  	v1 =	vld [tilespmem:s9+$0x60];
	_ =	sdelay $0x4  }
0xd1: {  	v0 =	vadd.f32 v1, v0;
	_ =	sdelay $0x1  }
0xd2: {  	[tilespmem:s8+$0x60] =	vst v0;
	v0 =	vld [tilespmem:s8+$0x70]  }
0xd3: {  	v1 =	vld [tilespmem:s9+$0x70];
	_ =	sdelay $0x4  }
0xd4: {  	v0 =	vadd.f32 v1, v0;
	_ =	sdelay $0x1  }
0xd5: {  	[tilespmem:s8+$0x70] =	vst v0;
	v0 =	vld [tilespmem:s8+$0x80]  }
0xd6: {  	v1 =	vld [tilespmem:s9+$0x80];
	_ =	sdelay $0x4  }
0xd7: {  	v0 =	vadd.f32 v1, v0;
	_ =	sdelay $0x1  }
0xd8: {  	[tilespmem:s8+$0x80] =	vst v0;
	v0 =	vld [tilespmem:s8+$0x90]  }
0xd9: {  	v1 =	vld [tilespmem:s9+$0x90];
	_ =	sdelay $0x4  }
0xda: {  	v0 =	vadd.f32 v1, v0;
	_ =	sdelay $0x1  }
0xdb: {  	[tilespmem:s8+$0x90] =	vst v0;
	v0 =	vld [tilespmem:s8+$0xA0]  }
0xdc: {  	v1 =	vld [tilespmem:s9+$0xA0];
	_ =	sdelay $0x4  }
0xdd: {  	v0 =	vadd.f32 v1, v0;
	_ =	sdelay $0x1  }
0xde: {  	[tilespmem:s8+$0xA0] =	vst v0;
	v0 =	vld [tilespmem:s8+$0xB0]  }
0xdf: {  	v1 =	vld [tilespmem:s9+$0xB0];
	_ =	sdelay $0x4  }
0xe0: {  	v0 =	vadd.f32 v1, v0;
	_ =	sdelay $0x1  }
0xe1: {  	[tilespmem:s8+$0xB0] =	vst v0;
	v0 =	vld [tilespmem:s8+$0xC0]  }
0xe2: {  	v1 =	vld [tilespmem:s9+$0xC0];
	_ =	sdelay $0x4  }
0xe3: {  	v0 =	vadd.f32 v1, v0;
	_ =	sdelay $0x1  }
0xe4: {  	[tilespmem:s8+$0xC0] =	vst v0;
	v0 =	vld [tilespmem:s8+$0xD0]  }
0xe5: {  	v1 =	vld [tilespmem:s9+$0xD0];
	_ =	sdelay $0x4  }
0xe6: {  	v0 =	vadd.f32 v1, v0;
	_ =	sdelay $0x1  }
0xe7: {  	[tilespmem:s8+$0xD0] =	vst v0;
	v0 =	vld [tilespmem:s8+$0xE0]  }
0xe8: {  	v1 =	vld [tilespmem:s9+$0xE0];
	_ =	sdelay $0x4  }
0xe9: {  	v0 =	vadd.f32 v1, v0;
	_ =	sdelay $0x1  }
0xea: {  	[tilespmem:s8+$0xE0] =	vst v0;
	v0 =	vld [tilespmem:s8+$0xF0]  }
0xeb: {  	v1 =	vld [tilespmem:s9+$0xF0];
	_ =	sdelay $0x3  }
0xec: {  	s12 =	sshll.u32 s11, $0xD  }
0xed: {  	s11 =	sand.u32 $0x2000, s12;
	v0 =	vadd.f32 v1, v0  }
0xee: {  	s13 =	simm.s32 $0x0;
	s15 =	sadd.s32 $0x200, s8;
	s11 =	sor.u32 $0x1900, s11  }
.LBB2_3:
0xef: {  	v1 =	vld [tilespmem:s15+$0xFFFFFF00];
	[tilespmem:s8+$0xF0] =	vst v0;
	s9 =	sadd.s32 $0x200, s9;
	s8 =	smov.u32 s15  }
0xf0: {  	s13 =	sadd.s32 $0x4, s13;
	v0 =	vld [tilespmem:s9+$0xFFFFFF00]  }
0xf1: {  	p1 =	slt.u32 s13, $0x3C;
	_ =	sdelay $0x3  }
0xf2: {  	v0 =	vadd.f32 v0, v1;
	_ =	sdelay $0x1  }
0xf3: {  	[tilespmem:s15+$0xFFFFFF00] =	vst v0;
	v0 =	vld [tilespmem:s15+$0xFFFFFF10]  }
0xf4: {  	v1 =	vld [tilespmem:s9+$0xFFFFFF10];
	_ =	sdelay $0x4  }
0xf5: {  	v0 =	vadd.f32 v1, v0;
	_ =	sdelay $0x1  }
0xf6: {  	[tilespmem:s15+$0xFFFFFF10] =	vst v0;
	v0 =	vld [tilespmem:s15+$0xFFFFFF20]  }
0xf7: {  	v1 =	vld [tilespmem:s9+$0xFFFFFF20];
	_ =	sdelay $0x4  }
0xf8: {  	v0 =	vadd.f32 v1, v0;
	_ =	sdelay $0x1  }
0xf9: {  	[tilespmem:s15+$0xFFFFFF20] =	vst v0;
	v0 =	vld [tilespmem:s15+$0xFFFFFF30]  }
0xfa: {  	v1 =	vld [tilespmem:s9+$0xFFFFFF30];
	_ =	sdelay $0x4  }
0xfb: {  	v0 =	vadd.f32 v1, v0;
	_ =	sdelay $0x1  }
0xfc: {  	[tilespmem:s15+$0xFFFFFF30] =	vst v0;
	v0 =	vld [tilespmem:s15+$0xFFFFFF40]  }
0xfd: {  	v1 =	vld [tilespmem:s9+$0xFFFFFF40];
	_ =	sdelay $0x4  }
0xfe: {  	v0 =	vadd.f32 v1, v0;
	_ =	sdelay $0x1  }
0xff: {  	[tilespmem:s15+$0xFFFFFF40] =	vst v0;
	v0 =	vld [tilespmem:s15+$0xFFFFFF50]  }
0x100: {  	v1 =	vld [tilespmem:s9+$0xFFFFFF50];
	_ =	sdelay $0x4  }
0x101: {  	v0 =	vadd.f32 v1, v0;
	_ =	sdelay $0x1  }
0x102: {  	[tilespmem:s15+$0xFFFFFF50] =	vst v0;
	v0 =	vld [tilespmem:s15+$0xFFFFFF60]  }
0x103: {  	v1 =	vld [tilespmem:s9+$0xFFFFFF60];
	_ =	sdelay $0x4  }
0x104: {  	v0 =	vadd.f32 v1, v0;
	_ =	sdelay $0x1  }
0x105: {  	[tilespmem:s15+$0xFFFFFF60] =	vst v0;
	v0 =	vld [tilespmem:s15+$0xFFFFFF70]  }
0x106: {  	v1 =	vld [tilespmem:s9+$0xFFFFFF70];
	_ =	sdelay $0x4  }
0x107: {  	v0 =	vadd.f32 v1, v0;
	_ =	sdelay $0x1  }
0x108: {  	[tilespmem:s15+$0xFFFFFF70] =	vst v0;
	v0 =	vld [tilespmem:s15+$0xFFFFFF80]  }
0x109: {  	v1 =	vld [tilespmem:s9+$0xFFFFFF80];
	_ =	sdelay $0x4  }
0x10a: {  	v0 =	vadd.f32 v1, v0;
	_ =	sdelay $0x1  }
0x10b: {  	[tilespmem:s15+$0xFFFFFF80] =	vst v0;
	v0 =	vld [tilespmem:s15+$0xFFFFFF90]  }
0x10c: {  	v1 =	vld [tilespmem:s9+$0xFFFFFF90];
	_ =	sdelay $0x4  }
0x10d: {  	v0 =	vadd.f32 v1, v0;
	_ =	sdelay $0x1  }
0x10e: {  	[tilespmem:s15+$0xFFFFFF90] =	vst v0;
	v0 =	vld [tilespmem:s15+$0xFFFFFFA0]  }
0x10f: {  	v1 =	vld [tilespmem:s9+$0xFFFFFFA0];
	_ =	sdelay $0x4  }
0x110: {  	v0 =	vadd.f32 v1, v0;
	_ =	sdelay $0x1  }
0x111: {  	[tilespmem:s15+$0xFFFFFFA0] =	vst v0;
	v0 =	vld [tilespmem:s15+$0xFFFFFFB0]  }
0x112: {  	v1 =	vld [tilespmem:s9+$0xFFFFFFB0];
	_ =	sdelay $0x4  }
0x113: {  	v0 =	vadd.f32 v1, v0;
	_ =	sdelay $0x1  }
0x114: {  	[tilespmem:s15+$0xFFFFFFB0] =	vst v0;
	v0 =	vld [tilespmem:s15+$0xFFFFFFC0]  }
0x115: {  	v1 =	vld [tilespmem:s9+$0xFFFFFFC0];
	_ =	sdelay $0x4  }
0x116: {  	v0 =	vadd.f32 v1, v0;
	_ =	sdelay $0x1  }
0x117: {  	[tilespmem:s15+$0xFFFFFFC0] =	vst v0;
	v0 =	vld [tilespmem:s15+$0xFFFFFFD0]  }
0x118: {  	v1 =	vld [tilespmem:s9+$0xFFFFFFD0];
	_ =	sdelay $0x4  }
0x119: {  	v0 =	vadd.f32 v1, v0;
	_ =	sdelay $0x1  }
0x11a: {  	[tilespmem:s15+$0xFFFFFFD0] =	vst v0;
	v0 =	vld [tilespmem:s15+$0xFFFFFFE0]  }
0x11b: {  	v1 =	vld [tilespmem:s9+$0xFFFFFFE0];
	_ =	sdelay $0x4  }
0x11c: {  	v0 =	vadd.f32 v1, v0;
	_ =	sdelay $0x1  }
0x11d: {  	[tilespmem:s15+$0xFFFFFFE0] =	vst v0;
	v0 =	vld [tilespmem:s15+$0xFFFFFFF0]  }
0x11e: {  	v1 =	vld [tilespmem:s9+$0xFFFFFFF0];
	_ =	sdelay $0x4  }
0x11f: {  	v0 =	vadd.f32 v1, v0;
	_ =	sdelay $0x1  }
0x120: {  	[tilespmem:s15+$0xFFFFFFF0] =	vst v0;
	v0 =	vld [tilespmem:s15+$0x0]  }
0x121: {  	v1 =	vld [tilespmem:s9+$0x0];
	_ =	sdelay $0x4  }
0x122: {  	v0 =	vadd.f32 v1, v0;
	_ =	sdelay $0x1  }
0x123: {  	[tilespmem:s15+$0x0] =	vst v0;
	v0 =	vld [tilespmem:s15+$0x10]  }
0x124: {  	v1 =	vld [tilespmem:s9+$0x10];
	_ =	sdelay $0x4  }
0x125: {  	v0 =	vadd.f32 v1, v0;
	_ =	sdelay $0x1  }
0x126: {  	[tilespmem:s15+$0x10] =	vst v0;
	v0 =	vld [tilespmem:s15+$0x20]  }
0x127: {  	v1 =	vld [tilespmem:s9+$0x20];
	_ =	sdelay $0x4  }
0x128: {  	v0 =	vadd.f32 v1, v0;
	_ =	sdelay $0x1  }
0x129: {  	[tilespmem:s15+$0x20] =	vst v0;
	v0 =	vld [tilespmem:s15+$0x30]  }
0x12a: {  	v1 =	vld [tilespmem:s9+$0x30];
	_ =	sdelay $0x4  }
0x12b: {  	v0 =	vadd.f32 v1, v0;
	_ =	sdelay $0x1  }
0x12c: {  	[tilespmem:s15+$0x30] =	vst v0;
	v0 =	vld [tilespmem:s15+$0x40]  }
0x12d: {  	v1 =	vld [tilespmem:s9+$0x40];
	_ =	sdelay $0x4  }
0x12e: {  	v0 =	vadd.f32 v1, v0;
	_ =	sdelay $0x1  }
0x12f: {  	[tilespmem:s15+$0x40] =	vst v0;
	v0 =	vld [tilespmem:s15+$0x50]  }
0x130: {  	v1 =	vld [tilespmem:s9+$0x50];
	_ =	sdelay $0x4  }
0x131: {  	v0 =	vadd.f32 v1, v0;
	_ =	sdelay $0x1  }
0x132: {  	[tilespmem:s15+$0x50] =	vst v0;
	v0 =	vld [tilespmem:s15+$0x60]  }
0x133: {  	v1 =	vld [tilespmem:s9+$0x60];
	_ =	sdelay $0x4  }
0x134: {  	v0 =	vadd.f32 v1, v0;
	_ =	sdelay $0x1  }
0x135: {  	[tilespmem:s15+$0x60] =	vst v0;
	v0 =	vld [tilespmem:s15+$0x70]  }
0x136: {  	v1 =	vld [tilespmem:s9+$0x70];
	_ =	sdelay $0x4  }
0x137: {  	v0 =	vadd.f32 v1, v0;
	_ =	sdelay $0x1  }
0x138: {  	[tilespmem:s15+$0x70] =	vst v0;
	v0 =	vld [tilespmem:s15+$0x80]  }
0x139: {  	v1 =	vld [tilespmem:s9+$0x80];
	_ =	sdelay $0x4  }
0x13a: {  	v0 =	vadd.f32 v1, v0;
	_ =	sdelay $0x1  }
0x13b: {  	[tilespmem:s15+$0x80] =	vst v0;
	v0 =	vld [tilespmem:s15+$0x90]  }
0x13c: {  	v1 =	vld [tilespmem:s9+$0x90];
	_ =	sdelay $0x4  }
0x13d: {  	v0 =	vadd.f32 v1, v0;
	_ =	sdelay $0x1  }
0x13e: {  	[tilespmem:s15+$0x90] =	vst v0;
	v0 =	vld [tilespmem:s15+$0xA0]  }
0x13f: {  	v1 =	vld [tilespmem:s9+$0xA0];
	_ =	sdelay $0x4  }
0x140: {  	v0 =	vadd.f32 v1, v0;
	_ =	sdelay $0x1  }
0x141: {  	[tilespmem:s15+$0xA0] =	vst v0;
	v0 =	vld [tilespmem:s15+$0xB0]  }
0x142: {  	v1 =	vld [tilespmem:s9+$0xB0];
	_ =	sdelay $0x4  }
0x143: {  	v0 =	vadd.f32 v1, v0;
	_ =	sdelay $0x1  }
0x144: {  	[tilespmem:s15+$0xB0] =	vst v0;
	v0 =	vld [tilespmem:s15+$0xC0]  }
0x145: {  	v1 =	vld [tilespmem:s9+$0xC0];
	_ =	sdelay $0x4  }
0x146: {  	v0 =	vadd.f32 v1, v0;
	_ =	sdelay $0x1  }
0x147: {  	[tilespmem:s15+$0xC0] =	vst v0;
	v0 =	vld [tilespmem:s15+$0xD0]  }
0x148: {  	v1 =	vld [tilespmem:s9+$0xD0];
	_ =	sdelay $0x4  }
0x149: {  	v0 =	vadd.f32 v1, v0;
	_ =	sdelay $0x1  }
0x14a: {  	[tilespmem:s15+$0xD0] =	vst v0;
	v0 =	vld [tilespmem:s15+$0xE0]  }
0x14b: {  	v1 =	vld [tilespmem:s9+$0xE0];
	_ =	sdelay $0x4  }
0x14c: {  	v0 =	vadd.f32 v1, v0;
	_ =	sdelay $0x1  }
0x14d: {  	[tilespmem:s15+$0xE0] =	vst v0;
	v0 =	vld [tilespmem:s15+$0xF0]  }
0x14e: {  	v1 =	vld [tilespmem:s9+$0xF0];
	_ =	sdelay $0x1  }
.Ltmp0:
0x14f: {  	(pc) =	sbr.rel @p1 .LBB2_3-.Ltmp0, $3  }
0x150: {  	_ =	sdelay $0x1  }
0x151: {  	v0 =	vadd.f32 v1, v0  }
0x152: {  	s15 =	sadd.s32 $0x200, s15  }
0x153: {  	p1 =	sne.s32 s7, $0x32  }
.Ltmp1:
0x154: {  	_ = 	snop;
	(pc) =	sbr.rel @p1 .LBB2_2-.Ltmp1, $4  }
0x155: {  	s9 =	sadd.s32 s17, s12  }
0x156: {  	s9 =	sshrl.u32 s9, $0x3  }
0x157: {  	[tilespmem:s8+$0xF0] =	vst v0;
	p0 =	por !p0, !p0;
	s15 =	sadd.s32 s14, s9  }
0x158: {  	[hbm4b:s15+s2] =	stream.linear.scatter [tilespmem:s11], [sflag:$0x2], $0x2000, $0x38;
	[tilespmem:$0x1D900] =	vst v63  }
0x159: {  	s6 =	sadd.s32 $0x1, s6  }
0x15a: {  	p0 =	sne.s32 s6, s18  }
.Ltmp2:
0x15b: {  	_ = 	snop;
	(pc) =	sbr.rel @p0 .LBB2_1-.Ltmp2, $4  }
0x15c: {  	_ = 	snop  }
0x15d: {  	_ =	swait.ge [sflag:s5], $0x2000  }
0x15e: {  	[sflag:s5] =	ssyncset.done $0x0  }
0x15f: {  	[sflag:s5] =	ssyncadd.s32 $0xFFFFE000  }
0x160: {  	_ =	sfence.sel $0x180000  }
0x161: {  	[bflag:$0x0] =	sbarrier.arrive $0xFFFF  }
0x162: {  	_ =	strace $0x90000050  }
0x163: {  	s0 =	stileid.u32;
	[bflag:$0x2] =	sbarrier.arrive $0xFFFF  }
0x164: {  	p0 =	sne.s32 s0, $0x0;
	s0 =	rddreg [dreg:$0x2]  }
0x165: {  	s0 =	sadd.s32 @!p0 $0x100000, s0  }
0x166: {  	[sflag:s0] =	ssyncadd.tile.s32 @!p0 $0x1;
	_ =	shalt  }
.Lfunc_end2:
_tile_overlayer_lowered:
.L_overlay_start_2:
0x167: {  	(tag) =	ssettag $0x2  }
0x168: {  	s0 =	rddreg [dreg:$0x0];
	s2 =	stileid.u32  }
0x169: {  	s1 =	rddreg [dreg:$0x1];
	p0 =	sne.s32 s2, $0x0  }
0x16a: {  	s3 =	rddreg [dreg:$0x2];
	[bflag:$0x3] =	sbarrier.arrive $0xFFFF;
	s2 =	simm.s32 @!p0 $0x1C04  }
0x16b: {  	[timem:s3], [sflag:s2] =	dma.local @!p0 [hbm:s0], s1  }
0x16c: {  	s0 =	simm.s32 @!p0 $0x4  }
0x16d: {  	_ =	swait.ge @!p0 [sflag:s0], s1  }
0x16e: {  	s1 =	ssub.s32 @!p0 $0x0, s1;
	[sflag:s0] =	ssyncset.done @!p0 $0x0  }
0x16f: {  	[sflag:s0] =	ssyncadd.s32 @!p0 s1  }
0x170: {  	[bflag:$0x3] =	sbarrier.arrive $0xFFFF  }
0x171: {  	_ =	shalt  }

</sc_bundles>
